<compile_context>
chip_gen: v7x
topology: tpu7x:2x2x1
jax: 0.10.2.dev20260603
libtpu: 0.0.44.dev20260713+nightly
codegen_flags: <defaults>
</compile_context>

<pallas_src>
import jax
import jax.numpy as jnp
from jax import lax
from jax.experimental import pallas as pl
from jax.experimental.pallas import tpu as pltpu
from jax.experimental.pallas import tpu_sc as plsc

NC = 2
NS = 16
NW = NC * NS
K = 80


def _transform1(h, W, b, N, D):
    BN = 1000

    def body(h_ref, w_ref, b_ref, hs_ref):
        acc = jnp.dot(h_ref[...], w_ref[...], preferred_element_type=jnp.float32)
        hs_ref[...] = acc + b_ref[...]

    return pl.pallas_call(
        body,
        grid=(N // BN,),
        in_specs=[
            pl.BlockSpec((BN, D), lambda i: (i, 0)),
            pl.BlockSpec((D, D), lambda i: (0, 0)),
            pl.BlockSpec((1, D), lambda i: (0, 0)),
        ],
        out_specs=pl.BlockSpec((BN, D), lambda i: (i, 0)),
        out_shape=jax.ShapeDtypeStruct((N, D), jnp.float32),
    )(h, W, b)


def _ctransform_wn(hs, p, inv, Wn, W2, bc, N, D):
    BN = 1000

    def body(hs_ref, p_ref, i_ref, wn_ref, w_ref, b_ref, hso_ref, z_ref):
        agg = (p_ref[0] + p_ref[1]) * i_ref[...]
        h = hs_ref[...] + jnp.dot(agg, wn_ref[...],
                                  preferred_element_type=jnp.float32)
        h = jnp.maximum(h, 0.0)
        acc = jnp.dot(h, w_ref[...], preferred_element_type=jnp.float32)
        acc = acc + b_ref[...]
        hso_ref[...] = acc[:, :D]
        z_ref[...] = acc[:, D:]

    return pl.pallas_call(
        body,
        grid=(N // BN,),
        in_specs=[
            pl.BlockSpec((BN, D), lambda i: (i, 0)),
            pl.BlockSpec((NC, BN, D), lambda i: (0, i, 0)),
            pl.BlockSpec((BN, D), lambda i: (i, 0)),
            pl.BlockSpec((D, D), lambda i: (0, 0)),
            pl.BlockSpec((D, 2 * D), lambda i: (0, 0)),
            pl.BlockSpec((1, 2 * D), lambda i: (0, 0)),
        ],
        out_specs=[
            pl.BlockSpec((BN, D), lambda i: (i, 0)),
            pl.BlockSpec((BN, D), lambda i: (i, 0)),
        ],
        out_shape=[jax.ShapeDtypeStruct((N, D), jnp.float32)] * 2,
    )(hs, p, inv, Wn, W2, bc)


def _inv_deg(degp, N, D):
    BN = 1000

    def body(d_ref, inv_ref):
        dsum = jnp.sum(d_ref[...], axis=1)
        inv = 1.0 / jnp.maximum(dsum, 1.0)
        inv_ref[...] = jnp.broadcast_to(inv[:, None], (BN, D))

    return pl.pallas_call(
        body,
        grid=(N // BN,),
        in_specs=[pl.BlockSpec((BN, NW), lambda i: (i, 0))],
        out_specs=pl.BlockSpec((BN, D), lambda i: (i, 0)),
        out_shape=jax.ShapeDtypeStruct((N, D), jnp.float32),
    )(degp)


def _combine(hs, p, inv, relu, N, D):
    BN = 1000

    def body(hs_ref, p_ref, i_ref, o_ref):
        o = hs_ref[...] + (p_ref[0] + p_ref[1]) * i_ref[...]
        o_ref[...] = jnp.maximum(o, 0.0) if relu else o

    return pl.pallas_call(
        body,
        grid=(N // BN,),
        in_specs=[
            pl.BlockSpec((BN, D), lambda i: (i, 0)),
            pl.BlockSpec((NC, BN, D), lambda i: (0, i, 0)),
            pl.BlockSpec((BN, D), lambda i: (i, 0)),
        ],
        out_specs=pl.BlockSpec((BN, D), lambda i: (i, 0)),
        out_shape=jax.ShapeDtypeStruct((N, D), jnp.float32),
    )(hs, p, inv)


def _ctransform(hs, p, inv, W2, bc, N, D):
    BN = 1000

    def body(hs_ref, p_ref, i_ref, w_ref, b_ref, hso_ref, z_ref):
        h = jnp.maximum(hs_ref[...] + (p_ref[0] + p_ref[1]) * i_ref[...], 0.0)
        acc = jnp.dot(h, w_ref[...], preferred_element_type=jnp.float32)
        acc = acc + b_ref[...]
        hso_ref[...] = acc[:, :D]
        z_ref[...] = acc[:, D:]

    return pl.pallas_call(
        body,
        grid=(N // BN,),
        in_specs=[
            pl.BlockSpec((BN, D), lambda i: (i, 0)),
            pl.BlockSpec((NC, BN, D), lambda i: (0, i, 0)),
            pl.BlockSpec((BN, D), lambda i: (i, 0)),
            pl.BlockSpec((D, 2 * D), lambda i: (0, 0)),
            pl.BlockSpec((1, 2 * D), lambda i: (0, 0)),
        ],
        out_specs=[
            pl.BlockSpec((BN, D), lambda i: (i, 0)),
            pl.BlockSpec((BN, D), lambda i: (i, 0)),
        ],
        out_shape=[jax.ShapeDtypeStruct((N, D), jnp.float32)] * 2,
    )(hs, p, inv, W2, bc)


def _make_deg(N, E):
    per_tile = E // NW
    n_chunks = per_tile // K
    mesh = plsc.VectorSubcoreMesh(core_axis_name="c", subcore_axis_name="s")

    def body(dst_hbm, zeros_hbm, deg_out, *, didx, deg_v):
        c = lax.axis_index("c")
        s = lax.axis_index("s")
        wid = c * NS + s
        pltpu.sync_copy(dst_hbm.at[pl.ds(wid * per_tile, per_tile)], didx)
        pltpu.sync_copy(zeros_hbm, deg_v)
        ones16 = jnp.ones((16,), jnp.float32)

        def chunk(i, _):
            dvec = didx[pl.ds(i * 16, 16)]
            plsc.addupdate_scatter(deg_v, [dvec], ones16)
            return 0

        lax.fori_loop(0, per_tile // 16, chunk, 0)
        pltpu.sync_copy(deg_v, deg_out.at[pl.ds(wid * N, N)])

    return pl.kernel(
        body,
        out_type=jax.ShapeDtypeStruct((NW * N,), jnp.float32),
        mesh=mesh,
        compiler_params=pltpu.CompilerParams(needs_layout_passes=False),
        scratch_types={
            "didx": pltpu.VMEM((per_tile,), jnp.int32),
            "deg_v": pltpu.VMEM((N,), jnp.float32),
        },
    )


def _make_aggregate(N, D, E):
    per_tile = E // NW
    n_chunks = per_tile // K
    share = (N // NS) // 8 * 8
    tail = N - share * NS
    chunks = [K] * (share // K)
    if share % K:
        chunks.append(share % K)

    mesh = plsc.VectorSubcoreMesh(core_axis_name="c", subcore_axis_name="s")

    def body(z_hbm, src_hbm, dst3_hbm, zeros_hbm, agg_out, *,
             sidx_all, didx_all, rows, sem, rows2, sem2, aggs):
        c = lax.axis_index("c")
        s = lax.axis_index("s")
        wid = c * NS + s

        pltpu.async_copy(src_hbm.at[pl.ds(wid * per_tile, per_tile)], sidx_all, sem)
        pltpu.async_copy(dst3_hbm.at[wid], didx_all, sem2)

        row0 = s * share
        pltpu.sync_copy(zeros_hbm, rows2)
        off = 0
        for n in chunks:
            pltpu.sync_copy(rows2.at[pl.ds(0, n)], aggs.at[pl.ds(row0 + off, n)])
            off += n

        @pl.when(s == 0)
        def _():
            pltpu.sync_copy(rows2.at[pl.ds(0, tail)],
                            aggs.at[pl.ds(NS * share, tail)])

        pltpu.make_async_copy(src_hbm.at[pl.ds(wid * per_tile, per_tile)],
                              sidx_all, sem).wait()
        pltpu.make_async_copy(dst3_hbm.at[wid], didx_all, sem2).wait()
        pltpu.async_copy(z_hbm.at[sidx_all.at[pl.ds(0, K)]], rows, sem)
        plsc.subcore_barrier()

        def pair(t, _):
            g0 = 2 * t
            pltpu.async_copy(z_hbm.at[sidx_all.at[pl.ds((g0 + 1) * K, K)]], rows2, sem2)
            pltpu.make_async_copy(z_hbm.at[sidx_all.at[pl.ds(g0 * K, K)]], rows, sem).wait()
            pltpu.sync_copy(rows, aggs.at[didx_all.at[g0]], add=True)

            @pl.when(g0 + 2 < n_chunks)
            def _():
                pltpu.async_copy(z_hbm.at[sidx_all.at[pl.ds((g0 + 2) * K, K)]], rows, sem)

            pltpu.make_async_copy(z_hbm.at[sidx_all.at[pl.ds((g0 + 1) * K, K)]], rows2, sem2).wait()
            pltpu.sync_copy(rows2, aggs.at[didx_all.at[g0 + 1]], add=True)
            return 0

        lax.fori_loop(0, n_chunks // 2, pair, 0)
        if n_chunks % 2 == 1:
            pltpu.make_async_copy(z_hbm.at[sidx_all.at[pl.ds((n_chunks - 1) * K, K)]], rows, sem).wait()
            pltpu.sync_copy(rows, aggs.at[didx_all.at[n_chunks - 1]], add=True)

        plsc.subcore_barrier()

        bufs = [(rows, sem), (rows2, sem2)]
        off = 0
        starts = []
        for i, n in enumerate(chunks):
            b, bs = bufs[i % 2]
            r0 = row0 + off
            pltpu.sync_copy(aggs.at[pl.ds(r0, n)], b.at[pl.ds(0, n)])
            pltpu.async_copy(b.at[pl.ds(0, n)], agg_out.at[pl.ds(c * N + r0, n)], bs)
            starts.append((b, bs, n, c * N + r0))
            if i >= 1:
                pb, pbs, pn, po = starts[i - 1]
                pltpu.make_async_copy(pb.at[pl.ds(0, pn)],
                                      agg_out.at[pl.ds(po, pn)], pbs).wait()
            off += n
        lb, lbs, ln, lo = starts[-1]
        pltpu.make_async_copy(lb.at[pl.ds(0, ln)],
                              agg_out.at[pl.ds(lo, ln)], lbs).wait()

        @pl.when(s == 0)
        def _():
            pltpu.sync_copy(aggs.at[pl.ds(NS * share, tail)], rows.at[pl.ds(0, tail)])
            pltpu.sync_copy(rows.at[pl.ds(0, tail)],
                            agg_out.at[pl.ds(c * N + NS * share, tail)])

    scratch = {
        "sidx_all": pltpu.VMEM((per_tile,), jnp.int32),
        "didx_all": pltpu.VMEM((n_chunks, K), jnp.int32),
        "rows": pltpu.VMEM((K, D), jnp.float32),
        "sem": pltpu.SemaphoreType.DMA,
        "rows2": pltpu.VMEM((K, D), jnp.float32),
        "sem2": pltpu.SemaphoreType.DMA,
        "aggs": pltpu.VMEM_SHARED((N, D), jnp.float32),
    }
    return pl.kernel(
        body,
        out_type=jax.ShapeDtypeStruct((NC * N, D), jnp.float32),
        mesh=mesh,
        scratch_types=scratch,
    )


def kernel(x, edge_index, Ws0, Wn0, b0, Ws1, Wn1, b1, Ws2, Wn2, b2):
    N, D = x.shape
    E = edge_index.shape[1]
    src = edge_index[0]
    dst = edge_index[1]

    agg = _make_aggregate(N, D, E)
    deg_k = _make_deg(N, E)
    zeros_d = jnp.zeros((K, D), jnp.float32)
    zeros_n = jnp.zeros((N,), jnp.float32)

    W21 = jnp.concatenate([Ws1, Wn1], axis=1)
    W22 = jnp.concatenate([Ws2, Wn2], axis=1)
    zcol = jnp.zeros((D,), jnp.float32)
    bc1 = jnp.concatenate([b1, zcol])[None, :]
    bc2 = jnp.concatenate([b2, zcol])[None, :]

    n_chunks = (E // NW) // K
    dst3 = dst.reshape(NW, n_chunks, K)

    degp = deg_k(dst, zeros_n).reshape(NW, N).T
    p0 = agg(x, src, dst3, zeros_d)
    hs0 = _transform1(x, Ws0, b0[None, :], N, D)
    inv = _inv_deg(degp, N, D)
    hs1, z1 = _ctransform_wn(hs0, p0.reshape(NC, N, D), inv, Wn0, W21, bc1,
                             N, D)
    p1 = agg(z1, src, dst3, zeros_d)
    hs2, z2 = _ctransform(hs1, p1.reshape(NC, N, D), inv, W22, bc2, N, D)
    p2 = agg(z2, src, dst3, zeros_d)
    return _combine(hs2, p2.reshape(NC, N, D), inv, False, N, D)

# --- scband reference (transcript-rebuilt; emitter-appended) ---
"""Pipeline reference for scband-sage-64845416235755 (READ-ONLY COPY).

The authoritative reference and input builder live on the scoring server;
editing this copy changes nothing except your own understanding.
"""

import jax, jax.numpy as jnp
import numpy as np

N = 10000
E = 320000
D = 128

def setup_inputs(seed: int = 0) -> dict:
    key = jax.random.key(seed)
    ks = jax.random.split(key, 12)
    x = jax.random.normal(ks[0], (N, D), dtype=jnp.float32)
    edge_index = jax.random.randint(ks[1], (2, E), 0, N, dtype=jnp.int32)
    s = 0.05
    params = {}
    for l in range(3):
        params[f'Ws{l}'] = jax.random.normal(ks[2 + 3 * l], (D, D), dtype=jnp.float32) * s
        params[f'Wn{l}'] = jax.random.normal(ks[3 + 3 * l], (D, D), dtype=jnp.float32) * s
        params[f'b{l}'] = jnp.zeros((D,), dtype=jnp.float32)
    return {'x': x, 'edge_index': edge_index, **params}

def reference(x, edge_index, Ws0, Wn0, b0, Ws1, Wn1, b1, Ws2, Wn2, b2):
    # 3-layer GraphSAGE with 'mean' aggregation (DGL SAGEConv semantics):
    #   h_out = h_dst @ W_self + mean_{src->dst}(h_src) @ W_neigh + b
    # Dropout is identity in eval mode; blocks modeled as the same full-graph edge set per layer.
    src = edge_index[0]
    dst = edge_index[1]
    deg = jax.ops.segment_sum(jnp.ones((E,), dtype=x.dtype), dst, num_segments=N)
    inv_deg = 1.0 / jnp.maximum(deg, 1.0)

    def sage_layer(h, Ws, Wn, b):
        msg = jnp.take(h, src, axis=0)            # gather over edges
        agg = jax.ops.segment_sum(msg, dst, num_segments=N)  # scatter-add
        agg = agg * inv_deg[:, None]              # mean aggregation
        return h @ Ws + agg @ Wn + b

    h = sage_layer(x, Ws0, Wn0, b0)
    h = jax.nn.relu(h)
    h = sage_layer(h, Ws1, Wn1, b1)
    h = jax.nn.relu(h)
    h = sage_layer(h, Ws2, Wn2, b2)
    return h

if __name__ == "__main__":
    import jax
    _d = setup_inputs()
    print(jax.jit(kernel)(*tuple(_d.values())))

</pallas_src>

<mosaic_0001>
#map = affine_map<(d0, d1) -> (0)>
module attributes {stable_mosaic.version = 14 : i64} {
  func.func @body(%arg0: i32, %arg1: i32, %arg2: memref<320000xi32, #tpu.memory_space<hbm>>, %arg3: memref<10000xf32, #tpu.memory_space<hbm>>, %arg4: memref<320000xf32, #tpu.memory_space<hbm>>, %arg5: memref<10000xf32, #tpu.memory_space<vmem>>, %arg6: memref<10000xi32, #tpu.memory_space<vmem>>) attributes {dimension_semantics = [#tpu.dimension_semantics<core_parallel>, #tpu.dimension_semantics<subcore_parallel>], iteration_bounds = array<i64: 2, 16>, scalar_prefetch = 0 : i64, scratch_operands = 2 : i64, tpu.core_type = #tpu.core_type<sc_vector_subcore>, window_params = [{transform_indices = #map}, {transform_indices = #map}, {transform_indices = #map}]} {
    %mul3A = arith.constant 16 : i32
    %mul3A_0 = arith.muli %arg0, %mul3A : i32
    %add3A = arith.addi %mul3A_0, %arg1 : i32
    %mul3A_1 = arith.constant 10000 : i32
    %mul3A_2 = arith.muli %add3A, %mul3A_1 : i32
    "tpu.region"() ({
      %run_scoped3A = tpu.sem_alloc : memref<!tpu.dma_semaphore, #tpu.memory_space<semaphore_mem>>
      %dma_start3A = tpu.memref_slice %arg2[%mul3A_2] : memref<320000xi32, #tpu.memory_space<hbm>> -> memref<10000xi32, #tpu.memory_space<hbm>>
      %dma_start3A_12 = tpu.memref_slice %arg2[%mul3A_2] : memref<320000xi32, #tpu.memory_space<hbm>> -> memref<10000xi32, #tpu.memory_space<hbm>>
      tpu.enqueue_dma source(%dma_start3A_12 : memref<10000xi32, #tpu.memory_space<hbm>>) target(%arg6 : memref<10000xi32, #tpu.memory_space<vmem>>) target_semaphore(%run_scoped3A : memref<!tpu.dma_semaphore, #tpu.memory_space<semaphore_mem>>)
      %dma_wait3A = tpu.memref_slice %arg2[%mul3A_2] : memref<320000xi32, #tpu.memory_space<hbm>> -> memref<10000xi32, #tpu.memory_space<hbm>>
      %dma_wait3A_13 = tpu.memref_slice %arg2[%mul3A_2] : memref<320000xi32, #tpu.memory_space<hbm>> -> memref<10000xi32, #tpu.memory_space<hbm>>
      tpu.wait_dma2 semaphore(%run_scoped3A : memref<!tpu.dma_semaphore, #tpu.memory_space<semaphore_mem>>) src(%dma_wait3A_13 : memref<10000xi32, #tpu.memory_space<hbm>>) dst(%arg6 : memref<10000xi32, #tpu.memory_space<vmem>>)
      tpu.yield
    }) : () -> ()
    "tpu.region"() ({
      %run_scoped3A = tpu.sem_alloc : memref<!tpu.dma_semaphore, #tpu.memory_space<semaphore_mem>>
      tpu.enqueue_dma source(%arg3 : memref<10000xf32, #tpu.memory_space<hbm>>) target(%arg5 : memref<10000xf32, #tpu.memory_space<vmem>>) target_semaphore(%run_scoped3A : memref<!tpu.dma_semaphore, #tpu.memory_space<semaphore_mem>>)
      tpu.wait_dma2 semaphore(%run_scoped3A : memref<!tpu.dma_semaphore, #tpu.memory_space<semaphore_mem>>) src(%arg3 : memref<10000xf32, #tpu.memory_space<hbm>>) dst(%arg5 : memref<10000xf32, #tpu.memory_space<vmem>>)
      tpu.yield
    }) : () -> ()
    %broadcast_in_dim3A = arith.constant 1.000000e+00 : f32
    %broadcast_in_dim3A_3 = vector.broadcast %broadcast_in_dim3A : f32 to vector<16xf32>
    %scan3A = arith.constant 0 : i32
    %scan3A_4 = arith.constant 0 : i32
    %scan3A_5 = arith.constant 625 : i32
    %scan3A_6 = arith.addi %scan3A_4, %scan3A_5 : i32
    %scan3A_7 = arith.constant 1 : i32
    %scan3A_8 = scf.for %scan3A_12 = %scan3A_4 to %scan3A_6 step %scan3A_7 iter_args(%scan3A_13 = %scan3A) -> (i32)  : i32 {
      %mul3A_14 = arith.constant 16 : i32
      %mul3A_15 = arith.muli %scan3A_12, %mul3A_14 : i32
      %get3A = arith.index_cast %mul3A_15 : i32 to index
      %get3A_16 = tpu.vector_load %arg6[%get3A] {strides = array<i32>} : memref<10000xi32, #tpu.memory_space<vmem>>, vector<16xi32>,
      tpu.vector_store_idx %arg5[%get3A_16], %broadcast_in_dim3A_3 {add = true} : memref<10000xf32, #tpu.memory_space<vmem>>[vector<16xi32>], vector<16xf32>,
      %scan3A_17 = arith.constant 0 : i32
      scf.yield %scan3A_17 : i32
    }
    %scan3A_9 = arith.constant 625 : i32
    %mul3A_10 = arith.constant 10000 : i32
    %mul3A_11 = arith.muli %add3A, %mul3A_10 : i32
    "tpu.region"() ({
      %run_scoped3A = tpu.sem_alloc : memref<!tpu.dma_semaphore, #tpu.memory_space<semaphore_mem>>
      %dma_start3A = tpu.memref_slice %arg4[%mul3A_11] : memref<320000xf32, #tpu.memory_space<hbm>> -> memref<10000xf32, #tpu.memory_space<hbm>>
      %dma_start3A_12 = tpu.memref_slice %arg4[%mul3A_11] : memref<320000xf32, #tpu.memory_space<hbm>> -> memref<10000xf32, #tpu.memory_space<hbm>>
      tpu.enqueue_dma source(%arg5 : memref<10000xf32, #tpu.memory_space<vmem>>) target(%dma_start3A_12 : memref<10000xf32, #tpu.memory_space<hbm>>) target_semaphore(%run_scoped3A : memref<!tpu.dma_semaphore, #tpu.memory_space<semaphore_mem>>)
      %dma_wait3A = tpu.memref_slice %arg4[%mul3A_11] : memref<320000xf32, #tpu.memory_space<hbm>> -> memref<10000xf32, #tpu.memory_space<hbm>>
      %dma_wait3A_13 = tpu.memref_slice %arg4[%mul3A_11] : memref<320000xf32, #tpu.memory_space<hbm>> -> memref<10000xf32, #tpu.memory_space<hbm>>
      tpu.wait_dma2 semaphore(%run_scoped3A : memref<!tpu.dma_semaphore, #tpu.memory_space<semaphore_mem>>) src(%arg5 : memref<10000xf32, #tpu.memory_space<vmem>>) dst(%dma_wait3A_13 : memref<10000xf32, #tpu.memory_space<hbm>>)
      tpu.yield
    }) : () -> ()
    return
  }
}

#map = affine_map<(d0, d1) -> (0, 0)>
#map1 = affine_map<(d0, d1) -> (0)>
#map2 = affine_map<(d0, d1) -> (0, 0, 0)>
module attributes {stable_mosaic.version = 14 : i64} {
  func.func @body(%arg0: i32, %arg1: i32, %arg2: memref<10000x128xf32, #tpu.memory_space<hbm>>, %arg3: memref<320000xi32, #tpu.memory_space<hbm>>, %arg4: memref<32x125x80xi32, #tpu.memory_space<hbm>>, %arg5: memref<80x128xf32, #tpu.memory_space<hbm>>, %arg6: memref<20000x128xf32, #tpu.memory_space<hbm>>, %arg7: memref<10000x128xf32, #tpu.memory_space<vmem_shared>>, %arg8: memref<125x80xi32, #tpu.memory_space<vmem>>, %arg9: memref<80x128xf32, #tpu.memory_space<vmem>>, %arg10: memref<80x128xf32, #tpu.memory_space<vmem>>, %arg11: memref<!tpu.dma_semaphore, #tpu.memory_space<semaphore_mem>>, %arg12: memref<!tpu.dma_semaphore, #tpu.memory_space<semaphore_mem>>, %arg13: memref<10000xi32, #tpu.memory_space<vmem>>) attributes {dimension_semantics = [#tpu.dimension_semantics<core_parallel>, #tpu.dimension_semantics<subcore_parallel>], iteration_bounds = array<i64: 2, 16>, scalar_prefetch = 0 : i64, scratch_operands = 7 : i64, tpu.core_type = #tpu.core_type<sc_vector_subcore>, window_params = [{transform_indices = #map}, {transform_indices = #map1}, {transform_indices = #map2}, {transform_indices = #map}, {transform_indices = #map}]} {
    %mul3A = arith.constant 16 : i32
    %mul3A_0 = arith.muli %arg0, %mul3A : i32
    %add3A = arith.addi %mul3A_0, %arg1 : i32
    %mul3A_1 = arith.constant 10000 : i32
    %mul3A_2 = arith.muli %add3A, %mul3A_1 : i32
    %dma_start3A = tpu.memref_slice %arg3[%mul3A_2] : memref<320000xi32, #tpu.memory_space<hbm>> -> memref<10000xi32, #tpu.memory_space<hbm>>
    %dma_start3A_3 = tpu.memref_slice %arg3[%mul3A_2] : memref<320000xi32, #tpu.memory_space<hbm>> -> memref<10000xi32, #tpu.memory_space<hbm>>
    tpu.enqueue_dma source(%dma_start3A_3 : memref<10000xi32, #tpu.memory_space<hbm>>) target(%arg13 : memref<10000xi32, #tpu.memory_space<vmem>>) target_semaphore(%arg11 : memref<!tpu.dma_semaphore, #tpu.memory_space<semaphore_mem>>)
    %dma_start3A_4 = arith.constant 0 : i32
    %dma_start3A_5 = arith.constant 0 : i32
    %dma_start3A_6 = tpu.memref_slice %arg4[%add3A, %dma_start3A_4, %dma_start3A_5] : memref<32x125x80xi32, #tpu.memory_space<hbm>> -> memref<1x125x80xi32, #tpu.memory_space<hbm>>
    %dma_start3A_7 = tpu.memref_squeeze %dma_start3A_6 : memref<1x125x80xi32, #tpu.memory_space<hbm>> -> memref<125x80xi32, #tpu.memory_space<hbm>>
    %dma_start3A_8 = arith.constant 0 : i32
    %dma_start3A_9 = arith.constant 0 : i32
    %dma_start3A_10 = tpu.memref_slice %arg4[%add3A, %dma_start3A_8, %dma_start3A_9] : memref<32x125x80xi32, #tpu.memory_space<hbm>> -> memref<1x125x80xi32, #tpu.memory_space<hbm>>
    %dma_start3A_11 = tpu.memref_squeeze %dma_start3A_10 : memref<1x125x80xi32, #tpu.memory_space<hbm>> -> memref<125x80xi32, #tpu.memory_space<hbm>>
    tpu.enqueue_dma source(%dma_start3A_11 : memref<125x80xi32, #tpu.memory_space<hbm>>) target(%arg8 : memref<125x80xi32, #tpu.memory_space<vmem>>) target_semaphore(%arg12 : memref<!tpu.dma_semaphore, #tpu.memory_space<semaphore_mem>>)
    %mul3A_12 = arith.constant 624 : i32
    %mul3A_13 = arith.muli %arg1, %mul3A_12 : i32
    "tpu.region"() ({
      %run_scoped3A_289 = tpu.sem_alloc : memref<!tpu.dma_semaphore, #tpu.memory_space<semaphore_mem>>
      tpu.enqueue_dma source(%arg5 : memref<80x128xf32, #tpu.memory_space<hbm>>) target(%arg10 : memref<80x128xf32, #tpu.memory_space<vmem>>) target_semaphore(%run_scoped3A_289 : memref<!tpu.dma_semaphore, #tpu.memory_space<semaphore_mem>>)
      tpu.wait_dma2 semaphore(%run_scoped3A_289 : memref<!tpu.dma_semaphore, #tpu.memory_space<semaphore_mem>>) src(%arg5 : memref<80x128xf32, #tpu.memory_space<hbm>>) dst(%arg10 : memref<80x128xf32, #tpu.memory_space<vmem>>)
      tpu.yield
    }) : () -> ()
    %add3A_14 = arith.constant 0 : i32
    %add3A_15 = arith.addi %mul3A_13, %add3A_14 : i32
    "tpu.region"() ({
      %run_scoped3A_289 = tpu.sem_alloc : memref<!tpu.dma_semaphore, #tpu.memory_space<semaphore_mem>>
      %dma_start3A_290 = arith.constant 0 : i32
      %dma_start3A_291 = arith.constant 0 : i32
      %dma_start3A_292 = tpu.memref_slice %arg10[%dma_start3A_290, %dma_start3A_291] : memref<80x128xf32, #tpu.memory_space<vmem>> -> memref<80x128xf32, #tpu.memory_space<vmem>>
      %dma_start3A_293 = arith.constant 0 : i32
      %dma_start3A_294 = tpu.memref_slice %arg7[%add3A_15, %dma_start3A_293] : memref<10000x128xf32, #tpu.memory_space<vmem_shared>> -> memref<80x128xf32, #tpu.memory_space<vmem_shared>>
      %dma_start3A_295 = arith.constant 0 : i32
      %dma_start3A_296 = tpu.memref_slice %arg7[%add3A_15, %dma_start3A_295] : memref<10000x128xf32, #tpu.memory_space<vmem_shared>> -> memref<80x128xf32, #tpu.memory_space<vmem_shared>>
      %dma_start3A_297 = arith.constant 0 : i32
      %dma_start3A_298 = arith.constant 0 : i32
      %dma_start3A_299 = tpu.memref_slice %arg10[%dma_start3A_297, %dma_start3A_298] : memref<80x128xf32, #tpu.memory_space<vmem>> -> memref<80x128xf32, #tpu.memory_space<vmem>>
      tpu.enqueue_dma source(%dma_start3A_299 : memref<80x128xf32, #tpu.memory_space<vmem>>) target(%dma_start3A_296 : memref<80x128xf32, #tpu.memory_space<vmem_shared>>) target_semaphore(%run_scoped3A_289 : memref<!tpu.dma_semaphore, #tpu.memory_space<semaphore_mem>>)
      %dma_wait3A_300 = arith.constant 0 : i32
      %dma_wait3A_301 = arith.constant 0 : i32
      %dma_wait3A_302 = tpu.memref_slice %arg10[%dma_wait3A_300, %dma_wait3A_301] : memref<80x128xf32, #tpu.memory_space<vmem>> -> memref<80x128xf32, #tpu.memory_space<vmem>>
      %dma_wait3A_303 = arith.constant 0 : i32
      %dma_wait3A_304 = tpu.memref_slice %arg7[%add3A_15, %dma_wait3A_303] : memref<10000x128xf32, #tpu.memory_space<vmem_shared>> -> memref<80x128xf32, #tpu.memory_space<vmem_shared>>
      %dma_wait3A_305 = arith.constant 0 : i32
      %dma_wait3A_306 = tpu.memref_slice %arg7[%add3A_15, %dma_wait3A_305] : memref<10000x128xf32, #tpu.memory_space<vmem_shared>> -> memref<80x128xf32, #tpu.memory_space<vmem_shared>>
      %dma_wait3A_307 = arith.constant 0 : i32
      %dma_wait3A_308 = arith.constant 0 : i32
      %dma_wait3A_309 = tpu.memref_slice %arg10[%dma_wait3A_307, %dma_wait3A_308] : memref<80x128xf32, #tpu.memory_space<vmem>> -> memref<80x128xf32, #tpu.memory_space<vmem>>
      tpu.wait_dma2 semaphore(%run_scoped3A_289 : memref<!tpu.dma_semaphore, #tpu.memory_space<semaphore_mem>>) src(%dma_wait3A_309 : memref<80x128xf32, #tpu.memory_space<vmem>>) dst(%dma_wait3A_306 : memref<80x128xf32, #tpu.memory_space<vmem_shared>>)
      tpu.yield
    }) : () -> ()
    %add3A_16 = arith.constant 80 : i32
    %add3A_17 = arith.addi %mul3A_13, %add3A_16 : i32
    "tpu.region"() ({
      %run_scoped3A_289 = tpu.sem_alloc : memref<!tpu.dma_semaphore, #tpu.memory_space<semaphore_mem>>
      %dma_start3A_290 = arith.constant 0 : i32
      %dma_start3A_291 = arith.constant 0 : i32
      %dma_start3A_292 = tpu.memref_slice %arg10[%dma_start3A_290, %dma_start3A_291] : memref<80x128xf32, #tpu.memory_space<vmem>> -> memref<80x128xf32, #tpu.memory_space<vmem>>
      %dma_start3A_293 = arith.constant 0 : i32
      %dma_start3A_294 = tpu.memref_slice %arg7[%add3A_17, %dma_start3A_293] : memref<10000x128xf32, #tpu.memory_space<vmem_shared>> -> memref<80x128xf32, #tpu.memory_space<vmem_shared>>
      %dma_start3A_295 = arith.constant 0 : i32
      %dma_start3A_296 = tpu.memref_slice %arg7[%add3A_17, %dma_start3A_295] : memref<10000x128xf32, #tpu.memory_space<vmem_shared>> -> memref<80x128xf32, #tpu.memory_space<vmem_shared>>
      %dma_start3A_297 = arith.constant 0 : i32
      %dma_start3A_298 = arith.constant 0 : i32
      %dma_start3A_299 = tpu.memref_slice %arg10[%dma_start3A_297, %dma_start3A_298] : memref<80x128xf32, #tpu.memory_space<vmem>> -> memref<80x128xf32, #tpu.memory_space<vmem>>
      tpu.enqueue_dma source(%dma_start3A_299 : memref<80x128xf32, #tpu.memory_space<vmem>>) target(%dma_start3A_296 : memref<80x128xf32, #tpu.memory_space<vmem_shared>>) target_semaphore(%run_scoped3A_289 : memref<!tpu.dma_semaphore, #tpu.memory_space<semaphore_mem>>)
      %dma_wait3A_300 = arith.constant 0 : i32
      %dma_wait3A_301 = arith.constant 0 : i32
      %dma_wait3A_302 = tpu.memref_slice %arg10[%dma_wait3A_300, %dma_wait3A_301] : memref<80x128xf32, #tpu.memory_space<vmem>> -> memref<80x128xf32, #tpu.memory_space<vmem>>
      %dma_wait3A_303 = arith.constant 0 : i32
      %dma_wait3A_304 = tpu.memref_slice %arg7[%add3A_17, %dma_wait3A_303] : memref<10000x128xf32, #tpu.memory_space<vmem_shared>> -> memref<80x128xf32, #tpu.memory_space<vmem_shared>>
      %dma_wait3A_305 = arith.constant 0 : i32
      %dma_wait3A_306 = tpu.memref_slice %arg7[%add3A_17, %dma_wait3A_305] : memref<10000x128xf32, #tpu.memory_space<vmem_shared>> -> memref<80x128xf32, #tpu.memory_space<vmem_shared>>
      %dma_wait3A_307 = arith.constant 0 : i32
      %dma_wait3A_308 = arith.constant 0 : i32
      %dma_wait3A_309 = tpu.memref_slice %arg10[%dma_wait3A_307, %dma_wait3A_308] : memref<80x128xf32, #tpu.memory_space<vmem>> -> memref<80x128xf32, #tpu.memory_space<vmem>>
      tpu.wait_dma2 semaphore(%run_scoped3A_289 : memref<!tpu.dma_semaphore, #tpu.memory_space<semaphore_mem>>) src(%dma_wait3A_309 : memref<80x128xf32, #tpu.memory_space<vmem>>) dst(%dma_wait3A_306 : memref<80x128xf32, #tpu.memory_space<vmem_shared>>)
      tpu.yield
    }) : () -> ()
    %add3A_18 = arith.constant 160 : i32
    %add3A_19 = arith.addi %mul3A_13, %add3A_18 : i32
    "tpu.region"() ({
      %run_scoped3A_289 = tpu.sem_alloc : memref<!tpu.dma_semaphore, #tpu.memory_space<semaphore_mem>>
      %dma_start3A_290 = arith.constant 0 : i32
      %dma_start3A_291 = arith.constant 0 : i32
      %dma_start3A_292 = tpu.memref_slice %arg10[%dma_start3A_290, %dma_start3A_291] : memref<80x128xf32, #tpu.memory_space<vmem>> -> memref<80x128xf32, #tpu.memory_space<vmem>>
      %dma_start3A_293 = arith.constant 0 : i32
      %dma_start3A_294 = tpu.memref_slice %arg7[%add3A_19, %dma_start3A_293] : memref<10000x128xf32, #tpu.memory_space<vmem_shared>> -> memref<80x128xf32, #tpu.memory_space<vmem_shared>>
      %dma_start3A_295 = arith.constant 0 : i32
      %dma_start3A_296 = tpu.memref_slice %arg7[%add3A_19, %dma_start3A_295] : memref<10000x128xf32, #tpu.memory_space<vmem_shared>> -> memref<80x128xf32, #tpu.memory_space<vmem_shared>>
      %dma_start3A_297 = arith.constant 0 : i32
      %dma_start3A_298 = arith.constant 0 : i32
      %dma_start3A_299 = tpu.memref_slice %arg10[%dma_start3A_297, %dma_start3A_298] : memref<80x128xf32, #tpu.memory_space<vmem>> -> memref<80x128xf32, #tpu.memory_space<vmem>>
      tpu.enqueue_dma source(%dma_start3A_299 : memref<80x128xf32, #tpu.memory_space<vmem>>) target(%dma_start3A_296 : memref<80x128xf32, #tpu.memory_space<vmem_shared>>) target_semaphore(%run_scoped3A_289 : memref<!tpu.dma_semaphore, #tpu.memory_space<semaphore_mem>>)
      %dma_wait3A_300 = arith.constant 0 : i32
      %dma_wait3A_301 = arith.constant 0 : i32
      %dma_wait3A_302 = tpu.memref_slice %arg10[%dma_wait3A_300, %dma_wait3A_301] : memref<80x128xf32, #tpu.memory_space<vmem>> -> memref<80x128xf32, #tpu.memory_space<vmem>>
      %dma_wait3A_303 = arith.constant 0 : i32
      %dma_wait3A_304 = tpu.memref_slice %arg7[%add3A_19, %dma_wait3A_303] : memref<10000x128xf32, #tpu.memory_space<vmem_shared>> -> memref<80x128xf32, #tpu.memory_space<vmem_shared>>
      %dma_wait3A_305 = arith.constant 0 : i32
      %dma_wait3A_306 = tpu.memref_slice %arg7[%add3A_19, %dma_wait3A_305] : memref<10000x128xf32, #tpu.memory_space<vmem_shared>> -> memref<80x128xf32, #tpu.memory_space<vmem_shared>>
      %dma_wait3A_307 = arith.constant 0 : i32
      %dma_wait3A_308 = arith.constant 0 : i32
      %dma_wait3A_309 = tpu.memref_slice %arg10[%dma_wait3A_307, %dma_wait3A_308] : memref<80x128xf32, #tpu.memory_space<vmem>> -> memref<80x128xf32, #tpu.memory_space<vmem>>
      tpu.wait_dma2 semaphore(%run_scoped3A_289 : memref<!tpu.dma_semaphore, #tpu.memory_space<semaphore_mem>>) src(%dma_wait3A_309 : memref<80x128xf32, #tpu.memory_space<vmem>>) dst(%dma_wait3A_306 : memref<80x128xf32, #tpu.memory_space<vmem_shared>>)
      tpu.yield
    }) : () -> ()
    %add3A_20 = arith.constant 240 : i32
    %add3A_21 = arith.addi %mul3A_13, %add3A_20 : i32
    "tpu.region"() ({
      %run_scoped3A_289 = tpu.sem_alloc : memref<!tpu.dma_semaphore, #tpu.memory_space<semaphore_mem>>
      %dma_start3A_290 = arith.constant 0 : i32
      %dma_start3A_291 = arith.constant 0 : i32
      %dma_start3A_292 = tpu.memref_slice %arg10[%dma_start3A_290, %dma_start3A_291] : memref<80x128xf32, #tpu.memory_space<vmem>> -> memref<80x128xf32, #tpu.memory_space<vmem>>
      %dma_start3A_293 = arith.constant 0 : i32
      %dma_start3A_294 = tpu.memref_slice %arg7[%add3A_21, %dma_start3A_293] : memref<10000x128xf32, #tpu.memory_space<vmem_shared>> -> memref<80x128xf32, #tpu.memory_space<vmem_shared>>
      %dma_start3A_295 = arith.constant 0 : i32
      %dma_start3A_296 = tpu.memref_slice %arg7[%add3A_21, %dma_start3A_295] : memref<10000x128xf32, #tpu.memory_space<vmem_shared>> -> memref<80x128xf32, #tpu.memory_space<vmem_shared>>
      %dma_start3A_297 = arith.constant 0 : i32
      %dma_start3A_298 = arith.constant 0 : i32
      %dma_start3A_299 = tpu.memref_slice %arg10[%dma_start3A_297, %dma_start3A_298] : memref<80x128xf32, #tpu.memory_space<vmem>> -> memref<80x128xf32, #tpu.memory_space<vmem>>
      tpu.enqueue_dma source(%dma_start3A_299 : memref<80x128xf32, #tpu.memory_space<vmem>>) target(%dma_start3A_296 : memref<80x128xf32, #tpu.memory_space<vmem_shared>>) target_semaphore(%run_scoped3A_289 : memref<!tpu.dma_semaphore, #tpu.memory_space<semaphore_mem>>)
      %dma_wait3A_300 = arith.constant 0 : i32
      %dma_wait3A_301 = arith.constant 0 : i32
      %dma_wait3A_302 = tpu.memref_slice %arg10[%dma_wait3A_300, %dma_wait3A_301] : memref<80x128xf32, #tpu.memory_space<vmem>> -> memref<80x128xf32, #tpu.memory_space<vmem>>
      %dma_wait3A_303 = arith.constant 0 : i32
      %dma_wait3A_304 = tpu.memref_slice %arg7[%add3A_21, %dma_wait3A_303] : memref<10000x128xf32, #tpu.memory_space<vmem_shared>> -> memref<80x128xf32, #tpu.memory_space<vmem_shared>>
      %dma_wait3A_305 = arith.constant 0 : i32
      %dma_wait3A_306 = tpu.memref_slice %arg7[%add3A_21, %dma_wait3A_305] : memref<10000x128xf32, #tpu.memory_space<vmem_shared>> -> memref<80x128xf32, #tpu.memory_space<vmem_shared>>
      %dma_wait3A_307 = arith.constant 0 : i32
      %dma_wait3A_308 = arith.constant 0 : i32
      %dma_wait3A_309 = tpu.memref_slice %arg10[%dma_wait3A_307, %dma_wait3A_308] : memref<80x128xf32, #tpu.memory_space<vmem>> -> memref<80x128xf32, #tpu.memory_space<vmem>>
      tpu.wait_dma2 semaphore(%run_scoped3A_289 : memref<!tpu.dma_semaphore, #tpu.memory_space<semaphore_mem>>) src(%dma_wait3A_309 : memref<80x128xf32, #tpu.memory_space<vmem>>) dst(%dma_wait3A_306 : memref<80x128xf32, #tpu.memory_space<vmem_shared>>)
      tpu.yield
    }) : () -> ()
    %add3A_22 = arith.constant 320 : i32
    %add3A_23 = arith.addi %mul3A_13, %add3A_22 : i32
    "tpu.region"() ({
      %run_scoped3A_289 = tpu.sem_alloc : memref<!tpu.dma_semaphore, #tpu.memory_space<semaphore_mem>>
      %dma_start3A_290 = arith.constant 0 : i32
      %dma_start3A_291 = arith.constant 0 : i32
      %dma_start3A_292 = tpu.memref_slice %arg10[%dma_start3A_290, %dma_start3A_291] : memref<80x128xf32, #tpu.memory_space<vmem>> -> memref<80x128xf32, #tpu.memory_space<vmem>>
      %dma_start3A_293 = arith.constant 0 : i32
      %dma_start3A_294 = tpu.memref_slice %arg7[%add3A_23, %dma_start3A_293] : memref<10000x128xf32, #tpu.memory_space<vmem_shared>> -> memref<80x128xf32, #tpu.memory_space<vmem_shared>>
      %dma_start3A_295 = arith.constant 0 : i32
      %dma_start3A_296 = tpu.memref_slice %arg7[%add3A_23, %dma_start3A_295] : memref<10000x128xf32, #tpu.memory_space<vmem_shared>> -> memref<80x128xf32, #tpu.memory_space<vmem_shared>>
      %dma_start3A_297 = arith.constant 0 : i32
      %dma_start3A_298 = arith.constant 0 : i32
      %dma_start3A_299 = tpu.memref_slice %arg10[%dma_start3A_297, %dma_start3A_298] : memref<80x128xf32, #tpu.memory_space<vmem>> -> memref<80x128xf32, #tpu.memory_space<vmem>>
      tpu.enqueue_dma source(%dma_start3A_299 : memref<80x128xf32, #tpu.memory_space<vmem>>) target(%dma_start3A_296 : memref<80x128xf32, #tpu.memory_space<vmem_shared>>) target_semaphore(%run_scoped3A_289 : memref<!tpu.dma_semaphore, #tpu.memory_space<semaphore_mem>>)
      %dma_wait3A_300 = arith.constant 0 : i32
      %dma_wait3A_301 = arith.constant 0 : i32
      %dma_wait3A_302 = tpu.memref_slice %arg10[%dma_wait3A_300, %dma_wait3A_301] : memref<80x128xf32, #tpu.memory_space<vmem>> -> memref<80x128xf32, #tpu.memory_space<vmem>>
      %dma_wait3A_303 = arith.constant 0 : i32
      %dma_wait3A_304 = tpu.memref_slice %arg7[%add3A_23, %dma_wait3A_303] : memref<10000x128xf32, #tpu.memory_space<vmem_shared>> -> memref<80x128xf32, #tpu.memory_space<vmem_shared>>
      %dma_wait3A_305 = arith.constant 0 : i32
      %dma_wait3A_306 = tpu.memref_slice %arg7[%add3A_23, %dma_wait3A_305] : memref<10000x128xf32, #tpu.memory_space<vmem_shared>> -> memref<80x128xf32, #tpu.memory_space<vmem_shared>>
      %dma_wait3A_307 = arith.constant 0 : i32
      %dma_wait3A_308 = arith.constant 0 : i32
      %dma_wait3A_309 = tpu.memref_slice %arg10[%dma_wait3A_307, %dma_wait3A_308] : memref<80x128xf32, #tpu.memory_space<vmem>> -> memref<80x128xf32, #tpu.memory_space<vmem>>
      tpu.wait_dma2 semaphore(%run_scoped3A_289 : memref<!tpu.dma_semaphore, #tpu.memory_space<semaphore_mem>>) src(%dma_wait3A_309 : memref<80x128xf32, #tpu.memory_space<vmem>>) dst(%dma_wait3A_306 : memref<80x128xf32, #tpu.memory_space<vmem_shared>>)
      tpu.yield
    }) : () -> ()
    %add3A_24 = arith.constant 400 : i32
    %add3A_25 = arith.addi %mul3A_13, %add3A_24 : i32
    "tpu.region"() ({
      %run_scoped3A_289 = tpu.sem_alloc : memref<!tpu.dma_semaphore, #tpu.memory_space<semaphore_mem>>
      %dma_start3A_290 = arith.constant 0 : i32
      %dma_start3A_291 = arith.constant 0 : i32
      %dma_start3A_292 = tpu.memref_slice %arg10[%dma_start3A_290, %dma_start3A_291] : memref<80x128xf32, #tpu.memory_space<vmem>> -> memref<80x128xf32, #tpu.memory_space<vmem>>
      %dma_start3A_293 = arith.constant 0 : i32
      %dma_start3A_294 = tpu.memref_slice %arg7[%add3A_25, %dma_start3A_293] : memref<10000x128xf32, #tpu.memory_space<vmem_shared>> -> memref<80x128xf32, #tpu.memory_space<vmem_shared>>
      %dma_start3A_295 = arith.constant 0 : i32
      %dma_start3A_296 = tpu.memref_slice %arg7[%add3A_25, %dma_start3A_295] : memref<10000x128xf32, #tpu.memory_space<vmem_shared>> -> memref<80x128xf32, #tpu.memory_space<vmem_shared>>
      %dma_start3A_297 = arith.constant 0 : i32
      %dma_start3A_298 = arith.constant 0 : i32
      %dma_start3A_299 = tpu.memref_slice %arg10[%dma_start3A_297, %dma_start3A_298] : memref<80x128xf32, #tpu.memory_space<vmem>> -> memref<80x128xf32, #tpu.memory_space<vmem>>
      tpu.enqueue_dma source(%dma_start3A_299 : memref<80x128xf32, #tpu.memory_space<vmem>>) target(%dma_start3A_296 : memref<80x128xf32, #tpu.memory_space<vmem_shared>>) target_semaphore(%run_scoped3A_289 : memref<!tpu.dma_semaphore, #tpu.memory_space<semaphore_mem>>)
      %dma_wait3A_300 = arith.constant 0 : i32
      %dma_wait3A_301 = arith.constant 0 : i32
      %dma_wait3A_302 = tpu.memref_slice %arg10[%dma_wait3A_300, %dma_wait3A_301] : memref<80x128xf32, #tpu.memory_space<vmem>> -> memref<80x128xf32, #tpu.memory_space<vmem>>
      %dma_wait3A_303 = arith.constant 0 : i32
      %dma_wait3A_304 = tpu.memref_slice %arg7[%add3A_25, %dma_wait3A_303] : memref<10000x128xf32, #tpu.memory_space<vmem_shared>> -> memref<80x128xf32, #tpu.memory_space<vmem_shared>>
      %dma_wait3A_305 = arith.constant 0 : i32
      %dma_wait3A_306 = tpu.memref_slice %arg7[%add3A_25, %dma_wait3A_305] : memref<10000x128xf32, #tpu.memory_space<vmem_shared>> -> memref<80x128xf32, #tpu.memory_space<vmem_shared>>
      %dma_wait3A_307 = arith.constant 0 : i32
      %dma_wait3A_308 = arith.constant 0 : i32
      %dma_wait3A_309 = tpu.memref_slice %arg10[%dma_wait3A_307, %dma_wait3A_308] : memref<80x128xf32, #tpu.memory_space<vmem>> -> memref<80x128xf32, #tpu.memory_space<vmem>>
      tpu.wait_dma2 semaphore(%run_scoped3A_289 : memref<!tpu.dma_semaphore, #tpu.memory_space<semaphore_mem>>) src(%dma_wait3A_309 : memref<80x128xf32, #tpu.memory_space<vmem>>) dst(%dma_wait3A_306 : memref<80x128xf32, #tpu.memory_space<vmem_shared>>)
      tpu.yield
    }) : () -> ()
    %add3A_26 = arith.constant 480 : i32
    %add3A_27 = arith.addi %mul3A_13, %add3A_26 : i32
    "tpu.region"() ({
      %run_scoped3A_289 = tpu.sem_alloc : memref<!tpu.dma_semaphore, #tpu.memory_space<semaphore_mem>>
      %dma_start3A_290 = arith.constant 0 : i32
      %dma_start3A_291 = arith.constant 0 : i32
      %dma_start3A_292 = tpu.memref_slice %arg10[%dma_start3A_290, %dma_start3A_291] : memref<80x128xf32, #tpu.memory_space<vmem>> -> memref<80x128xf32, #tpu.memory_space<vmem>>
      %dma_start3A_293 = arith.constant 0 : i32
      %dma_start3A_294 = tpu.memref_slice %arg7[%add3A_27, %dma_start3A_293] : memref<10000x128xf32, #tpu.memory_space<vmem_shared>> -> memref<80x128xf32, #tpu.memory_space<vmem_shared>>
      %dma_start3A_295 = arith.constant 0 : i32
      %dma_start3A_296 = tpu.memref_slice %arg7[%add3A_27, %dma_start3A_295] : memref<10000x128xf32, #tpu.memory_space<vmem_shared>> -> memref<80x128xf32, #tpu.memory_space<vmem_shared>>
      %dma_start3A_297 = arith.constant 0 : i32
      %dma_start3A_298 = arith.constant 0 : i32
      %dma_start3A_299 = tpu.memref_slice %arg10[%dma_start3A_297, %dma_start3A_298] : memref<80x128xf32, #tpu.memory_space<vmem>> -> memref<80x128xf32, #tpu.memory_space<vmem>>
      tpu.enqueue_dma source(%dma_start3A_299 : memref<80x128xf32, #tpu.memory_space<vmem>>) target(%dma_start3A_296 : memref<80x128xf32, #tpu.memory_space<vmem_shared>>) target_semaphore(%run_scoped3A_289 : memref<!tpu.dma_semaphore, #tpu.memory_space<semaphore_mem>>)
      %dma_wait3A_300 = arith.constant 0 : i32
      %dma_wait3A_301 = arith.constant 0 : i32
      %dma_wait3A_302 = tpu.memref_slice %arg10[%dma_wait3A_300, %dma_wait3A_301] : memref<80x128xf32, #tpu.memory_space<vmem>> -> memref<80x128xf32, #tpu.memory_space<vmem>>
      %dma_wait3A_303 = arith.constant 0 : i32
      %dma_wait3A_304 = tpu.memref_slice %arg7[%add3A_27, %dma_wait3A_303] : memref<10000x128xf32, #tpu.memory_space<vmem_shared>> -> memref<80x128xf32, #tpu.memory_space<vmem_shared>>
      %dma_wait3A_305 = arith.constant 0 : i32
      %dma_wait3A_306 = tpu.memref_slice %arg7[%add3A_27, %dma_wait3A_305] : memref<10000x128xf32, #tpu.memory_space<vmem_shared>> -> memref<80x128xf32, #tpu.memory_space<vmem_shared>>
      %dma_wait3A_307 = arith.constant 0 : i32
      %dma_wait3A_308 = arith.constant 0 : i32
      %dma_wait3A_309 = tpu.memref_slice %arg10[%dma_wait3A_307, %dma_wait3A_308] : memref<80x128xf32, #tpu.memory_space<vmem>> -> memref<80x128xf32, #tpu.memory_space<vmem>>
      tpu.wait_dma2 semaphore(%run_scoped3A_289 : memref<!tpu.dma_semaphore, #tpu.memory_space<semaphore_mem>>) src(%dma_wait3A_309 : memref<80x128xf32, #tpu.memory_space<vmem>>) dst(%dma_wait3A_306 : memref<80x128xf32, #tpu.memory_space<vmem_shared>>)
      tpu.yield
    }) : () -> ()
    %add3A_28 = arith.constant 560 : i32
    %add3A_29 = arith.addi %mul3A_13, %add3A_28 : i32
    "tpu.region"() ({
      %run_scoped3A_289 = tpu.sem_alloc : memref<!tpu.dma_semaphore, #tpu.memory_space<semaphore_mem>>
      %dma_start3A_290 = arith.constant 0 : i32
      %dma_start3A_291 = arith.constant 0 : i32
      %dma_start3A_292 = tpu.memref_slice %arg10[%dma_start3A_290, %dma_start3A_291] : memref<80x128xf32, #tpu.memory_space<vmem>> -> memref<64x128xf32, #tpu.memory_space<vmem>>
      %dma_start3A_293 = arith.constant 0 : i32
      %dma_start3A_294 = tpu.memref_slice %arg7[%add3A_29, %dma_start3A_293] : memref<10000x128xf32, #tpu.memory_space<vmem_shared>> -> memref<64x128xf32, #tpu.memory_space<vmem_shared>>
      %dma_start3A_295 = arith.constant 0 : i32
      %dma_start3A_296 = tpu.memref_slice %arg7[%add3A_29, %dma_start3A_295] : memref<10000x128xf32, #tpu.memory_space<vmem_shared>> -> memref<64x128xf32, #tpu.memory_space<vmem_shared>>
      %dma_start3A_297 = arith.constant 0 : i32
      %dma_start3A_298 = arith.constant 0 : i32
      %dma_start3A_299 = tpu.memref_slice %arg10[%dma_start3A_297, %dma_start3A_298] : memref<80x128xf32, #tpu.memory_space<vmem>> -> memref<64x128xf32, #tpu.memory_space<vmem>>
      tpu.enqueue_dma source(%dma_start3A_299 : memref<64x128xf32, #tpu.memory_space<vmem>>) target(%dma_start3A_296 : memref<64x128xf32, #tpu.memory_space<vmem_shared>>) target_semaphore(%run_scoped3A_289 : memref<!tpu.dma_semaphore, #tpu.memory_space<semaphore_mem>>)
      %dma_wait3A_300 = arith.constant 0 : i32
      %dma_wait3A_301 = arith.constant 0 : i32
      %dma_wait3A_302 = tpu.memref_slice %arg10[%dma_wait3A_300, %dma_wait3A_301] : memref<80x128xf32, #tpu.memory_space<vmem>> -> memref<64x128xf32, #tpu.memory_space<vmem>>
      %dma_wait3A_303 = arith.constant 0 : i32
      %dma_wait3A_304 = tpu.memref_slice %arg7[%add3A_29, %dma_wait3A_303] : memref<10000x128xf32, #tpu.memory_space<vmem_shared>> -> memref<64x128xf32, #tpu.memory_space<vmem_shared>>
      %dma_wait3A_305 = arith.constant 0 : i32
      %dma_wait3A_306 = tpu.memref_slice %arg7[%add3A_29, %dma_wait3A_305] : memref<10000x128xf32, #tpu.memory_space<vmem_shared>> -> memref<64x128xf32, #tpu.memory_space<vmem_shared>>
      %dma_wait3A_307 = arith.constant 0 : i32
      %dma_wait3A_308 = arith.constant 0 : i32
      %dma_wait3A_309 = tpu.memref_slice %arg10[%dma_wait3A_307, %dma_wait3A_308] : memref<80x128xf32, #tpu.memory_space<vmem>> -> memref<64x128xf32, #tpu.memory_space<vmem>>
      tpu.wait_dma2 semaphore(%run_scoped3A_289 : memref<!tpu.dma_semaphore, #tpu.memory_space<semaphore_mem>>) src(%dma_wait3A_309 : memref<64x128xf32, #tpu.memory_space<vmem>>) dst(%dma_wait3A_306 : memref<64x128xf32, #tpu.memory_space<vmem_shared>>)
      tpu.yield
    }) : () -> ()
    %eq3A = arith.constant 0 : i32
    %eq3A_30 = arith.cmpi eq, %arg1, %eq3A : i32
    %convert_element_type3A = arith.extui %eq3A_30 : i1 to i32
    %cond3A = arith.constant 0 : i32
    %cond3A_31 = arith.cmpi ne, %convert_element_type3A, %cond3A : i32
    scf.if %cond3A_31 {
      "tpu.region"() ({
        %run_scoped3A_289 = tpu.sem_alloc : memref<!tpu.dma_semaphore, #tpu.memory_space<semaphore_mem>>
        %dma_start3A_290 = arith.constant 0 : i32
        %dma_start3A_291 = arith.constant 0 : i32
        %dma_start3A_292 = tpu.memref_slice %arg10[%dma_start3A_290, %dma_start3A_291] : memref<80x128xf32, #tpu.memory_space<vmem>> -> memref<16x128xf32, #tpu.memory_space<vmem>>
        %dma_start3A_293 = arith.constant 9984 : i32
        %dma_start3A_294 = arith.constant 0 : i32
        %dma_start3A_295 = tpu.memref_slice %arg7[%dma_start3A_293, %dma_start3A_294] : memref<10000x128xf32, #tpu.memory_space<vmem_shared>> -> memref<16x128xf32, #tpu.memory_space<vmem_shared>>
        %dma_start3A_296 = arith.constant 9984 : i32
        %dma_start3A_297 = arith.constant 0 : i32
        %dma_start3A_298 = tpu.memref_slice %arg7[%dma_start3A_296, %dma_start3A_297] : memref<10000x128xf32, #tpu.memory_space<vmem_shared>> -> memref<16x128xf32, #tpu.memory_space<vmem_shared>>
        %dma_start3A_299 = arith.constant 0 : i32
        %dma_start3A_300 = arith.constant 0 : i32
        %dma_start3A_301 = tpu.memref_slice %arg10[%dma_start3A_299, %dma_start3A_300] : memref<80x128xf32, #tpu.memory_space<vmem>> -> memref<16x128xf32, #tpu.memory_space<vmem>>
        tpu.enqueue_dma source(%dma_start3A_301 : memref<16x128xf32, #tpu.memory_space<vmem>>) target(%dma_start3A_298 : memref<16x128xf32, #tpu.memory_space<vmem_shared>>) target_semaphore(%run_scoped3A_289 : memref<!tpu.dma_semaphore, #tpu.memory_space<semaphore_mem>>)
        %dma_wait3A_302 = arith.constant 0 : i32
        %dma_wait3A_303 = arith.constant 0 : i32
        %dma_wait3A_304 = tpu.memref_slice %arg10[%dma_wait3A_302, %dma_wait3A_303] : memref<80x128xf32, #tpu.memory_space<vmem>> -> memref<16x128xf32, #tpu.memory_space<vmem>>
        %dma_wait3A_305 = arith.constant 9984 : i32
        %dma_wait3A_306 = arith.constant 0 : i32
        %dma_wait3A_307 = tpu.memref_slice %arg7[%dma_wait3A_305, %dma_wait3A_306] : memref<10000x128xf32, #tpu.memory_space<vmem_shared>> -> memref<16x128xf32, #tpu.memory_space<vmem_shared>>
        %dma_wait3A_308 = arith.constant 9984 : i32
        %dma_wait3A_309 = arith.constant 0 : i32
        %dma_wait3A_310 = tpu.memref_slice %arg7[%dma_wait3A_308, %dma_wait3A_309] : memref<10000x128xf32, #tpu.memory_space<vmem_shared>> -> memref<16x128xf32, #tpu.memory_space<vmem_shared>>
        %dma_wait3A_311 = arith.constant 0 : i32
        %dma_wait3A_312 = arith.constant 0 : i32
        %dma_wait3A_313 = tpu.memref_slice %arg10[%dma_wait3A_311, %dma_wait3A_312] : memref<80x128xf32, #tpu.memory_space<vmem>> -> memref<16x128xf32, #tpu.memory_space<vmem>>
        tpu.wait_dma2 semaphore(%run_scoped3A_289 : memref<!tpu.dma_semaphore, #tpu.memory_space<semaphore_mem>>) src(%dma_wait3A_313 : memref<16x128xf32, #tpu.memory_space<vmem>>) dst(%dma_wait3A_310 : memref<16x128xf32, #tpu.memory_space<vmem_shared>>)
        tpu.yield
      }) : () -> ()
    } else {
    }
    %mul3A_32 = arith.constant 10000 : i32
    %mul3A_33 = arith.muli %add3A, %mul3A_32 : i32
    %dma_wait3A = tpu.memref_slice %arg3[%mul3A_33] : memref<320000xi32, #tpu.memory_space<hbm>> -> memref<10000xi32, #tpu.memory_space<hbm>>
    %dma_wait3A_34 = tpu.memref_slice %arg3[%mul3A_33] : memref<320000xi32, #tpu.memory_space<hbm>> -> memref<10000xi32, #tpu.memory_space<hbm>>
    tpu.wait_dma2 semaphore(%arg11 : memref<!tpu.dma_semaphore, #tpu.memory_space<semaphore_mem>>) src(%dma_wait3A_34 : memref<10000xi32, #tpu.memory_space<hbm>>) dst(%arg13 : memref<10000xi32, #tpu.memory_space<vmem>>)
    %dma_wait3A_35 = arith.constant 0 : i32
    %dma_wait3A_36 = arith.constant 0 : i32
    %dma_wait3A_37 = tpu.memref_slice %arg4[%add3A, %dma_wait3A_35, %dma_wait3A_36] : memref<32x125x80xi32, #tpu.memory_space<hbm>> -> memref<1x125x80xi32, #tpu.memory_space<hbm>>
    %dma_wait3A_38 = tpu.memref_squeeze %dma_wait3A_37 : memref<1x125x80xi32, #tpu.memory_space<hbm>> -> memref<125x80xi32, #tpu.memory_space<hbm>>
    %dma_wait3A_39 = arith.constant 0 : i32
    %dma_wait3A_40 = arith.constant 0 : i32
    %dma_wait3A_41 = tpu.memref_slice %arg4[%add3A, %dma_wait3A_39, %dma_wait3A_40] : memref<32x125x80xi32, #tpu.memory_space<hbm>> -> memref<1x125x80xi32, #tpu.memory_space<hbm>>
    %dma_wait3A_42 = tpu.memref_squeeze %dma_wait3A_41 : memref<1x125x80xi32, #tpu.memory_space<hbm>> -> memref<125x80xi32, #tpu.memory_space<hbm>>
    tpu.wait_dma2 semaphore(%arg12 : memref<!tpu.dma_semaphore, #tpu.memory_space<semaphore_mem>>) src(%dma_wait3A_42 : memref<125x80xi32, #tpu.memory_space<hbm>>) dst(%arg8 : memref<125x80xi32, #tpu.memory_space<vmem>>)
    %dma_start3A_43 = arith.constant 0 : i32
    %dma_start3A_44 = tpu.memref_slice %arg13[%dma_start3A_43] : memref<10000xi32, #tpu.memory_space<vmem>> -> memref<80xi32, #tpu.memory_space<vmem>>
    %dma_start3A_45 = arith.constant 0 : i32
    %dma_start3A_46 = arith.constant 0 : i32
    %dma_start3A_47 = tpu.memref_slice %arg2[%dma_start3A_45, %dma_start3A_46] : memref<10000x128xf32, #tpu.memory_space<hbm>> -> memref<10000x128xf32, #tpu.memory_space<hbm>>
    tpu.enqueue_indirect_dma source(%dma_start3A_47 : memref<10000x128xf32, #tpu.memory_space<hbm>>) target(%arg9 : memref<80x128xf32, #tpu.memory_space<vmem>>) offsets(%dma_start3A_44 : memref<80xi32, #tpu.memory_space<vmem>>) semaphore(%arg11 : memref<!tpu.dma_semaphore, #tpu.memory_space<semaphore_mem>>)
    %barrier3A = arith.constant 0 : index
    tpu.barrier barrier_id(%barrier3A)
    %scan3A = arith.constant 0 : i32
    %scan3A_48 = arith.constant 0 : i32
    %scan3A_49 = arith.constant 62 : i32
    %scan3A_50 = arith.addi %scan3A_48, %scan3A_49 : i32
    %scan3A_51 = arith.constant 1 : i32
    %scan3A_52 = scf.for %scan3A_289 = %scan3A_48 to %scan3A_50 step %scan3A_51 iter_args(%scan3A_290 = %scan3A) -> (i32)  : i32 {
      %mul3A_291 = arith.constant 2 : i32
      %mul3A_292 = arith.muli %mul3A_291, %scan3A_289 : i32
      %add3A_293 = arith.constant 1 : i32
      %add3A_294 = arith.addi %mul3A_292, %add3A_293 : i32
      %mul3A_295 = arith.constant 80 : i32
      %mul3A_296 = arith.muli %add3A_294, %mul3A_295 : i32
      %dma_start3A_297 = tpu.memref_slice %arg13[%mul3A_296] : memref<10000xi32, #tpu.memory_space<vmem>> -> memref<80xi32, #tpu.memory_space<vmem>>
      %dma_start3A_298 = arith.constant 0 : i32
      %dma_start3A_299 = arith.constant 0 : i32
      %dma_start3A_300 = tpu.memref_slice %arg2[%dma_start3A_298, %dma_start3A_299] : memref<10000x128xf32, #tpu.memory_space<hbm>> -> memref<10000x128xf32, #tpu.memory_space<hbm>>
      tpu.enqueue_indirect_dma source(%dma_start3A_300 : memref<10000x128xf32, #tpu.memory_space<hbm>>) target(%arg10 : memref<80x128xf32, #tpu.memory_space<vmem>>) offsets(%dma_start3A_297 : memref<80xi32, #tpu.memory_space<vmem>>) semaphore(%arg12 : memref<!tpu.dma_semaphore, #tpu.memory_space<semaphore_mem>>)
      %mul3A_301 = arith.constant 80 : i32
      %mul3A_302 = arith.muli %mul3A_292, %mul3A_301 : i32
      %dma_wait3A_303 = tpu.memref_slice %arg13[%mul3A_302] : memref<10000xi32, #tpu.memory_space<vmem>> -> memref<80xi32, #tpu.memory_space<vmem>>
      %dma_wait3A_304 = arith.constant 0 : i32
      %dma_wait3A_305 = arith.constant 0 : i32
      %dma_wait3A_306 = tpu.memref_slice %arg2[%dma_wait3A_304, %dma_wait3A_305] : memref<10000x128xf32, #tpu.memory_space<hbm>> -> memref<10000x128xf32, #tpu.memory_space<hbm>>
      tpu.wait_indirect_dma semaphore(%arg11 : memref<!tpu.dma_semaphore, #tpu.memory_space<semaphore_mem>>) src(%dma_wait3A_306 : memref<10000x128xf32, #tpu.memory_space<hbm>>) dst(%arg9 : memref<80x128xf32, #tpu.memory_space<vmem>>)
      "tpu.region"() ({
        %run_scoped3A_324 = tpu.sem_alloc : memref<!tpu.dma_semaphore, #tpu.memory_space<semaphore_mem>>
        %dma_start3A_325 = arith.constant 0 : i32
        %dma_start3A_326 = tpu.memref_slice %arg8[%mul3A_292, %dma_start3A_325] : memref<125x80xi32, #tpu.memory_space<vmem>> -> memref<1x80xi32, #tpu.memory_space<vmem>>
        %dma_start3A_327 = tpu.memref_squeeze %dma_start3A_326 : memref<1x80xi32, #tpu.memory_space<vmem>> -> memref<80xi32, #tpu.memory_space<vmem>>
        %dma_start3A_328 = arith.constant 0 : i32
        %dma_start3A_329 = arith.constant 0 : i32
        %dma_start3A_330 = tpu.memref_slice %arg7[%dma_start3A_328, %dma_start3A_329] : memref<10000x128xf32, #tpu.memory_space<vmem_shared>> -> memref<10000x128xf32, #tpu.memory_space<vmem_shared>>
        tpu.enqueue_indirect_dma source(%arg9 : memref<80x128xf32, #tpu.memory_space<vmem>>) target(%dma_start3A_330 : memref<10000x128xf32, #tpu.memory_space<vmem_shared>>) offsets(%dma_start3A_327 : memref<80xi32, #tpu.memory_space<vmem>>) semaphore(%run_scoped3A_324 : memref<!tpu.dma_semaphore, #tpu.memory_space<semaphore_mem>>) {add = true}
        %dma_wait3A_331 = arith.constant 0 : i32
        %dma_wait3A_332 = tpu.memref_slice %arg8[%mul3A_292, %dma_wait3A_331] : memref<125x80xi32, #tpu.memory_space<vmem>> -> memref<1x80xi32, #tpu.memory_space<vmem>>
        %dma_wait3A_333 = tpu.memref_squeeze %dma_wait3A_332 : memref<1x80xi32, #tpu.memory_space<vmem>> -> memref<80xi32, #tpu.memory_space<vmem>>
        %dma_wait3A_334 = arith.constant 0 : i32
        %dma_wait3A_335 = arith.constant 0 : i32
        %dma_wait3A_336 = tpu.memref_slice %arg7[%dma_wait3A_334, %dma_wait3A_335] : memref<10000x128xf32, #tpu.memory_space<vmem_shared>> -> memref<10000x128xf32, #tpu.memory_space<vmem_shared>>
        tpu.wait_indirect_dma semaphore(%run_scoped3A_324 : memref<!tpu.dma_semaphore, #tpu.memory_space<semaphore_mem>>) src(%arg9 : memref<80x128xf32, #tpu.memory_space<vmem>>) dst(%dma_wait3A_336 : memref<10000x128xf32, #tpu.memory_space<vmem_shared>>)
        tpu.yield
      }) : () -> ()
      %add3A_307 = arith.constant 2 : i32
      %add3A_308 = arith.addi %mul3A_292, %add3A_307 : i32
      %lt3A = arith.constant 125 : i32
      %lt3A_309 = arith.cmpi slt, %add3A_308, %lt3A : i32
      %convert_element_type3A_310 = arith.extui %lt3A_309 : i1 to i32
      %cond3A_311 = arith.constant 0 : i32
      %cond3A_312 = arith.cmpi ne, %convert_element_type3A_310, %cond3A_311 : i32
      scf.if %cond3A_312 {
        %add3A_324 = arith.constant 2 : i32
        %add3A_325 = arith.addi %mul3A_292, %add3A_324 : i32
        %mul3A_326 = arith.constant 80 : i32
        %mul3A_327 = arith.muli %add3A_325, %mul3A_326 : i32
        %dma_start3A_328 = tpu.memref_slice %arg13[%mul3A_327] : memref<10000xi32, #tpu.memory_space<vmem>> -> memref<80xi32, #tpu.memory_space<vmem>>
        %dma_start3A_329 = arith.constant 0 : i32
        %dma_start3A_330 = arith.constant 0 : i32
        %dma_start3A_331 = tpu.memref_slice %arg2[%dma_start3A_329, %dma_start3A_330] : memref<10000x128xf32, #tpu.memory_space<hbm>> -> memref<10000x128xf32, #tpu.memory_space<hbm>>
        tpu.enqueue_indirect_dma source(%dma_start3A_331 : memref<10000x128xf32, #tpu.memory_space<hbm>>) target(%arg9 : memref<80x128xf32, #tpu.memory_space<vmem>>) offsets(%dma_start3A_328 : memref<80xi32, #tpu.memory_space<vmem>>) semaphore(%arg11 : memref<!tpu.dma_semaphore, #tpu.memory_space<semaphore_mem>>)
      } else {
      }
      %add3A_313 = arith.constant 1 : i32
      %add3A_314 = arith.addi %mul3A_292, %add3A_313 : i32
      %mul3A_315 = arith.constant 80 : i32
      %mul3A_316 = arith.muli %add3A_314, %mul3A_315 : i32
      %dma_wait3A_317 = tpu.memref_slice %arg13[%mul3A_316] : memref<10000xi32, #tpu.memory_space<vmem>> -> memref<80xi32, #tpu.memory_space<vmem>>
      %dma_wait3A_318 = arith.constant 0 : i32
      %dma_wait3A_319 = arith.constant 0 : i32
      %dma_wait3A_320 = tpu.memref_slice %arg2[%dma_wait3A_318, %dma_wait3A_319] : memref<10000x128xf32, #tpu.memory_space<hbm>> -> memref<10000x128xf32, #tpu.memory_space<hbm>>
      tpu.wait_indirect_dma semaphore(%arg12 : memref<!tpu.dma_semaphore, #tpu.memory_space<semaphore_mem>>) src(%dma_wait3A_320 : memref<10000x128xf32, #tpu.memory_space<hbm>>) dst(%arg10 : memref<80x128xf32, #tpu.memory_space<vmem>>)
      %add3A_321 = arith.constant 1 : i32
      %add3A_322 = arith.addi %mul3A_292, %add3A_321 : i32
      "tpu.region"() ({
        %run_scoped3A_324 = tpu.sem_alloc : memref<!tpu.dma_semaphore, #tpu.memory_space<semaphore_mem>>
        %dma_start3A_325 = arith.constant 0 : i32
        %dma_start3A_326 = tpu.memref_slice %arg8[%add3A_322, %dma_start3A_325] : memref<125x80xi32, #tpu.memory_space<vmem>> -> memref<1x80xi32, #tpu.memory_space<vmem>>
        %dma_start3A_327 = tpu.memref_squeeze %dma_start3A_326 : memref<1x80xi32, #tpu.memory_space<vmem>> -> memref<80xi32, #tpu.memory_space<vmem>>
        %dma_start3A_328 = arith.constant 0 : i32
        %dma_start3A_329 = arith.constant 0 : i32
        %dma_start3A_330 = tpu.memref_slice %arg7[%dma_start3A_328, %dma_start3A_329] : memref<10000x128xf32, #tpu.memory_space<vmem_shared>> -> memref<10000x128xf32, #tpu.memory_space<vmem_shared>>
        tpu.enqueue_indirect_dma source(%arg10 : memref<80x128xf32, #tpu.memory_space<vmem>>) target(%dma_start3A_330 : memref<10000x128xf32, #tpu.memory_space<vmem_shared>>) offsets(%dma_start3A_327 : memref<80xi32, #tpu.memory_space<vmem>>) semaphore(%run_scoped3A_324 : memref<!tpu.dma_semaphore, #tpu.memory_space<semaphore_mem>>) {add = true}
        %dma_wait3A_331 = arith.constant 0 : i32
        %dma_wait3A_332 = tpu.memref_slice %arg8[%add3A_322, %dma_wait3A_331] : memref<125x80xi32, #tpu.memory_space<vmem>> -> memref<1x80xi32, #tpu.memory_space<vmem>>
        %dma_wait3A_333 = tpu.memref_squeeze %dma_wait3A_332 : memref<1x80xi32, #tpu.memory_space<vmem>> -> memref<80xi32, #tpu.memory_space<vmem>>
        %dma_wait3A_334 = arith.constant 0 : i32
        %dma_wait3A_335 = arith.constant 0 : i32
        %dma_wait3A_336 = tpu.memref_slice %arg7[%dma_wait3A_334, %dma_wait3A_335] : memref<10000x128xf32, #tpu.memory_space<vmem_shared>> -> memref<10000x128xf32, #tpu.memory_space<vmem_shared>>
        tpu.wait_indirect_dma semaphore(%run_scoped3A_324 : memref<!tpu.dma_semaphore, #tpu.memory_space<semaphore_mem>>) src(%arg10 : memref<80x128xf32, #tpu.memory_space<vmem>>) dst(%dma_wait3A_336 : memref<10000x128xf32, #tpu.memory_space<vmem_shared>>)
        tpu.yield
      }) : () -> ()
      %scan3A_323 = arith.constant 0 : i32
      scf.yield %scan3A_323 : i32
    }
    %scan3A_53 = arith.constant 62 : i32
    %dma_wait3A_54 = arith.constant 9920 : i32
    %dma_wait3A_55 = tpu.memref_slice %arg13[%dma_wait3A_54] : memref<10000xi32, #tpu.memory_space<vmem>> -> memref<80xi32, #tpu.memory_space<vmem>>
    %dma_wait3A_56 = arith.constant 0 : i32
    %dma_wait3A_57 = arith.constant 0 : i32
    %dma_wait3A_58 = tpu.memref_slice %arg2[%dma_wait3A_56, %dma_wait3A_57] : memref<10000x128xf32, #tpu.memory_space<hbm>> -> memref<10000x128xf32, #tpu.memory_space<hbm>>
    tpu.wait_indirect_dma semaphore(%arg11 : memref<!tpu.dma_semaphore, #tpu.memory_space<semaphore_mem>>) src(%dma_wait3A_58 : memref<10000x128xf32, #tpu.memory_space<hbm>>) dst(%arg9 : memref<80x128xf32, #tpu.memory_space<vmem>>)
    %run_scoped3A = arith.constant 124 : i32
    "tpu.region"() ({
      %run_scoped3A_289 = tpu.sem_alloc : memref<!tpu.dma_semaphore, #tpu.memory_space<semaphore_mem>>
      %dma_start3A_290 = arith.constant 0 : i32
      %dma_start3A_291 = tpu.memref_slice %arg8[%run_scoped3A, %dma_start3A_290] : memref<125x80xi32, #tpu.memory_space<vmem>> -> memref<1x80xi32, #tpu.memory_space<vmem>>
      %dma_start3A_292 = tpu.memref_squeeze %dma_start3A_291 : memref<1x80xi32, #tpu.memory_space<vmem>> -> memref<80xi32, #tpu.memory_space<vmem>>
      %dma_start3A_293 = arith.constant 0 : i32
      %dma_start3A_294 = arith.constant 0 : i32
      %dma_start3A_295 = tpu.memref_slice %arg7[%dma_start3A_293, %dma_start3A_294] : memref<10000x128xf32, #tpu.memory_space<vmem_shared>> -> memref<10000x128xf32, #tpu.memory_space<vmem_shared>>
      tpu.enqueue_indirect_dma source(%arg9 : memref<80x128xf32, #tpu.memory_space<vmem>>) target(%dma_start3A_295 : memref<10000x128xf32, #tpu.memory_space<vmem_shared>>) offsets(%dma_start3A_292 : memref<80xi32, #tpu.memory_space<vmem>>) semaphore(%run_scoped3A_289 : memref<!tpu.dma_semaphore, #tpu.memory_space<semaphore_mem>>) {add = true}
      %dma_wait3A_296 = arith.constant 0 : i32
      %dma_wait3A_297 = tpu.memref_slice %arg8[%run_scoped3A, %dma_wait3A_296] : memref<125x80xi32, #tpu.memory_space<vmem>> -> memref<1x80xi32, #tpu.memory_space<vmem>>
      %dma_wait3A_298 = tpu.memref_squeeze %dma_wait3A_297 : memref<1x80xi32, #tpu.memory_space<vmem>> -> memref<80xi32, #tpu.memory_space<vmem>>
      %dma_wait3A_299 = arith.constant 0 : i32
      %dma_wait3A_300 = arith.constant 0 : i32
      %dma_wait3A_301 = tpu.memref_slice %arg7[%dma_wait3A_299, %dma_wait3A_300] : memref<10000x128xf32, #tpu.memory_space<vmem_shared>> -> memref<10000x128xf32, #tpu.memory_space<vmem_shared>>
      tpu.wait_indirect_dma semaphore(%run_scoped3A_289 : memref<!tpu.dma_semaphore, #tpu.memory_space<semaphore_mem>>) src(%arg9 : memref<80x128xf32, #tpu.memory_space<vmem>>) dst(%dma_wait3A_301 : memref<10000x128xf32, #tpu.memory_space<vmem_shared>>)
      tpu.yield
    }) : () -> ()
    %barrier3A_59 = arith.constant 0 : index
    tpu.barrier barrier_id(%barrier3A_59)
    %add3A_60 = arith.constant 0 : i32
    %add3A_61 = arith.addi %mul3A_13, %add3A_60 : i32
    "tpu.region"() ({
      %run_scoped3A_289 = tpu.sem_alloc : memref<!tpu.dma_semaphore, #tpu.memory_space<semaphore_mem>>
      %dma_start3A_290 = arith.constant 0 : i32
      %dma_start3A_291 = arith.constant 0 : i32
      %dma_start3A_292 = tpu.memref_slice %arg9[%dma_start3A_290, %dma_start3A_291] : memref<80x128xf32, #tpu.memory_space<vmem>> -> memref<80x128xf32, #tpu.memory_space<vmem>>
      %dma_start3A_293 = arith.constant 0 : i32
      %dma_start3A_294 = tpu.memref_slice %arg7[%add3A_61, %dma_start3A_293] : memref<10000x128xf32, #tpu.memory_space<vmem_shared>> -> memref<80x128xf32, #tpu.memory_space<vmem_shared>>
      %dma_start3A_295 = arith.constant 0 : i32
      %dma_start3A_296 = arith.constant 0 : i32
      %dma_start3A_297 = tpu.memref_slice %arg9[%dma_start3A_295, %dma_start3A_296] : memref<80x128xf32, #tpu.memory_space<vmem>> -> memref<80x128xf32, #tpu.memory_space<vmem>>
      %dma_start3A_298 = arith.constant 0 : i32
      %dma_start3A_299 = tpu.memref_slice %arg7[%add3A_61, %dma_start3A_298] : memref<10000x128xf32, #tpu.memory_space<vmem_shared>> -> memref<80x128xf32, #tpu.memory_space<vmem_shared>>
      tpu.enqueue_dma source(%dma_start3A_299 : memref<80x128xf32, #tpu.memory_space<vmem_shared>>) target(%dma_start3A_297 : memref<80x128xf32, #tpu.memory_space<vmem>>) target_semaphore(%run_scoped3A_289 : memref<!tpu.dma_semaphore, #tpu.memory_space<semaphore_mem>>)
      %dma_wait3A_300 = arith.constant 0 : i32
      %dma_wait3A_301 = arith.constant 0 : i32
      %dma_wait3A_302 = tpu.memref_slice %arg9[%dma_wait3A_300, %dma_wait3A_301] : memref<80x128xf32, #tpu.memory_space<vmem>> -> memref<80x128xf32, #tpu.memory_space<vmem>>
      %dma_wait3A_303 = arith.constant 0 : i32
      %dma_wait3A_304 = tpu.memref_slice %arg7[%add3A_61, %dma_wait3A_303] : memref<10000x128xf32, #tpu.memory_space<vmem_shared>> -> memref<80x128xf32, #tpu.memory_space<vmem_shared>>
      %dma_wait3A_305 = arith.constant 0 : i32
      %dma_wait3A_306 = arith.constant 0 : i32
      %dma_wait3A_307 = tpu.memref_slice %arg9[%dma_wait3A_305, %dma_wait3A_306] : memref<80x128xf32, #tpu.memory_space<vmem>> -> memref<80x128xf32, #tpu.memory_space<vmem>>
      %dma_wait3A_308 = arith.constant 0 : i32
      %dma_wait3A_309 = tpu.memref_slice %arg7[%add3A_61, %dma_wait3A_308] : memref<10000x128xf32, #tpu.memory_space<vmem_shared>> -> memref<80x128xf32, #tpu.memory_space<vmem_shared>>
      tpu.wait_dma2 semaphore(%run_scoped3A_289 : memref<!tpu.dma_semaphore, #tpu.memory_space<semaphore_mem>>) src(%dma_wait3A_309 : memref<80x128xf32, #tpu.memory_space<vmem_shared>>) dst(%dma_wait3A_307 : memref<80x128xf32, #tpu.memory_space<vmem>>)
      tpu.yield
    }) : () -> ()
    %mul3A_62 = arith.constant 10000 : i32
    %mul3A_63 = arith.muli %arg0, %mul3A_62 : i32
    %add3A_64 = arith.addi %mul3A_63, %add3A_61 : i32
    %dma_start3A_65 = arith.constant 0 : i32
    %dma_start3A_66 = arith.constant 0 : i32
    %dma_start3A_67 = tpu.memref_slice %arg9[%dma_start3A_65, %dma_start3A_66] : memref<80x128xf32, #tpu.memory_space<vmem>> -> memref<80x128xf32, #tpu.memory_space<vmem>>
    %dma_start3A_68 = arith.constant 0 : i32
    %dma_start3A_69 = tpu.memref_slice %arg6[%add3A_64, %dma_start3A_68] : memref<20000x128xf32, #tpu.memory_space<hbm>> -> memref<80x128xf32, #tpu.memory_space<hbm>>
    %dma_start3A_70 = arith.constant 0 : i32
    %dma_start3A_71 = tpu.memref_slice %arg6[%add3A_64, %dma_start3A_70] : memref<20000x128xf32, #tpu.memory_space<hbm>> -> memref<80x128xf32, #tpu.memory_space<hbm>>
    %dma_start3A_72 = arith.constant 0 : i32
    %dma_start3A_73 = arith.constant 0 : i32
    %dma_start3A_74 = tpu.memref_slice %arg9[%dma_start3A_72, %dma_start3A_73] : memref<80x128xf32, #tpu.memory_space<vmem>> -> memref<80x128xf32, #tpu.memory_space<vmem>>
    tpu.enqueue_dma source(%dma_start3A_74 : memref<80x128xf32, #tpu.memory_space<vmem>>) target(%dma_start3A_71 : memref<80x128xf32, #tpu.memory_space<hbm>>) target_semaphore(%arg11 : memref<!tpu.dma_semaphore, #tpu.memory_space<semaphore_mem>>)
    %mul3A_75 = arith.constant 10000 : i32
    %mul3A_76 = arith.muli %arg0, %mul3A_75 : i32
    %add3A_77 = arith.addi %mul3A_76, %add3A_61 : i32
    %add3A_78 = arith.constant 80 : i32
    %add3A_79 = arith.addi %mul3A_13, %add3A_78 : i32
    "tpu.region"() ({
      %run_scoped3A_289 = tpu.sem_alloc : memref<!tpu.dma_semaphore, #tpu.memory_space<semaphore_mem>>
      %dma_start3A_290 = arith.constant 0 : i32
      %dma_start3A_291 = arith.constant 0 : i32
      %dma_start3A_292 = tpu.memref_slice %arg10[%dma_start3A_290, %dma_start3A_291] : memref<80x128xf32, #tpu.memory_space<vmem>> -> memref<80x128xf32, #tpu.memory_space<vmem>>
      %dma_start3A_293 = arith.constant 0 : i32
      %dma_start3A_294 = tpu.memref_slice %arg7[%add3A_79, %dma_start3A_293] : memref<10000x128xf32, #tpu.memory_space<vmem_shared>> -> memref<80x128xf32, #tpu.memory_space<vmem_shared>>
      %dma_start3A_295 = arith.constant 0 : i32
      %dma_start3A_296 = arith.constant 0 : i32
      %dma_start3A_297 = tpu.memref_slice %arg10[%dma_start3A_295, %dma_start3A_296] : memref<80x128xf32, #tpu.memory_space<vmem>> -> memref<80x128xf32, #tpu.memory_space<vmem>>
      %dma_start3A_298 = arith.constant 0 : i32
      %dma_start3A_299 = tpu.memref_slice %arg7[%add3A_79, %dma_start3A_298] : memref<10000x128xf32, #tpu.memory_space<vmem_shared>> -> memref<80x128xf32, #tpu.memory_space<vmem_shared>>
      tpu.enqueue_dma source(%dma_start3A_299 : memref<80x128xf32, #tpu.memory_space<vmem_shared>>) target(%dma_start3A_297 : memref<80x128xf32, #tpu.memory_space<vmem>>) target_semaphore(%run_scoped3A_289 : memref<!tpu.dma_semaphore, #tpu.memory_space<semaphore_mem>>)
      %dma_wait3A_300 = arith.constant 0 : i32
      %dma_wait3A_301 = arith.constant 0 : i32
      %dma_wait3A_302 = tpu.memref_slice %arg10[%dma_wait3A_300, %dma_wait3A_301] : memref<80x128xf32, #tpu.memory_space<vmem>> -> memref<80x128xf32, #tpu.memory_space<vmem>>
      %dma_wait3A_303 = arith.constant 0 : i32
      %dma_wait3A_304 = tpu.memref_slice %arg7[%add3A_79, %dma_wait3A_303] : memref<10000x128xf32, #tpu.memory_space<vmem_shared>> -> memref<80x128xf32, #tpu.memory_space<vmem_shared>>
      %dma_wait3A_305 = arith.constant 0 : i32
      %dma_wait3A_306 = arith.constant 0 : i32
      %dma_wait3A_307 = tpu.memref_slice %arg10[%dma_wait3A_305, %dma_wait3A_306] : memref<80x128xf32, #tpu.memory_space<vmem>> -> memref<80x128xf32, #tpu.memory_space<vmem>>
      %dma_wait3A_308 = arith.constant 0 : i32
      %dma_wait3A_309 = tpu.memref_slice %arg7[%add3A_79, %dma_wait3A_308] : memref<10000x128xf32, #tpu.memory_space<vmem_shared>> -> memref<80x128xf32, #tpu.memory_space<vmem_shared>>
      tpu.wait_dma2 semaphore(%run_scoped3A_289 : memref<!tpu.dma_semaphore, #tpu.memory_space<semaphore_mem>>) src(%dma_wait3A_309 : memref<80x128xf32, #tpu.memory_space<vmem_shared>>) dst(%dma_wait3A_307 : memref<80x128xf32, #tpu.memory_space<vmem>>)
      tpu.yield
    }) : () -> ()
    %mul3A_80 = arith.constant 10000 : i32
    %mul3A_81 = arith.muli %arg0, %mul3A_80 : i32
    %add3A_82 = arith.addi %mul3A_81, %add3A_79 : i32
    %dma_start3A_83 = arith.constant 0 : i32
    %dma_start3A_84 = arith.constant 0 : i32
    %dma_start3A_85 = tpu.memref_slice %arg10[%dma_start3A_83, %dma_start3A_84] : memref<80x128xf32, #tpu.memory_space<vmem>> -> memref<80x128xf32, #tpu.memory_space<vmem>>
    %dma_start3A_86 = arith.constant 0 : i32
    %dma_start3A_87 = tpu.memref_slice %arg6[%add3A_82, %dma_start3A_86] : memref<20000x128xf32, #tpu.memory_space<hbm>> -> memref<80x128xf32, #tpu.memory_space<hbm>>
    %dma_start3A_88 = arith.constant 0 : i32
    %dma_start3A_89 = tpu.memref_slice %arg6[%add3A_82, %dma_start3A_88] : memref<20000x128xf32, #tpu.memory_space<hbm>> -> memref<80x128xf32, #tpu.memory_space<hbm>>
    %dma_start3A_90 = arith.constant 0 : i32
    %dma_start3A_91 = arith.constant 0 : i32
    %dma_start3A_92 = tpu.memref_slice %arg10[%dma_start3A_90, %dma_start3A_91] : memref<80x128xf32, #tpu.memory_space<vmem>> -> memref<80x128xf32, #tpu.memory_space<vmem>>
    tpu.enqueue_dma source(%dma_start3A_92 : memref<80x128xf32, #tpu.memory_space<vmem>>) target(%dma_start3A_89 : memref<80x128xf32, #tpu.memory_space<hbm>>) target_semaphore(%arg12 : memref<!tpu.dma_semaphore, #tpu.memory_space<semaphore_mem>>)
    %mul3A_93 = arith.constant 10000 : i32
    %mul3A_94 = arith.muli %arg0, %mul3A_93 : i32
    %add3A_95 = arith.addi %mul3A_94, %add3A_79 : i32
    %dma_wait3A_96 = arith.constant 0 : i32
    %dma_wait3A_97 = arith.constant 0 : i32
    %dma_wait3A_98 = tpu.memref_slice %arg9[%dma_wait3A_96, %dma_wait3A_97] : memref<80x128xf32, #tpu.memory_space<vmem>> -> memref<80x128xf32, #tpu.memory_space<vmem>>
    %dma_wait3A_99 = arith.constant 0 : i32
    %dma_wait3A_100 = tpu.memref_slice %arg6[%add3A_77, %dma_wait3A_99] : memref<20000x128xf32, #tpu.memory_space<hbm>> -> memref<80x128xf32, #tpu.memory_space<hbm>>
    %dma_wait3A_101 = arith.constant 0 : i32
    %dma_wait3A_102 = tpu.memref_slice %arg6[%add3A_77, %dma_wait3A_101] : memref<20000x128xf32, #tpu.memory_space<hbm>> -> memref<80x128xf32, #tpu.memory_space<hbm>>
    %dma_wait3A_103 = arith.constant 0 : i32
    %dma_wait3A_104 = arith.constant 0 : i32
    %dma_wait3A_105 = tpu.memref_slice %arg9[%dma_wait3A_103, %dma_wait3A_104] : memref<80x128xf32, #tpu.memory_space<vmem>> -> memref<80x128xf32, #tpu.memory_space<vmem>>
    tpu.wait_dma2 semaphore(%arg11 : memref<!tpu.dma_semaphore, #tpu.memory_space<semaphore_mem>>) src(%dma_wait3A_105 : memref<80x128xf32, #tpu.memory_space<vmem>>) dst(%dma_wait3A_102 : memref<80x128xf32, #tpu.memory_space<hbm>>)
    %add3A_106 = arith.constant 160 : i32
    %add3A_107 = arith.addi %mul3A_13, %add3A_106 : i32
    "tpu.region"() ({
      %run_scoped3A_289 = tpu.sem_alloc : memref<!tpu.dma_semaphore, #tpu.memory_space<semaphore_mem>>
      %dma_start3A_290 = arith.constant 0 : i32
      %dma_start3A_291 = arith.constant 0 : i32
      %dma_start3A_292 = tpu.memref_slice %arg9[%dma_start3A_290, %dma_start3A_291] : memref<80x128xf32, #tpu.memory_space<vmem>> -> memref<80x128xf32, #tpu.memory_space<vmem>>
      %dma_start3A_293 = arith.constant 0 : i32
      %dma_start3A_294 = tpu.memref_slice %arg7[%add3A_107, %dma_start3A_293] : memref<10000x128xf32, #tpu.memory_space<vmem_shared>> -> memref<80x128xf32, #tpu.memory_space<vmem_shared>>
      %dma_start3A_295 = arith.constant 0 : i32
      %dma_start3A_296 = arith.constant 0 : i32
      %dma_start3A_297 = tpu.memref_slice %arg9[%dma_start3A_295, %dma_start3A_296] : memref<80x128xf32, #tpu.memory_space<vmem>> -> memref<80x128xf32, #tpu.memory_space<vmem>>
      %dma_start3A_298 = arith.constant 0 : i32
      %dma_start3A_299 = tpu.memref_slice %arg7[%add3A_107, %dma_start3A_298] : memref<10000x128xf32, #tpu.memory_space<vmem_shared>> -> memref<80x128xf32, #tpu.memory_space<vmem_shared>>
      tpu.enqueue_dma source(%dma_start3A_299 : memref<80x128xf32, #tpu.memory_space<vmem_shared>>) target(%dma_start3A_297 : memref<80x128xf32, #tpu.memory_space<vmem>>) target_semaphore(%run_scoped3A_289 : memref<!tpu.dma_semaphore, #tpu.memory_space<semaphore_mem>>)
      %dma_wait3A_300 = arith.constant 0 : i32
      %dma_wait3A_301 = arith.constant 0 : i32
      %dma_wait3A_302 = tpu.memref_slice %arg9[%dma_wait3A_300, %dma_wait3A_301] : memref<80x128xf32, #tpu.memory_space<vmem>> -> memref<80x128xf32, #tpu.memory_space<vmem>>
      %dma_wait3A_303 = arith.constant 0 : i32
      %dma_wait3A_304 = tpu.memref_slice %arg7[%add3A_107, %dma_wait3A_303] : memref<10000x128xf32, #tpu.memory_space<vmem_shared>> -> memref<80x128xf32, #tpu.memory_space<vmem_shared>>
      %dma_wait3A_305 = arith.constant 0 : i32
      %dma_wait3A_306 = arith.constant 0 : i32
      %dma_wait3A_307 = tpu.memref_slice %arg9[%dma_wait3A_305, %dma_wait3A_306] : memref<80x128xf32, #tpu.memory_space<vmem>> -> memref<80x128xf32, #tpu.memory_space<vmem>>
      %dma_wait3A_308 = arith.constant 0 : i32
      %dma_wait3A_309 = tpu.memref_slice %arg7[%add3A_107, %dma_wait3A_308] : memref<10000x128xf32, #tpu.memory_space<vmem_shared>> -> memref<80x128xf32, #tpu.memory_space<vmem_shared>>
      tpu.wait_dma2 semaphore(%run_scoped3A_289 : memref<!tpu.dma_semaphore, #tpu.memory_space<semaphore_mem>>) src(%dma_wait3A_309 : memref<80x128xf32, #tpu.memory_space<vmem_shared>>) dst(%dma_wait3A_307 : memref<80x128xf32, #tpu.memory_space<vmem>>)
      tpu.yield
    }) : () -> ()
    %mul3A_108 = arith.constant 10000 : i32
    %mul3A_109 = arith.muli %arg0, %mul3A_108 : i32
    %add3A_110 = arith.addi %mul3A_109, %add3A_107 : i32
    %dma_start3A_111 = arith.constant 0 : i32
    %dma_start3A_112 = arith.constant 0 : i32
    %dma_start3A_113 = tpu.memref_slice %arg9[%dma_start3A_111, %dma_start3A_112] : memref<80x128xf32, #tpu.memory_space<vmem>> -> memref<80x128xf32, #tpu.memory_space<vmem>>
    %dma_start3A_114 = arith.constant 0 : i32
    %dma_start3A_115 = tpu.memref_slice %arg6[%add3A_110, %dma_start3A_114] : memref<20000x128xf32, #tpu.memory_space<hbm>> -> memref<80x128xf32, #tpu.memory_space<hbm>>
    %dma_start3A_116 = arith.constant 0 : i32
    %dma_start3A_117 = tpu.memref_slice %arg6[%add3A_110, %dma_start3A_116] : memref<20000x128xf32, #tpu.memory_space<hbm>> -> memref<80x128xf32, #tpu.memory_space<hbm>>
    %dma_start3A_118 = arith.constant 0 : i32
    %dma_start3A_119 = arith.constant 0 : i32
    %dma_start3A_120 = tpu.memref_slice %arg9[%dma_start3A_118, %dma_start3A_119] : memref<80x128xf32, #tpu.memory_space<vmem>> -> memref<80x128xf32, #tpu.memory_space<vmem>>
    tpu.enqueue_dma source(%dma_start3A_120 : memref<80x128xf32, #tpu.memory_space<vmem>>) target(%dma_start3A_117 : memref<80x128xf32, #tpu.memory_space<hbm>>) target_semaphore(%arg11 : memref<!tpu.dma_semaphore, #tpu.memory_space<semaphore_mem>>)
    %mul3A_121 = arith.constant 10000 : i32
    %mul3A_122 = arith.muli %arg0, %mul3A_121 : i32
    %add3A_123 = arith.addi %mul3A_122, %add3A_107 : i32
    %dma_wait3A_124 = arith.constant 0 : i32
    %dma_wait3A_125 = arith.constant 0 : i32
    %dma_wait3A_126 = tpu.memref_slice %arg10[%dma_wait3A_124, %dma_wait3A_125] : memref<80x128xf32, #tpu.memory_space<vmem>> -> memref<80x128xf32, #tpu.memory_space<vmem>>
    %dma_wait3A_127 = arith.constant 0 : i32
    %dma_wait3A_128 = tpu.memref_slice %arg6[%add3A_95, %dma_wait3A_127] : memref<20000x128xf32, #tpu.memory_space<hbm>> -> memref<80x128xf32, #tpu.memory_space<hbm>>
    %dma_wait3A_129 = arith.constant 0 : i32
    %dma_wait3A_130 = tpu.memref_slice %arg6[%add3A_95, %dma_wait3A_129] : memref<20000x128xf32, #tpu.memory_space<hbm>> -> memref<80x128xf32, #tpu.memory_space<hbm>>
    %dma_wait3A_131 = arith.constant 0 : i32
    %dma_wait3A_132 = arith.constant 0 : i32
    %dma_wait3A_133 = tpu.memref_slice %arg10[%dma_wait3A_131, %dma_wait3A_132] : memref<80x128xf32, #tpu.memory_space<vmem>> -> memref<80x128xf32, #tpu.memory_space<vmem>>
    tpu.wait_dma2 semaphore(%arg12 : memref<!tpu.dma_semaphore, #tpu.memory_space<semaphore_mem>>) src(%dma_wait3A_133 : memref<80x128xf32, #tpu.memory_space<vmem>>) dst(%dma_wait3A_130 : memref<80x128xf32, #tpu.memory_space<hbm>>)
    %add3A_134 = arith.constant 240 : i32
    %add3A_135 = arith.addi %mul3A_13, %add3A_134 : i32
    "tpu.region"() ({
      %run_scoped3A_289 = tpu.sem_alloc : memref<!tpu.dma_semaphore, #tpu.memory_space<semaphore_mem>>
      %dma_start3A_290 = arith.constant 0 : i32
      %dma_start3A_291 = arith.constant 0 : i32
      %dma_start3A_292 = tpu.memref_slice %arg10[%dma_start3A_290, %dma_start3A_291] : memref<80x128xf32, #tpu.memory_space<vmem>> -> memref<80x128xf32, #tpu.memory_space<vmem>>
      %dma_start3A_293 = arith.constant 0 : i32
      %dma_start3A_294 = tpu.memref_slice %arg7[%add3A_135, %dma_start3A_293] : memref<10000x128xf32, #tpu.memory_space<vmem_shared>> -> memref<80x128xf32, #tpu.memory_space<vmem_shared>>
      %dma_start3A_295 = arith.constant 0 : i32
      %dma_start3A_296 = arith.constant 0 : i32
      %dma_start3A_297 = tpu.memref_slice %arg10[%dma_start3A_295, %dma_start3A_296] : memref<80x128xf32, #tpu.memory_space<vmem>> -> memref<80x128xf32, #tpu.memory_space<vmem>>
      %dma_start3A_298 = arith.constant 0 : i32
      %dma_start3A_299 = tpu.memref_slice %arg7[%add3A_135, %dma_start3A_298] : memref<10000x128xf32, #tpu.memory_space<vmem_shared>> -> memref<80x128xf32, #tpu.memory_space<vmem_shared>>
      tpu.enqueue_dma source(%dma_start3A_299 : memref<80x128xf32, #tpu.memory_space<vmem_shared>>) target(%dma_start3A_297 : memref<80x128xf32, #tpu.memory_space<vmem>>) target_semaphore(%run_scoped3A_289 : memref<!tpu.dma_semaphore, #tpu.memory_space<semaphore_mem>>)
      %dma_wait3A_300 = arith.constant 0 : i32
      %dma_wait3A_301 = arith.constant 0 : i32
      %dma_wait3A_302 = tpu.memref_slice %arg10[%dma_wait3A_300, %dma_wait3A_301] : memref<80x128xf32, #tpu.memory_space<vmem>> -> memref<80x128xf32, #tpu.memory_space<vmem>>
      %dma_wait3A_303 = arith.constant 0 : i32
      %dma_wait3A_304 = tpu.memref_slice %arg7[%add3A_135, %dma_wait3A_303] : memref<10000x128xf32, #tpu.memory_space<vmem_shared>> -> memref<80x128xf32, #tpu.memory_space<vmem_shared>>
      %dma_wait3A_305 = arith.constant 0 : i32
      %dma_wait3A_306 = arith.constant 0 : i32
      %dma_wait3A_307 = tpu.memref_slice %arg10[%dma_wait3A_305, %dma_wait3A_306] : memref<80x128xf32, #tpu.memory_space<vmem>> -> memref<80x128xf32, #tpu.memory_space<vmem>>
      %dma_wait3A_308 = arith.constant 0 : i32
      %dma_wait3A_309 = tpu.memref_slice %arg7[%add3A_135, %dma_wait3A_308] : memref<10000x128xf32, #tpu.memory_space<vmem_shared>> -> memref<80x128xf32, #tpu.memory_space<vmem_shared>>
      tpu.wait_dma2 semaphore(%run_scoped3A_289 : memref<!tpu.dma_semaphore, #tpu.memory_space<semaphore_mem>>) src(%dma_wait3A_309 : memref<80x128xf32, #tpu.memory_space<vmem_shared>>) dst(%dma_wait3A_307 : memref<80x128xf32, #tpu.memory_space<vmem>>)
      tpu.yield
    }) : () -> ()
    %mul3A_136 = arith.constant 10000 : i32
    %mul3A_137 = arith.muli %arg0, %mul3A_136 : i32
    %add3A_138 = arith.addi %mul3A_137, %add3A_135 : i32
    %dma_start3A_139 = arith.constant 0 : i32
    %dma_start3A_140 = arith.constant 0 : i32
    %dma_start3A_141 = tpu.memref_slice %arg10[%dma_start3A_139, %dma_start3A_140] : memref<80x128xf32, #tpu.memory_space<vmem>> -> memref<80x128xf32, #tpu.memory_space<vmem>>
    %dma_start3A_142 = arith.constant 0 : i32
    %dma_start3A_143 = tpu.memref_slice %arg6[%add3A_138, %dma_start3A_142] : memref<20000x128xf32, #tpu.memory_space<hbm>> -> memref<80x128xf32, #tpu.memory_space<hbm>>
    %dma_start3A_144 = arith.constant 0 : i32
    %dma_start3A_145 = tpu.memref_slice %arg6[%add3A_138, %dma_start3A_144] : memref<20000x128xf32, #tpu.memory_space<hbm>> -> memref<80x128xf32, #tpu.memory_space<hbm>>
    %dma_start3A_146 = arith.constant 0 : i32
    %dma_start3A_147 = arith.constant 0 : i32
    %dma_start3A_148 = tpu.memref_slice %arg10[%dma_start3A_146, %dma_start3A_147] : memref<80x128xf32, #tpu.memory_space<vmem>> -> memref<80x128xf32, #tpu.memory_space<vmem>>
    tpu.enqueue_dma source(%dma_start3A_148 : memref<80x128xf32, #tpu.memory_space<vmem>>) target(%dma_start3A_145 : memref<80x128xf32, #tpu.memory_space<hbm>>) target_semaphore(%arg12 : memref<!tpu.dma_semaphore, #tpu.memory_space<semaphore_mem>>)
    %mul3A_149 = arith.constant 10000 : i32
    %mul3A_150 = arith.muli %arg0, %mul3A_149 : i32
    %add3A_151 = arith.addi %mul3A_150, %add3A_135 : i32
    %dma_wait3A_152 = arith.constant 0 : i32
    %dma_wait3A_153 = arith.constant 0 : i32
    %dma_wait3A_154 = tpu.memref_slice %arg9[%dma_wait3A_152, %dma_wait3A_153] : memref<80x128xf32, #tpu.memory_space<vmem>> -> memref<80x128xf32, #tpu.memory_space<vmem>>
    %dma_wait3A_155 = arith.constant 0 : i32
    %dma_wait3A_156 = tpu.memref_slice %arg6[%add3A_123, %dma_wait3A_155] : memref<20000x128xf32, #tpu.memory_space<hbm>> -> memref<80x128xf32, #tpu.memory_space<hbm>>
    %dma_wait3A_157 = arith.constant 0 : i32
    %dma_wait3A_158 = tpu.memref_slice %arg6[%add3A_123, %dma_wait3A_157] : memref<20000x128xf32, #tpu.memory_space<hbm>> -> memref<80x128xf32, #tpu.memory_space<hbm>>
    %dma_wait3A_159 = arith.constant 0 : i32
    %dma_wait3A_160 = arith.constant 0 : i32
    %dma_wait3A_161 = tpu.memref_slice %arg9[%dma_wait3A_159, %dma_wait3A_160] : memref<80x128xf32, #tpu.memory_space<vmem>> -> memref<80x128xf32, #tpu.memory_space<vmem>>
    tpu.wait_dma2 semaphore(%arg11 : memref<!tpu.dma_semaphore, #tpu.memory_space<semaphore_mem>>) src(%dma_wait3A_161 : memref<80x128xf32, #tpu.memory_space<vmem>>) dst(%dma_wait3A_158 : memref<80x128xf32, #tpu.memory_space<hbm>>)
    %add3A_162 = arith.constant 320 : i32
    %add3A_163 = arith.addi %mul3A_13, %add3A_162 : i32
    "tpu.region"() ({
      %run_scoped3A_289 = tpu.sem_alloc : memref<!tpu.dma_semaphore, #tpu.memory_space<semaphore_mem>>
      %dma_start3A_290 = arith.constant 0 : i32
      %dma_start3A_291 = arith.constant 0 : i32
      %dma_start3A_292 = tpu.memref_slice %arg9[%dma_start3A_290, %dma_start3A_291] : memref<80x128xf32, #tpu.memory_space<vmem>> -> memref<80x128xf32, #tpu.memory_space<vmem>>
      %dma_start3A_293 = arith.constant 0 : i32
      %dma_start3A_294 = tpu.memref_slice %arg7[%add3A_163, %dma_start3A_293] : memref<10000x128xf32, #tpu.memory_space<vmem_shared>> -> memref<80x128xf32, #tpu.memory_space<vmem_shared>>
      %dma_start3A_295 = arith.constant 0 : i32
      %dma_start3A_296 = arith.constant 0 : i32
      %dma_start3A_297 = tpu.memref_slice %arg9[%dma_start3A_295, %dma_start3A_296] : memref<80x128xf32, #tpu.memory_space<vmem>> -> memref<80x128xf32, #tpu.memory_space<vmem>>
      %dma_start3A_298 = arith.constant 0 : i32
      %dma_start3A_299 = tpu.memref_slice %arg7[%add3A_163, %dma_start3A_298] : memref<10000x128xf32, #tpu.memory_space<vmem_shared>> -> memref<80x128xf32, #tpu.memory_space<vmem_shared>>
      tpu.enqueue_dma source(%dma_start3A_299 : memref<80x128xf32, #tpu.memory_space<vmem_shared>>) target(%dma_start3A_297 : memref<80x128xf32, #tpu.memory_space<vmem>>) target_semaphore(%run_scoped3A_289 : memref<!tpu.dma_semaphore, #tpu.memory_space<semaphore_mem>>)
      %dma_wait3A_300 = arith.constant 0 : i32
      %dma_wait3A_301 = arith.constant 0 : i32
      %dma_wait3A_302 = tpu.memref_slice %arg9[%dma_wait3A_300, %dma_wait3A_301] : memref<80x128xf32, #tpu.memory_space<vmem>> -> memref<80x128xf32, #tpu.memory_space<vmem>>
      %dma_wait3A_303 = arith.constant 0 : i32
      %dma_wait3A_304 = tpu.memref_slice %arg7[%add3A_163, %dma_wait3A_303] : memref<10000x128xf32, #tpu.memory_space<vmem_shared>> -> memref<80x128xf32, #tpu.memory_space<vmem_shared>>
      %dma_wait3A_305 = arith.constant 0 : i32
      %dma_wait3A_306 = arith.constant 0 : i32
      %dma_wait3A_307 = tpu.memref_slice %arg9[%dma_wait3A_305, %dma_wait3A_306] : memref<80x128xf32, #tpu.memory_space<vmem>> -> memref<80x128xf32, #tpu.memory_space<vmem>>
      %dma_wait3A_308 = arith.constant 0 : i32
      %dma_wait3A_309 = tpu.memref_slice %arg7[%add3A_163, %dma_wait3A_308] : memref<10000x128xf32, #tpu.memory_space<vmem_shared>> -> memref<80x128xf32, #tpu.memory_space<vmem_shared>>
      tpu.wait_dma2 semaphore(%run_scoped3A_289 : memref<!tpu.dma_semaphore, #tpu.memory_space<semaphore_mem>>) src(%dma_wait3A_309 : memref<80x128xf32, #tpu.memory_space<vmem_shared>>) dst(%dma_wait3A_307 : memref<80x128xf32, #tpu.memory_space<vmem>>)
      tpu.yield
    }) : () -> ()
    %mul3A_164 = arith.constant 10000 : i32
    %mul3A_165 = arith.muli %arg0, %mul3A_164 : i32
    %add3A_166 = arith.addi %mul3A_165, %add3A_163 : i32
    %dma_start3A_167 = arith.constant 0 : i32
    %dma_start3A_168 = arith.constant 0 : i32
    %dma_start3A_169 = tpu.memref_slice %arg9[%dma_start3A_167, %dma_start3A_168] : memref<80x128xf32, #tpu.memory_space<vmem>> -> memref<80x128xf32, #tpu.memory_space<vmem>>
    %dma_start3A_170 = arith.constant 0 : i32
    %dma_start3A_171 = tpu.memref_slice %arg6[%add3A_166, %dma_start3A_170] : memref<20000x128xf32, #tpu.memory_space<hbm>> -> memref<80x128xf32, #tpu.memory_space<hbm>>
    %dma_start3A_172 = arith.constant 0 : i32
    %dma_start3A_173 = tpu.memref_slice %arg6[%add3A_166, %dma_start3A_172] : memref<20000x128xf32, #tpu.memory_space<hbm>> -> memref<80x128xf32, #tpu.memory_space<hbm>>
    %dma_start3A_174 = arith.constant 0 : i32
    %dma_start3A_175 = arith.constant 0 : i32
    %dma_start3A_176 = tpu.memref_slice %arg9[%dma_start3A_174, %dma_start3A_175] : memref<80x128xf32, #tpu.memory_space<vmem>> -> memref<80x128xf32, #tpu.memory_space<vmem>>
    tpu.enqueue_dma source(%dma_start3A_176 : memref<80x128xf32, #tpu.memory_space<vmem>>) target(%dma_start3A_173 : memref<80x128xf32, #tpu.memory_space<hbm>>) target_semaphore(%arg11 : memref<!tpu.dma_semaphore, #tpu.memory_space<semaphore_mem>>)
    %mul3A_177 = arith.constant 10000 : i32
    %mul3A_178 = arith.muli %arg0, %mul3A_177 : i32
    %add3A_179 = arith.addi %mul3A_178, %add3A_163 : i32
    %dma_wait3A_180 = arith.constant 0 : i32
    %dma_wait3A_181 = arith.constant 0 : i32
    %dma_wait3A_182 = tpu.memref_slice %arg10[%dma_wait3A_180, %dma_wait3A_181] : memref<80x128xf32, #tpu.memory_space<vmem>> -> memref<80x128xf32, #tpu.memory_space<vmem>>
    %dma_wait3A_183 = arith.constant 0 : i32
    %dma_wait3A_184 = tpu.memref_slice %arg6[%add3A_151, %dma_wait3A_183] : memref<20000x128xf32, #tpu.memory_space<hbm>> -> memref<80x128xf32, #tpu.memory_space<hbm>>
    %dma_wait3A_185 = arith.constant 0 : i32
    %dma_wait3A_186 = tpu.memref_slice %arg6[%add3A_151, %dma_wait3A_185] : memref<20000x128xf32, #tpu.memory_space<hbm>> -> memref<80x128xf32, #tpu.memory_space<hbm>>
    %dma_wait3A_187 = arith.constant 0 : i32
    %dma_wait3A_188 = arith.constant 0 : i32
    %dma_wait3A_189 = tpu.memref_slice %arg10[%dma_wait3A_187, %dma_wait3A_188] : memref<80x128xf32, #tpu.memory_space<vmem>> -> memref<80x128xf32, #tpu.memory_space<vmem>>
    tpu.wait_dma2 semaphore(%arg12 : memref<!tpu.dma_semaphore, #tpu.memory_space<semaphore_mem>>) src(%dma_wait3A_189 : memref<80x128xf32, #tpu.memory_space<vmem>>) dst(%dma_wait3A_186 : memref<80x128xf32, #tpu.memory_space<hbm>>)
    %add3A_190 = arith.constant 400 : i32
    %add3A_191 = arith.addi %mul3A_13, %add3A_190 : i32
    "tpu.region"() ({
      %run_scoped3A_289 = tpu.sem_alloc : memref<!tpu.dma_semaphore, #tpu.memory_space<semaphore_mem>>
      %dma_start3A_290 = arith.constant 0 : i32
      %dma_start3A_291 = arith.constant 0 : i32
      %dma_start3A_292 = tpu.memref_slice %arg10[%dma_start3A_290, %dma_start3A_291] : memref<80x128xf32, #tpu.memory_space<vmem>> -> memref<80x128xf32, #tpu.memory_space<vmem>>
      %dma_start3A_293 = arith.constant 0 : i32
      %dma_start3A_294 = tpu.memref_slice %arg7[%add3A_191, %dma_start3A_293] : memref<10000x128xf32, #tpu.memory_space<vmem_shared>> -> memref<80x128xf32, #tpu.memory_space<vmem_shared>>
      %dma_start3A_295 = arith.constant 0 : i32
      %dma_start3A_296 = arith.constant 0 : i32
      %dma_start3A_297 = tpu.memref_slice %arg10[%dma_start3A_295, %dma_start3A_296] : memref<80x128xf32, #tpu.memory_space<vmem>> -> memref<80x128xf32, #tpu.memory_space<vmem>>
      %dma_start3A_298 = arith.constant 0 : i32
      %dma_start3A_299 = tpu.memref_slice %arg7[%add3A_191, %dma_start3A_298] : memref<10000x128xf32, #tpu.memory_space<vmem_shared>> -> memref<80x128xf32, #tpu.memory_space<vmem_shared>>
      tpu.enqueue_dma source(%dma_start3A_299 : memref<80x128xf32, #tpu.memory_space<vmem_shared>>) target(%dma_start3A_297 : memref<80x128xf32, #tpu.memory_space<vmem>>) target_semaphore(%run_scoped3A_289 : memref<!tpu.dma_semaphore, #tpu.memory_space<semaphore_mem>>)
      %dma_wait3A_300 = arith.constant 0 : i32
      %dma_wait3A_301 = arith.constant 0 : i32
      %dma_wait3A_302 = tpu.memref_slice %arg10[%dma_wait3A_300, %dma_wait3A_301] : memref<80x128xf32, #tpu.memory_space<vmem>> -> memref<80x128xf32, #tpu.memory_space<vmem>>
      %dma_wait3A_303 = arith.constant 0 : i32
      %dma_wait3A_304 = tpu.memref_slice %arg7[%add3A_191, %dma_wait3A_303] : memref<10000x128xf32, #tpu.memory_space<vmem_shared>> -> memref<80x128xf32, #tpu.memory_space<vmem_shared>>
      %dma_wait3A_305 = arith.constant 0 : i32
      %dma_wait3A_306 = arith.constant 0 : i32
      %dma_wait3A_307 = tpu.memref_slice %arg10[%dma_wait3A_305, %dma_wait3A_306] : memref<80x128xf32, #tpu.memory_space<vmem>> -> memref<80x128xf32, #tpu.memory_space<vmem>>
      %dma_wait3A_308 = arith.constant 0 : i32
      %dma_wait3A_309 = tpu.memref_slice %arg7[%add3A_191, %dma_wait3A_308] : memref<10000x128xf32, #tpu.memory_space<vmem_shared>> -> memref<80x128xf32, #tpu.memory_space<vmem_shared>>
      tpu.wait_dma2 semaphore(%run_scoped3A_289 : memref<!tpu.dma_semaphore, #tpu.memory_space<semaphore_mem>>) src(%dma_wait3A_309 : memref<80x128xf32, #tpu.memory_space<vmem_shared>>) dst(%dma_wait3A_307 : memref<80x128xf32, #tpu.memory_space<vmem>>)
      tpu.yield
    }) : () -> ()
    %mul3A_192 = arith.constant 10000 : i32
    %mul3A_193 = arith.muli %arg0, %mul3A_192 : i32
    %add3A_194 = arith.addi %mul3A_193, %add3A_191 : i32
    %dma_start3A_195 = arith.constant 0 : i32
    %dma_start3A_196 = arith.constant 0 : i32
    %dma_start3A_197 = tpu.memref_slice %arg10[%dma_start3A_195, %dma_start3A_196] : memref<80x128xf32, #tpu.memory_space<vmem>> -> memref<80x128xf32, #tpu.memory_space<vmem>>
    %dma_start3A_198 = arith.constant 0 : i32
    %dma_start3A_199 = tpu.memref_slice %arg6[%add3A_194, %dma_start3A_198] : memref<20000x128xf32, #tpu.memory_space<hbm>> -> memref<80x128xf32, #tpu.memory_space<hbm>>
    %dma_start3A_200 = arith.constant 0 : i32
    %dma_start3A_201 = tpu.memref_slice %arg6[%add3A_194, %dma_start3A_200] : memref<20000x128xf32, #tpu.memory_space<hbm>> -> memref<80x128xf32, #tpu.memory_space<hbm>>
    %dma_start3A_202 = arith.constant 0 : i32
    %dma_start3A_203 = arith.constant 0 : i32
    %dma_start3A_204 = tpu.memref_slice %arg10[%dma_start3A_202, %dma_start3A_203] : memref<80x128xf32, #tpu.memory_space<vmem>> -> memref<80x128xf32, #tpu.memory_space<vmem>>
    tpu.enqueue_dma source(%dma_start3A_204 : memref<80x128xf32, #tpu.memory_space<vmem>>) target(%dma_start3A_201 : memref<80x128xf32, #tpu.memory_space<hbm>>) target_semaphore(%arg12 : memref<!tpu.dma_semaphore, #tpu.memory_space<semaphore_mem>>)
    %mul3A_205 = arith.constant 10000 : i32
    %mul3A_206 = arith.muli %arg0, %mul3A_205 : i32
    %add3A_207 = arith.addi %mul3A_206, %add3A_191 : i32
    %dma_wait3A_208 = arith.constant 0 : i32
    %dma_wait3A_209 = arith.constant 0 : i32
    %dma_wait3A_210 = tpu.memref_slice %arg9[%dma_wait3A_208, %dma_wait3A_209] : memref<80x128xf32, #tpu.memory_space<vmem>> -> memref<80x128xf32, #tpu.memory_space<vmem>>
    %dma_wait3A_211 = arith.constant 0 : i32
    %dma_wait3A_212 = tpu.memref_slice %arg6[%add3A_179, %dma_wait3A_211] : memref<20000x128xf32, #tpu.memory_space<hbm>> -> memref<80x128xf32, #tpu.memory_space<hbm>>
    %dma_wait3A_213 = arith.constant 0 : i32
    %dma_wait3A_214 = tpu.memref_slice %arg6[%add3A_179, %dma_wait3A_213] : memref<20000x128xf32, #tpu.memory_space<hbm>> -> memref<80x128xf32, #tpu.memory_space<hbm>>
    %dma_wait3A_215 = arith.constant 0 : i32
    %dma_wait3A_216 = arith.constant 0 : i32
    %dma_wait3A_217 = tpu.memref_slice %arg9[%dma_wait3A_215, %dma_wait3A_216] : memref<80x128xf32, #tpu.memory_space<vmem>> -> memref<80x128xf32, #tpu.memory_space<vmem>>
    tpu.wait_dma2 semaphore(%arg11 : memref<!tpu.dma_semaphore, #tpu.memory_space<semaphore_mem>>) src(%dma_wait3A_217 : memref<80x128xf32, #tpu.memory_space<vmem>>) dst(%dma_wait3A_214 : memref<80x128xf32, #tpu.memory_space<hbm>>)
    %add3A_218 = arith.constant 480 : i32
    %add3A_219 = arith.addi %mul3A_13, %add3A_218 : i32
    "tpu.region"() ({
      %run_scoped3A_289 = tpu.sem_alloc : memref<!tpu.dma_semaphore, #tpu.memory_space<semaphore_mem>>
      %dma_start3A_290 = arith.constant 0 : i32
      %dma_start3A_291 = arith.constant 0 : i32
      %dma_start3A_292 = tpu.memref_slice %arg9[%dma_start3A_290, %dma_start3A_291] : memref<80x128xf32, #tpu.memory_space<vmem>> -> memref<80x128xf32, #tpu.memory_space<vmem>>
      %dma_start3A_293 = arith.constant 0 : i32
      %dma_start3A_294 = tpu.memref_slice %arg7[%add3A_219, %dma_start3A_293] : memref<10000x128xf32, #tpu.memory_space<vmem_shared>> -> memref<80x128xf32, #tpu.memory_space<vmem_shared>>
      %dma_start3A_295 = arith.constant 0 : i32
      %dma_start3A_296 = arith.constant 0 : i32
      %dma_start3A_297 = tpu.memref_slice %arg9[%dma_start3A_295, %dma_start3A_296] : memref<80x128xf32, #tpu.memory_space<vmem>> -> memref<80x128xf32, #tpu.memory_space<vmem>>
      %dma_start3A_298 = arith.constant 0 : i32
      %dma_start3A_299 = tpu.memref_slice %arg7[%add3A_219, %dma_start3A_298] : memref<10000x128xf32, #tpu.memory_space<vmem_shared>> -> memref<80x128xf32, #tpu.memory_space<vmem_shared>>
      tpu.enqueue_dma source(%dma_start3A_299 : memref<80x128xf32, #tpu.memory_space<vmem_shared>>) target(%dma_start3A_297 : memref<80x128xf32, #tpu.memory_space<vmem>>) target_semaphore(%run_scoped3A_289 : memref<!tpu.dma_semaphore, #tpu.memory_space<semaphore_mem>>)
      %dma_wait3A_300 = arith.constant 0 : i32
      %dma_wait3A_301 = arith.constant 0 : i32
      %dma_wait3A_302 = tpu.memref_slice %arg9[%dma_wait3A_300, %dma_wait3A_301] : memref<80x128xf32, #tpu.memory_space<vmem>> -> memref<80x128xf32, #tpu.memory_space<vmem>>
      %dma_wait3A_303 = arith.constant 0 : i32
      %dma_wait3A_304 = tpu.memref_slice %arg7[%add3A_219, %dma_wait3A_303] : memref<10000x128xf32, #tpu.memory_space<vmem_shared>> -> memref<80x128xf32, #tpu.memory_space<vmem_shared>>
      %dma_wait3A_305 = arith.constant 0 : i32
      %dma_wait3A_306 = arith.constant 0 : i32
      %dma_wait3A_307 = tpu.memref_slice %arg9[%dma_wait3A_305, %dma_wait3A_306] : memref<80x128xf32, #tpu.memory_space<vmem>> -> memref<80x128xf32, #tpu.memory_space<vmem>>
      %dma_wait3A_308 = arith.constant 0 : i32
      %dma_wait3A_309 = tpu.memref_slice %arg7[%add3A_219, %dma_wait3A_308] : memref<10000x128xf32, #tpu.memory_space<vmem_shared>> -> memref<80x128xf32, #tpu.memory_space<vmem_shared>>
      tpu.wait_dma2 semaphore(%run_scoped3A_289 : memref<!tpu.dma_semaphore, #tpu.memory_space<semaphore_mem>>) src(%dma_wait3A_309 : memref<80x128xf32, #tpu.memory_space<vmem_shared>>) dst(%dma_wait3A_307 : memref<80x128xf32, #tpu.memory_space<vmem>>)
      tpu.yield
    }) : () -> ()
    %mul3A_220 = arith.constant 10000 : i32
    %mul3A_221 = arith.muli %arg0, %mul3A_220 : i32
    %add3A_222 = arith.addi %mul3A_221, %add3A_219 : i32
    %dma_start3A_223 = arith.constant 0 : i32
    %dma_start3A_224 = arith.constant 0 : i32
    %dma_start3A_225 = tpu.memref_slice %arg9[%dma_start3A_223, %dma_start3A_224] : memref<80x128xf32, #tpu.memory_space<vmem>> -> memref<80x128xf32, #tpu.memory_space<vmem>>
    %dma_start3A_226 = arith.constant 0 : i32
    %dma_start3A_227 = tpu.memref_slice %arg6[%add3A_222, %dma_start3A_226] : memref<20000x128xf32, #tpu.memory_space<hbm>> -> memref<80x128xf32, #tpu.memory_space<hbm>>
    %dma_start3A_228 = arith.constant 0 : i32
    %dma_start3A_229 = tpu.memref_slice %arg6[%add3A_222, %dma_start3A_228] : memref<20000x128xf32, #tpu.memory_space<hbm>> -> memref<80x128xf32, #tpu.memory_space<hbm>>
    %dma_start3A_230 = arith.constant 0 : i32
    %dma_start3A_231 = arith.constant 0 : i32
    %dma_start3A_232 = tpu.memref_slice %arg9[%dma_start3A_230, %dma_start3A_231] : memref<80x128xf32, #tpu.memory_space<vmem>> -> memref<80x128xf32, #tpu.memory_space<vmem>>
    tpu.enqueue_dma source(%dma_start3A_232 : memref<80x128xf32, #tpu.memory_space<vmem>>) target(%dma_start3A_229 : memref<80x128xf32, #tpu.memory_space<hbm>>) target_semaphore(%arg11 : memref<!tpu.dma_semaphore, #tpu.memory_space<semaphore_mem>>)
    %mul3A_233 = arith.constant 10000 : i32
    %mul3A_234 = arith.muli %arg0, %mul3A_233 : i32
    %add3A_235 = arith.addi %mul3A_234, %add3A_219 : i32
    %dma_wait3A_236 = arith.constant 0 : i32
    %dma_wait3A_237 = arith.constant 0 : i32
    %dma_wait3A_238 = tpu.memref_slice %arg10[%dma_wait3A_236, %dma_wait3A_237] : memref<80x128xf32, #tpu.memory_space<vmem>> -> memref<80x128xf32, #tpu.memory_space<vmem>>
    %dma_wait3A_239 = arith.constant 0 : i32
    %dma_wait3A_240 = tpu.memref_slice %arg6[%add3A_207, %dma_wait3A_239] : memref<20000x128xf32, #tpu.memory_space<hbm>> -> memref<80x128xf32, #tpu.memory_space<hbm>>
    %dma_wait3A_241 = arith.constant 0 : i32
    %dma_wait3A_242 = tpu.memref_slice %arg6[%add3A_207, %dma_wait3A_241] : memref<20000x128xf32, #tpu.memory_space<hbm>> -> memref<80x128xf32, #tpu.memory_space<hbm>>
    %dma_wait3A_243 = arith.constant 0 : i32
    %dma_wait3A_244 = arith.constant 0 : i32
    %dma_wait3A_245 = tpu.memref_slice %arg10[%dma_wait3A_243, %dma_wait3A_244] : memref<80x128xf32, #tpu.memory_space<vmem>> -> memref<80x128xf32, #tpu.memory_space<vmem>>
    tpu.wait_dma2 semaphore(%arg12 : memref<!tpu.dma_semaphore, #tpu.memory_space<semaphore_mem>>) src(%dma_wait3A_245 : memref<80x128xf32, #tpu.memory_space<vmem>>) dst(%dma_wait3A_242 : memref<80x128xf32, #tpu.memory_space<hbm>>)
    %add3A_246 = arith.constant 560 : i32
    %add3A_247 = arith.addi %mul3A_13, %add3A_246 : i32
    "tpu.region"() ({
      %run_scoped3A_289 = tpu.sem_alloc : memref<!tpu.dma_semaphore, #tpu.memory_space<semaphore_mem>>
      %dma_start3A_290 = arith.constant 0 : i32
      %dma_start3A_291 = arith.constant 0 : i32
      %dma_start3A_292 = tpu.memref_slice %arg10[%dma_start3A_290, %dma_start3A_291] : memref<80x128xf32, #tpu.memory_space<vmem>> -> memref<64x128xf32, #tpu.memory_space<vmem>>
      %dma_start3A_293 = arith.constant 0 : i32
      %dma_start3A_294 = tpu.memref_slice %arg7[%add3A_247, %dma_start3A_293] : memref<10000x128xf32, #tpu.memory_space<vmem_shared>> -> memref<64x128xf32, #tpu.memory_space<vmem_shared>>
      %dma_start3A_295 = arith.constant 0 : i32
      %dma_start3A_296 = arith.constant 0 : i32
      %dma_start3A_297 = tpu.memref_slice %arg10[%dma_start3A_295, %dma_start3A_296] : memref<80x128xf32, #tpu.memory_space<vmem>> -> memref<64x128xf32, #tpu.memory_space<vmem>>
      %dma_start3A_298 = arith.constant 0 : i32
      %dma_start3A_299 = tpu.memref_slice %arg7[%add3A_247, %dma_start3A_298] : memref<10000x128xf32, #tpu.memory_space<vmem_shared>> -> memref<64x128xf32, #tpu.memory_space<vmem_shared>>
      tpu.enqueue_dma source(%dma_start3A_299 : memref<64x128xf32, #tpu.memory_space<vmem_shared>>) target(%dma_start3A_297 : memref<64x128xf32, #tpu.memory_space<vmem>>) target_semaphore(%run_scoped3A_289 : memref<!tpu.dma_semaphore, #tpu.memory_space<semaphore_mem>>)
      %dma_wait3A_300 = arith.constant 0 : i32
      %dma_wait3A_301 = arith.constant 0 : i32
      %dma_wait3A_302 = tpu.memref_slice %arg10[%dma_wait3A_300, %dma_wait3A_301] : memref<80x128xf32, #tpu.memory_space<vmem>> -> memref<64x128xf32, #tpu.memory_space<vmem>>
      %dma_wait3A_303 = arith.constant 0 : i32
      %dma_wait3A_304 = tpu.memref_slice %arg7[%add3A_247, %dma_wait3A_303] : memref<10000x128xf32, #tpu.memory_space<vmem_shared>> -> memref<64x128xf32, #tpu.memory_space<vmem_shared>>
      %dma_wait3A_305 = arith.constant 0 : i32
      %dma_wait3A_306 = arith.constant 0 : i32
      %dma_wait3A_307 = tpu.memref_slice %arg10[%dma_wait3A_305, %dma_wait3A_306] : memref<80x128xf32, #tpu.memory_space<vmem>> -> memref<64x128xf32, #tpu.memory_space<vmem>>
      %dma_wait3A_308 = arith.constant 0 : i32
      %dma_wait3A_309 = tpu.memref_slice %arg7[%add3A_247, %dma_wait3A_308] : memref<10000x128xf32, #tpu.memory_space<vmem_shared>> -> memref<64x128xf32, #tpu.memory_space<vmem_shared>>
      tpu.wait_dma2 semaphore(%run_scoped3A_289 : memref<!tpu.dma_semaphore, #tpu.memory_space<semaphore_mem>>) src(%dma_wait3A_309 : memref<64x128xf32, #tpu.memory_space<vmem_shared>>) dst(%dma_wait3A_307 : memref<64x128xf32, #tpu.memory_space<vmem>>)
      tpu.yield
    }) : () -> ()
    %mul3A_248 = arith.constant 10000 : i32
    %mul3A_249 = arith.muli %arg0, %mul3A_248 : i32
    %add3A_250 = arith.addi %mul3A_249, %add3A_247 : i32
    %dma_start3A_251 = arith.constant 0 : i32
    %dma_start3A_252 = arith.constant 0 : i32
    %dma_start3A_253 = tpu.memref_slice %arg10[%dma_start3A_251, %dma_start3A_252] : memref<80x128xf32, #tpu.memory_space<vmem>> -> memref<64x128xf32, #tpu.memory_space<vmem>>
    %dma_start3A_254 = arith.constant 0 : i32
    %dma_start3A_255 = tpu.memref_slice %arg6[%add3A_250, %dma_start3A_254] : memref<20000x128xf32, #tpu.memory_space<hbm>> -> memref<64x128xf32, #tpu.memory_space<hbm>>
    %dma_start3A_256 = arith.constant 0 : i32
    %dma_start3A_257 = tpu.memref_slice %arg6[%add3A_250, %dma_start3A_256] : memref<20000x128xf32, #tpu.memory_space<hbm>> -> memref<64x128xf32, #tpu.memory_space<hbm>>
    %dma_start3A_258 = arith.constant 0 : i32
    %dma_start3A_259 = arith.constant 0 : i32
    %dma_start3A_260 = tpu.memref_slice %arg10[%dma_start3A_258, %dma_start3A_259] : memref<80x128xf32, #tpu.memory_space<vmem>> -> memref<64x128xf32, #tpu.memory_space<vmem>>
    tpu.enqueue_dma source(%dma_start3A_260 : memref<64x128xf32, #tpu.memory_space<vmem>>) target(%dma_start3A_257 : memref<64x128xf32, #tpu.memory_space<hbm>>) target_semaphore(%arg12 : memref<!tpu.dma_semaphore, #tpu.memory_space<semaphore_mem>>)
    %mul3A_261 = arith.constant 10000 : i32
    %mul3A_262 = arith.muli %arg0, %mul3A_261 : i32
    %add3A_263 = arith.addi %mul3A_262, %add3A_247 : i32
    %dma_wait3A_264 = arith.constant 0 : i32
    %dma_wait3A_265 = arith.constant 0 : i32
    %dma_wait3A_266 = tpu.memref_slice %arg9[%dma_wait3A_264, %dma_wait3A_265] : memref<80x128xf32, #tpu.memory_space<vmem>> -> memref<80x128xf32, #tpu.memory_space<vmem>>
    %dma_wait3A_267 = arith.constant 0 : i32
    %dma_wait3A_268 = tpu.memref_slice %arg6[%add3A_235, %dma_wait3A_267] : memref<20000x128xf32, #tpu.memory_space<hbm>> -> memref<80x128xf32, #tpu.memory_space<hbm>>
    %dma_wait3A_269 = arith.constant 0 : i32
    %dma_wait3A_270 = tpu.memref_slice %arg6[%add3A_235, %dma_wait3A_269] : memref<20000x128xf32, #tpu.memory_space<hbm>> -> memref<80x128xf32, #tpu.memory_space<hbm>>
    %dma_wait3A_271 = arith.constant 0 : i32
    %dma_wait3A_272 = arith.constant 0 : i32
    %dma_wait3A_273 = tpu.memref_slice %arg9[%dma_wait3A_271, %dma_wait3A_272] : memref<80x128xf32, #tpu.memory_space<vmem>> -> memref<80x128xf32, #tpu.memory_space<vmem>>
    tpu.wait_dma2 semaphore(%arg11 : memref<!tpu.dma_semaphore, #tpu.memory_space<semaphore_mem>>) src(%dma_wait3A_273 : memref<80x128xf32, #tpu.memory_space<vmem>>) dst(%dma_wait3A_270 : memref<80x128xf32, #tpu.memory_space<hbm>>)
    %dma_wait3A_274 = arith.constant 0 : i32
    %dma_wait3A_275 = arith.constant 0 : i32
    %dma_wait3A_276 = tpu.memref_slice %arg10[%dma_wait3A_274, %dma_wait3A_275] : memref<80x128xf32, #tpu.memory_space<vmem>> -> memref<64x128xf32, #tpu.memory_space<vmem>>
    %dma_wait3A_277 = arith.constant 0 : i32
    %dma_wait3A_278 = tpu.memref_slice %arg6[%add3A_263, %dma_wait3A_277] : memref<20000x128xf32, #tpu.memory_space<hbm>> -> memref<64x128xf32, #tpu.memory_space<hbm>>
    %dma_wait3A_279 = arith.constant 0 : i32
    %dma_wait3A_280 = tpu.memref_slice %arg6[%add3A_263, %dma_wait3A_279] : memref<20000x128xf32, #tpu.memory_space<hbm>> -> memref<64x128xf32, #tpu.memory_space<hbm>>
    %dma_wait3A_281 = arith.constant 0 : i32
    %dma_wait3A_282 = arith.constant 0 : i32
    %dma_wait3A_283 = tpu.memref_slice %arg10[%dma_wait3A_281, %dma_wait3A_282] : memref<80x128xf32, #tpu.memory_space<vmem>> -> memref<64x128xf32, #tpu.memory_space<vmem>>
    tpu.wait_dma2 semaphore(%arg12 : memref<!tpu.dma_semaphore, #tpu.memory_space<semaphore_mem>>) src(%dma_wait3A_283 : memref<64x128xf32, #tpu.memory_space<vmem>>) dst(%dma_wait3A_280 : memref<64x128xf32, #tpu.memory_space<hbm>>)
    %eq3A_284 = arith.constant 0 : i32
    %eq3A_285 = arith.cmpi eq, %arg1, %eq3A_284 : i32
    %convert_element_type3A_286 = arith.extui %eq3A_285 : i1 to i32
    %cond3A_287 = arith.constant 0 : i32
    %cond3A_288 = arith.cmpi ne, %convert_element_type3A_286, %cond3A_287 : i32
    scf.if %cond3A_288 {
      "tpu.region"() ({
        %run_scoped3A_293 = tpu.sem_alloc : memref<!tpu.dma_semaphore, #tpu.memory_space<semaphore_mem>>
        %dma_start3A_294 = arith.constant 0 : i32
        %dma_start3A_295 = arith.constant 0 : i32
        %dma_start3A_296 = tpu.memref_slice %arg9[%dma_start3A_294, %dma_start3A_295] : memref<80x128xf32, #tpu.memory_space<vmem>> -> memref<16x128xf32, #tpu.memory_space<vmem>>
        %dma_start3A_297 = arith.constant 9984 : i32
        %dma_start3A_298 = arith.constant 0 : i32
        %dma_start3A_299 = tpu.memref_slice %arg7[%dma_start3A_297, %dma_start3A_298] : memref<10000x128xf32, #tpu.memory_space<vmem_shared>> -> memref<16x128xf32, #tpu.memory_space<vmem_shared>>
        %dma_start3A_300 = arith.constant 0 : i32
        %dma_start3A_301 = arith.constant 0 : i32
        %dma_start3A_302 = tpu.memref_slice %arg9[%dma_start3A_300, %dma_start3A_301] : memref<80x128xf32, #tpu.memory_space<vmem>> -> memref<16x128xf32, #tpu.memory_space<vmem>>
        %dma_start3A_303 = arith.constant 9984 : i32
        %dma_start3A_304 = arith.constant 0 : i32
        %dma_start3A_305 = tpu.memref_slice %arg7[%dma_start3A_303, %dma_start3A_304] : memref<10000x128xf32, #tpu.memory_space<vmem_shared>> -> memref<16x128xf32, #tpu.memory_space<vmem_shared>>
        tpu.enqueue_dma source(%dma_start3A_305 : memref<16x128xf32, #tpu.memory_space<vmem_shared>>) target(%dma_start3A_302 : memref<16x128xf32, #tpu.memory_space<vmem>>) target_semaphore(%run_scoped3A_293 : memref<!tpu.dma_semaphore, #tpu.memory_space<semaphore_mem>>)
        %dma_wait3A_306 = arith.constant 0 : i32
        %dma_wait3A_307 = arith.constant 0 : i32
        %dma_wait3A_308 = tpu.memref_slice %arg9[%dma_wait3A_306, %dma_wait3A_307] : memref<80x128xf32, #tpu.memory_space<vmem>> -> memref<16x128xf32, #tpu.memory_space<vmem>>
        %dma_wait3A_309 = arith.constant 9984 : i32
        %dma_wait3A_310 = arith.constant 0 : i32
        %dma_wait3A_311 = tpu.memref_slice %arg7[%dma_wait3A_309, %dma_wait3A_310] : memref<10000x128xf32, #tpu.memory_space<vmem_shared>> -> memref<16x128xf32, #tpu.memory_space<vmem_shared>>
        %dma_wait3A_312 = arith.constant 0 : i32
        %dma_wait3A_313 = arith.constant 0 : i32
        %dma_wait3A_314 = tpu.memref_slice %arg9[%dma_wait3A_312, %dma_wait3A_313] : memref<80x128xf32, #tpu.memory_space<vmem>> -> memref<16x128xf32, #tpu.memory_space<vmem>>
        %dma_wait3A_315 = arith.constant 9984 : i32
        %dma_wait3A_316 = arith.constant 0 : i32
        %dma_wait3A_317 = tpu.memref_slice %arg7[%dma_wait3A_315, %dma_wait3A_316] : memref<10000x128xf32, #tpu.memory_space<vmem_shared>> -> memref<16x128xf32, #tpu.memory_space<vmem_shared>>
        tpu.wait_dma2 semaphore(%run_scoped3A_293 : memref<!tpu.dma_semaphore, #tpu.memory_space<semaphore_mem>>) src(%dma_wait3A_317 : memref<16x128xf32, #tpu.memory_space<vmem_shared>>) dst(%dma_wait3A_314 : memref<16x128xf32, #tpu.memory_space<vmem>>)
        tpu.yield
      }) : () -> ()
      %mul3A_289 = arith.constant 10000 : i32
      %mul3A_290 = arith.muli %arg0, %mul3A_289 : i32
      %add3A_291 = arith.constant 9984 : i32
      %add3A_292 = arith.addi %mul3A_290, %add3A_291 : i32
      "tpu.region"() ({
        %run_scoped3A_293 = tpu.sem_alloc : memref<!tpu.dma_semaphore, #tpu.memory_space<semaphore_mem>>
        %dma_start3A_294 = arith.constant 0 : i32
        %dma_start3A_295 = arith.constant 0 : i32
        %dma_start3A_296 = tpu.memref_slice %arg9[%dma_start3A_294, %dma_start3A_295] : memref<80x128xf32, #tpu.memory_space<vmem>> -> memref<16x128xf32, #tpu.memory_space<vmem>>
        %dma_start3A_297 = arith.constant 0 : i32
        %dma_start3A_298 = tpu.memref_slice %arg6[%add3A_292, %dma_start3A_297] : memref<20000x128xf32, #tpu.memory_space<hbm>> -> memref<16x128xf32, #tpu.memory_space<hbm>>
        %dma_start3A_299 = arith.constant 0 : i32
        %dma_start3A_300 = tpu.memref_slice %arg6[%add3A_292, %dma_start3A_299] : memref<20000x128xf32, #tpu.memory_space<hbm>> -> memref<16x128xf32, #tpu.memory_space<hbm>>
        %dma_start3A_301 = arith.constant 0 : i32
        %dma_start3A_302 = arith.constant 0 : i32
        %dma_start3A_303 = tpu.memref_slice %arg9[%dma_start3A_301, %dma_start3A_302] : memref<80x128xf32, #tpu.memory_space<vmem>> -> memref<16x128xf32, #tpu.memory_space<vmem>>
        tpu.enqueue_dma source(%dma_start3A_303 : memref<16x128xf32, #tpu.memory_space<vmem>>) target(%dma_start3A_300 : memref<16x128xf32, #tpu.memory_space<hbm>>) target_semaphore(%run_scoped3A_293 : memref<!tpu.dma_semaphore, #tpu.memory_space<semaphore_mem>>)
        %dma_wait3A_304 = arith.constant 0 : i32
        %dma_wait3A_305 = arith.constant 0 : i32
        %dma_wait3A_306 = tpu.memref_slice %arg9[%dma_wait3A_304, %dma_wait3A_305] : memref<80x128xf32, #tpu.memory_space<vmem>> -> memref<16x128xf32, #tpu.memory_space<vmem>>
        %dma_wait3A_307 = arith.constant 0 : i32
        %dma_wait3A_308 = tpu.memref_slice %arg6[%add3A_292, %dma_wait3A_307] : memref<20000x128xf32, #tpu.memory_space<hbm>> -> memref<16x128xf32, #tpu.memory_space<hbm>>
        %dma_wait3A_309 = arith.constant 0 : i32
        %dma_wait3A_310 = tpu.memref_slice %arg6[%add3A_292, %dma_wait3A_309] : memref<20000x128xf32, #tpu.memory_space<hbm>> -> memref<16x128xf32, #tpu.memory_space<hbm>>
        %dma_wait3A_311 = arith.constant 0 : i32
        %dma_wait3A_312 = arith.constant 0 : i32
        %dma_wait3A_313 = tpu.memref_slice %arg9[%dma_wait3A_311, %dma_wait3A_312] : memref<80x128xf32, #tpu.memory_space<vmem>> -> memref<16x128xf32, #tpu.memory_space<vmem>>
        tpu.wait_dma2 semaphore(%run_scoped3A_293 : memref<!tpu.dma_semaphore, #tpu.memory_space<semaphore_mem>>) src(%dma_wait3A_313 : memref<16x128xf32, #tpu.memory_space<vmem>>) dst(%dma_wait3A_310 : memref<16x128xf32, #tpu.memory_space<hbm>>)
        tpu.yield
      }) : () -> ()
    } else {
    }
    return
  }
}

#map = affine_map<(d0, d1) -> (0, 0)>
#map1 = affine_map<(d0, d1) -> (0)>
#map2 = affine_map<(d0, d1) -> (0, 0, 0)>
module attributes {stable_mosaic.version = 14 : i64} {
  func.func @body(%arg0: i32, %arg1: i32, %arg2: memref<10000x128xf32, #tpu.memory_space<hbm>>, %arg3: memref<320000xi32, #tpu.memory_space<hbm>>, %arg4: memref<32x125x80xi32, #tpu.memory_space<hbm>>, %arg5: memref<80x128xf32, #tpu.memory_space<hbm>>, %arg6: memref<20000x128xf32, #tpu.memory_space<hbm>>, %arg7: memref<10000x128xf32, #tpu.memory_space<vmem_shared>>, %arg8: memref<125x80xi32, #tpu.memory_space<vmem>>, %arg9: memref<80x128xf32, #tpu.memory_space<vmem>>, %arg10: memref<80x128xf32, #tpu.memory_space<vmem>>, %arg11: memref<!tpu.dma_semaphore, #tpu.memory_space<semaphore_mem>>, %arg12: memref<!tpu.dma_semaphore, #tpu.memory_space<semaphore_mem>>, %arg13: memref<10000xi32, #tpu.memory_space<vmem>>) attributes {dimension_semantics = [#tpu.dimension_semantics<core_parallel>, #tpu.dimension_semantics<subcore_parallel>], iteration_bounds = array<i64: 2, 16>, scalar_prefetch = 0 : i64, scratch_operands = 7 : i64, tpu.core_type = #tpu.core_type<sc_vector_subcore>, window_params = [{transform_indices = #map}, {transform_indices = #map1}, {transform_indices = #map2}, {transform_indices = #map}, {transform_indices = #map}]} {
    %mul3A = arith.constant 16 : i32
    %mul3A_0 = arith.muli %arg0, %mul3A : i32
    %add3A = arith.addi %mul3A_0, %arg1 : i32
    %mul3A_1 = arith.constant 10000 : i32
    %mul3A_2 = arith.muli %add3A, %mul3A_1 : i32
    %dma_start3A = tpu.memref_slice %arg3[%mul3A_2] : memref<320000xi32, #tpu.memory_space<hbm>> -> memref<10000xi32, #tpu.memory_space<hbm>>
    %dma_start3A_3 = tpu.memref_slice %arg3[%mul3A_2] : memref<320000xi32, #tpu.memory_space<hbm>> -> memref<10000xi32, #tpu.memory_space<hbm>>
    tpu.enqueue_dma source(%dma_start3A_3 : memref<10000xi32, #tpu.memory_space<hbm>>) target(%arg13 : memref<10000xi32, #tpu.memory_space<vmem>>) target_semaphore(%arg11 : memref<!tpu.dma_semaphore, #tpu.memory_space<semaphore_mem>>)
    %dma_start3A_4 = arith.constant 0 : i32
    %dma_start3A_5 = arith.constant 0 : i32
    %dma_start3A_6 = tpu.memref_slice %arg4[%add3A, %dma_start3A_4, %dma_start3A_5] : memref<32x125x80xi32, #tpu.memory_space<hbm>> -> memref<1x125x80xi32, #tpu.memory_space<hbm>>
    %dma_start3A_7 = tpu.memref_squeeze %dma_start3A_6 : memref<1x125x80xi32, #tpu.memory_space<hbm>> -> memref<125x80xi32, #tpu.memory_space<hbm>>
    %dma_start3A_8 = arith.constant 0 : i32
    %dma_start3A_9 = arith.constant 0 : i32
    %dma_start3A_10 = tpu.memref_slice %arg4[%add3A, %dma_start3A_8, %dma_start3A_9] : memref<32x125x80xi32, #tpu.memory_space<hbm>> -> memref<1x125x80xi32, #tpu.memory_space<hbm>>
    %dma_start3A_11 = tpu.memref_squeeze %dma_start3A_10 : memref<1x125x80xi32, #tpu.memory_space<hbm>> -> memref<125x80xi32, #tpu.memory_space<hbm>>
    tpu.enqueue_dma source(%dma_start3A_11 : memref<125x80xi32, #tpu.memory_space<hbm>>) target(%arg8 : memref<125x80xi32, #tpu.memory_space<vmem>>) target_semaphore(%arg12 : memref<!tpu.dma_semaphore, #tpu.memory_space<semaphore_mem>>)
    %mul3A_12 = arith.constant 624 : i32
    %mul3A_13 = arith.muli %arg1, %mul3A_12 : i32
    "tpu.region"() ({
      %run_scoped3A_289 = tpu.sem_alloc : memref<!tpu.dma_semaphore, #tpu.memory_space<semaphore_mem>>
      tpu.enqueue_dma source(%arg5 : memref<80x128xf32, #tpu.memory_space<hbm>>) target(%arg10 : memref<80x128xf32, #tpu.memory_space<vmem>>) target_semaphore(%run_scoped3A_289 : memref<!tpu.dma_semaphore, #tpu.memory_space<semaphore_mem>>)
      tpu.wait_dma2 semaphore(%run_scoped3A_289 : memref<!tpu.dma_semaphore, #tpu.memory_space<semaphore_mem>>) src(%arg5 : memref<80x128xf32, #tpu.memory_space<hbm>>) dst(%arg10 : memref<80x128xf32, #tpu.memory_space<vmem>>)
      tpu.yield
    }) : () -> ()
    %add3A_14 = arith.constant 0 : i32
    %add3A_15 = arith.addi %mul3A_13, %add3A_14 : i32
    "tpu.region"() ({
      %run_scoped3A_289 = tpu.sem_alloc : memref<!tpu.dma_semaphore, #tpu.memory_space<semaphore_mem>>
      %dma_start3A_290 = arith.constant 0 : i32
      %dma_start3A_291 = arith.constant 0 : i32
      %dma_start3A_292 = tpu.memref_slice %arg10[%dma_start3A_290, %dma_start3A_291] : memref<80x128xf32, #tpu.memory_space<vmem>> -> memref<80x128xf32, #tpu.memory_space<vmem>>
      %dma_start3A_293 = arith.constant 0 : i32
      %dma_start3A_294 = tpu.memref_slice %arg7[%add3A_15, %dma_start3A_293] : memref<10000x128xf32, #tpu.memory_space<vmem_shared>> -> memref<80x128xf32, #tpu.memory_space<vmem_shared>>
      %dma_start3A_295 = arith.constant 0 : i32
      %dma_start3A_296 = tpu.memref_slice %arg7[%add3A_15, %dma_start3A_295] : memref<10000x128xf32, #tpu.memory_space<vmem_shared>> -> memref<80x128xf32, #tpu.memory_space<vmem_shared>>
      %dma_start3A_297 = arith.constant 0 : i32
      %dma_start3A_298 = arith.constant 0 : i32
      %dma_start3A_299 = tpu.memref_slice %arg10[%dma_start3A_297, %dma_start3A_298] : memref<80x128xf32, #tpu.memory_space<vmem>> -> memref<80x128xf32, #tpu.memory_space<vmem>>
      tpu.enqueue_dma source(%dma_start3A_299 : memref<80x128xf32, #tpu.memory_space<vmem>>) target(%dma_start3A_296 : memref<80x128xf32, #tpu.memory_space<vmem_shared>>) target_semaphore(%run_scoped3A_289 : memref<!tpu.dma_semaphore, #tpu.memory_space<semaphore_mem>>)
      %dma_wait3A_300 = arith.constant 0 : i32
      %dma_wait3A_301 = arith.constant 0 : i32
      %dma_wait3A_302 = tpu.memref_slice %arg10[%dma_wait3A_300, %dma_wait3A_301] : memref<80x128xf32, #tpu.memory_space<vmem>> -> memref<80x128xf32, #tpu.memory_space<vmem>>
      %dma_wait3A_303 = arith.constant 0 : i32
      %dma_wait3A_304 = tpu.memref_slice %arg7[%add3A_15, %dma_wait3A_303] : memref<10000x128xf32, #tpu.memory_space<vmem_shared>> -> memref<80x128xf32, #tpu.memory_space<vmem_shared>>
      %dma_wait3A_305 = arith.constant 0 : i32
      %dma_wait3A_306 = tpu.memref_slice %arg7[%add3A_15, %dma_wait3A_305] : memref<10000x128xf32, #tpu.memory_space<vmem_shared>> -> memref<80x128xf32, #tpu.memory_space<vmem_shared>>
      %dma_wait3A_307 = arith.constant 0 : i32
      %dma_wait3A_308 = arith.constant 0 : i32
      %dma_wait3A_309 = tpu.memref_slice %arg10[%dma_wait3A_307, %dma_wait3A_308] : memref<80x128xf32, #tpu.memory_space<vmem>> -> memref<80x128xf32, #tpu.memory_space<vmem>>
      tpu.wait_dma2 semaphore(%run_scoped3A_289 : memref<!tpu.dma_semaphore, #tpu.memory_space<semaphore_mem>>) src(%dma_wait3A_309 : memref<80x128xf32, #tpu.memory_space<vmem>>) dst(%dma_wait3A_306 : memref<80x128xf32, #tpu.memory_space<vmem_shared>>)
      tpu.yield
    }) : () -> ()
    %add3A_16 = arith.constant 80 : i32
    %add3A_17 = arith.addi %mul3A_13, %add3A_16 : i32
    "tpu.region"() ({
      %run_scoped3A_289 = tpu.sem_alloc : memref<!tpu.dma_semaphore, #tpu.memory_space<semaphore_mem>>
      %dma_start3A_290 = arith.constant 0 : i32
      %dma_start3A_291 = arith.constant 0 : i32
      %dma_start3A_292 = tpu.memref_slice %arg10[%dma_start3A_290, %dma_start3A_291] : memref<80x128xf32, #tpu.memory_space<vmem>> -> memref<80x128xf32, #tpu.memory_space<vmem>>
      %dma_start3A_293 = arith.constant 0 : i32
      %dma_start3A_294 = tpu.memref_slice %arg7[%add3A_17, %dma_start3A_293] : memref<10000x128xf32, #tpu.memory_space<vmem_shared>> -> memref<80x128xf32, #tpu.memory_space<vmem_shared>>
      %dma_start3A_295 = arith.constant 0 : i32
      %dma_start3A_296 = tpu.memref_slice %arg7[%add3A_17, %dma_start3A_295] : memref<10000x128xf32, #tpu.memory_space<vmem_shared>> -> memref<80x128xf32, #tpu.memory_space<vmem_shared>>
      %dma_start3A_297 = arith.constant 0 : i32
      %dma_start3A_298 = arith.constant 0 : i32
      %dma_start3A_299 = tpu.memref_slice %arg10[%dma_start3A_297, %dma_start3A_298] : memref<80x128xf32, #tpu.memory_space<vmem>> -> memref<80x128xf32, #tpu.memory_space<vmem>>
      tpu.enqueue_dma source(%dma_start3A_299 : memref<80x128xf32, #tpu.memory_space<vmem>>) target(%dma_start3A_296 : memref<80x128xf32, #tpu.memory_space<vmem_shared>>) target_semaphore(%run_scoped3A_289 : memref<!tpu.dma_semaphore, #tpu.memory_space<semaphore_mem>>)
      %dma_wait3A_300 = arith.constant 0 : i32
      %dma_wait3A_301 = arith.constant 0 : i32
      %dma_wait3A_302 = tpu.memref_slice %arg10[%dma_wait3A_300, %dma_wait3A_301] : memref<80x128xf32, #tpu.memory_space<vmem>> -> memref<80x128xf32, #tpu.memory_space<vmem>>
      %dma_wait3A_303 = arith.constant 0 : i32
      %dma_wait3A_304 = tpu.memref_slice %arg7[%add3A_17, %dma_wait3A_303] : memref<10000x128xf32, #tpu.memory_space<vmem_shared>> -> memref<80x128xf32, #tpu.memory_space<vmem_shared>>
      %dma_wait3A_305 = arith.constant 0 : i32
      %dma_wait3A_306 = tpu.memref_slice %arg7[%add3A_17, %dma_wait3A_305] : memref<10000x128xf32, #tpu.memory_space<vmem_shared>> -> memref<80x128xf32, #tpu.memory_space<vmem_shared>>
      %dma_wait3A_307 = arith.constant 0 : i32
      %dma_wait3A_308 = arith.constant 0 : i32
      %dma_wait3A_309 = tpu.memref_slice %arg10[%dma_wait3A_307, %dma_wait3A_308] : memref<80x128xf32, #tpu.memory_space<vmem>> -> memref<80x128xf32, #tpu.memory_space<vmem>>
      tpu.wait_dma2 semaphore(%run_scoped3A_289 : memref<!tpu.dma_semaphore, #tpu.memory_space<semaphore_mem>>) src(%dma_wait3A_309 : memref<80x128xf32, #tpu.memory_space<vmem>>) dst(%dma_wait3A_306 : memref<80x128xf32, #tpu.memory_space<vmem_shared>>)
      tpu.yield
    }) : () -> ()
    %add3A_18 = arith.constant 160 : i32
    %add3A_19 = arith.addi %mul3A_13, %add3A_18 : i32
    "tpu.region"() ({
      %run_scoped3A_289 = tpu.sem_alloc : memref<!tpu.dma_semaphore, #tpu.memory_space<semaphore_mem>>
      %dma_start3A_290 = arith.constant 0 : i32
      %dma_start3A_291 = arith.constant 0 : i32
      %dma_start3A_292 = tpu.memref_slice %arg10[%dma_start3A_290, %dma_start3A_291] : memref<80x128xf32, #tpu.memory_space<vmem>> -> memref<80x128xf32, #tpu.memory_space<vmem>>
      %dma_start3A_293 = arith.constant 0 : i32
      %dma_start3A_294 = tpu.memref_slice %arg7[%add3A_19, %dma_start3A_293] : memref<10000x128xf32, #tpu.memory_space<vmem_shared>> -> memref<80x128xf32, #tpu.memory_space<vmem_shared>>
      %dma_start3A_295 = arith.constant 0 : i32
      %dma_start3A_296 = tpu.memref_slice %arg7[%add3A_19, %dma_start3A_295] : memref<10000x128xf32, #tpu.memory_space<vmem_shared>> -> memref<80x128xf32, #tpu.memory_space<vmem_shared>>
      %dma_start3A_297 = arith.constant 0 : i32
      %dma_start3A_298 = arith.constant 0 : i32
      %dma_start3A_299 = tpu.memref_slice %arg10[%dma_start3A_297, %dma_start3A_298] : memref<80x128xf32, #tpu.memory_space<vmem>> -> memref<80x128xf32, #tpu.memory_space<vmem>>
      tpu.enqueue_dma source(%dma_start3A_299 : memref<80x128xf32, #tpu.memory_space<vmem>>) target(%dma_start3A_296 : memref<80x128xf32, #tpu.memory_space<vmem_shared>>) target_semaphore(%run_scoped3A_289 : memref<!tpu.dma_semaphore, #tpu.memory_space<semaphore_mem>>)
      %dma_wait3A_300 = arith.constant 0 : i32
      %dma_wait3A_301 = arith.constant 0 : i32
      %dma_wait3A_302 = tpu.memref_slice %arg10[%dma_wait3A_300, %dma_wait3A_301] : memref<80x128xf32, #tpu.memory_space<vmem>> -> memref<80x128xf32, #tpu.memory_space<vmem>>
      %dma_wait3A_303 = arith.constant 0 : i32
      %dma_wait3A_304 = tpu.memref_slice %arg7[%add3A_19, %dma_wait3A_303] : memref<10000x128xf32, #tpu.memory_space<vmem_shared>> -> memref<80x128xf32, #tpu.memory_space<vmem_shared>>
      %dma_wait3A_305 = arith.constant 0 : i32
      %dma_wait3A_306 = tpu.memref_slice %arg7[%add3A_19, %dma_wait3A_305] : memref<10000x128xf32, #tpu.memory_space<vmem_shared>> -> memref<80x128xf32, #tpu.memory_space<vmem_shared>>
      %dma_wait3A_307 = arith.constant 0 : i32
      %dma_wait3A_308 = arith.constant 0 : i32
      %dma_wait3A_309 = tpu.memref_slice %arg10[%dma_wait3A_307, %dma_wait3A_308] : memref<80x128xf32, #tpu.memory_space<vmem>> -> memref<80x128xf32, #tpu.memory_space<vmem>>
      tpu.wait_dma2 semaphore(%run_scoped3A_289 : memref<!tpu.dma_semaphore, #tpu.memory_space<semaphore_mem>>) src(%dma_wait3A_309 : memref<80x128xf32, #tpu.memory_space<vmem>>) dst(%dma_wait3A_306 : memref<80x128xf32, #tpu.memory_space<vmem_shared>>)
      tpu.yield
    }) : () -> ()
    %add3A_20 = arith.constant 240 : i32
    %add3A_21 = arith.addi %mul3A_13, %add3A_20 : i32
    "tpu.region"() ({
      %run_scoped3A_289 = tpu.sem_alloc : memref<!tpu.dma_semaphore, #tpu.memory_space<semaphore_mem>>
      %dma_start3A_290 = arith.constant 0 : i32
      %dma_start3A_291 = arith.constant 0 : i32
      %dma_start3A_292 = tpu.memref_slice %arg10[%dma_start3A_290, %dma_start3A_291] : memref<80x128xf32, #tpu.memory_space<vmem>> -> memref<80x128xf32, #tpu.memory_space<vmem>>
      %dma_start3A_293 = arith.constant 0 : i32
      %dma_start3A_294 = tpu.memref_slice %arg7[%add3A_21, %dma_start3A_293] : memref<10000x128xf32, #tpu.memory_space<vmem_shared>> -> memref<80x128xf32, #tpu.memory_space<vmem_shared>>
      %dma_start3A_295 = arith.constant 0 : i32
      %dma_start3A_296 = tpu.memref_slice %arg7[%add3A_21, %dma_start3A_295] : memref<10000x128xf32, #tpu.memory_space<vmem_shared>> -> memref<80x128xf32, #tpu.memory_space<vmem_shared>>
      %dma_start3A_297 = arith.constant 0 : i32
      %dma_start3A_298 = arith.constant 0 : i32
      %dma_start3A_299 = tpu.memref_slice %arg10[%dma_start3A_297, %dma_start3A_298] : memref<80x128xf32, #tpu.memory_space<vmem>> -> memref<80x128xf32, #tpu.memory_space<vmem>>
      tpu.enqueue_dma source(%dma_start3A_299 : memref<80x128xf32, #tpu.memory_space<vmem>>) target(%dma_start3A_296 : memref<80x128xf32, #tpu.memory_space<vmem_shared>>) target_semaphore(%run_scoped3A_289 : memref<!tpu.dma_semaphore, #tpu.memory_space<semaphore_mem>>)
      %dma_wait3A_300 = arith.constant 0 : i32
      %dma_wait3A_301 = arith.constant 0 : i32
      %dma_wait3A_302 = tpu.memref_slice %arg10[%dma_wait3A_300, %dma_wait3A_301] : memref<80x128xf32, #tpu.memory_space<vmem>> -> memref<80x128xf32, #tpu.memory_space<vmem>>
      %dma_wait3A_303 = arith.constant 0 : i32
      %dma_wait3A_304 = tpu.memref_slice %arg7[%add3A_21, %dma_wait3A_303] : memref<10000x128xf32, #tpu.memory_space<vmem_shared>> -> memref<80x128xf32, #tpu.memory_space<vmem_shared>>
      %dma_wait3A_305 = arith.constant 0 : i32
      %dma_wait3A_306 = tpu.memref_slice %arg7[%add3A_21, %dma_wait3A_305] : memref<10000x128xf32, #tpu.memory_space<vmem_shared>> -> memref<80x128xf32, #tpu.memory_space<vmem_shared>>
      %dma_wait3A_307 = arith.constant 0 : i32
      %dma_wait3A_308 = arith.constant 0 : i32
      %dma_wait3A_309 = tpu.memref_slice %arg10[%dma_wait3A_307, %dma_wait3A_308] : memref<80x128xf32, #tpu.memory_space<vmem>> -> memref<80x128xf32, #tpu.memory_space<vmem>>
      tpu.wait_dma2 semaphore(%run_scoped3A_289 : memref<!tpu.dma_semaphore, #tpu.memory_space<semaphore_mem>>) src(%dma_wait3A_309 : memref<80x128xf32, #tpu.memory_space<vmem>>) dst(%dma_wait3A_306 : memref<80x128xf32, #tpu.memory_space<vmem_shared>>)
      tpu.yield
    }) : () -> ()
    %add3A_22 = arith.constant 320 : i32
    %add3A_23 = arith.addi %mul3A_13, %add3A_22 : i32
    "tpu.region"() ({
      %run_scoped3A_289 = tpu.sem_alloc : memref<!tpu.dma_semaphore, #tpu.memory_space<semaphore_mem>>
      %dma_start3A_290 = arith.constant 0 : i32
      %dma_start3A_291 = arith.constant 0 : i32
      %dma_start3A_292 = tpu.memref_slice %arg10[%dma_start3A_290, %dma_start3A_291] : memref<80x128xf32, #tpu.memory_space<vmem>> -> memref<80x128xf32, #tpu.memory_space<vmem>>
      %dma_start3A_293 = arith.constant 0 : i32
      %dma_start3A_294 = tpu.memref_slice %arg7[%add3A_23, %dma_start3A_293] : memref<10000x128xf32, #tpu.memory_space<vmem_shared>> -> memref<80x128xf32, #tpu.memory_space<vmem_shared>>
      %dma_start3A_295 = arith.constant 0 : i32
      %dma_start3A_296 = tpu.memref_slice %arg7[%add3A_23, %dma_start3A_295] : memref<10000x128xf32, #tpu.memory_space<vmem_shared>> -> memref<80x128xf32, #tpu.memory_space<vmem_shared>>
      %dma_start3A_297 = arith.constant 0 : i32
      %dma_start3A_298 = arith.constant 0 : i32
      %dma_start3A_299 = tpu.memref_slice %arg10[%dma_start3A_297, %dma_start3A_298] : memref<80x128xf32, #tpu.memory_space<vmem>> -> memref<80x128xf32, #tpu.memory_space<vmem>>
      tpu.enqueue_dma source(%dma_start3A_299 : memref<80x128xf32, #tpu.memory_space<vmem>>) target(%dma_start3A_296 : memref<80x128xf32, #tpu.memory_space<vmem_shared>>) target_semaphore(%run_scoped3A_289 : memref<!tpu.dma_semaphore, #tpu.memory_space<semaphore_mem>>)
      %dma_wait3A_300 = arith.constant 0 : i32
      %dma_wait3A_301 = arith.constant 0 : i32
      %dma_wait3A_302 = tpu.memref_slice %arg10[%dma_wait3A_300, %dma_wait3A_301] : memref<80x128xf32, #tpu.memory_space<vmem>> -> memref<80x128xf32, #tpu.memory_space<vmem>>
      %dma_wait3A_303 = arith.constant 0 : i32
      %dma_wait3A_304 = tpu.memref_slice %arg7[%add3A_23, %dma_wait3A_303] : memref<10000x128xf32, #tpu.memory_space<vmem_shared>> -> memref<80x128xf32, #tpu.memory_space<vmem_shared>>
      %dma_wait3A_305 = arith.constant 0 : i32
      %dma_wait3A_306 = tpu.memref_slice %arg7[%add3A_23, %dma_wait3A_305] : memref<10000x128xf32, #tpu.memory_space<vmem_shared>> -> memref<80x128xf32, #tpu.memory_space<vmem_shared>>
      %dma_wait3A_307 = arith.constant 0 : i32
      %dma_wait3A_308 = arith.constant 0 : i32
      %dma_wait3A_309 = tpu.memref_slice %arg10[%dma_wait3A_307, %dma_wait3A_308] : memref<80x128xf32, #tpu.memory_space<vmem>> -> memref<80x128xf32, #tpu.memory_space<vmem>>
      tpu.wait_dma2 semaphore(%run_scoped3A_289 : memref<!tpu.dma_semaphore, #tpu.memory_space<semaphore_mem>>) src(%dma_wait3A_309 : memref<80x128xf32, #tpu.memory_space<vmem>>) dst(%dma_wait3A_306 : memref<80x128xf32, #tpu.memory_space<vmem_shared>>)
      tpu.yield
    }) : () -> ()
    %add3A_24 = arith.constant 400 : i32
    %add3A_25 = arith.addi %mul3A_13, %add3A_24 : i32
    "tpu.region"() ({
      %run_scoped3A_289 = tpu.sem_alloc : memref<!tpu.dma_semaphore, #tpu.memory_space<semaphore_mem>>
      %dma_start3A_290 = arith.constant 0 : i32
      %dma_start3A_291 = arith.constant 0 : i32
      %dma_start3A_292 = tpu.memref_slice %arg10[%dma_start3A_290, %dma_start3A_291] : memref<80x128xf32, #tpu.memory_space<vmem>> -> memref<80x128xf32, #tpu.memory_space<vmem>>
      %dma_start3A_293 = arith.constant 0 : i32
      %dma_start3A_294 = tpu.memref_slice %arg7[%add3A_25, %dma_start3A_293] : memref<10000x128xf32, #tpu.memory_space<vmem_shared>> -> memref<80x128xf32, #tpu.memory_space<vmem_shared>>
      %dma_start3A_295 = arith.constant 0 : i32
      %dma_start3A_296 = tpu.memref_slice %arg7[%add3A_25, %dma_start3A_295] : memref<10000x128xf32, #tpu.memory_space<vmem_shared>> -> memref<80x128xf32, #tpu.memory_space<vmem_shared>>
      %dma_start3A_297 = arith.constant 0 : i32
      %dma_start3A_298 = arith.constant 0 : i32
      %dma_start3A_299 = tpu.memref_slice %arg10[%dma_start3A_297, %dma_start3A_298] : memref<80x128xf32, #tpu.memory_space<vmem>> -> memref<80x128xf32, #tpu.memory_space<vmem>>
      tpu.enqueue_dma source(%dma_start3A_299 : memref<80x128xf32, #tpu.memory_space<vmem>>) target(%dma_start3A_296 : memref<80x128xf32, #tpu.memory_space<vmem_shared>>) target_semaphore(%run_scoped3A_289 : memref<!tpu.dma_semaphore, #tpu.memory_space<semaphore_mem>>)
      %dma_wait3A_300 = arith.constant 0 : i32
      %dma_wait3A_301 = arith.constant 0 : i32
      %dma_wait3A_302 = tpu.memref_slice %arg10[%dma_wait3A_300, %dma_wait3A_301] : memref<80x128xf32, #tpu.memory_space<vmem>> -> memref<80x128xf32, #tpu.memory_space<vmem>>
      %dma_wait3A_303 = arith.constant 0 : i32
      %dma_wait3A_304 = tpu.memref_slice %arg7[%add3A_25, %dma_wait3A_303] : memref<10000x128xf32, #tpu.memory_space<vmem_shared>> -> memref<80x128xf32, #tpu.memory_space<vmem_shared>>
      %dma_wait3A_305 = arith.constant 0 : i32
      %dma_wait3A_306 = tpu.memref_slice %arg7[%add3A_25, %dma_wait3A_305] : memref<10000x128xf32, #tpu.memory_space<vmem_shared>> -> memref<80x128xf32, #tpu.memory_space<vmem_shared>>
      %dma_wait3A_307 = arith.constant 0 : i32
      %dma_wait3A_308 = arith.constant 0 : i32
      %dma_wait3A_309 = tpu.memref_slice %arg10[%dma_wait3A_307, %dma_wait3A_308] : memref<80x128xf32, #tpu.memory_space<vmem>> -> memref<80x128xf32, #tpu.memory_space<vmem>>
      tpu.wait_dma2 semaphore(%run_scoped3A_289 : memref<!tpu.dma_semaphore, #tpu.memory_space<semaphore_mem>>) src(%dma_wait3A_309 : memref<80x128xf32, #tpu.memory_space<vmem>>) dst(%dma_wait3A_306 : memref<80x128xf32, #tpu.memory_space<vmem_shared>>)
      tpu.yield
    }) : () -> ()
    %add3A_26 = arith.constant 480 : i32
    %add3A_27 = arith.addi %mul3A_13, %add3A_26 : i32
    "tpu.region"() ({
      %run_scoped3A_289 = tpu.sem_alloc : memref<!tpu.dma_semaphore, #tpu.memory_space<semaphore_mem>>
      %dma_start3A_290 = arith.constant 0 : i32
      %dma_start3A_291 = arith.constant 0 : i32
      %dma_start3A_292 = tpu.memref_slice %arg10[%dma_start3A_290, %dma_start3A_291] : memref<80x128xf32, #tpu.memory_space<vmem>> -> memref<80x128xf32, #tpu.memory_space<vmem>>
      %dma_start3A_293 = arith.constant 0 : i32
      %dma_start3A_294 = tpu.memref_slice %arg7[%add3A_27, %dma_start3A_293] : memref<10000x128xf32, #tpu.memory_space<vmem_shared>> -> memref<80x128xf32, #tpu.memory_space<vmem_shared>>
      %dma_start3A_295 = arith.constant 0 : i32
      %dma_start3A_296 = tpu.memref_slice %arg7[%add3A_27, %dma_start3A_295] : memref<10000x128xf32, #tpu.memory_space<vmem_shared>> -> memref<80x128xf32, #tpu.memory_space<vmem_shared>>
      %dma_start3A_297 = arith.constant 0 : i32
      %dma_start3A_298 = arith.constant 0 : i32
      %dma_start3A_299 = tpu.memref_slice %arg10[%dma_start3A_297, %dma_start3A_298] : memref<80x128xf32, #tpu.memory_space<vmem>> -> memref<80x128xf32, #tpu.memory_space<vmem>>
      tpu.enqueue_dma source(%dma_start3A_299 : memref<80x128xf32, #tpu.memory_space<vmem>>) target(%dma_start3A_296 : memref<80x128xf32, #tpu.memory_space<vmem_shared>>) target_semaphore(%run_scoped3A_289 : memref<!tpu.dma_semaphore, #tpu.memory_space<semaphore_mem>>)
      %dma_wait3A_300 = arith.constant 0 : i32
      %dma_wait3A_301 = arith.constant 0 : i32
      %dma_wait3A_302 = tpu.memref_slice %arg10[%dma_wait3A_300, %dma_wait3A_301] : memref<80x128xf32, #tpu.memory_space<vmem>> -> memref<80x128xf32, #tpu.memory_space<vmem>>
      %dma_wait3A_303 = arith.constant 0 : i32
      %dma_wait3A_304 = tpu.memref_slice %arg7[%add3A_27, %dma_wait3A_303] : memref<10000x128xf32, #tpu.memory_space<vmem_shared>> -> memref<80x128xf32, #tpu.memory_space<vmem_shared>>
      %dma_wait3A_305 = arith.constant 0 : i32
      %dma_wait3A_306 = tpu.memref_slice %arg7[%add3A_27, %dma_wait3A_305] : memref<10000x128xf32, #tpu.memory_space<vmem_shared>> -> memref<80x128xf32, #tpu.memory_space<vmem_shared>>
      %dma_wait3A_307 = arith.constant 0 : i32
      %dma_wait3A_308 = arith.constant 0 : i32
      %dma_wait3A_309 = tpu.memref_slice %arg10[%dma_wait3A_307, %dma_wait3A_308] : memref<80x128xf32, #tpu.memory_space<vmem>> -> memref<80x128xf32, #tpu.memory_space<vmem>>
      tpu.wait_dma2 semaphore(%run_scoped3A_289 : memref<!tpu.dma_semaphore, #tpu.memory_space<semaphore_mem>>) src(%dma_wait3A_309 : memref<80x128xf32, #tpu.memory_space<vmem>>) dst(%dma_wait3A_306 : memref<80x128xf32, #tpu.memory_space<vmem_shared>>)
      tpu.yield
    }) : () -> ()
    %add3A_28 = arith.constant 560 : i32
    %add3A_29 = arith.addi %mul3A_13, %add3A_28 : i32
    "tpu.region"() ({
      %run_scoped3A_289 = tpu.sem_alloc : memref<!tpu.dma_semaphore, #tpu.memory_space<semaphore_mem>>
      %dma_start3A_290 = arith.constant 0 : i32
      %dma_start3A_291 = arith.constant 0 : i32
      %dma_start3A_292 = tpu.memref_slice %arg10[%dma_start3A_290, %dma_start3A_291] : memref<80x128xf32, #tpu.memory_space<vmem>> -> memref<64x128xf32, #tpu.memory_space<vmem>>
      %dma_start3A_293 = arith.constant 0 : i32
      %dma_start3A_294 = tpu.memref_slice %arg7[%add3A_29, %dma_start3A_293] : memref<10000x128xf32, #tpu.memory_space<vmem_shared>> -> memref<64x128xf32, #tpu.memory_space<vmem_shared>>
      %dma_start3A_295 = arith.constant 0 : i32
      %dma_start3A_296 = tpu.memref_slice %arg7[%add3A_29, %dma_start3A_295] : memref<10000x128xf32, #tpu.memory_space<vmem_shared>> -> memref<64x128xf32, #tpu.memory_space<vmem_shared>>
      %dma_start3A_297 = arith.constant 0 : i32
      %dma_start3A_298 = arith.constant 0 : i32
      %dma_start3A_299 = tpu.memref_slice %arg10[%dma_start3A_297, %dma_start3A_298] : memref<80x128xf32, #tpu.memory_space<vmem>> -> memref<64x128xf32, #tpu.memory_space<vmem>>
      tpu.enqueue_dma source(%dma_start3A_299 : memref<64x128xf32, #tpu.memory_space<vmem>>) target(%dma_start3A_296 : memref<64x128xf32, #tpu.memory_space<vmem_shared>>) target_semaphore(%run_scoped3A_289 : memref<!tpu.dma_semaphore, #tpu.memory_space<semaphore_mem>>)
      %dma_wait3A_300 = arith.constant 0 : i32
      %dma_wait3A_301 = arith.constant 0 : i32
      %dma_wait3A_302 = tpu.memref_slice %arg10[%dma_wait3A_300, %dma_wait3A_301] : memref<80x128xf32, #tpu.memory_space<vmem>> -> memref<64x128xf32, #tpu.memory_space<vmem>>
      %dma_wait3A_303 = arith.constant 0 : i32
      %dma_wait3A_304 = tpu.memref_slice %arg7[%add3A_29, %dma_wait3A_303] : memref<10000x128xf32, #tpu.memory_space<vmem_shared>> -> memref<64x128xf32, #tpu.memory_space<vmem_shared>>
      %dma_wait3A_305 = arith.constant 0 : i32
      %dma_wait3A_306 = tpu.memref_slice %arg7[%add3A_29, %dma_wait3A_305] : memref<10000x128xf32, #tpu.memory_space<vmem_shared>> -> memref<64x128xf32, #tpu.memory_space<vmem_shared>>
      %dma_wait3A_307 = arith.constant 0 : i32
      %dma_wait3A_308 = arith.constant 0 : i32
      %dma_wait3A_309 = tpu.memref_slice %arg10[%dma_wait3A_307, %dma_wait3A_308] : memref<80x128xf32, #tpu.memory_space<vmem>> -> memref<64x128xf32, #tpu.memory_space<vmem>>
      tpu.wait_dma2 semaphore(%run_scoped3A_289 : memref<!tpu.dma_semaphore, #tpu.memory_space<semaphore_mem>>) src(%dma_wait3A_309 : memref<64x128xf32, #tpu.memory_space<vmem>>) dst(%dma_wait3A_306 : memref<64x128xf32, #tpu.memory_space<vmem_shared>>)
      tpu.yield
    }) : () -> ()
    %eq3A = arith.constant 0 : i32
    %eq3A_30 = arith.cmpi eq, %arg1, %eq3A : i32
    %convert_element_type3A = arith.extui %eq3A_30 : i1 to i32
    %cond3A = arith.constant 0 : i32
    %cond3A_31 = arith.cmpi ne, %convert_element_type3A, %cond3A : i32
    scf.if %cond3A_31 {
      "tpu.region"() ({
        %run_scoped3A_289 = tpu.sem_alloc : memref<!tpu.dma_semaphore, #tpu.memory_space<semaphore_mem>>
        %dma_start3A_290 = arith.constant 0 : i32
        %dma_start3A_291 = arith.constant 0 : i32
        %dma_start3A_292 = tpu.memref_slice %arg10[%dma_start3A_290, %dma_start3A_291] : memref<80x128xf32, #tpu.memory_space<vmem>> -> memref<16x128xf32, #tpu.memory_space<vmem>>
        %dma_start3A_293 = arith.constant 9984 : i32
        %dma_start3A_294 = arith.constant 0 : i32
        %dma_start3A_295 = tpu.memref_slice %arg7[%dma_start3A_293, %dma_start3A_294] : memref<10000x128xf32, #tpu.memory_space<vmem_shared>> -> memref<16x128xf32, #tpu.memory_space<vmem_shared>>
        %dma_start3A_296 = arith.constant 9984 : i32
        %dma_start3A_297 = arith.constant 0 : i32
        %dma_start3A_298 = tpu.memref_slice %arg7[%dma_start3A_296, %dma_start3A_297] : memref<10000x128xf32, #tpu.memory_space<vmem_shared>> -> memref<16x128xf32, #tpu.memory_space<vmem_shared>>
        %dma_start3A_299 = arith.constant 0 : i32
        %dma_start3A_300 = arith.constant 0 : i32
        %dma_start3A_301 = tpu.memref_slice %arg10[%dma_start3A_299, %dma_start3A_300] : memref<80x128xf32, #tpu.memory_space<vmem>> -> memref<16x128xf32, #tpu.memory_space<vmem>>
        tpu.enqueue_dma source(%dma_start3A_301 : memref<16x128xf32, #tpu.memory_space<vmem>>) target(%dma_start3A_298 : memref<16x128xf32, #tpu.memory_space<vmem_shared>>) target_semaphore(%run_scoped3A_289 : memref<!tpu.dma_semaphore, #tpu.memory_space<semaphore_mem>>)
        %dma_wait3A_302 = arith.constant 0 : i32
        %dma_wait3A_303 = arith.constant 0 : i32
        %dma_wait3A_304 = tpu.memref_slice %arg10[%dma_wait3A_302, %dma_wait3A_303] : memref<80x128xf32, #tpu.memory_space<vmem>> -> memref<16x128xf32, #tpu.memory_space<vmem>>
        %dma_wait3A_305 = arith.constant 9984 : i32
        %dma_wait3A_306 = arith.constant 0 : i32
        %dma_wait3A_307 = tpu.memref_slice %arg7[%dma_wait3A_305, %dma_wait3A_306] : memref<10000x128xf32, #tpu.memory_space<vmem_shared>> -> memref<16x128xf32, #tpu.memory_space<vmem_shared>>
        %dma_wait3A_308 = arith.constant 9984 : i32
        %dma_wait3A_309 = arith.constant 0 : i32
        %dma_wait3A_310 = tpu.memref_slice %arg7[%dma_wait3A_308, %dma_wait3A_309] : memref<10000x128xf32, #tpu.memory_space<vmem_shared>> -> memref<16x128xf32, #tpu.memory_space<vmem_shared>>
        %dma_wait3A_311 = arith.constant 0 : i32
        %dma_wait3A_312 = arith.constant 0 : i32
        %dma_wait3A_313 = tpu.memref_slice %arg10[%dma_wait3A_311, %dma_wait3A_312] : memref<80x128xf32, #tpu.memory_space<vmem>> -> memref<16x128xf32, #tpu.memory_space<vmem>>
        tpu.wait_dma2 semaphore(%run_scoped3A_289 : memref<!tpu.dma_semaphore, #tpu.memory_space<semaphore_mem>>) src(%dma_wait3A_313 : memref<16x128xf32, #tpu.memory_space<vmem>>) dst(%dma_wait3A_310 : memref<16x128xf32, #tpu.memory_space<vmem_shared>>)
        tpu.yield
      }) : () -> ()
    } else {
    }
    %mul3A_32 = arith.constant 10000 : i32
    %mul3A_33 = arith.muli %add3A, %mul3A_32 : i32
    %dma_wait3A = tpu.memref_slice %arg3[%mul3A_33] : memref<320000xi32, #tpu.memory_space<hbm>> -> memref<10000xi32, #tpu.memory_space<hbm>>
    %dma_wait3A_34 = tpu.memref_slice %arg3[%mul3A_33] : memref<320000xi32, #tpu.memory_space<hbm>> -> memref<10000xi32, #tpu.memory_space<hbm>>
    tpu.wait_dma2 semaphore(%arg11 : memref<!tpu.dma_semaphore, #tpu.memory_space<semaphore_mem>>) src(%dma_wait3A_34 : memref<10000xi32, #tpu.memory_space<hbm>>) dst(%arg13 : memref<10000xi32, #tpu.memory_space<vmem>>)
    %dma_wait3A_35 = arith.constant 0 : i32
    %dma_wait3A_36 = arith.constant 0 : i32
    %dma_wait3A_37 = tpu.memref_slice %arg4[%add3A, %dma_wait3A_35, %dma_wait3A_36] : memref<32x125x80xi32, #tpu.memory_space<hbm>> -> memref<1x125x80xi32, #tpu.memory_space<hbm>>
    %dma_wait3A_38 = tpu.memref_squeeze %dma_wait3A_37 : memref<1x125x80xi32, #tpu.memory_space<hbm>> -> memref<125x80xi32, #tpu.memory_space<hbm>>
    %dma_wait3A_39 = arith.constant 0 : i32
    %dma_wait3A_40 = arith.constant 0 : i32
    %dma_wait3A_41 = tpu.memref_slice %arg4[%add3A, %dma_wait3A_39, %dma_wait3A_40] : memref<32x125x80xi32, #tpu.memory_space<hbm>> -> memref<1x125x80xi32, #tpu.memory_space<hbm>>
    %dma_wait3A_42 = tpu.memref_squeeze %dma_wait3A_41 : memref<1x125x80xi32, #tpu.memory_space<hbm>> -> memref<125x80xi32, #tpu.memory_space<hbm>>
    tpu.wait_dma2 semaphore(%arg12 : memref<!tpu.dma_semaphore, #tpu.memory_space<semaphore_mem>>) src(%dma_wait3A_42 : memref<125x80xi32, #tpu.memory_space<hbm>>) dst(%arg8 : memref<125x80xi32, #tpu.memory_space<vmem>>)
    %dma_start3A_43 = arith.constant 0 : i32
    %dma_start3A_44 = tpu.memref_slice %arg13[%dma_start3A_43] : memref<10000xi32, #tpu.memory_space<vmem>> -> memref<80xi32, #tpu.memory_space<vmem>>
    %dma_start3A_45 = arith.constant 0 : i32
    %dma_start3A_46 = arith.constant 0 : i32
    %dma_start3A_47 = tpu.memref_slice %arg2[%dma_start3A_45, %dma_start3A_46] : memref<10000x128xf32, #tpu.memory_space<hbm>> -> memref<10000x128xf32, #tpu.memory_space<hbm>>
    tpu.enqueue_indirect_dma source(%dma_start3A_47 : memref<10000x128xf32, #tpu.memory_space<hbm>>) target(%arg9 : memref<80x128xf32, #tpu.memory_space<vmem>>) offsets(%dma_start3A_44 : memref<80xi32, #tpu.memory_space<vmem>>) semaphore(%arg11 : memref<!tpu.dma_semaphore, #tpu.memory_space<semaphore_mem>>)
    %barrier3A = arith.constant 0 : index
    tpu.barrier barrier_id(%barrier3A)
    %scan3A = arith.constant 0 : i32
    %scan3A_48 = arith.constant 0 : i32
    %scan3A_49 = arith.constant 62 : i32
    %scan3A_50 = arith.addi %scan3A_48, %scan3A_49 : i32
    %scan3A_51 = arith.constant 1 : i32
    %scan3A_52 = scf.for %scan3A_289 = %scan3A_48 to %scan3A_50 step %scan3A_51 iter_args(%scan3A_290 = %scan3A) -> (i32)  : i32 {
      %mul3A_291 = arith.constant 2 : i32
      %mul3A_292 = arith.muli %mul3A_291, %scan3A_289 : i32
      %add3A_293 = arith.constant 1 : i32
      %add3A_294 = arith.addi %mul3A_292, %add3A_293 : i32
      %mul3A_295 = arith.constant 80 : i32
      %mul3A_296 = arith.muli %add3A_294, %mul3A_295 : i32
      %dma_start3A_297 = tpu.memref_slice %arg13[%mul3A_296] : memref<10000xi32, #tpu.memory_space<vmem>> -> memref<80xi32, #tpu.memory_space<vmem>>
      %dma_start3A_298 = arith.constant 0 : i32
      %dma_start3A_299 = arith.constant 0 : i32
      %dma_start3A_300 = tpu.memref_slice %arg2[%dma_start3A_298, %dma_start3A_299] : memref<10000x128xf32, #tpu.memory_space<hbm>> -> memref<10000x128xf32, #tpu.memory_space<hbm>>
      tpu.enqueue_indirect_dma source(%dma_start3A_300 : memref<10000x128xf32, #tpu.memory_space<hbm>>) target(%arg10 : memref<80x128xf32, #tpu.memory_space<vmem>>) offsets(%dma_start3A_297 : memref<80xi32, #tpu.memory_space<vmem>>) semaphore(%arg12 : memref<!tpu.dma_semaphore, #tpu.memory_space<semaphore_mem>>)
      %mul3A_301 = arith.constant 80 : i32
      %mul3A_302 = arith.muli %mul3A_292, %mul3A_301 : i32
      %dma_wait3A_303 = tpu.memref_slice %arg13[%mul3A_302] : memref<10000xi32, #tpu.memory_space<vmem>> -> memref<80xi32, #tpu.memory_space<vmem>>
      %dma_wait3A_304 = arith.constant 0 : i32
      %dma_wait3A_305 = arith.constant 0 : i32
      %dma_wait3A_306 = tpu.memref_slice %arg2[%dma_wait3A_304, %dma_wait3A_305] : memref<10000x128xf32, #tpu.memory_space<hbm>> -> memref<10000x128xf32, #tpu.memory_space<hbm>>
      tpu.wait_indirect_dma semaphore(%arg11 : memref<!tpu.dma_semaphore, #tpu.memory_space<semaphore_mem>>) src(%dma_wait3A_306 : memref<10000x128xf32, #tpu.memory_space<hbm>>) dst(%arg9 : memref<80x128xf32, #tpu.memory_space<vmem>>)
      "tpu.region"() ({
        %run_scoped3A_324 = tpu.sem_alloc : memref<!tpu.dma_semaphore, #tpu.memory_space<semaphore_mem>>
        %dma_start3A_325 = arith.constant 0 : i32
        %dma_start3A_326 = tpu.memref_slice %arg8[%mul3A_292, %dma_start3A_325] : memref<125x80xi32, #tpu.memory_space<vmem>> -> memref<1x80xi32, #tpu.memory_space<vmem>>
        %dma_start3A_327 = tpu.memref_squeeze %dma_start3A_326 : memref<1x80xi32, #tpu.memory_space<vmem>> -> memref<80xi32, #tpu.memory_space<vmem>>
        %dma_start3A_328 = arith.constant 0 : i32
        %dma_start3A_329 = arith.constant 0 : i32
        %dma_start3A_330 = tpu.memref_slice %arg7[%dma_start3A_328, %dma_start3A_329] : memref<10000x128xf32, #tpu.memory_space<vmem_shared>> -> memref<10000x128xf32, #tpu.memory_space<vmem_shared>>
        tpu.enqueue_indirect_dma source(%arg9 : memref<80x128xf32, #tpu.memory_space<vmem>>) target(%dma_start3A_330 : memref<10000x128xf32, #tpu.memory_space<vmem_shared>>) offsets(%dma_start3A_327 : memref<80xi32, #tpu.memory_space<vmem>>) semaphore(%run_scoped3A_324 : memref<!tpu.dma_semaphore, #tpu.memory_space<semaphore_mem>>) {add = true}
        %dma_wait3A_331 = arith.constant 0 : i32
        %dma_wait3A_332 = tpu.memref_slice %arg8[%mul3A_292, %dma_wait3A_331] : memref<125x80xi32, #tpu.memory_space<vmem>> -> memref<1x80xi32, #tpu.memory_space<vmem>>
        %dma_wait3A_333 = tpu.memref_squeeze %dma_wait3A_332 : memref<1x80xi32, #tpu.memory_space<vmem>> -> memref<80xi32, #tpu.memory_space<vmem>>
        %dma_wait3A_334 = arith.constant 0 : i32
        %dma_wait3A_335 = arith.constant 0 : i32
        %dma_wait3A_336 = tpu.memref_slice %arg7[%dma_wait3A_334, %dma_wait3A_335] : memref<10000x128xf32, #tpu.memory_space<vmem_shared>> -> memref<10000x128xf32, #tpu.memory_space<vmem_shared>>
        tpu.wait_indirect_dma semaphore(%run_scoped3A_324 : memref<!tpu.dma_semaphore, #tpu.memory_space<semaphore_mem>>) src(%arg9 : memref<80x128xf32, #tpu.memory_space<vmem>>) dst(%dma_wait3A_336 : memref<10000x128xf32, #tpu.memory_space<vmem_shared>>)
        tpu.yield
      }) : () -> ()
      %add3A_307 = arith.constant 2 : i32
      %add3A_308 = arith.addi %mul3A_292, %add3A_307 : i32
      %lt3A = arith.constant 125 : i32
      %lt3A_309 = arith.cmpi slt, %add3A_308, %lt3A : i32
      %convert_element_type3A_310 = arith.extui %lt3A_309 : i1 to i32
      %cond3A_311 = arith.constant 0 : i32
      %cond3A_312 = arith.cmpi ne, %convert_element_type3A_310, %cond3A_311 : i32
      scf.if %cond3A_312 {
        %add3A_324 = arith.constant 2 : i32
        %add3A_325 = arith.addi %mul3A_292, %add3A_324 : i32
        %mul3A_326 = arith.constant 80 : i32
        %mul3A_327 = arith.muli %add3A_325, %mul3A_326 : i32
        %dma_start3A_328 = tpu.memref_slice %arg13[%mul3A_327] : memref<10000xi32, #tpu.memory_space<vmem>> -> memref<80xi32, #tpu.memory_space<vmem>>
        %dma_start3A_329 = arith.constant 0 : i32
        %dma_start3A_330 = arith.constant 0 : i32
        %dma_start3A_331 = tpu.memref_slice %arg2[%dma_start3A_329, %dma_start3A_330] : memref<10000x128xf32, #tpu.memory_space<hbm>> -> memref<10000x128xf32, #tpu.memory_space<hbm>>
        tpu.enqueue_indirect_dma source(%dma_start3A_331 : memref<10000x128xf32, #tpu.memory_space<hbm>>) target(%arg9 : memref<80x128xf32, #tpu.memory_space<vmem>>) offsets(%dma_start3A_328 : memref<80xi32, #tpu.memory_space<vmem>>) semaphore(%arg11 : memref<!tpu.dma_semaphore, #tpu.memory_space<semaphore_mem>>)
      } else {
      }
      %add3A_313 = arith.constant 1 : i32
      %add3A_314 = arith.addi %mul3A_292, %add3A_313 : i32
      %mul3A_315 = arith.constant 80 : i32
      %mul3A_316 = arith.muli %add3A_314, %mul3A_315 : i32
      %dma_wait3A_317 = tpu.memref_slice %arg13[%mul3A_316] : memref<10000xi32, #tpu.memory_space<vmem>> -> memref<80xi32, #tpu.memory_space<vmem>>
      %dma_wait3A_318 = arith.constant 0 : i32
      %dma_wait3A_319 = arith.constant 0 : i32
      %dma_wait3A_320 = tpu.memref_slice %arg2[%dma_wait3A_318, %dma_wait3A_319] : memref<10000x128xf32, #tpu.memory_space<hbm>> -> memref<10000x128xf32, #tpu.memory_space<hbm>>
      tpu.wait_indirect_dma semaphore(%arg12 : memref<!tpu.dma_semaphore, #tpu.memory_space<semaphore_mem>>) src(%dma_wait3A_320 : memref<10000x128xf32, #tpu.memory_space<hbm>>) dst(%arg10 : memref<80x128xf32, #tpu.memory_space<vmem>>)
      %add3A_321 = arith.constant 1 : i32
      %add3A_322 = arith.addi %mul3A_292, %add3A_321 : i32
      "tpu.region"() ({
        %run_scoped3A_324 = tpu.sem_alloc : memref<!tpu.dma_semaphore, #tpu.memory_space<semaphore_mem>>
        %dma_start3A_325 = arith.constant 0 : i32
        %dma_start3A_326 = tpu.memref_slice %arg8[%add3A_322, %dma_start3A_325] : memref<125x80xi32, #tpu.memory_space<vmem>> -> memref<1x80xi32, #tpu.memory_space<vmem>>
        %dma_start3A_327 = tpu.memref_squeeze %dma_start3A_326 : memref<1x80xi32, #tpu.memory_space<vmem>> -> memref<80xi32, #tpu.memory_space<vmem>>
        %dma_start3A_328 = arith.constant 0 : i32
        %dma_start3A_329 = arith.constant 0 : i32
        %dma_start3A_330 = tpu.memref_slice %arg7[%dma_start3A_328, %dma_start3A_329] : memref<10000x128xf32, #tpu.memory_space<vmem_shared>> -> memref<10000x128xf32, #tpu.memory_space<vmem_shared>>
        tpu.enqueue_indirect_dma source(%arg10 : memref<80x128xf32, #tpu.memory_space<vmem>>) target(%dma_start3A_330 : memref<10000x128xf32, #tpu.memory_space<vmem_shared>>) offsets(%dma_start3A_327 : memref<80xi32, #tpu.memory_space<vmem>>) semaphore(%run_scoped3A_324 : memref<!tpu.dma_semaphore, #tpu.memory_space<semaphore_mem>>) {add = true}
        %dma_wait3A_331 = arith.constant 0 : i32
        %dma_wait3A_332 = tpu.memref_slice %arg8[%add3A_322, %dma_wait3A_331] : memref<125x80xi32, #tpu.memory_space<vmem>> -> memref<1x80xi32, #tpu.memory_space<vmem>>
        %dma_wait3A_333 = tpu.memref_squeeze %dma_wait3A_332 : memref<1x80xi32, #tpu.memory_space<vmem>> -> memref<80xi32, #tpu.memory_space<vmem>>
        %dma_wait3A_334 = arith.constant 0 : i32
        %dma_wait3A_335 = arith.constant 0 : i32
        %dma_wait3A_336 = tpu.memref_slice %arg7[%dma_wait3A_334, %dma_wait3A_335] : memref<10000x128xf32, #tpu.memory_space<vmem_shared>> -> memref<10000x128xf32, #tpu.memory_space<vmem_shared>>
        tpu.wait_indirect_dma semaphore(%run_scoped3A_324 : memref<!tpu.dma_semaphore, #tpu.memory_space<semaphore_mem>>) src(%arg10 : memref<80x128xf32, #tpu.memory_space<vmem>>) dst(%dma_wait3A_336 : memref<10000x128xf32, #tpu.memory_space<vmem_shared>>)
        tpu.yield
      }) : () -> ()
      %scan3A_323 = arith.constant 0 : i32
      scf.yield %scan3A_323 : i32
    }
    %scan3A_53 = arith.constant 62 : i32
    %dma_wait3A_54 = arith.constant 9920 : i32
    %dma_wait3A_55 = tpu.memref_slice %arg13[%dma_wait3A_54] : memref<10000xi32, #tpu.memory_space<vmem>> -> memref<80xi32, #tpu.memory_space<vmem>>
    %dma_wait3A_56 = arith.constant 0 : i32
    %dma_wait3A_57 = arith.constant 0 : i32
    %dma_wait3A_58 = tpu.memref_slice %arg2[%dma_wait3A_56, %dma_wait3A_57] : memref<10000x128xf32, #tpu.memory_space<hbm>> -> memref<10000x128xf32, #tpu.memory_space<hbm>>
    tpu.wait_indirect_dma semaphore(%arg11 : memref<!tpu.dma_semaphore, #tpu.memory_space<semaphore_mem>>) src(%dma_wait3A_58 : memref<10000x128xf32, #tpu.memory_space<hbm>>) dst(%arg9 : memref<80x128xf32, #tpu.memory_space<vmem>>)
    %run_scoped3A = arith.constant 124 : i32
    "tpu.region"() ({
      %run_scoped3A_289 = tpu.sem_alloc : memref<!tpu.dma_semaphore, #tpu.memory_space<semaphore_mem>>
      %dma_start3A_290 = arith.constant 0 : i32
      %dma_start3A_291 = tpu.memref_slice %arg8[%run_scoped3A, %dma_start3A_290] : memref<125x80xi32, #tpu.memory_space<vmem>> -> memref<1x80xi32, #tpu.memory_space<vmem>>
      %dma_start3A_292 = tpu.memref_squeeze %dma_start3A_291 : memref<1x80xi32, #tpu.memory_space<vmem>> -> memref<80xi32, #tpu.memory_space<vmem>>
      %dma_start3A_293 = arith.constant 0 : i32
      %dma_start3A_294 = arith.constant 0 : i32
      %dma_start3A_295 = tpu.memref_slice %arg7[%dma_start3A_293, %dma_start3A_294] : memref<10000x128xf32, #tpu.memory_space<vmem_shared>> -> memref<10000x128xf32, #tpu.memory_space<vmem_shared>>
      tpu.enqueue_indirect_dma source(%arg9 : memref<80x128xf32, #tpu.memory_space<vmem>>) target(%dma_start3A_295 : memref<10000x128xf32, #tpu.memory_space<vmem_shared>>) offsets(%dma_start3A_292 : memref<80xi32, #tpu.memory_space<vmem>>) semaphore(%run_scoped3A_289 : memref<!tpu.dma_semaphore, #tpu.memory_space<semaphore_mem>>) {add = true}
      %dma_wait3A_296 = arith.constant 0 : i32
      %dma_wait3A_297 = tpu.memref_slice %arg8[%run_scoped3A, %dma_wait3A_296] : memref<125x80xi32, #tpu.memory_space<vmem>> -> memref<1x80xi32, #tpu.memory_space<vmem>>
      %dma_wait3A_298 = tpu.memref_squeeze %dma_wait3A_297 : memref<1x80xi32, #tpu.memory_space<vmem>> -> memref<80xi32, #tpu.memory_space<vmem>>
      %dma_wait3A_299 = arith.constant 0 : i32
      %dma_wait3A_300 = arith.constant 0 : i32
      %dma_wait3A_301 = tpu.memref_slice %arg7[%dma_wait3A_299, %dma_wait3A_300] : memref<10000x128xf32, #tpu.memory_space<vmem_shared>> -> memref<10000x128xf32, #tpu.memory_space<vmem_shared>>
      tpu.wait_indirect_dma semaphore(%run_scoped3A_289 : memref<!tpu.dma_semaphore, #tpu.memory_space<semaphore_mem>>) src(%arg9 : memref<80x128xf32, #tpu.memory_space<vmem>>) dst(%dma_wait3A_301 : memref<10000x128xf32, #tpu.memory_space<vmem_shared>>)
      tpu.yield
    }) : () -> ()
    %barrier3A_59 = arith.constant 0 : index
    tpu.barrier barrier_id(%barrier3A_59)
    %add3A_60 = arith.constant 0 : i32
    %add3A_61 = arith.addi %mul3A_13, %add3A_60 : i32
    "tpu.region"() ({
      %run_scoped3A_289 = tpu.sem_alloc : memref<!tpu.dma_semaphore, #tpu.memory_space<semaphore_mem>>
      %dma_start3A_290 = arith.constant 0 : i32
      %dma_start3A_291 = arith.constant 0 : i32
      %dma_start3A_292 = tpu.memref_slice %arg9[%dma_start3A_290, %dma_start3A_291] : memref<80x128xf32, #tpu.memory_space<vmem>> -> memref<80x128xf32, #tpu.memory_space<vmem>>
      %dma_start3A_293 = arith.constant 0 : i32
      %dma_start3A_294 = tpu.memref_slice %arg7[%add3A_61, %dma_start3A_293] : memref<10000x128xf32, #tpu.memory_space<vmem_shared>> -> memref<80x128xf32, #tpu.memory_space<vmem_shared>>
      %dma_start3A_295 = arith.constant 0 : i32
      %dma_start3A_296 = arith.constant 0 : i32
      %dma_start3A_297 = tpu.memref_slice %arg9[%dma_start3A_295, %dma_start3A_296] : memref<80x128xf32, #tpu.memory_space<vmem>> -> memref<80x128xf32, #tpu.memory_space<vmem>>
      %dma_start3A_298 = arith.constant 0 : i32
      %dma_start3A_299 = tpu.memref_slice %arg7[%add3A_61, %dma_start3A_298] : memref<10000x128xf32, #tpu.memory_space<vmem_shared>> -> memref<80x128xf32, #tpu.memory_space<vmem_shared>>
      tpu.enqueue_dma source(%dma_start3A_299 : memref<80x128xf32, #tpu.memory_space<vmem_shared>>) target(%dma_start3A_297 : memref<80x128xf32, #tpu.memory_space<vmem>>) target_semaphore(%run_scoped3A_289 : memref<!tpu.dma_semaphore, #tpu.memory_space<semaphore_mem>>)
      %dma_wait3A_300 = arith.constant 0 : i32
      %dma_wait3A_301 = arith.constant 0 : i32
      %dma_wait3A_302 = tpu.memref_slice %arg9[%dma_wait3A_300, %dma_wait3A_301] : memref<80x128xf32, #tpu.memory_space<vmem>> -> memref<80x128xf32, #tpu.memory_space<vmem>>
      %dma_wait3A_303 = arith.constant 0 : i32
      %dma_wait3A_304 = tpu.memref_slice %arg7[%add3A_61, %dma_wait3A_303] : memref<10000x128xf32, #tpu.memory_space<vmem_shared>> -> memref<80x128xf32, #tpu.memory_space<vmem_shared>>
      %dma_wait3A_305 = arith.constant 0 : i32
      %dma_wait3A_306 = arith.constant 0 : i32
      %dma_wait3A_307 = tpu.memref_slice %arg9[%dma_wait3A_305, %dma_wait3A_306] : memref<80x128xf32, #tpu.memory_space<vmem>> -> memref<80x128xf32, #tpu.memory_space<vmem>>
      %dma_wait3A_308 = arith.constant 0 : i32
      %dma_wait3A_309 = tpu.memref_slice %arg7[%add3A_61, %dma_wait3A_308] : memref<10000x128xf32, #tpu.memory_space<vmem_shared>> -> memref<80x128xf32, #tpu.memory_space<vmem_shared>>
      tpu.wait_dma2 semaphore(%run_scoped3A_289 : memref<!tpu.dma_semaphore, #tpu.memory_space<semaphore_mem>>) src(%dma_wait3A_309 : memref<80x128xf32, #tpu.memory_space<vmem_shared>>) dst(%dma_wait3A_307 : memref<80x128xf32, #tpu.memory_space<vmem>>)
      tpu.yield
    }) : () -> ()
    %mul3A_62 = arith.constant 10000 : i32
    %mul3A_63 = arith.muli %arg0, %mul3A_62 : i32
    %add3A_64 = arith.addi %mul3A_63, %add3A_61 : i32
    %dma_start3A_65 = arith.constant 0 : i32
    %dma_start3A_66 = arith.constant 0 : i32
    %dma_start3A_67 = tpu.memref_slice %arg9[%dma_start3A_65, %dma_start3A_66] : memref<80x128xf32, #tpu.memory_space<vmem>> -> memref<80x128xf32, #tpu.memory_space<vmem>>
    %dma_start3A_68 = arith.constant 0 : i32
    %dma_start3A_69 = tpu.memref_slice %arg6[%add3A_64, %dma_start3A_68] : memref<20000x128xf32, #tpu.memory_space<hbm>> -> memref<80x128xf32, #tpu.memory_space<hbm>>
    %dma_start3A_70 = arith.constant 0 : i32
    %dma_start3A_71 = tpu.memref_slice %arg6[%add3A_64, %dma_start3A_70] : memref<20000x128xf32, #tpu.memory_space<hbm>> -> memref<80x128xf32, #tpu.memory_space<hbm>>
    %dma_start3A_72 = arith.constant 0 : i32
    %dma_start3A_73 = arith.constant 0 : i32
    %dma_start3A_74 = tpu.memref_slice %arg9[%dma_start3A_72, %dma_start3A_73] : memref<80x128xf32, #tpu.memory_space<vmem>> -> memref<80x128xf32, #tpu.memory_space<vmem>>
    tpu.enqueue_dma source(%dma_start3A_74 : memref<80x128xf32, #tpu.memory_space<vmem>>) target(%dma_start3A_71 : memref<80x128xf32, #tpu.memory_space<hbm>>) target_semaphore(%arg11 : memref<!tpu.dma_semaphore, #tpu.memory_space<semaphore_mem>>)
    %mul3A_75 = arith.constant 10000 : i32
    %mul3A_76 = arith.muli %arg0, %mul3A_75 : i32
    %add3A_77 = arith.addi %mul3A_76, %add3A_61 : i32
    %add3A_78 = arith.constant 80 : i32
    %add3A_79 = arith.addi %mul3A_13, %add3A_78 : i32
    "tpu.region"() ({
      %run_scoped3A_289 = tpu.sem_alloc : memref<!tpu.dma_semaphore, #tpu.memory_space<semaphore_mem>>
      %dma_start3A_290 = arith.constant 0 : i32
      %dma_start3A_291 = arith.constant 0 : i32
      %dma_start3A_292 = tpu.memref_slice %arg10[%dma_start3A_290, %dma_start3A_291] : memref<80x128xf32, #tpu.memory_space<vmem>> -> memref<80x128xf32, #tpu.memory_space<vmem>>
      %dma_start3A_293 = arith.constant 0 : i32
      %dma_start3A_294 = tpu.memref_slice %arg7[%add3A_79, %dma_start3A_293] : memref<10000x128xf32, #tpu.memory_space<vmem_shared>> -> memref<80x128xf32, #tpu.memory_space<vmem_shared>>
      %dma_start3A_295 = arith.constant 0 : i32
      %dma_start3A_296 = arith.constant 0 : i32
      %dma_start3A_297 = tpu.memref_slice %arg10[%dma_start3A_295, %dma_start3A_296] : memref<80x128xf32, #tpu.memory_space<vmem>> -> memref<80x128xf32, #tpu.memory_space<vmem>>
      %dma_start3A_298 = arith.constant 0 : i32
      %dma_start3A_299 = tpu.memref_slice %arg7[%add3A_79, %dma_start3A_298] : memref<10000x128xf32, #tpu.memory_space<vmem_shared>> -> memref<80x128xf32, #tpu.memory_space<vmem_shared>>
      tpu.enqueue_dma source(%dma_start3A_299 : memref<80x128xf32, #tpu.memory_space<vmem_shared>>) target(%dma_start3A_297 : memref<80x128xf32, #tpu.memory_space<vmem>>) target_semaphore(%run_scoped3A_289 : memref<!tpu.dma_semaphore, #tpu.memory_space<semaphore_mem>>)
      %dma_wait3A_300 = arith.constant 0 : i32
      %dma_wait3A_301 = arith.constant 0 : i32
      %dma_wait3A_302 = tpu.memref_slice %arg10[%dma_wait3A_300, %dma_wait3A_301] : memref<80x128xf32, #tpu.memory_space<vmem>> -> memref<80x128xf32, #tpu.memory_space<vmem>>
      %dma_wait3A_303 = arith.constant 0 : i32
      %dma_wait3A_304 = tpu.memref_slice %arg7[%add3A_79, %dma_wait3A_303] : memref<10000x128xf32, #tpu.memory_space<vmem_shared>> -> memref<80x128xf32, #tpu.memory_space<vmem_shared>>
      %dma_wait3A_305 = arith.constant 0 : i32
      %dma_wait3A_306 = arith.constant 0 : i32
      %dma_wait3A_307 = tpu.memref_slice %arg10[%dma_wait3A_305, %dma_wait3A_306] : memref<80x128xf32, #tpu.memory_space<vmem>> -> memref<80x128xf32, #tpu.memory_space<vmem>>
      %dma_wait3A_308 = arith.constant 0 : i32
      %dma_wait3A_309 = tpu.memref_slice %arg7[%add3A_79, %dma_wait3A_308] : memref<10000x128xf32, #tpu.memory_space<vmem_shared>> -> memref<80x128xf32, #tpu.memory_space<vmem_shared>>
      tpu.wait_dma2 semaphore(%run_scoped3A_289 : memref<!tpu.dma_semaphore, #tpu.memory_space<semaphore_mem>>) src(%dma_wait3A_309 : memref<80x128xf32, #tpu.memory_space<vmem_shared>>) dst(%dma_wait3A_307 : memref<80x128xf32, #tpu.memory_space<vmem>>)
      tpu.yield
    }) : () -> ()
    %mul3A_80 = arith.constant 10000 : i32
    %mul3A_81 = arith.muli %arg0, %mul3A_80 : i32
    %add3A_82 = arith.addi %mul3A_81, %add3A_79 : i32
    %dma_start3A_83 = arith.constant 0 : i32
    %dma_start3A_84 = arith.constant 0 : i32
    %dma_start3A_85 = tpu.memref_slice %arg10[%dma_start3A_83, %dma_start3A_84] : memref<80x128xf32, #tpu.memory_space<vmem>> -> memref<80x128xf32, #tpu.memory_space<vmem>>
    %dma_start3A_86 = arith.constant 0 : i32
    %dma_start3A_87 = tpu.memref_slice %arg6[%add3A_82, %dma_start3A_86] : memref<20000x128xf32, #tpu.memory_space<hbm>> -> memref<80x128xf32, #tpu.memory_space<hbm>>
    %dma_start3A_88 = arith.constant 0 : i32
    %dma_start3A_89 = tpu.memref_slice %arg6[%add3A_82, %dma_start3A_88] : memref<20000x128xf32, #tpu.memory_space<hbm>> -> memref<80x128xf32, #tpu.memory_space<hbm>>
    %dma_start3A_90 = arith.constant 0 : i32
    %dma_start3A_91 = arith.constant 0 : i32
    %dma_start3A_92 = tpu.memref_slice %arg10[%dma_start3A_90, %dma_start3A_91] : memref<80x128xf32, #tpu.memory_space<vmem>> -> memref<80x128xf32, #tpu.memory_space<vmem>>
    tpu.enqueue_dma source(%dma_start3A_92 : memref<80x128xf32, #tpu.memory_space<vmem>>) target(%dma_start3A_89 : memref<80x128xf32, #tpu.memory_space<hbm>>) target_semaphore(%arg12 : memref<!tpu.dma_semaphore, #tpu.memory_space<semaphore_mem>>)
    %mul3A_93 = arith.constant 10000 : i32
    %mul3A_94 = arith.muli %arg0, %mul3A_93 : i32
    %add3A_95 = arith.addi %mul3A_94, %add3A_79 : i32
    %dma_wait3A_96 = arith.constant 0 : i32
    %dma_wait3A_97 = arith.constant 0 : i32
    %dma_wait3A_98 = tpu.memref_slice %arg9[%dma_wait3A_96, %dma_wait3A_97] : memref<80x128xf32, #tpu.memory_space<vmem>> -> memref<80x128xf32, #tpu.memory_space<vmem>>
    %dma_wait3A_99 = arith.constant 0 : i32
    %dma_wait3A_100 = tpu.memref_slice %arg6[%add3A_77, %dma_wait3A_99] : memref<20000x128xf32, #tpu.memory_space<hbm>> -> memref<80x128xf32, #tpu.memory_space<hbm>>
    %dma_wait3A_101 = arith.constant 0 : i32
    %dma_wait3A_102 = tpu.memref_slice %arg6[%add3A_77, %dma_wait3A_101] : memref<20000x128xf32, #tpu.memory_space<hbm>> -> memref<80x128xf32, #tpu.memory_space<hbm>>
    %dma_wait3A_103 = arith.constant 0 : i32
    %dma_wait3A_104 = arith.constant 0 : i32
    %dma_wait3A_105 = tpu.memref_slice %arg9[%dma_wait3A_103, %dma_wait3A_104] : memref<80x128xf32, #tpu.memory_space<vmem>> -> memref<80x128xf32, #tpu.memory_space<vmem>>
    tpu.wait_dma2 semaphore(%arg11 : memref<!tpu.dma_semaphore, #tpu.memory_space<semaphore_mem>>) src(%dma_wait3A_105 : memref<80x128xf32, #tpu.memory_space<vmem>>) dst(%dma_wait3A_102 : memref<80x128xf32, #tpu.memory_space<hbm>>)
    %add3A_106 = arith.constant 160 : i32
    %add3A_107 = arith.addi %mul3A_13, %add3A_106 : i32
    "tpu.region"() ({
      %run_scoped3A_289 = tpu.sem_alloc : memref<!tpu.dma_semaphore, #tpu.memory_space<semaphore_mem>>
      %dma_start3A_290 = arith.constant 0 : i32
      %dma_start3A_291 = arith.constant 0 : i32
      %dma_start3A_292 = tpu.memref_slice %arg9[%dma_start3A_290, %dma_start3A_291] : memref<80x128xf32, #tpu.memory_space<vmem>> -> memref<80x128xf32, #tpu.memory_space<vmem>>
      %dma_start3A_293 = arith.constant 0 : i32
      %dma_start3A_294 = tpu.memref_slice %arg7[%add3A_107, %dma_start3A_293] : memref<10000x128xf32, #tpu.memory_space<vmem_shared>> -> memref<80x128xf32, #tpu.memory_space<vmem_shared>>
      %dma_start3A_295 = arith.constant 0 : i32
      %dma_start3A_296 = arith.constant 0 : i32
      %dma_start3A_297 = tpu.memref_slice %arg9[%dma_start3A_295, %dma_start3A_296] : memref<80x128xf32, #tpu.memory_space<vmem>> -> memref<80x128xf32, #tpu.memory_space<vmem>>
      %dma_start3A_298 = arith.constant 0 : i32
      %dma_start3A_299 = tpu.memref_slice %arg7[%add3A_107, %dma_start3A_298] : memref<10000x128xf32, #tpu.memory_space<vmem_shared>> -> memref<80x128xf32, #tpu.memory_space<vmem_shared>>
      tpu.enqueue_dma source(%dma_start3A_299 : memref<80x128xf32, #tpu.memory_space<vmem_shared>>) target(%dma_start3A_297 : memref<80x128xf32, #tpu.memory_space<vmem>>) target_semaphore(%run_scoped3A_289 : memref<!tpu.dma_semaphore, #tpu.memory_space<semaphore_mem>>)
      %dma_wait3A_300 = arith.constant 0 : i32
      %dma_wait3A_301 = arith.constant 0 : i32
      %dma_wait3A_302 = tpu.memref_slice %arg9[%dma_wait3A_300, %dma_wait3A_301] : memref<80x128xf32, #tpu.memory_space<vmem>> -> memref<80x128xf32, #tpu.memory_space<vmem>>
      %dma_wait3A_303 = arith.constant 0 : i32
      %dma_wait3A_304 = tpu.memref_slice %arg7[%add3A_107, %dma_wait3A_303] : memref<10000x128xf32, #tpu.memory_space<vmem_shared>> -> memref<80x128xf32, #tpu.memory_space<vmem_shared>>
      %dma_wait3A_305 = arith.constant 0 : i32
      %dma_wait3A_306 = arith.constant 0 : i32
      %dma_wait3A_307 = tpu.memref_slice %arg9[%dma_wait3A_305, %dma_wait3A_306] : memref<80x128xf32, #tpu.memory_space<vmem>> -> memref<80x128xf32, #tpu.memory_space<vmem>>
      %dma_wait3A_308 = arith.constant 0 : i32
      %dma_wait3A_309 = tpu.memref_slice %arg7[%add3A_107, %dma_wait3A_308] : memref<10000x128xf32, #tpu.memory_space<vmem_shared>> -> memref<80x128xf32, #tpu.memory_space<vmem_shared>>
      tpu.wait_dma2 semaphore(%run_scoped3A_289 : memref<!tpu.dma_semaphore, #tpu.memory_space<semaphore_mem>>) src(%dma_wait3A_309 : memref<80x128xf32, #tpu.memory_space<vmem_shared>>) dst(%dma_wait3A_307 : memref<80x128xf32, #tpu.memory_space<vmem>>)
      tpu.yield
    }) : () -> ()
    %mul3A_108 = arith.constant 10000 : i32
    %mul3A_109 = arith.muli %arg0, %mul3A_108 : i32
    %add3A_110 = arith.addi %mul3A_109, %add3A_107 : i32
    %dma_start3A_111 = arith.constant 0 : i32
    %dma_start3A_112 = arith.constant 0 : i32
    %dma_start3A_113 = tpu.memref_slice %arg9[%dma_start3A_111, %dma_start3A_112] : memref<80x128xf32, #tpu.memory_space<vmem>> -> memref<80x128xf32, #tpu.memory_space<vmem>>
    %dma_start3A_114 = arith.constant 0 : i32
    %dma_start3A_115 = tpu.memref_slice %arg6[%add3A_110, %dma_start3A_114] : memref<20000x128xf32, #tpu.memory_space<hbm>> -> memref<80x128xf32, #tpu.memory_space<hbm>>
    %dma_start3A_116 = arith.constant 0 : i32
    %dma_start3A_117 = tpu.memref_slice %arg6[%add3A_110, %dma_start3A_116] : memref<20000x128xf32, #tpu.memory_space<hbm>> -> memref<80x128xf32, #tpu.memory_space<hbm>>
    %dma_start3A_118 = arith.constant 0 : i32
    %dma_start3A_119 = arith.constant 0 : i32
    %dma_start3A_120 = tpu.memref_slice %arg9[%dma_start3A_118, %dma_start3A_119] : memref<80x128xf32, #tpu.memory_space<vmem>> -> memref<80x128xf32, #tpu.memory_space<vmem>>
    tpu.enqueue_dma source(%dma_start3A_120 : memref<80x128xf32, #tpu.memory_space<vmem>>) target(%dma_start3A_117 : memref<80x128xf32, #tpu.memory_space<hbm>>) target_semaphore(%arg11 : memref<!tpu.dma_semaphore, #tpu.memory_space<semaphore_mem>>)
    %mul3A_121 = arith.constant 10000 : i32
    %mul3A_122 = arith.muli %arg0, %mul3A_121 : i32
    %add3A_123 = arith.addi %mul3A_122, %add3A_107 : i32
    %dma_wait3A_124 = arith.constant 0 : i32
    %dma_wait3A_125 = arith.constant 0 : i32
    %dma_wait3A_126 = tpu.memref_slice %arg10[%dma_wait3A_124, %dma_wait3A_125] : memref<80x128xf32, #tpu.memory_space<vmem>> -> memref<80x128xf32, #tpu.memory_space<vmem>>
    %dma_wait3A_127 = arith.constant 0 : i32
    %dma_wait3A_128 = tpu.memref_slice %arg6[%add3A_95, %dma_wait3A_127] : memref<20000x128xf32, #tpu.memory_space<hbm>> -> memref<80x128xf32, #tpu.memory_space<hbm>>
    %dma_wait3A_129 = arith.constant 0 : i32
    %dma_wait3A_130 = tpu.memref_slice %arg6[%add3A_95, %dma_wait3A_129] : memref<20000x128xf32, #tpu.memory_space<hbm>> -> memref<80x128xf32, #tpu.memory_space<hbm>>
    %dma_wait3A_131 = arith.constant 0 : i32
    %dma_wait3A_132 = arith.constant 0 : i32
    %dma_wait3A_133 = tpu.memref_slice %arg10[%dma_wait3A_131, %dma_wait3A_132] : memref<80x128xf32, #tpu.memory_space<vmem>> -> memref<80x128xf32, #tpu.memory_space<vmem>>
    tpu.wait_dma2 semaphore(%arg12 : memref<!tpu.dma_semaphore, #tpu.memory_space<semaphore_mem>>) src(%dma_wait3A_133 : memref<80x128xf32, #tpu.memory_space<vmem>>) dst(%dma_wait3A_130 : memref<80x128xf32, #tpu.memory_space<hbm>>)
    %add3A_134 = arith.constant 240 : i32
    %add3A_135 = arith.addi %mul3A_13, %add3A_134 : i32
    "tpu.region"() ({
      %run_scoped3A_289 = tpu.sem_alloc : memref<!tpu.dma_semaphore, #tpu.memory_space<semaphore_mem>>
      %dma_start3A_290 = arith.constant 0 : i32
      %dma_start3A_291 = arith.constant 0 : i32
      %dma_start3A_292 = tpu.memref_slice %arg10[%dma_start3A_290, %dma_start3A_291] : memref<80x128xf32, #tpu.memory_space<vmem>> -> memref<80x128xf32, #tpu.memory_space<vmem>>
      %dma_start3A_293 = arith.constant 0 : i32
      %dma_start3A_294 = tpu.memref_slice %arg7[%add3A_135, %dma_start3A_293] : memref<10000x128xf32, #tpu.memory_space<vmem_shared>> -> memref<80x128xf32, #tpu.memory_space<vmem_shared>>
      %dma_start3A_295 = arith.constant 0 : i32
      %dma_start3A_296 = arith.constant 0 : i32
      %dma_start3A_297 = tpu.memref_slice %arg10[%dma_start3A_295, %dma_start3A_296] : memref<80x128xf32, #tpu.memory_space<vmem>> -> memref<80x128xf32, #tpu.memory_space<vmem>>
      %dma_start3A_298 = arith.constant 0 : i32
      %dma_start3A_299 = tpu.memref_slice %arg7[%add3A_135, %dma_start3A_298] : memref<10000x128xf32, #tpu.memory_space<vmem_shared>> -> memref<80x128xf32, #tpu.memory_space<vmem_shared>>
      tpu.enqueue_dma source(%dma_start3A_299 : memref<80x128xf32, #tpu.memory_space<vmem_shared>>) target(%dma_start3A_297 : memref<80x128xf32, #tpu.memory_space<vmem>>) target_semaphore(%run_scoped3A_289 : memref<!tpu.dma_semaphore, #tpu.memory_space<semaphore_mem>>)
      %dma_wait3A_300 = arith.constant 0 : i32
      %dma_wait3A_301 = arith.constant 0 : i32
      %dma_wait3A_302 = tpu.memref_slice %arg10[%dma_wait3A_300, %dma_wait3A_301] : memref<80x128xf32, #tpu.memory_space<vmem>> -> memref<80x128xf32, #tpu.memory_space<vmem>>
      %dma_wait3A_303 = arith.constant 0 : i32
      %dma_wait3A_304 = tpu.memref_slice %arg7[%add3A_135, %dma_wait3A_303] : memref<10000x128xf32, #tpu.memory_space<vmem_shared>> -> memref<80x128xf32, #tpu.memory_space<vmem_shared>>
      %dma_wait3A_305 = arith.constant 0 : i32
      %dma_wait3A_306 = arith.constant 0 : i32
      %dma_wait3A_307 = tpu.memref_slice %arg10[%dma_wait3A_305, %dma_wait3A_306] : memref<80x128xf32, #tpu.memory_space<vmem>> -> memref<80x128xf32, #tpu.memory_space<vmem>>
      %dma_wait3A_308 = arith.constant 0 : i32
      %dma_wait3A_309 = tpu.memref_slice %arg7[%add3A_135, %dma_wait3A_308] : memref<10000x128xf32, #tpu.memory_space<vmem_shared>> -> memref<80x128xf32, #tpu.memory_space<vmem_shared>>
      tpu.wait_dma2 semaphore(%run_scoped3A_289 : memref<!tpu.dma_semaphore, #tpu.memory_space<semaphore_mem>>) src(%dma_wait3A_309 : memref<80x128xf32, #tpu.memory_space<vmem_shared>>) dst(%dma_wait3A_307 : memref<80x128xf32, #tpu.memory_space<vmem>>)
      tpu.yield
    }) : () -> ()
    %mul3A_136 = arith.constant 10000 : i32
    %mul3A_137 = arith.muli %arg0, %mul3A_136 : i32
    %add3A_138 = arith.addi %mul3A_137, %add3A_135 : i32
    %dma_start3A_139 = arith.constant 0 : i32
    %dma_start3A_140 = arith.constant 0 : i32
    %dma_start3A_141 = tpu.memref_slice %arg10[%dma_start3A_139, %dma_start3A_140] : memref<80x128xf32, #tpu.memory_space<vmem>> -> memref<80x128xf32, #tpu.memory_space<vmem>>
    %dma_start3A_142 = arith.constant 0 : i32
    %dma_start3A_143 = tpu.memref_slice %arg6[%add3A_138, %dma_start3A_142] : memref<20000x128xf32, #tpu.memory_space<hbm>> -> memref<80x128xf32, #tpu.memory_space<hbm>>
    %dma_start3A_144 = arith.constant 0 : i32
    %dma_start3A_145 = tpu.memref_slice %arg6[%add3A_138, %dma_start3A_144] : memref<20000x128xf32, #tpu.memory_space<hbm>> -> memref<80x128xf32, #tpu.memory_space<hbm>>
    %dma_start3A_146 = arith.constant 0 : i32
    %dma_start3A_147 = arith.constant 0 : i32
    %dma_start3A_148 = tpu.memref_slice %arg10[%dma_start3A_146, %dma_start3A_147] : memref<80x128xf32, #tpu.memory_space<vmem>> -> memref<80x128xf32, #tpu.memory_space<vmem>>
    tpu.enqueue_dma source(%dma_start3A_148 : memref<80x128xf32, #tpu.memory_space<vmem>>) target(%dma_start3A_145 : memref<80x128xf32, #tpu.memory_space<hbm>>) target_semaphore(%arg12 : memref<!tpu.dma_semaphore, #tpu.memory_space<semaphore_mem>>)
    %mul3A_149 = arith.constant 10000 : i32
    %mul3A_150 = arith.muli %arg0, %mul3A_149 : i32
    %add3A_151 = arith.addi %mul3A_150, %add3A_135 : i32
    %dma_wait3A_152 = arith.constant 0 : i32
    %dma_wait3A_153 = arith.constant 0 : i32
    %dma_wait3A_154 = tpu.memref_slice %arg9[%dma_wait3A_152, %dma_wait3A_153] : memref<80x128xf32, #tpu.memory_space<vmem>> -> memref<80x128xf32, #tpu.memory_space<vmem>>
    %dma_wait3A_155 = arith.constant 0 : i32
    %dma_wait3A_156 = tpu.memref_slice %arg6[%add3A_123, %dma_wait3A_155] : memref<20000x128xf32, #tpu.memory_space<hbm>> -> memref<80x128xf32, #tpu.memory_space<hbm>>
    %dma_wait3A_157 = arith.constant 0 : i32
    %dma_wait3A_158 = tpu.memref_slice %arg6[%add3A_123, %dma_wait3A_157] : memref<20000x128xf32, #tpu.memory_space<hbm>> -> memref<80x128xf32, #tpu.memory_space<hbm>>
    %dma_wait3A_159 = arith.constant 0 : i32
    %dma_wait3A_160 = arith.constant 0 : i32
    %dma_wait3A_161 = tpu.memref_slice %arg9[%dma_wait3A_159, %dma_wait3A_160] : memref<80x128xf32, #tpu.memory_space<vmem>> -> memref<80x128xf32, #tpu.memory_space<vmem>>
    tpu.wait_dma2 semaphore(%arg11 : memref<!tpu.dma_semaphore, #tpu.memory_space<semaphore_mem>>) src(%dma_wait3A_161 : memref<80x128xf32, #tpu.memory_space<vmem>>) dst(%dma_wait3A_158 : memref<80x128xf32, #tpu.memory_space<hbm>>)
    %add3A_162 = arith.constant 320 : i32
    %add3A_163 = arith.addi %mul3A_13, %add3A_162 : i32
    "tpu.region"() ({
      %run_scoped3A_289 = tpu.sem_alloc : memref<!tpu.dma_semaphore, #tpu.memory_space<semaphore_mem>>
      %dma_start3A_290 = arith.constant 0 : i32
      %dma_start3A_291 = arith.constant 0 : i32
      %dma_start3A_292 = tpu.memref_slice %arg9[%dma_start3A_290, %dma_start3A_291] : memref<80x128xf32, #tpu.memory_space<vmem>> -> memref<80x128xf32, #tpu.memory_space<vmem>>
      %dma_start3A_293 = arith.constant 0 : i32
      %dma_start3A_294 = tpu.memref_slice %arg7[%add3A_163, %dma_start3A_293] : memref<10000x128xf32, #tpu.memory_space<vmem_shared>> -> memref<80x128xf32, #tpu.memory_space<vmem_shared>>
      %dma_start3A_295 = arith.constant 0 : i32
      %dma_start3A_296 = arith.constant 0 : i32
      %dma_start3A_297 = tpu.memref_slice %arg9[%dma_start3A_295, %dma_start3A_296] : memref<80x128xf32, #tpu.memory_space<vmem>> -> memref<80x128xf32, #tpu.memory_space<vmem>>
      %dma_start3A_298 = arith.constant 0 : i32
      %dma_start3A_299 = tpu.memref_slice %arg7[%add3A_163, %dma_start3A_298] : memref<10000x128xf32, #tpu.memory_space<vmem_shared>> -> memref<80x128xf32, #tpu.memory_space<vmem_shared>>
      tpu.enqueue_dma source(%dma_start3A_299 : memref<80x128xf32, #tpu.memory_space<vmem_shared>>) target(%dma_start3A_297 : memref<80x128xf32, #tpu.memory_space<vmem>>) target_semaphore(%run_scoped3A_289 : memref<!tpu.dma_semaphore, #tpu.memory_space<semaphore_mem>>)
      %dma_wait3A_300 = arith.constant 0 : i32
      %dma_wait3A_301 = arith.constant 0 : i32
      %dma_wait3A_302 = tpu.memref_slice %arg9[%dma_wait3A_300, %dma_wait3A_301] : memref<80x128xf32, #tpu.memory_space<vmem>> -> memref<80x128xf32, #tpu.memory_space<vmem>>
      %dma_wait3A_303 = arith.constant 0 : i32
      %dma_wait3A_304 = tpu.memref_slice %arg7[%add3A_163, %dma_wait3A_303] : memref<10000x128xf32, #tpu.memory_space<vmem_shared>> -> memref<80x128xf32, #tpu.memory_space<vmem_shared>>
      %dma_wait3A_305 = arith.constant 0 : i32
      %dma_wait3A_306 = arith.constant 0 : i32
      %dma_wait3A_307 = tpu.memref_slice %arg9[%dma_wait3A_305, %dma_wait3A_306] : memref<80x128xf32, #tpu.memory_space<vmem>> -> memref<80x128xf32, #tpu.memory_space<vmem>>
      %dma_wait3A_308 = arith.constant 0 : i32
      %dma_wait3A_309 = tpu.memref_slice %arg7[%add3A_163, %dma_wait3A_308] : memref<10000x128xf32, #tpu.memory_space<vmem_shared>> -> memref<80x128xf32, #tpu.memory_space<vmem_shared>>
      tpu.wait_dma2 semaphore(%run_scoped3A_289 : memref<!tpu.dma_semaphore, #tpu.memory_space<semaphore_mem>>) src(%dma_wait3A_309 : memref<80x128xf32, #tpu.memory_space<vmem_shared>>) dst(%dma_wait3A_307 : memref<80x128xf32, #tpu.memory_space<vmem>>)
      tpu.yield
    }) : () -> ()
    %mul3A_164 = arith.constant 10000 : i32
    %mul3A_165 = arith.muli %arg0, %mul3A_164 : i32
    %add3A_166 = arith.addi %mul3A_165, %add3A_163 : i32
    %dma_start3A_167 = arith.constant 0 : i32
    %dma_start3A_168 = arith.constant 0 : i32
    %dma_start3A_169 = tpu.memref_slice %arg9[%dma_start3A_167, %dma_start3A_168] : memref<80x128xf32, #tpu.memory_space<vmem>> -> memref<80x128xf32, #tpu.memory_space<vmem>>
    %dma_start3A_170 = arith.constant 0 : i32
    %dma_start3A_171 = tpu.memref_slice %arg6[%add3A_166, %dma_start3A_170] : memref<20000x128xf32, #tpu.memory_space<hbm>> -> memref<80x128xf32, #tpu.memory_space<hbm>>
    %dma_start3A_172 = arith.constant 0 : i32
    %dma_start3A_173 = tpu.memref_slice %arg6[%add3A_166, %dma_start3A_172] : memref<20000x128xf32, #tpu.memory_space<hbm>> -> memref<80x128xf32, #tpu.memory_space<hbm>>
    %dma_start3A_174 = arith.constant 0 : i32
    %dma_start3A_175 = arith.constant 0 : i32
    %dma_start3A_176 = tpu.memref_slice %arg9[%dma_start3A_174, %dma_start3A_175] : memref<80x128xf32, #tpu.memory_space<vmem>> -> memref<80x128xf32, #tpu.memory_space<vmem>>
    tpu.enqueue_dma source(%dma_start3A_176 : memref<80x128xf32, #tpu.memory_space<vmem>>) target(%dma_start3A_173 : memref<80x128xf32, #tpu.memory_space<hbm>>) target_semaphore(%arg11 : memref<!tpu.dma_semaphore, #tpu.memory_space<semaphore_mem>>)
    %mul3A_177 = arith.constant 10000 : i32
    %mul3A_178 = arith.muli %arg0, %mul3A_177 : i32
    %add3A_179 = arith.addi %mul3A_178, %add3A_163 : i32
    %dma_wait3A_180 = arith.constant 0 : i32
    %dma_wait3A_181 = arith.constant 0 : i32
    %dma_wait3A_182 = tpu.memref_slice %arg10[%dma_wait3A_180, %dma_wait3A_181] : memref<80x128xf32, #tpu.memory_space<vmem>> -> memref<80x128xf32, #tpu.memory_space<vmem>>
    %dma_wait3A_183 = arith.constant 0 : i32
    %dma_wait3A_184 = tpu.memref_slice %arg6[%add3A_151, %dma_wait3A_183] : memref<20000x128xf32, #tpu.memory_space<hbm>> -> memref<80x128xf32, #tpu.memory_space<hbm>>
    %dma_wait3A_185 = arith.constant 0 : i32
    %dma_wait3A_186 = tpu.memref_slice %arg6[%add3A_151, %dma_wait3A_185] : memref<20000x128xf32, #tpu.memory_space<hbm>> -> memref<80x128xf32, #tpu.memory_space<hbm>>
    %dma_wait3A_187 = arith.constant 0 : i32
    %dma_wait3A_188 = arith.constant 0 : i32
    %dma_wait3A_189 = tpu.memref_slice %arg10[%dma_wait3A_187, %dma_wait3A_188] : memref<80x128xf32, #tpu.memory_space<vmem>> -> memref<80x128xf32, #tpu.memory_space<vmem>>
    tpu.wait_dma2 semaphore(%arg12 : memref<!tpu.dma_semaphore, #tpu.memory_space<semaphore_mem>>) src(%dma_wait3A_189 : memref<80x128xf32, #tpu.memory_space<vmem>>) dst(%dma_wait3A_186 : memref<80x128xf32, #tpu.memory_space<hbm>>)
    %add3A_190 = arith.constant 400 : i32
    %add3A_191 = arith.addi %mul3A_13, %add3A_190 : i32
    "tpu.region"() ({
      %run_scoped3A_289 = tpu.sem_alloc : memref<!tpu.dma_semaphore, #tpu.memory_space<semaphore_mem>>
      %dma_start3A_290 = arith.constant 0 : i32
      %dma_start3A_291 = arith.constant 0 : i32
      %dma_start3A_292 = tpu.memref_slice %arg10[%dma_start3A_290, %dma_start3A_291] : memref<80x128xf32, #tpu.memory_space<vmem>> -> memref<80x128xf32, #tpu.memory_space<vmem>>
      %dma_start3A_293 = arith.constant 0 : i32
      %dma_start3A_294 = tpu.memref_slice %arg7[%add3A_191, %dma_start3A_293] : memref<10000x128xf32, #tpu.memory_space<vmem_shared>> -> memref<80x128xf32, #tpu.memory_space<vmem_shared>>
      %dma_start3A_295 = arith.constant 0 : i32
      %dma_start3A_296 = arith.constant 0 : i32
      %dma_start3A_297 = tpu.memref_slice %arg10[%dma_start3A_295, %dma_start3A_296] : memref<80x128xf32, #tpu.memory_space<vmem>> -> memref<80x128xf32, #tpu.memory_space<vmem>>
      %dma_start3A_298 = arith.constant 0 : i32
      %dma_start3A_299 = tpu.memref_slice %arg7[%add3A_191, %dma_start3A_298] : memref<10000x128xf32, #tpu.memory_space<vmem_shared>> -> memref<80x128xf32, #tpu.memory_space<vmem_shared>>
      tpu.enqueue_dma source(%dma_start3A_299 : memref<80x128xf32, #tpu.memory_space<vmem_shared>>) target(%dma_start3A_297 : memref<80x128xf32, #tpu.memory_space<vmem>>) target_semaphore(%run_scoped3A_289 : memref<!tpu.dma_semaphore, #tpu.memory_space<semaphore_mem>>)
      %dma_wait3A_300 = arith.constant 0 : i32
      %dma_wait3A_301 = arith.constant 0 : i32
      %dma_wait3A_302 = tpu.memref_slice %arg10[%dma_wait3A_300, %dma_wait3A_301] : memref<80x128xf32, #tpu.memory_space<vmem>> -> memref<80x128xf32, #tpu.memory_space<vmem>>
      %dma_wait3A_303 = arith.constant 0 : i32
      %dma_wait3A_304 = tpu.memref_slice %arg7[%add3A_191, %dma_wait3A_303] : memref<10000x128xf32, #tpu.memory_space<vmem_shared>> -> memref<80x128xf32, #tpu.memory_space<vmem_shared>>
      %dma_wait3A_305 = arith.constant 0 : i32
      %dma_wait3A_306 = arith.constant 0 : i32
      %dma_wait3A_307 = tpu.memref_slice %arg10[%dma_wait3A_305, %dma_wait3A_306] : memref<80x128xf32, #tpu.memory_space<vmem>> -> memref<80x128xf32, #tpu.memory_space<vmem>>
      %dma_wait3A_308 = arith.constant 0 : i32
      %dma_wait3A_309 = tpu.memref_slice %arg7[%add3A_191, %dma_wait3A_308] : memref<10000x128xf32, #tpu.memory_space<vmem_shared>> -> memref<80x128xf32, #tpu.memory_space<vmem_shared>>
      tpu.wait_dma2 semaphore(%run_scoped3A_289 : memref<!tpu.dma_semaphore, #tpu.memory_space<semaphore_mem>>) src(%dma_wait3A_309 : memref<80x128xf32, #tpu.memory_space<vmem_shared>>) dst(%dma_wait3A_307 : memref<80x128xf32, #tpu.memory_space<vmem>>)
      tpu.yield
    }) : () -> ()
    %mul3A_192 = arith.constant 10000 : i32
    %mul3A_193 = arith.muli %arg0, %mul3A_192 : i32
    %add3A_194 = arith.addi %mul3A_193, %add3A_191 : i32
    %dma_start3A_195 = arith.constant 0 : i32
    %dma_start3A_196 = arith.constant 0 : i32
    %dma_start3A_197 = tpu.memref_slice %arg10[%dma_start3A_195, %dma_start3A_196] : memref<80x128xf32, #tpu.memory_space<vmem>> -> memref<80x128xf32, #tpu.memory_space<vmem>>
    %dma_start3A_198 = arith.constant 0 : i32
    %dma_start3A_199 = tpu.memref_slice %arg6[%add3A_194, %dma_start3A_198] : memref<20000x128xf32, #tpu.memory_space<hbm>> -> memref<80x128xf32, #tpu.memory_space<hbm>>
    %dma_start3A_200 = arith.constant 0 : i32
    %dma_start3A_201 = tpu.memref_slice %arg6[%add3A_194, %dma_start3A_200] : memref<20000x128xf32, #tpu.memory_space<hbm>> -> memref<80x128xf32, #tpu.memory_space<hbm>>
    %dma_start3A_202 = arith.constant 0 : i32
    %dma_start3A_203 = arith.constant 0 : i32
    %dma_start3A_204 = tpu.memref_slice %arg10[%dma_start3A_202, %dma_start3A_203] : memref<80x128xf32, #tpu.memory_space<vmem>> -> memref<80x128xf32, #tpu.memory_space<vmem>>
    tpu.enqueue_dma source(%dma_start3A_204 : memref<80x128xf32, #tpu.memory_space<vmem>>) target(%dma_start3A_201 : memref<80x128xf32, #tpu.memory_space<hbm>>) target_semaphore(%arg12 : memref<!tpu.dma_semaphore, #tpu.memory_space<semaphore_mem>>)
    %mul3A_205 = arith.constant 10000 : i32
    %mul3A_206 = arith.muli %arg0, %mul3A_205 : i32
    %add3A_207 = arith.addi %mul3A_206, %add3A_191 : i32
    %dma_wait3A_208 = arith.constant 0 : i32
    %dma_wait3A_209 = arith.constant 0 : i32
    %dma_wait3A_210 = tpu.memref_slice %arg9[%dma_wait3A_208, %dma_wait3A_209] : memref<80x128xf32, #tpu.memory_space<vmem>> -> memref<80x128xf32, #tpu.memory_space<vmem>>
    %dma_wait3A_211 = arith.constant 0 : i32
    %dma_wait3A_212 = tpu.memref_slice %arg6[%add3A_179, %dma_wait3A_211] : memref<20000x128xf32, #tpu.memory_space<hbm>> -> memref<80x128xf32, #tpu.memory_space<hbm>>
    %dma_wait3A_213 = arith.constant 0 : i32
    %dma_wait3A_214 = tpu.memref_slice %arg6[%add3A_179, %dma_wait3A_213] : memref<20000x128xf32, #tpu.memory_space<hbm>> -> memref<80x128xf32, #tpu.memory_space<hbm>>
    %dma_wait3A_215 = arith.constant 0 : i32
    %dma_wait3A_216 = arith.constant 0 : i32
    %dma_wait3A_217 = tpu.memref_slice %arg9[%dma_wait3A_215, %dma_wait3A_216] : memref<80x128xf32, #tpu.memory_space<vmem>> -> memref<80x128xf32, #tpu.memory_space<vmem>>
    tpu.wait_dma2 semaphore(%arg11 : memref<!tpu.dma_semaphore, #tpu.memory_space<semaphore_mem>>) src(%dma_wait3A_217 : memref<80x128xf32, #tpu.memory_space<vmem>>) dst(%dma_wait3A_214 : memref<80x128xf32, #tpu.memory_space<hbm>>)
    %add3A_218 = arith.constant 480 : i32
    %add3A_219 = arith.addi %mul3A_13, %add3A_218 : i32
    "tpu.region"() ({
      %run_scoped3A_289 = tpu.sem_alloc : memref<!tpu.dma_semaphore, #tpu.memory_space<semaphore_mem>>
      %dma_start3A_290 = arith.constant 0 : i32
      %dma_start3A_291 = arith.constant 0 : i32
      %dma_start3A_292 = tpu.memref_slice %arg9[%dma_start3A_290, %dma_start3A_291] : memref<80x128xf32, #tpu.memory_space<vmem>> -> memref<80x128xf32, #tpu.memory_space<vmem>>
      %dma_start3A_293 = arith.constant 0 : i32
      %dma_start3A_294 = tpu.memref_slice %arg7[%add3A_219, %dma_start3A_293] : memref<10000x128xf32, #tpu.memory_space<vmem_shared>> -> memref<80x128xf32, #tpu.memory_space<vmem_shared>>
      %dma_start3A_295 = arith.constant 0 : i32
      %dma_start3A_296 = arith.constant 0 : i32
      %dma_start3A_297 = tpu.memref_slice %arg9[%dma_start3A_295, %dma_start3A_296] : memref<80x128xf32, #tpu.memory_space<vmem>> -> memref<80x128xf32, #tpu.memory_space<vmem>>
      %dma_start3A_298 = arith.constant 0 : i32
      %dma_start3A_299 = tpu.memref_slice %arg7[%add3A_219, %dma_start3A_298] : memref<10000x128xf32, #tpu.memory_space<vmem_shared>> -> memref<80x128xf32, #tpu.memory_space<vmem_shared>>
      tpu.enqueue_dma source(%dma_start3A_299 : memref<80x128xf32, #tpu.memory_space<vmem_shared>>) target(%dma_start3A_297 : memref<80x128xf32, #tpu.memory_space<vmem>>) target_semaphore(%run_scoped3A_289 : memref<!tpu.dma_semaphore, #tpu.memory_space<semaphore_mem>>)
      %dma_wait3A_300 = arith.constant 0 : i32
      %dma_wait3A_301 = arith.constant 0 : i32
      %dma_wait3A_302 = tpu.memref_slice %arg9[%dma_wait3A_300, %dma_wait3A_301] : memref<80x128xf32, #tpu.memory_space<vmem>> -> memref<80x128xf32, #tpu.memory_space<vmem>>
      %dma_wait3A_303 = arith.constant 0 : i32
      %dma_wait3A_304 = tpu.memref_slice %arg7[%add3A_219, %dma_wait3A_303] : memref<10000x128xf32, #tpu.memory_space<vmem_shared>> -> memref<80x128xf32, #tpu.memory_space<vmem_shared>>
      %dma_wait3A_305 = arith.constant 0 : i32
      %dma_wait3A_306 = arith.constant 0 : i32
      %dma_wait3A_307 = tpu.memref_slice %arg9[%dma_wait3A_305, %dma_wait3A_306] : memref<80x128xf32, #tpu.memory_space<vmem>> -> memref<80x128xf32, #tpu.memory_space<vmem>>
      %dma_wait3A_308 = arith.constant 0 : i32
      %dma_wait3A_309 = tpu.memref_slice %arg7[%add3A_219, %dma_wait3A_308] : memref<10000x128xf32, #tpu.memory_space<vmem_shared>> -> memref<80x128xf32, #tpu.memory_space<vmem_shared>>
      tpu.wait_dma2 semaphore(%run_scoped3A_289 : memref<!tpu.dma_semaphore, #tpu.memory_space<semaphore_mem>>) src(%dma_wait3A_309 : memref<80x128xf32, #tpu.memory_space<vmem_shared>>) dst(%dma_wait3A_307 : memref<80x128xf32, #tpu.memory_space<vmem>>)
      tpu.yield
    }) : () -> ()
    %mul3A_220 = arith.constant 10000 : i32
    %mul3A_221 = arith.muli %arg0, %mul3A_220 : i32
    %add3A_222 = arith.addi %mul3A_221, %add3A_219 : i32
    %dma_start3A_223 = arith.constant 0 : i32
    %dma_start3A_224 = arith.constant 0 : i32
    %dma_start3A_225 = tpu.memref_slice %arg9[%dma_start3A_223, %dma_start3A_224] : memref<80x128xf32, #tpu.memory_space<vmem>> -> memref<80x128xf32, #tpu.memory_space<vmem>>
    %dma_start3A_226 = arith.constant 0 : i32
    %dma_start3A_227 = tpu.memref_slice %arg6[%add3A_222, %dma_start3A_226] : memref<20000x128xf32, #tpu.memory_space<hbm>> -> memref<80x128xf32, #tpu.memory_space<hbm>>
    %dma_start3A_228 = arith.constant 0 : i32
    %dma_start3A_229 = tpu.memref_slice %arg6[%add3A_222, %dma_start3A_228] : memref<20000x128xf32, #tpu.memory_space<hbm>> -> memref<80x128xf32, #tpu.memory_space<hbm>>
    %dma_start3A_230 = arith.constant 0 : i32
    %dma_start3A_231 = arith.constant 0 : i32
    %dma_start3A_232 = tpu.memref_slice %arg9[%dma_start3A_230, %dma_start3A_231] : memref<80x128xf32, #tpu.memory_space<vmem>> -> memref<80x128xf32, #tpu.memory_space<vmem>>
    tpu.enqueue_dma source(%dma_start3A_232 : memref<80x128xf32, #tpu.memory_space<vmem>>) target(%dma_start3A_229 : memref<80x128xf32, #tpu.memory_space<hbm>>) target_semaphore(%arg11 : memref<!tpu.dma_semaphore, #tpu.memory_space<semaphore_mem>>)
    %mul3A_233 = arith.constant 10000 : i32
    %mul3A_234 = arith.muli %arg0, %mul3A_233 : i32
    %add3A_235 = arith.addi %mul3A_234, %add3A_219 : i32
    %dma_wait3A_236 = arith.constant 0 : i32
    %dma_wait3A_237 = arith.constant 0 : i32
    %dma_wait3A_238 = tpu.memref_slice %arg10[%dma_wait3A_236, %dma_wait3A_237] : memref<80x128xf32, #tpu.memory_space<vmem>> -> memref<80x128xf32, #tpu.memory_space<vmem>>
    %dma_wait3A_239 = arith.constant 0 : i32
    %dma_wait3A_240 = tpu.memref_slice %arg6[%add3A_207, %dma_wait3A_239] : memref<20000x128xf32, #tpu.memory_space<hbm>> -> memref<80x128xf32, #tpu.memory_space<hbm>>
    %dma_wait3A_241 = arith.constant 0 : i32
    %dma_wait3A_242 = tpu.memref_slice %arg6[%add3A_207, %dma_wait3A_241] : memref<20000x128xf32, #tpu.memory_space<hbm>> -> memref<80x128xf32, #tpu.memory_space<hbm>>
    %dma_wait3A_243 = arith.constant 0 : i32
    %dma_wait3A_244 = arith.constant 0 : i32
    %dma_wait3A_245 = tpu.memref_slice %arg10[%dma_wait3A_243, %dma_wait3A_244] : memref<80x128xf32, #tpu.memory_space<vmem>> -> memref<80x128xf32, #tpu.memory_space<vmem>>
    tpu.wait_dma2 semaphore(%arg12 : memref<!tpu.dma_semaphore, #tpu.memory_space<semaphore_mem>>) src(%dma_wait3A_245 : memref<80x128xf32, #tpu.memory_space<vmem>>) dst(%dma_wait3A_242 : memref<80x128xf32, #tpu.memory_space<hbm>>)
    %add3A_246 = arith.constant 560 : i32
    %add3A_247 = arith.addi %mul3A_13, %add3A_246 : i32
    "tpu.region"() ({
      %run_scoped3A_289 = tpu.sem_alloc : memref<!tpu.dma_semaphore, #tpu.memory_space<semaphore_mem>>
      %dma_start3A_290 = arith.constant 0 : i32
      %dma_start3A_291 = arith.constant 0 : i32
      %dma_start3A_292 = tpu.memref_slice %arg10[%dma_start3A_290, %dma_start3A_291] : memref<80x128xf32, #tpu.memory_space<vmem>> -> memref<64x128xf32, #tpu.memory_space<vmem>>
      %dma_start3A_293 = arith.constant 0 : i32
      %dma_start3A_294 = tpu.memref_slice %arg7[%add3A_247, %dma_start3A_293] : memref<10000x128xf32, #tpu.memory_space<vmem_shared>> -> memref<64x128xf32, #tpu.memory_space<vmem_shared>>
      %dma_start3A_295 = arith.constant 0 : i32
      %dma_start3A_296 = arith.constant 0 : i32
      %dma_start3A_297 = tpu.memref_slice %arg10[%dma_start3A_295, %dma_start3A_296] : memref<80x128xf32, #tpu.memory_space<vmem>> -> memref<64x128xf32, #tpu.memory_space<vmem>>
      %dma_start3A_298 = arith.constant 0 : i32
      %dma_start3A_299 = tpu.memref_slice %arg7[%add3A_247, %dma_start3A_298] : memref<10000x128xf32, #tpu.memory_space<vmem_shared>> -> memref<64x128xf32, #tpu.memory_space<vmem_shared>>
      tpu.enqueue_dma source(%dma_start3A_299 : memref<64x128xf32, #tpu.memory_space<vmem_shared>>) target(%dma_start3A_297 : memref<64x128xf32, #tpu.memory_space<vmem>>) target_semaphore(%run_scoped3A_289 : memref<!tpu.dma_semaphore, #tpu.memory_space<semaphore_mem>>)
      %dma_wait3A_300 = arith.constant 0 : i32
      %dma_wait3A_301 = arith.constant 0 : i32
      %dma_wait3A_302 = tpu.memref_slice %arg10[%dma_wait3A_300, %dma_wait3A_301] : memref<80x128xf32, #tpu.memory_space<vmem>> -> memref<64x128xf32, #tpu.memory_space<vmem>>
      %dma_wait3A_303 = arith.constant 0 : i32
      %dma_wait3A_304 = tpu.memref_slice %arg7[%add3A_247, %dma_wait3A_303] : memref<10000x128xf32, #tpu.memory_space<vmem_shared>> -> memref<64x128xf32, #tpu.memory_space<vmem_shared>>
      %dma_wait3A_305 = arith.constant 0 : i32
      %dma_wait3A_306 = arith.constant 0 : i32
      %dma_wait3A_307 = tpu.memref_slice %arg10[%dma_wait3A_305, %dma_wait3A_306] : memref<80x128xf32, #tpu.memory_space<vmem>> -> memref<64x128xf32, #tpu.memory_space<vmem>>
      %dma_wait3A_308 = arith.constant 0 : i32
      %dma_wait3A_309 = tpu.memref_slice %arg7[%add3A_247, %dma_wait3A_308] : memref<10000x128xf32, #tpu.memory_space<vmem_shared>> -> memref<64x128xf32, #tpu.memory_space<vmem_shared>>
      tpu.wait_dma2 semaphore(%run_scoped3A_289 : memref<!tpu.dma_semaphore, #tpu.memory_space<semaphore_mem>>) src(%dma_wait3A_309 : memref<64x128xf32, #tpu.memory_space<vmem_shared>>) dst(%dma_wait3A_307 : memref<64x128xf32, #tpu.memory_space<vmem>>)
      tpu.yield
    }) : () -> ()
    %mul3A_248 = arith.constant 10000 : i32
    %mul3A_249 = arith.muli %arg0, %mul3A_248 : i32
    %add3A_250 = arith.addi %mul3A_249, %add3A_247 : i32
    %dma_start3A_251 = arith.constant 0 : i32
    %dma_start3A_252 = arith.constant 0 : i32
    %dma_start3A_253 = tpu.memref_slice %arg10[%dma_start3A_251, %dma_start3A_252] : memref<80x128xf32, #tpu.memory_space<vmem>> -> memref<64x128xf32, #tpu.memory_space<vmem>>
    %dma_start3A_254 = arith.constant 0 : i32
    %dma_start3A_255 = tpu.memref_slice %arg6[%add3A_250, %dma_start3A_254] : memref<20000x128xf32, #tpu.memory_space<hbm>> -> memref<64x128xf32, #tpu.memory_space<hbm>>
    %dma_start3A_256 = arith.constant 0 : i32
    %dma_start3A_257 = tpu.memref_slice %arg6[%add3A_250, %dma_start3A_256] : memref<20000x128xf32, #tpu.memory_space<hbm>> -> memref<64x128xf32, #tpu.memory_space<hbm>>
    %dma_start3A_258 = arith.constant 0 : i32
    %dma_start3A_259 = arith.constant 0 : i32
    %dma_start3A_260 = tpu.memref_slice %arg10[%dma_start3A_258, %dma_start3A_259] : memref<80x128xf32, #tpu.memory_space<vmem>> -> memref<64x128xf32, #tpu.memory_space<vmem>>
    tpu.enqueue_dma source(%dma_start3A_260 : memref<64x128xf32, #tpu.memory_space<vmem>>) target(%dma_start3A_257 : memref<64x128xf32, #tpu.memory_space<hbm>>) target_semaphore(%arg12 : memref<!tpu.dma_semaphore, #tpu.memory_space<semaphore_mem>>)
    %mul3A_261 = arith.constant 10000 : i32
    %mul3A_262 = arith.muli %arg0, %mul3A_261 : i32
    %add3A_263 = arith.addi %mul3A_262, %add3A_247 : i32
    %dma_wait3A_264 = arith.constant 0 : i32
    %dma_wait3A_265 = arith.constant 0 : i32
    %dma_wait3A_266 = tpu.memref_slice %arg9[%dma_wait3A_264, %dma_wait3A_265] : memref<80x128xf32, #tpu.memory_space<vmem>> -> memref<80x128xf32, #tpu.memory_space<vmem>>
    %dma_wait3A_267 = arith.constant 0 : i32
    %dma_wait3A_268 = tpu.memref_slice %arg6[%add3A_235, %dma_wait3A_267] : memref<20000x128xf32, #tpu.memory_space<hbm>> -> memref<80x128xf32, #tpu.memory_space<hbm>>
    %dma_wait3A_269 = arith.constant 0 : i32
    %dma_wait3A_270 = tpu.memref_slice %arg6[%add3A_235, %dma_wait3A_269] : memref<20000x128xf32, #tpu.memory_space<hbm>> -> memref<80x128xf32, #tpu.memory_space<hbm>>
    %dma_wait3A_271 = arith.constant 0 : i32
    %dma_wait3A_272 = arith.constant 0 : i32
    %dma_wait3A_273 = tpu.memref_slice %arg9[%dma_wait3A_271, %dma_wait3A_272] : memref<80x128xf32, #tpu.memory_space<vmem>> -> memref<80x128xf32, #tpu.memory_space<vmem>>
    tpu.wait_dma2 semaphore(%arg11 : memref<!tpu.dma_semaphore, #tpu.memory_space<semaphore_mem>>) src(%dma_wait3A_273 : memref<80x128xf32, #tpu.memory_space<vmem>>) dst(%dma_wait3A_270 : memref<80x128xf32, #tpu.memory_space<hbm>>)
    %dma_wait3A_274 = arith.constant 0 : i32
    %dma_wait3A_275 = arith.constant 0 : i32
    %dma_wait3A_276 = tpu.memref_slice %arg10[%dma_wait3A_274, %dma_wait3A_275] : memref<80x128xf32, #tpu.memory_space<vmem>> -> memref<64x128xf32, #tpu.memory_space<vmem>>
    %dma_wait3A_277 = arith.constant 0 : i32
    %dma_wait3A_278 = tpu.memref_slice %arg6[%add3A_263, %dma_wait3A_277] : memref<20000x128xf32, #tpu.memory_space<hbm>> -> memref<64x128xf32, #tpu.memory_space<hbm>>
    %dma_wait3A_279 = arith.constant 0 : i32
    %dma_wait3A_280 = tpu.memref_slice %arg6[%add3A_263, %dma_wait3A_279] : memref<20000x128xf32, #tpu.memory_space<hbm>> -> memref<64x128xf32, #tpu.memory_space<hbm>>
    %dma_wait3A_281 = arith.constant 0 : i32
    %dma_wait3A_282 = arith.constant 0 : i32
    %dma_wait3A_283 = tpu.memref_slice %arg10[%dma_wait3A_281, %dma_wait3A_282] : memref<80x128xf32, #tpu.memory_space<vmem>> -> memref<64x128xf32, #tpu.memory_space<vmem>>
    tpu.wait_dma2 semaphore(%arg12 : memref<!tpu.dma_semaphore, #tpu.memory_space<semaphore_mem>>) src(%dma_wait3A_283 : memref<64x128xf32, #tpu.memory_space<vmem>>) dst(%dma_wait3A_280 : memref<64x128xf32, #tpu.memory_space<hbm>>)
    %eq3A_284 = arith.constant 0 : i32
    %eq3A_285 = arith.cmpi eq, %arg1, %eq3A_284 : i32
    %convert_element_type3A_286 = arith.extui %eq3A_285 : i1 to i32
    %cond3A_287 = arith.constant 0 : i32
    %cond3A_288 = arith.cmpi ne, %convert_element_type3A_286, %cond3A_287 : i32
    scf.if %cond3A_288 {
      "tpu.region"() ({
        %run_scoped3A_293 = tpu.sem_alloc : memref<!tpu.dma_semaphore, #tpu.memory_space<semaphore_mem>>
        %dma_start3A_294 = arith.constant 0 : i32
        %dma_start3A_295 = arith.constant 0 : i32
        %dma_start3A_296 = tpu.memref_slice %arg9[%dma_start3A_294, %dma_start3A_295] : memref<80x128xf32, #tpu.memory_space<vmem>> -> memref<16x128xf32, #tpu.memory_space<vmem>>
        %dma_start3A_297 = arith.constant 9984 : i32
        %dma_start3A_298 = arith.constant 0 : i32
        %dma_start3A_299 = tpu.memref_slice %arg7[%dma_start3A_297, %dma_start3A_298] : memref<10000x128xf32, #tpu.memory_space<vmem_shared>> -> memref<16x128xf32, #tpu.memory_space<vmem_shared>>
        %dma_start3A_300 = arith.constant 0 : i32
        %dma_start3A_301 = arith.constant 0 : i32
        %dma_start3A_302 = tpu.memref_slice %arg9[%dma_start3A_300, %dma_start3A_301] : memref<80x128xf32, #tpu.memory_space<vmem>> -> memref<16x128xf32, #tpu.memory_space<vmem>>
        %dma_start3A_303 = arith.constant 9984 : i32
        %dma_start3A_304 = arith.constant 0 : i32
        %dma_start3A_305 = tpu.memref_slice %arg7[%dma_start3A_303, %dma_start3A_304] : memref<10000x128xf32, #tpu.memory_space<vmem_shared>> -> memref<16x128xf32, #tpu.memory_space<vmem_shared>>
        tpu.enqueue_dma source(%dma_start3A_305 : memref<16x128xf32, #tpu.memory_space<vmem_shared>>) target(%dma_start3A_302 : memref<16x128xf32, #tpu.memory_space<vmem>>) target_semaphore(%run_scoped3A_293 : memref<!tpu.dma_semaphore, #tpu.memory_space<semaphore_mem>>)
        %dma_wait3A_306 = arith.constant 0 : i32
        %dma_wait3A_307 = arith.constant 0 : i32
        %dma_wait3A_308 = tpu.memref_slice %arg9[%dma_wait3A_306, %dma_wait3A_307] : memref<80x128xf32, #tpu.memory_space<vmem>> -> memref<16x128xf32, #tpu.memory_space<vmem>>
        %dma_wait3A_309 = arith.constant 9984 : i32
        %dma_wait3A_310 = arith.constant 0 : i32
        %dma_wait3A_311 = tpu.memref_slice %arg7[%dma_wait3A_309, %dma_wait3A_310] : memref<10000x128xf32, #tpu.memory_space<vmem_shared>> -> memref<16x128xf32, #tpu.memory_space<vmem_shared>>
        %dma_wait3A_312 = arith.constant 0 : i32
        %dma_wait3A_313 = arith.constant 0 : i32
        %dma_wait3A_314 = tpu.memref_slice %arg9[%dma_wait3A_312, %dma_wait3A_313] : memref<80x128xf32, #tpu.memory_space<vmem>> -> memref<16x128xf32, #tpu.memory_space<vmem>>
        %dma_wait3A_315 = arith.constant 9984 : i32
        %dma_wait3A_316 = arith.constant 0 : i32
        %dma_wait3A_317 = tpu.memref_slice %arg7[%dma_wait3A_315, %dma_wait3A_316] : memref<10000x128xf32, #tpu.memory_space<vmem_shared>> -> memref<16x128xf32, #tpu.memory_space<vmem_shared>>
        tpu.wait_dma2 semaphore(%run_scoped3A_293 : memref<!tpu.dma_semaphore, #tpu.memory_space<semaphore_mem>>) src(%dma_wait3A_317 : memref<16x128xf32, #tpu.memory_space<vmem_shared>>) dst(%dma_wait3A_314 : memref<16x128xf32, #tpu.memory_space<vmem>>)
        tpu.yield
      }) : () -> ()
      %mul3A_289 = arith.constant 10000 : i32
      %mul3A_290 = arith.muli %arg0, %mul3A_289 : i32
      %add3A_291 = arith.constant 9984 : i32
      %add3A_292 = arith.addi %mul3A_290, %add3A_291 : i32
      "tpu.region"() ({
        %run_scoped3A_293 = tpu.sem_alloc : memref<!tpu.dma_semaphore, #tpu.memory_space<semaphore_mem>>
        %dma_start3A_294 = arith.constant 0 : i32
        %dma_start3A_295 = arith.constant 0 : i32
        %dma_start3A_296 = tpu.memref_slice %arg9[%dma_start3A_294, %dma_start3A_295] : memref<80x128xf32, #tpu.memory_space<vmem>> -> memref<16x128xf32, #tpu.memory_space<vmem>>
        %dma_start3A_297 = arith.constant 0 : i32
        %dma_start3A_298 = tpu.memref_slice %arg6[%add3A_292, %dma_start3A_297] : memref<20000x128xf32, #tpu.memory_space<hbm>> -> memref<16x128xf32, #tpu.memory_space<hbm>>
        %dma_start3A_299 = arith.constant 0 : i32
        %dma_start3A_300 = tpu.memref_slice %arg6[%add3A_292, %dma_start3A_299] : memref<20000x128xf32, #tpu.memory_space<hbm>> -> memref<16x128xf32, #tpu.memory_space<hbm>>
        %dma_start3A_301 = arith.constant 0 : i32
        %dma_start3A_302 = arith.constant 0 : i32
        %dma_start3A_303 = tpu.memref_slice %arg9[%dma_start3A_301, %dma_start3A_302] : memref<80x128xf32, #tpu.memory_space<vmem>> -> memref<16x128xf32, #tpu.memory_space<vmem>>
        tpu.enqueue_dma source(%dma_start3A_303 : memref<16x128xf32, #tpu.memory_space<vmem>>) target(%dma_start3A_300 : memref<16x128xf32, #tpu.memory_space<hbm>>) target_semaphore(%run_scoped3A_293 : memref<!tpu.dma_semaphore, #tpu.memory_space<semaphore_mem>>)
        %dma_wait3A_304 = arith.constant 0 : i32
        %dma_wait3A_305 = arith.constant 0 : i32
        %dma_wait3A_306 = tpu.memref_slice %arg9[%dma_wait3A_304, %dma_wait3A_305] : memref<80x128xf32, #tpu.memory_space<vmem>> -> memref<16x128xf32, #tpu.memory_space<vmem>>
        %dma_wait3A_307 = arith.constant 0 : i32
        %dma_wait3A_308 = tpu.memref_slice %arg6[%add3A_292, %dma_wait3A_307] : memref<20000x128xf32, #tpu.memory_space<hbm>> -> memref<16x128xf32, #tpu.memory_space<hbm>>
        %dma_wait3A_309 = arith.constant 0 : i32
        %dma_wait3A_310 = tpu.memref_slice %arg6[%add3A_292, %dma_wait3A_309] : memref<20000x128xf32, #tpu.memory_space<hbm>> -> memref<16x128xf32, #tpu.memory_space<hbm>>
        %dma_wait3A_311 = arith.constant 0 : i32
        %dma_wait3A_312 = arith.constant 0 : i32
        %dma_wait3A_313 = tpu.memref_slice %arg9[%dma_wait3A_311, %dma_wait3A_312] : memref<80x128xf32, #tpu.memory_space<vmem>> -> memref<16x128xf32, #tpu.memory_space<vmem>>
        tpu.wait_dma2 semaphore(%run_scoped3A_293 : memref<!tpu.dma_semaphore, #tpu.memory_space<semaphore_mem>>) src(%dma_wait3A_313 : memref<16x128xf32, #tpu.memory_space<vmem>>) dst(%dma_wait3A_310 : memref<16x128xf32, #tpu.memory_space<hbm>>)
        tpu.yield
      }) : () -> ()
    } else {
    }
    return
  }
}

#map = affine_map<(d0, d1) -> (0, 0)>
#map1 = affine_map<(d0, d1) -> (0)>
#map2 = affine_map<(d0, d1) -> (0, 0, 0)>
module attributes {stable_mosaic.version = 14 : i64} {
  func.func @body(%arg0: i32, %arg1: i32, %arg2: memref<10000x128xf32, #tpu.memory_space<hbm>>, %arg3: memref<320000xi32, #tpu.memory_space<hbm>>, %arg4: memref<32x125x80xi32, #tpu.memory_space<hbm>>, %arg5: memref<80x128xf32, #tpu.memory_space<hbm>>, %arg6: memref<20000x128xf32, #tpu.memory_space<hbm>>, %arg7: memref<10000x128xf32, #tpu.memory_space<vmem_shared>>, %arg8: memref<125x80xi32, #tpu.memory_space<vmem>>, %arg9: memref<80x128xf32, #tpu.memory_space<vmem>>, %arg10: memref<80x128xf32, #tpu.memory_space<vmem>>, %arg11: memref<!tpu.dma_semaphore, #tpu.memory_space<semaphore_mem>>, %arg12: memref<!tpu.dma_semaphore, #tpu.memory_space<semaphore_mem>>, %arg13: memref<10000xi32, #tpu.memory_space<vmem>>) attributes {dimension_semantics = [#tpu.dimension_semantics<core_parallel>, #tpu.dimension_semantics<subcore_parallel>], iteration_bounds = array<i64: 2, 16>, scalar_prefetch = 0 : i64, scratch_operands = 7 : i64, tpu.core_type = #tpu.core_type<sc_vector_subcore>, window_params = [{transform_indices = #map}, {transform_indices = #map1}, {transform_indices = #map2}, {transform_indices = #map}, {transform_indices = #map}]} {
    %mul3A = arith.constant 16 : i32
    %mul3A_0 = arith.muli %arg0, %mul3A : i32
    %add3A = arith.addi %mul3A_0, %arg1 : i32
    %mul3A_1 = arith.constant 10000 : i32
    %mul3A_2 = arith.muli %add3A, %mul3A_1 : i32
    %dma_start3A = tpu.memref_slice %arg3[%mul3A_2] : memref<320000xi32, #tpu.memory_space<hbm>> -> memref<10000xi32, #tpu.memory_space<hbm>>
    %dma_start3A_3 = tpu.memref_slice %arg3[%mul3A_2] : memref<320000xi32, #tpu.memory_space<hbm>> -> memref<10000xi32, #tpu.memory_space<hbm>>
    tpu.enqueue_dma source(%dma_start3A_3 : memref<10000xi32, #tpu.memory_space<hbm>>) target(%arg13 : memref<10000xi32, #tpu.memory_space<vmem>>) target_semaphore(%arg11 : memref<!tpu.dma_semaphore, #tpu.memory_space<semaphore_mem>>)
    %dma_start3A_4 = arith.constant 0 : i32
    %dma_start3A_5 = arith.constant 0 : i32
    %dma_start3A_6 = tpu.memref_slice %arg4[%add3A, %dma_start3A_4, %dma_start3A_5] : memref<32x125x80xi32, #tpu.memory_space<hbm>> -> memref<1x125x80xi32, #tpu.memory_space<hbm>>
    %dma_start3A_7 = tpu.memref_squeeze %dma_start3A_6 : memref<1x125x80xi32, #tpu.memory_space<hbm>> -> memref<125x80xi32, #tpu.memory_space<hbm>>
    %dma_start3A_8 = arith.constant 0 : i32
    %dma_start3A_9 = arith.constant 0 : i32
    %dma_start3A_10 = tpu.memref_slice %arg4[%add3A, %dma_start3A_8, %dma_start3A_9] : memref<32x125x80xi32, #tpu.memory_space<hbm>> -> memref<1x125x80xi32, #tpu.memory_space<hbm>>
    %dma_start3A_11 = tpu.memref_squeeze %dma_start3A_10 : memref<1x125x80xi32, #tpu.memory_space<hbm>> -> memref<125x80xi32, #tpu.memory_space<hbm>>
    tpu.enqueue_dma source(%dma_start3A_11 : memref<125x80xi32, #tpu.memory_space<hbm>>) target(%arg8 : memref<125x80xi32, #tpu.memory_space<vmem>>) target_semaphore(%arg12 : memref<!tpu.dma_semaphore, #tpu.memory_space<semaphore_mem>>)
    %mul3A_12 = arith.constant 624 : i32
    %mul3A_13 = arith.muli %arg1, %mul3A_12 : i32
    "tpu.region"() ({
      %run_scoped3A_289 = tpu.sem_alloc : memref<!tpu.dma_semaphore, #tpu.memory_space<semaphore_mem>>
      tpu.enqueue_dma source(%arg5 : memref<80x128xf32, #tpu.memory_space<hbm>>) target(%arg10 : memref<80x128xf32, #tpu.memory_space<vmem>>) target_semaphore(%run_scoped3A_289 : memref<!tpu.dma_semaphore, #tpu.memory_space<semaphore_mem>>)
      tpu.wait_dma2 semaphore(%run_scoped3A_289 : memref<!tpu.dma_semaphore, #tpu.memory_space<semaphore_mem>>) src(%arg5 : memref<80x128xf32, #tpu.memory_space<hbm>>) dst(%arg10 : memref<80x128xf32, #tpu.memory_space<vmem>>)
      tpu.yield
    }) : () -> ()
    %add3A_14 = arith.constant 0 : i32
    %add3A_15 = arith.addi %mul3A_13, %add3A_14 : i32
    "tpu.region"() ({
      %run_scoped3A_289 = tpu.sem_alloc : memref<!tpu.dma_semaphore, #tpu.memory_space<semaphore_mem>>
      %dma_start3A_290 = arith.constant 0 : i32
      %dma_start3A_291 = arith.constant 0 : i32
      %dma_start3A_292 = tpu.memref_slice %arg10[%dma_start3A_290, %dma_start3A_291] : memref<80x128xf32, #tpu.memory_space<vmem>> -> memref<80x128xf32, #tpu.memory_space<vmem>>
      %dma_start3A_293 = arith.constant 0 : i32
      %dma_start3A_294 = tpu.memref_slice %arg7[%add3A_15, %dma_start3A_293] : memref<10000x128xf32, #tpu.memory_space<vmem_shared>> -> memref<80x128xf32, #tpu.memory_space<vmem_shared>>
      %dma_start3A_295 = arith.constant 0 : i32
      %dma_start3A_296 = tpu.memref_slice %arg7[%add3A_15, %dma_start3A_295] : memref<10000x128xf32, #tpu.memory_space<vmem_shared>> -> memref<80x128xf32, #tpu.memory_space<vmem_shared>>
      %dma_start3A_297 = arith.constant 0 : i32
      %dma_start3A_298 = arith.constant 0 : i32
      %dma_start3A_299 = tpu.memref_slice %arg10[%dma_start3A_297, %dma_start3A_298] : memref<80x128xf32, #tpu.memory_space<vmem>> -> memref<80x128xf32, #tpu.memory_space<vmem>>
      tpu.enqueue_dma source(%dma_start3A_299 : memref<80x128xf32, #tpu.memory_space<vmem>>) target(%dma_start3A_296 : memref<80x128xf32, #tpu.memory_space<vmem_shared>>) target_semaphore(%run_scoped3A_289 : memref<!tpu.dma_semaphore, #tpu.memory_space<semaphore_mem>>)
      %dma_wait3A_300 = arith.constant 0 : i32
      %dma_wait3A_301 = arith.constant 0 : i32
      %dma_wait3A_302 = tpu.memref_slice %arg10[%dma_wait3A_300, %dma_wait3A_301] : memref<80x128xf32, #tpu.memory_space<vmem>> -> memref<80x128xf32, #tpu.memory_space<vmem>>
      %dma_wait3A_303 = arith.constant 0 : i32
      %dma_wait3A_304 = tpu.memref_slice %arg7[%add3A_15, %dma_wait3A_303] : memref<10000x128xf32, #tpu.memory_space<vmem_shared>> -> memref<80x128xf32, #tpu.memory_space<vmem_shared>>
      %dma_wait3A_305 = arith.constant 0 : i32
      %dma_wait3A_306 = tpu.memref_slice %arg7[%add3A_15, %dma_wait3A_305] : memref<10000x128xf32, #tpu.memory_space<vmem_shared>> -> memref<80x128xf32, #tpu.memory_space<vmem_shared>>
      %dma_wait3A_307 = arith.constant 0 : i32
      %dma_wait3A_308 = arith.constant 0 : i32
      %dma_wait3A_309 = tpu.memref_slice %arg10[%dma_wait3A_307, %dma_wait3A_308] : memref<80x128xf32, #tpu.memory_space<vmem>> -> memref<80x128xf32, #tpu.memory_space<vmem>>
      tpu.wait_dma2 semaphore(%run_scoped3A_289 : memref<!tpu.dma_semaphore, #tpu.memory_space<semaphore_mem>>) src(%dma_wait3A_309 : memref<80x128xf32, #tpu.memory_space<vmem>>) dst(%dma_wait3A_306 : memref<80x128xf32, #tpu.memory_space<vmem_shared>>)
      tpu.yield
    }) : () -> ()
    %add3A_16 = arith.constant 80 : i32
    %add3A_17 = arith.addi %mul3A_13, %add3A_16 : i32
    "tpu.region"() ({
      %run_scoped3A_289 = tpu.sem_alloc : memref<!tpu.dma_semaphore, #tpu.memory_space<semaphore_mem>>
      %dma_start3A_290 = arith.constant 0 : i32
      %dma_start3A_291 = arith.constant 0 : i32
      %dma_start3A_292 = tpu.memref_slice %arg10[%dma_start3A_290, %dma_start3A_291] : memref<80x128xf32, #tpu.memory_space<vmem>> -> memref<80x128xf32, #tpu.memory_space<vmem>>
      %dma_start3A_293 = arith.constant 0 : i32
      %dma_start3A_294 = tpu.memref_slice %arg7[%add3A_17, %dma_start3A_293] : memref<10000x128xf32, #tpu.memory_space<vmem_shared>> -> memref<80x128xf32, #tpu.memory_space<vmem_shared>>
      %dma_start3A_295 = arith.constant 0 : i32
      %dma_start3A_296 = tpu.memref_slice %arg7[%add3A_17, %dma_start3A_295] : memref<10000x128xf32, #tpu.memory_space<vmem_shared>> -> memref<80x128xf32, #tpu.memory_space<vmem_shared>>
      %dma_start3A_297 = arith.constant 0 : i32
      %dma_start3A_298 = arith.constant 0 : i32
      %dma_start3A_299 = tpu.memref_slice %arg10[%dma_start3A_297, %dma_start3A_298] : memref<80x128xf32, #tpu.memory_space<vmem>> -> memref<80x128xf32, #tpu.memory_space<vmem>>
      tpu.enqueue_dma source(%dma_start3A_299 : memref<80x128xf32, #tpu.memory_space<vmem>>) target(%dma_start3A_296 : memref<80x128xf32, #tpu.memory_space<vmem_shared>>) target_semaphore(%run_scoped3A_289 : memref<!tpu.dma_semaphore, #tpu.memory_space<semaphore_mem>>)
      %dma_wait3A_300 = arith.constant 0 : i32
      %dma_wait3A_301 = arith.constant 0 : i32
      %dma_wait3A_302 = tpu.memref_slice %arg10[%dma_wait3A_300, %dma_wait3A_301] : memref<80x128xf32, #tpu.memory_space<vmem>> -> memref<80x128xf32, #tpu.memory_space<vmem>>
      %dma_wait3A_303 = arith.constant 0 : i32
      %dma_wait3A_304 = tpu.memref_slice %arg7[%add3A_17, %dma_wait3A_303] : memref<10000x128xf32, #tpu.memory_space<vmem_shared>> -> memref<80x128xf32, #tpu.memory_space<vmem_shared>>
      %dma_wait3A_305 = arith.constant 0 : i32
      %dma_wait3A_306 = tpu.memref_slice %arg7[%add3A_17, %dma_wait3A_305] : memref<10000x128xf32, #tpu.memory_space<vmem_shared>> -> memref<80x128xf32, #tpu.memory_space<vmem_shared>>
      %dma_wait3A_307 = arith.constant 0 : i32
      %dma_wait3A_308 = arith.constant 0 : i32
      %dma_wait3A_309 = tpu.memref_slice %arg10[%dma_wait3A_307, %dma_wait3A_308] : memref<80x128xf32, #tpu.memory_space<vmem>> -> memref<80x128xf32, #tpu.memory_space<vmem>>
      tpu.wait_dma2 semaphore(%run_scoped3A_289 : memref<!tpu.dma_semaphore, #tpu.memory_space<semaphore_mem>>) src(%dma_wait3A_309 : memref<80x128xf32, #tpu.memory_space<vmem>>) dst(%dma_wait3A_306 : memref<80x128xf32, #tpu.memory_space<vmem_shared>>)
      tpu.yield
    }) : () -> ()
    %add3A_18 = arith.constant 160 : i32
    %add3A_19 = arith.addi %mul3A_13, %add3A_18 : i32
    "tpu.region"() ({
      %run_scoped3A_289 = tpu.sem_alloc : memref<!tpu.dma_semaphore, #tpu.memory_space<semaphore_mem>>
      %dma_start3A_290 = arith.constant 0 : i32
      %dma_start3A_291 = arith.constant 0 : i32
      %dma_start3A_292 = tpu.memref_slice %arg10[%dma_start3A_290, %dma_start3A_291] : memref<80x128xf32, #tpu.memory_space<vmem>> -> memref<80x128xf32, #tpu.memory_space<vmem>>
      %dma_start3A_293 = arith.constant 0 : i32
      %dma_start3A_294 = tpu.memref_slice %arg7[%add3A_19, %dma_start3A_293] : memref<10000x128xf32, #tpu.memory_space<vmem_shared>> -> memref<80x128xf32, #tpu.memory_space<vmem_shared>>
      %dma_start3A_295 = arith.constant 0 : i32
      %dma_start3A_296 = tpu.memref_slice %arg7[%add3A_19, %dma_start3A_295] : memref<10000x128xf32, #tpu.memory_space<vmem_shared>> -> memref<80x128xf32, #tpu.memory_space<vmem_shared>>
      %dma_start3A_297 = arith.constant 0 : i32
      %dma_start3A_298 = arith.constant 0 : i32
      %dma_start3A_299 = tpu.memref_slice %arg10[%dma_start3A_297, %dma_start3A_298] : memref<80x128xf32, #tpu.memory_space<vmem>> -> memref<80x128xf32, #tpu.memory_space<vmem>>
      tpu.enqueue_dma source(%dma_start3A_299 : memref<80x128xf32, #tpu.memory_space<vmem>>) target(%dma_start3A_296 : memref<80x128xf32, #tpu.memory_space<vmem_shared>>) target_semaphore(%run_scoped3A_289 : memref<!tpu.dma_semaphore, #tpu.memory_space<semaphore_mem>>)
      %dma_wait3A_300 = arith.constant 0 : i32
      %dma_wait3A_301 = arith.constant 0 : i32
      %dma_wait3A_302 = tpu.memref_slice %arg10[%dma_wait3A_300, %dma_wait3A_301] : memref<80x128xf32, #tpu.memory_space<vmem>> -> memref<80x128xf32, #tpu.memory_space<vmem>>
      %dma_wait3A_303 = arith.constant 0 : i32
      %dma_wait3A_304 = tpu.memref_slice %arg7[%add3A_19, %dma_wait3A_303] : memref<10000x128xf32, #tpu.memory_space<vmem_shared>> -> memref<80x128xf32, #tpu.memory_space<vmem_shared>>
      %dma_wait3A_305 = arith.constant 0 : i32
      %dma_wait3A_306 = tpu.memref_slice %arg7[%add3A_19, %dma_wait3A_305] : memref<10000x128xf32, #tpu.memory_space<vmem_shared>> -> memref<80x128xf32, #tpu.memory_space<vmem_shared>>
      %dma_wait3A_307 = arith.constant 0 : i32
      %dma_wait3A_308 = arith.constant 0 : i32
      %dma_wait3A_309 = tpu.memref_slice %arg10[%dma_wait3A_307, %dma_wait3A_308] : memref<80x128xf32, #tpu.memory_space<vmem>> -> memref<80x128xf32, #tpu.memory_space<vmem>>
      tpu.wait_dma2 semaphore(%run_scoped3A_289 : memref<!tpu.dma_semaphore, #tpu.memory_space<semaphore_mem>>) src(%dma_wait3A_309 : memref<80x128xf32, #tpu.memory_space<vmem>>) dst(%dma_wait3A_306 : memref<80x128xf32, #tpu.memory_space<vmem_shared>>)
      tpu.yield
    }) : () -> ()
    %add3A_20 = arith.constant 240 : i32
    %add3A_21 = arith.addi %mul3A_13, %add3A_20 : i32
    "tpu.region"() ({
      %run_scoped3A_289 = tpu.sem_alloc : memref<!tpu.dma_semaphore, #tpu.memory_space<semaphore_mem>>
      %dma_start3A_290 = arith.constant 0 : i32
      %dma_start3A_291 = arith.constant 0 : i32
      %dma_start3A_292 = tpu.memref_slice %arg10[%dma_start3A_290, %dma_start3A_291] : memref<80x128xf32, #tpu.memory_space<vmem>> -> memref<80x128xf32, #tpu.memory_space<vmem>>
      %dma_start3A_293 = arith.constant 0 : i32
      %dma_start3A_294 = tpu.memref_slice %arg7[%add3A_21, %dma_start3A_293] : memref<10000x128xf32, #tpu.memory_space<vmem_shared>> -> memref<80x128xf32, #tpu.memory_space<vmem_shared>>
      %dma_start3A_295 = arith.constant 0 : i32
      %dma_start3A_296 = tpu.memref_slice %arg7[%add3A_21, %dma_start3A_295] : memref<10000x128xf32, #tpu.memory_space<vmem_shared>> -> memref<80x128xf32, #tpu.memory_space<vmem_shared>>
      %dma_start3A_297 = arith.constant 0 : i32
      %dma_start3A_298 = arith.constant 0 : i32
      %dma_start3A_299 = tpu.memref_slice %arg10[%dma_start3A_297, %dma_start3A_298] : memref<80x128xf32, #tpu.memory_space<vmem>> -> memref<80x128xf32, #tpu.memory_space<vmem>>
      tpu.enqueue_dma source(%dma_start3A_299 : memref<80x128xf32, #tpu.memory_space<vmem>>) target(%dma_start3A_296 : memref<80x128xf32, #tpu.memory_space<vmem_shared>>) target_semaphore(%run_scoped3A_289 : memref<!tpu.dma_semaphore, #tpu.memory_space<semaphore_mem>>)
      %dma_wait3A_300 = arith.constant 0 : i32
      %dma_wait3A_301 = arith.constant 0 : i32
      %dma_wait3A_302 = tpu.memref_slice %arg10[%dma_wait3A_300, %dma_wait3A_301] : memref<80x128xf32, #tpu.memory_space<vmem>> -> memref<80x128xf32, #tpu.memory_space<vmem>>
      %dma_wait3A_303 = arith.constant 0 : i32
      %dma_wait3A_304 = tpu.memref_slice %arg7[%add3A_21, %dma_wait3A_303] : memref<10000x128xf32, #tpu.memory_space<vmem_shared>> -> memref<80x128xf32, #tpu.memory_space<vmem_shared>>
      %dma_wait3A_305 = arith.constant 0 : i32
      %dma_wait3A_306 = tpu.memref_slice %arg7[%add3A_21, %dma_wait3A_305] : memref<10000x128xf32, #tpu.memory_space<vmem_shared>> -> memref<80x128xf32, #tpu.memory_space<vmem_shared>>
      %dma_wait3A_307 = arith.constant 0 : i32
      %dma_wait3A_308 = arith.constant 0 : i32
      %dma_wait3A_309 = tpu.memref_slice %arg10[%dma_wait3A_307, %dma_wait3A_308] : memref<80x128xf32, #tpu.memory_space<vmem>> -> memref<80x128xf32, #tpu.memory_space<vmem>>
      tpu.wait_dma2 semaphore(%run_scoped3A_289 : memref<!tpu.dma_semaphore, #tpu.memory_space<semaphore_mem>>) src(%dma_wait3A_309 : memref<80x128xf32, #tpu.memory_space<vmem>>) dst(%dma_wait3A_306 : memref<80x128xf32, #tpu.memory_space<vmem_shared>>)
      tpu.yield
    }) : () -> ()
    %add3A_22 = arith.constant 320 : i32
    %add3A_23 = arith.addi %mul3A_13, %add3A_22 : i32
    "tpu.region"() ({
      %run_scoped3A_289 = tpu.sem_alloc : memref<!tpu.dma_semaphore, #tpu.memory_space<semaphore_mem>>
      %dma_start3A_290 = arith.constant 0 : i32
      %dma_start3A_291 = arith.constant 0 : i32
      %dma_start3A_292 = tpu.memref_slice %arg10[%dma_start3A_290, %dma_start3A_291] : memref<80x128xf32, #tpu.memory_space<vmem>> -> memref<80x128xf32, #tpu.memory_space<vmem>>
      %dma_start3A_293 = arith.constant 0 : i32
      %dma_start3A_294 = tpu.memref_slice %arg7[%add3A_23, %dma_start3A_293] : memref<10000x128xf32, #tpu.memory_space<vmem_shared>> -> memref<80x128xf32, #tpu.memory_space<vmem_shared>>
      %dma_start3A_295 = arith.constant 0 : i32
      %dma_start3A_296 = tpu.memref_slice %arg7[%add3A_23, %dma_start3A_295] : memref<10000x128xf32, #tpu.memory_space<vmem_shared>> -> memref<80x128xf32, #tpu.memory_space<vmem_shared>>
      %dma_start3A_297 = arith.constant 0 : i32
      %dma_start3A_298 = arith.constant 0 : i32
      %dma_start3A_299 = tpu.memref_slice %arg10[%dma_start3A_297, %dma_start3A_298] : memref<80x128xf32, #tpu.memory_space<vmem>> -> memref<80x128xf32, #tpu.memory_space<vmem>>
      tpu.enqueue_dma source(%dma_start3A_299 : memref<80x128xf32, #tpu.memory_space<vmem>>) target(%dma_start3A_296 : memref<80x128xf32, #tpu.memory_space<vmem_shared>>) target_semaphore(%run_scoped3A_289 : memref<!tpu.dma_semaphore, #tpu.memory_space<semaphore_mem>>)
      %dma_wait3A_300 = arith.constant 0 : i32
      %dma_wait3A_301 = arith.constant 0 : i32
      %dma_wait3A_302 = tpu.memref_slice %arg10[%dma_wait3A_300, %dma_wait3A_301] : memref<80x128xf32, #tpu.memory_space<vmem>> -> memref<80x128xf32, #tpu.memory_space<vmem>>
      %dma_wait3A_303 = arith.constant 0 : i32
      %dma_wait3A_304 = tpu.memref_slice %arg7[%add3A_23, %dma_wait3A_303] : memref<10000x128xf32, #tpu.memory_space<vmem_shared>> -> memref<80x128xf32, #tpu.memory_space<vmem_shared>>
      %dma_wait3A_305 = arith.constant 0 : i32
      %dma_wait3A_306 = tpu.memref_slice %arg7[%add3A_23, %dma_wait3A_305] : memref<10000x128xf32, #tpu.memory_space<vmem_shared>> -> memref<80x128xf32, #tpu.memory_space<vmem_shared>>
      %dma_wait3A_307 = arith.constant 0 : i32
      %dma_wait3A_308 = arith.constant 0 : i32
      %dma_wait3A_309 = tpu.memref_slice %arg10[%dma_wait3A_307, %dma_wait3A_308] : memref<80x128xf32, #tpu.memory_space<vmem>> -> memref<80x128xf32, #tpu.memory_space<vmem>>
      tpu.wait_dma2 semaphore(%run_scoped3A_289 : memref<!tpu.dma_semaphore, #tpu.memory_space<semaphore_mem>>) src(%dma_wait3A_309 : memref<80x128xf32, #tpu.memory_space<vmem>>) dst(%dma_wait3A_306 : memref<80x128xf32, #tpu.memory_space<vmem_shared>>)
      tpu.yield
    }) : () -> ()
    %add3A_24 = arith.constant 400 : i32
    %add3A_25 = arith.addi %mul3A_13, %add3A_24 : i32
    "tpu.region"() ({
      %run_scoped3A_289 = tpu.sem_alloc : memref<!tpu.dma_semaphore, #tpu.memory_space<semaphore_mem>>
      %dma_start3A_290 = arith.constant 0 : i32
      %dma_start3A_291 = arith.constant 0 : i32
      %dma_start3A_292 = tpu.memref_slice %arg10[%dma_start3A_290, %dma_start3A_291] : memref<80x128xf32, #tpu.memory_space<vmem>> -> memref<80x128xf32, #tpu.memory_space<vmem>>
      %dma_start3A_293 = arith.constant 0 : i32
      %dma_start3A_294 = tpu.memref_slice %arg7[%add3A_25, %dma_start3A_293] : memref<10000x128xf32, #tpu.memory_space<vmem_shared>> -> memref<80x128xf32, #tpu.memory_space<vmem_shared>>
      %dma_start3A_295 = arith.constant 0 : i32
      %dma_start3A_296 = tpu.memref_slice %arg7[%add3A_25, %dma_start3A_295] : memref<10000x128xf32, #tpu.memory_space<vmem_shared>> -> memref<80x128xf32, #tpu.memory_space<vmem_shared>>
      %dma_start3A_297 = arith.constant 0 : i32
      %dma_start3A_298 = arith.constant 0 : i32
      %dma_start3A_299 = tpu.memref_slice %arg10[%dma_start3A_297, %dma_start3A_298] : memref<80x128xf32, #tpu.memory_space<vmem>> -> memref<80x128xf32, #tpu.memory_space<vmem>>
      tpu.enqueue_dma source(%dma_start3A_299 : memref<80x128xf32, #tpu.memory_space<vmem>>) target(%dma_start3A_296 : memref<80x128xf32, #tpu.memory_space<vmem_shared>>) target_semaphore(%run_scoped3A_289 : memref<!tpu.dma_semaphore, #tpu.memory_space<semaphore_mem>>)
      %dma_wait3A_300 = arith.constant 0 : i32
      %dma_wait3A_301 = arith.constant 0 : i32
      %dma_wait3A_302 = tpu.memref_slice %arg10[%dma_wait3A_300, %dma_wait3A_301] : memref<80x128xf32, #tpu.memory_space<vmem>> -> memref<80x128xf32, #tpu.memory_space<vmem>>
      %dma_wait3A_303 = arith.constant 0 : i32
      %dma_wait3A_304 = tpu.memref_slice %arg7[%add3A_25, %dma_wait3A_303] : memref<10000x128xf32, #tpu.memory_space<vmem_shared>> -> memref<80x128xf32, #tpu.memory_space<vmem_shared>>
      %dma_wait3A_305 = arith.constant 0 : i32
      %dma_wait3A_306 = tpu.memref_slice %arg7[%add3A_25, %dma_wait3A_305] : memref<10000x128xf32, #tpu.memory_space<vmem_shared>> -> memref<80x128xf32, #tpu.memory_space<vmem_shared>>
      %dma_wait3A_307 = arith.constant 0 : i32
      %dma_wait3A_308 = arith.constant 0 : i32
      %dma_wait3A_309 = tpu.memref_slice %arg10[%dma_wait3A_307, %dma_wait3A_308] : memref<80x128xf32, #tpu.memory_space<vmem>> -> memref<80x128xf32, #tpu.memory_space<vmem>>
      tpu.wait_dma2 semaphore(%run_scoped3A_289 : memref<!tpu.dma_semaphore, #tpu.memory_space<semaphore_mem>>) src(%dma_wait3A_309 : memref<80x128xf32, #tpu.memory_space<vmem>>) dst(%dma_wait3A_306 : memref<80x128xf32, #tpu.memory_space<vmem_shared>>)
      tpu.yield
    }) : () -> ()
    %add3A_26 = arith.constant 480 : i32
    %add3A_27 = arith.addi %mul3A_13, %add3A_26 : i32
    "tpu.region"() ({
      %run_scoped3A_289 = tpu.sem_alloc : memref<!tpu.dma_semaphore, #tpu.memory_space<semaphore_mem>>
      %dma_start3A_290 = arith.constant 0 : i32
      %dma_start3A_291 = arith.constant 0 : i32
      %dma_start3A_292 = tpu.memref_slice %arg10[%dma_start3A_290, %dma_start3A_291] : memref<80x128xf32, #tpu.memory_space<vmem>> -> memref<80x128xf32, #tpu.memory_space<vmem>>
      %dma_start3A_293 = arith.constant 0 : i32
      %dma_start3A_294 = tpu.memref_slice %arg7[%add3A_27, %dma_start3A_293] : memref<10000x128xf32, #tpu.memory_space<vmem_shared>> -> memref<80x128xf32, #tpu.memory_space<vmem_shared>>
      %dma_start3A_295 = arith.constant 0 : i32
      %dma_start3A_296 = tpu.memref_slice %arg7[%add3A_27, %dma_start3A_295] : memref<10000x128xf32, #tpu.memory_space<vmem_shared>> -> memref<80x128xf32, #tpu.memory_space<vmem_shared>>
      %dma_start3A_297 = arith.constant 0 : i32
      %dma_start3A_298 = arith.constant 0 : i32
      %dma_start3A_299 = tpu.memref_slice %arg10[%dma_start3A_297, %dma_start3A_298] : memref<80x128xf32, #tpu.memory_space<vmem>> -> memref<80x128xf32, #tpu.memory_space<vmem>>
      tpu.enqueue_dma source(%dma_start3A_299 : memref<80x128xf32, #tpu.memory_space<vmem>>) target(%dma_start3A_296 : memref<80x128xf32, #tpu.memory_space<vmem_shared>>) target_semaphore(%run_scoped3A_289 : memref<!tpu.dma_semaphore, #tpu.memory_space<semaphore_mem>>)
      %dma_wait3A_300 = arith.constant 0 : i32
      %dma_wait3A_301 = arith.constant 0 : i32
      %dma_wait3A_302 = tpu.memref_slice %arg10[%dma_wait3A_300, %dma_wait3A_301] : memref<80x128xf32, #tpu.memory_space<vmem>> -> memref<80x128xf32, #tpu.memory_space<vmem>>
      %dma_wait3A_303 = arith.constant 0 : i32
      %dma_wait3A_304 = tpu.memref_slice %arg7[%add3A_27, %dma_wait3A_303] : memref<10000x128xf32, #tpu.memory_space<vmem_shared>> -> memref<80x128xf32, #tpu.memory_space<vmem_shared>>
      %dma_wait3A_305 = arith.constant 0 : i32
      %dma_wait3A_306 = tpu.memref_slice %arg7[%add3A_27, %dma_wait3A_305] : memref<10000x128xf32, #tpu.memory_space<vmem_shared>> -> memref<80x128xf32, #tpu.memory_space<vmem_shared>>
      %dma_wait3A_307 = arith.constant 0 : i32
      %dma_wait3A_308 = arith.constant 0 : i32
      %dma_wait3A_309 = tpu.memref_slice %arg10[%dma_wait3A_307, %dma_wait3A_308] : memref<80x128xf32, #tpu.memory_space<vmem>> -> memref<80x128xf32, #tpu.memory_space<vmem>>
      tpu.wait_dma2 semaphore(%run_scoped3A_289 : memref<!tpu.dma_semaphore, #tpu.memory_space<semaphore_mem>>) src(%dma_wait3A_309 : memref<80x128xf32, #tpu.memory_space<vmem>>) dst(%dma_wait3A_306 : memref<80x128xf32, #tpu.memory_space<vmem_shared>>)
      tpu.yield
    }) : () -> ()
    %add3A_28 = arith.constant 560 : i32
    %add3A_29 = arith.addi %mul3A_13, %add3A_28 : i32
    "tpu.region"() ({
      %run_scoped3A_289 = tpu.sem_alloc : memref<!tpu.dma_semaphore, #tpu.memory_space<semaphore_mem>>
      %dma_start3A_290 = arith.constant 0 : i32
      %dma_start3A_291 = arith.constant 0 : i32
      %dma_start3A_292 = tpu.memref_slice %arg10[%dma_start3A_290, %dma_start3A_291] : memref<80x128xf32, #tpu.memory_space<vmem>> -> memref<64x128xf32, #tpu.memory_space<vmem>>
      %dma_start3A_293 = arith.constant 0 : i32
      %dma_start3A_294 = tpu.memref_slice %arg7[%add3A_29, %dma_start3A_293] : memref<10000x128xf32, #tpu.memory_space<vmem_shared>> -> memref<64x128xf32, #tpu.memory_space<vmem_shared>>
      %dma_start3A_295 = arith.constant 0 : i32
      %dma_start3A_296 = tpu.memref_slice %arg7[%add3A_29, %dma_start3A_295] : memref<10000x128xf32, #tpu.memory_space<vmem_shared>> -> memref<64x128xf32, #tpu.memory_space<vmem_shared>>
      %dma_start3A_297 = arith.constant 0 : i32
      %dma_start3A_298 = arith.constant 0 : i32
      %dma_start3A_299 = tpu.memref_slice %arg10[%dma_start3A_297, %dma_start3A_298] : memref<80x128xf32, #tpu.memory_space<vmem>> -> memref<64x128xf32, #tpu.memory_space<vmem>>
      tpu.enqueue_dma source(%dma_start3A_299 : memref<64x128xf32, #tpu.memory_space<vmem>>) target(%dma_start3A_296 : memref<64x128xf32, #tpu.memory_space<vmem_shared>>) target_semaphore(%run_scoped3A_289 : memref<!tpu.dma_semaphore, #tpu.memory_space<semaphore_mem>>)
      %dma_wait3A_300 = arith.constant 0 : i32
      %dma_wait3A_301 = arith.constant 0 : i32
      %dma_wait3A_302 = tpu.memref_slice %arg10[%dma_wait3A_300, %dma_wait3A_301] : memref<80x128xf32, #tpu.memory_space<vmem>> -> memref<64x128xf32, #tpu.memory_space<vmem>>
      %dma_wait3A_303 = arith.constant 0 : i32
      %dma_wait3A_304 = tpu.memref_slice %arg7[%add3A_29, %dma_wait3A_303] : memref<10000x128xf32, #tpu.memory_space<vmem_shared>> -> memref<64x128xf32, #tpu.memory_space<vmem_shared>>
      %dma_wait3A_305 = arith.constant 0 : i32
      %dma_wait3A_306 = tpu.memref_slice %arg7[%add3A_29, %dma_wait3A_305] : memref<10000x128xf32, #tpu.memory_space<vmem_shared>> -> memref<64x128xf32, #tpu.memory_space<vmem_shared>>
      %dma_wait3A_307 = arith.constant 0 : i32
      %dma_wait3A_308 = arith.constant 0 : i32
      %dma_wait3A_309 = tpu.memref_slice %arg10[%dma_wait3A_307, %dma_wait3A_308] : memref<80x128xf32, #tpu.memory_space<vmem>> -> memref<64x128xf32, #tpu.memory_space<vmem>>
      tpu.wait_dma2 semaphore(%run_scoped3A_289 : memref<!tpu.dma_semaphore, #tpu.memory_space<semaphore_mem>>) src(%dma_wait3A_309 : memref<64x128xf32, #tpu.memory_space<vmem>>) dst(%dma_wait3A_306 : memref<64x128xf32, #tpu.memory_space<vmem_shared>>)
      tpu.yield
    }) : () -> ()
    %eq3A = arith.constant 0 : i32
    %eq3A_30 = arith.cmpi eq, %arg1, %eq3A : i32
    %convert_element_type3A = arith.extui %eq3A_30 : i1 to i32
    %cond3A = arith.constant 0 : i32
    %cond3A_31 = arith.cmpi ne, %convert_element_type3A, %cond3A : i32
    scf.if %cond3A_31 {
      "tpu.region"() ({
        %run_scoped3A_289 = tpu.sem_alloc : memref<!tpu.dma_semaphore, #tpu.memory_space<semaphore_mem>>
        %dma_start3A_290 = arith.constant 0 : i32
        %dma_start3A_291 = arith.constant 0 : i32
        %dma_start3A_292 = tpu.memref_slice %arg10[%dma_start3A_290, %dma_start3A_291] : memref<80x128xf32, #tpu.memory_space<vmem>> -> memref<16x128xf32, #tpu.memory_space<vmem>>
        %dma_start3A_293 = arith.constant 9984 : i32
        %dma_start3A_294 = arith.constant 0 : i32
        %dma_start3A_295 = tpu.memref_slice %arg7[%dma_start3A_293, %dma_start3A_294] : memref<10000x128xf32, #tpu.memory_space<vmem_shared>> -> memref<16x128xf32, #tpu.memory_space<vmem_shared>>
        %dma_start3A_296 = arith.constant 9984 : i32
        %dma_start3A_297 = arith.constant 0 : i32
        %dma_start3A_298 = tpu.memref_slice %arg7[%dma_start3A_296, %dma_start3A_297] : memref<10000x128xf32, #tpu.memory_space<vmem_shared>> -> memref<16x128xf32, #tpu.memory_space<vmem_shared>>
        %dma_start3A_299 = arith.constant 0 : i32
        %dma_start3A_300 = arith.constant 0 : i32
        %dma_start3A_301 = tpu.memref_slice %arg10[%dma_start3A_299, %dma_start3A_300] : memref<80x128xf32, #tpu.memory_space<vmem>> -> memref<16x128xf32, #tpu.memory_space<vmem>>
        tpu.enqueue_dma source(%dma_start3A_301 : memref<16x128xf32, #tpu.memory_space<vmem>>) target(%dma_start3A_298 : memref<16x128xf32, #tpu.memory_space<vmem_shared>>) target_semaphore(%run_scoped3A_289 : memref<!tpu.dma_semaphore, #tpu.memory_space<semaphore_mem>>)
        %dma_wait3A_302 = arith.constant 0 : i32
        %dma_wait3A_303 = arith.constant 0 : i32
        %dma_wait3A_304 = tpu.memref_slice %arg10[%dma_wait3A_302, %dma_wait3A_303] : memref<80x128xf32, #tpu.memory_space<vmem>> -> memref<16x128xf32, #tpu.memory_space<vmem>>
        %dma_wait3A_305 = arith.constant 9984 : i32
        %dma_wait3A_306 = arith.constant 0 : i32
        %dma_wait3A_307 = tpu.memref_slice %arg7[%dma_wait3A_305, %dma_wait3A_306] : memref<10000x128xf32, #tpu.memory_space<vmem_shared>> -> memref<16x128xf32, #tpu.memory_space<vmem_shared>>
        %dma_wait3A_308 = arith.constant 9984 : i32
        %dma_wait3A_309 = arith.constant 0 : i32
        %dma_wait3A_310 = tpu.memref_slice %arg7[%dma_wait3A_308, %dma_wait3A_309] : memref<10000x128xf32, #tpu.memory_space<vmem_shared>> -> memref<16x128xf32, #tpu.memory_space<vmem_shared>>
        %dma_wait3A_311 = arith.constant 0 : i32
        %dma_wait3A_312 = arith.constant 0 : i32
        %dma_wait3A_313 = tpu.memref_slice %arg10[%dma_wait3A_311, %dma_wait3A_312] : memref<80x128xf32, #tpu.memory_space<vmem>> -> memref<16x128xf32, #tpu.memory_space<vmem>>
        tpu.wait_dma2 semaphore(%run_scoped3A_289 : memref<!tpu.dma_semaphore, #tpu.memory_space<semaphore_mem>>) src(%dma_wait3A_313 : memref<16x128xf32, #tpu.memory_space<vmem>>) dst(%dma_wait3A_310 : memref<16x128xf32, #tpu.memory_space<vmem_shared>>)
        tpu.yield
      }) : () -> ()
    } else {
    }
    %mul3A_32 = arith.constant 10000 : i32
    %mul3A_33 = arith.muli %add3A, %mul3A_32 : i32
    %dma_wait3A = tpu.memref_slice %arg3[%mul3A_33] : memref<320000xi32, #tpu.memory_space<hbm>> -> memref<10000xi32, #tpu.memory_space<hbm>>
    %dma_wait3A_34 = tpu.memref_slice %arg3[%mul3A_33] : memref<320000xi32, #tpu.memory_space<hbm>> -> memref<10000xi32, #tpu.memory_space<hbm>>
    tpu.wait_dma2 semaphore(%arg11 : memref<!tpu.dma_semaphore, #tpu.memory_space<semaphore_mem>>) src(%dma_wait3A_34 : memref<10000xi32, #tpu.memory_space<hbm>>) dst(%arg13 : memref<10000xi32, #tpu.memory_space<vmem>>)
    %dma_wait3A_35 = arith.constant 0 : i32
    %dma_wait3A_36 = arith.constant 0 : i32
    %dma_wait3A_37 = tpu.memref_slice %arg4[%add3A, %dma_wait3A_35, %dma_wait3A_36] : memref<32x125x80xi32, #tpu.memory_space<hbm>> -> memref<1x125x80xi32, #tpu.memory_space<hbm>>
    %dma_wait3A_38 = tpu.memref_squeeze %dma_wait3A_37 : memref<1x125x80xi32, #tpu.memory_space<hbm>> -> memref<125x80xi32, #tpu.memory_space<hbm>>
    %dma_wait3A_39 = arith.constant 0 : i32
    %dma_wait3A_40 = arith.constant 0 : i32
    %dma_wait3A_41 = tpu.memref_slice %arg4[%add3A, %dma_wait3A_39, %dma_wait3A_40] : memref<32x125x80xi32, #tpu.memory_space<hbm>> -> memref<1x125x80xi32, #tpu.memory_space<hbm>>
    %dma_wait3A_42 = tpu.memref_squeeze %dma_wait3A_41 : memref<1x125x80xi32, #tpu.memory_space<hbm>> -> memref<125x80xi32, #tpu.memory_space<hbm>>
    tpu.wait_dma2 semaphore(%arg12 : memref<!tpu.dma_semaphore, #tpu.memory_space<semaphore_mem>>) src(%dma_wait3A_42 : memref<125x80xi32, #tpu.memory_space<hbm>>) dst(%arg8 : memref<125x80xi32, #tpu.memory_space<vmem>>)
    %dma_start3A_43 = arith.constant 0 : i32
    %dma_start3A_44 = tpu.memref_slice %arg13[%dma_start3A_43] : memref<10000xi32, #tpu.memory_space<vmem>> -> memref<80xi32, #tpu.memory_space<vmem>>
    %dma_start3A_45 = arith.constant 0 : i32
    %dma_start3A_46 = arith.constant 0 : i32
    %dma_start3A_47 = tpu.memref_slice %arg2[%dma_start3A_45, %dma_start3A_46] : memref<10000x128xf32, #tpu.memory_space<hbm>> -> memref<10000x128xf32, #tpu.memory_space<hbm>>
    tpu.enqueue_indirect_dma source(%dma_start3A_47 : memref<10000x128xf32, #tpu.memory_space<hbm>>) target(%arg9 : memref<80x128xf32, #tpu.memory_space<vmem>>) offsets(%dma_start3A_44 : memref<80xi32, #tpu.memory_space<vmem>>) semaphore(%arg11 : memref<!tpu.dma_semaphore, #tpu.memory_space<semaphore_mem>>)
    %barrier3A = arith.constant 0 : index
    tpu.barrier barrier_id(%barrier3A)
    %scan3A = arith.constant 0 : i32
    %scan3A_48 = arith.constant 0 : i32
    %scan3A_49 = arith.constant 62 : i32
    %scan3A_50 = arith.addi %scan3A_48, %scan3A_49 : i32
    %scan3A_51 = arith.constant 1 : i32
    %scan3A_52 = scf.for %scan3A_289 = %scan3A_48 to %scan3A_50 step %scan3A_51 iter_args(%scan3A_290 = %scan3A) -> (i32)  : i32 {
      %mul3A_291 = arith.constant 2 : i32
      %mul3A_292 = arith.muli %mul3A_291, %scan3A_289 : i32
      %add3A_293 = arith.constant 1 : i32
      %add3A_294 = arith.addi %mul3A_292, %add3A_293 : i32
      %mul3A_295 = arith.constant 80 : i32
      %mul3A_296 = arith.muli %add3A_294, %mul3A_295 : i32
      %dma_start3A_297 = tpu.memref_slice %arg13[%mul3A_296] : memref<10000xi32, #tpu.memory_space<vmem>> -> memref<80xi32, #tpu.memory_space<vmem>>
      %dma_start3A_298 = arith.constant 0 : i32
      %dma_start3A_299 = arith.constant 0 : i32
      %dma_start3A_300 = tpu.memref_slice %arg2[%dma_start3A_298, %dma_start3A_299] : memref<10000x128xf32, #tpu.memory_space<hbm>> -> memref<10000x128xf32, #tpu.memory_space<hbm>>
      tpu.enqueue_indirect_dma source(%dma_start3A_300 : memref<10000x128xf32, #tpu.memory_space<hbm>>) target(%arg10 : memref<80x128xf32, #tpu.memory_space<vmem>>) offsets(%dma_start3A_297 : memref<80xi32, #tpu.memory_space<vmem>>) semaphore(%arg12 : memref<!tpu.dma_semaphore, #tpu.memory_space<semaphore_mem>>)
      %mul3A_301 = arith.constant 80 : i32
      %mul3A_302 = arith.muli %mul3A_292, %mul3A_301 : i32
      %dma_wait3A_303 = tpu.memref_slice %arg13[%mul3A_302] : memref<10000xi32, #tpu.memory_space<vmem>> -> memref<80xi32, #tpu.memory_space<vmem>>
      %dma_wait3A_304 = arith.constant 0 : i32
      %dma_wait3A_305 = arith.constant 0 : i32
      %dma_wait3A_306 = tpu.memref_slice %arg2[%dma_wait3A_304, %dma_wait3A_305] : memref<10000x128xf32, #tpu.memory_space<hbm>> -> memref<10000x128xf32, #tpu.memory_space<hbm>>
      tpu.wait_indirect_dma semaphore(%arg11 : memref<!tpu.dma_semaphore, #tpu.memory_space<semaphore_mem>>) src(%dma_wait3A_306 : memref<10000x128xf32, #tpu.memory_space<hbm>>) dst(%arg9 : memref<80x128xf32, #tpu.memory_space<vmem>>)
      "tpu.region"() ({
        %run_scoped3A_324 = tpu.sem_alloc : memref<!tpu.dma_semaphore, #tpu.memory_space<semaphore_mem>>
        %dma_start3A_325 = arith.constant 0 : i32
        %dma_start3A_326 = tpu.memref_slice %arg8[%mul3A_292, %dma_start3A_325] : memref<125x80xi32, #tpu.memory_space<vmem>> -> memref<1x80xi32, #tpu.memory_space<vmem>>
        %dma_start3A_327 = tpu.memref_squeeze %dma_start3A_326 : memref<1x80xi32, #tpu.memory_space<vmem>> -> memref<80xi32, #tpu.memory_space<vmem>>
        %dma_start3A_328 = arith.constant 0 : i32
        %dma_start3A_329 = arith.constant 0 : i32
        %dma_start3A_330 = tpu.memref_slice %arg7[%dma_start3A_328, %dma_start3A_329] : memref<10000x128xf32, #tpu.memory_space<vmem_shared>> -> memref<10000x128xf32, #tpu.memory_space<vmem_shared>>
        tpu.enqueue_indirect_dma source(%arg9 : memref<80x128xf32, #tpu.memory_space<vmem>>) target(%dma_start3A_330 : memref<10000x128xf32, #tpu.memory_space<vmem_shared>>) offsets(%dma_start3A_327 : memref<80xi32, #tpu.memory_space<vmem>>) semaphore(%run_scoped3A_324 : memref<!tpu.dma_semaphore, #tpu.memory_space<semaphore_mem>>) {add = true}
        %dma_wait3A_331 = arith.constant 0 : i32
        %dma_wait3A_332 = tpu.memref_slice %arg8[%mul3A_292, %dma_wait3A_331] : memref<125x80xi32, #tpu.memory_space<vmem>> -> memref<1x80xi32, #tpu.memory_space<vmem>>
        %dma_wait3A_333 = tpu.memref_squeeze %dma_wait3A_332 : memref<1x80xi32, #tpu.memory_space<vmem>> -> memref<80xi32, #tpu.memory_space<vmem>>
        %dma_wait3A_334 = arith.constant 0 : i32
        %dma_wait3A_335 = arith.constant 0 : i32
        %dma_wait3A_336 = tpu.memref_slice %arg7[%dma_wait3A_334, %dma_wait3A_335] : memref<10000x128xf32, #tpu.memory_space<vmem_shared>> -> memref<10000x128xf32, #tpu.memory_space<vmem_shared>>
        tpu.wait_indirect_dma semaphore(%run_scoped3A_324 : memref<!tpu.dma_semaphore, #tpu.memory_space<semaphore_mem>>) src(%arg9 : memref<80x128xf32, #tpu.memory_space<vmem>>) dst(%dma_wait3A_336 : memref<10000x128xf32, #tpu.memory_space<vmem_shared>>)
        tpu.yield
      }) : () -> ()
      %add3A_307 = arith.constant 2 : i32
      %add3A_308 = arith.addi %mul3A_292, %add3A_307 : i32
      %lt3A = arith.constant 125 : i32
      %lt3A_309 = arith.cmpi slt, %add3A_308, %lt3A : i32
      %convert_element_type3A_310 = arith.extui %lt3A_309 : i1 to i32
      %cond3A_311 = arith.constant 0 : i32
      %cond3A_312 = arith.cmpi ne, %convert_element_type3A_310, %cond3A_311 : i32
      scf.if %cond3A_312 {
        %add3A_324 = arith.constant 2 : i32
        %add3A_325 = arith.addi %mul3A_292, %add3A_324 : i32
        %mul3A_326 = arith.constant 80 : i32
        %mul3A_327 = arith.muli %add3A_325, %mul3A_326 : i32
        %dma_start3A_328 = tpu.memref_slice %arg13[%mul3A_327] : memref<10000xi32, #tpu.memory_space<vmem>> -> memref<80xi32, #tpu.memory_space<vmem>>
        %dma_start3A_329 = arith.constant 0 : i32
        %dma_start3A_330 = arith.constant 0 : i32
        %dma_start3A_331 = tpu.memref_slice %arg2[%dma_start3A_329, %dma_start3A_330] : memref<10000x128xf32, #tpu.memory_space<hbm>> -> memref<10000x128xf32, #tpu.memory_space<hbm>>
        tpu.enqueue_indirect_dma source(%dma_start3A_331 : memref<10000x128xf32, #tpu.memory_space<hbm>>) target(%arg9 : memref<80x128xf32, #tpu.memory_space<vmem>>) offsets(%dma_start3A_328 : memref<80xi32, #tpu.memory_space<vmem>>) semaphore(%arg11 : memref<!tpu.dma_semaphore, #tpu.memory_space<semaphore_mem>>)
      } else {
      }
      %add3A_313 = arith.constant 1 : i32
      %add3A_314 = arith.addi %mul3A_292, %add3A_313 : i32
      %mul3A_315 = arith.constant 80 : i32
      %mul3A_316 = arith.muli %add3A_314, %mul3A_315 : i32
      %dma_wait3A_317 = tpu.memref_slice %arg13[%mul3A_316] : memref<10000xi32, #tpu.memory_space<vmem>> -> memref<80xi32, #tpu.memory_space<vmem>>
      %dma_wait3A_318 = arith.constant 0 : i32
      %dma_wait3A_319 = arith.constant 0 : i32
      %dma_wait3A_320 = tpu.memref_slice %arg2[%dma_wait3A_318, %dma_wait3A_319] : memref<10000x128xf32, #tpu.memory_space<hbm>> -> memref<10000x128xf32, #tpu.memory_space<hbm>>
      tpu.wait_indirect_dma semaphore(%arg12 : memref<!tpu.dma_semaphore, #tpu.memory_space<semaphore_mem>>) src(%dma_wait3A_320 : memref<10000x128xf32, #tpu.memory_space<hbm>>) dst(%arg10 : memref<80x128xf32, #tpu.memory_space<vmem>>)
      %add3A_321 = arith.constant 1 : i32
      %add3A_322 = arith.addi %mul3A_292, %add3A_321 : i32
      "tpu.region"() ({
        %run_scoped3A_324 = tpu.sem_alloc : memref<!tpu.dma_semaphore, #tpu.memory_space<semaphore_mem>>
        %dma_start3A_325 = arith.constant 0 : i32
        %dma_start3A_326 = tpu.memref_slice %arg8[%add3A_322, %dma_start3A_325] : memref<125x80xi32, #tpu.memory_space<vmem>> -> memref<1x80xi32, #tpu.memory_space<vmem>>
        %dma_start3A_327 = tpu.memref_squeeze %dma_start3A_326 : memref<1x80xi32, #tpu.memory_space<vmem>> -> memref<80xi32, #tpu.memory_space<vmem>>
        %dma_start3A_328 = arith.constant 0 : i32
        %dma_start3A_329 = arith.constant 0 : i32
        %dma_start3A_330 = tpu.memref_slice %arg7[%dma_start3A_328, %dma_start3A_329] : memref<10000x128xf32, #tpu.memory_space<vmem_shared>> -> memref<10000x128xf32, #tpu.memory_space<vmem_shared>>
        tpu.enqueue_indirect_dma source(%arg10 : memref<80x128xf32, #tpu.memory_space<vmem>>) target(%dma_start3A_330 : memref<10000x128xf32, #tpu.memory_space<vmem_shared>>) offsets(%dma_start3A_327 : memref<80xi32, #tpu.memory_space<vmem>>) semaphore(%run_scoped3A_324 : memref<!tpu.dma_semaphore, #tpu.memory_space<semaphore_mem>>) {add = true}
        %dma_wait3A_331 = arith.constant 0 : i32
        %dma_wait3A_332 = tpu.memref_slice %arg8[%add3A_322, %dma_wait3A_331] : memref<125x80xi32, #tpu.memory_space<vmem>> -> memref<1x80xi32, #tpu.memory_space<vmem>>
        %dma_wait3A_333 = tpu.memref_squeeze %dma_wait3A_332 : memref<1x80xi32, #tpu.memory_space<vmem>> -> memref<80xi32, #tpu.memory_space<vmem>>
        %dma_wait3A_334 = arith.constant 0 : i32
        %dma_wait3A_335 = arith.constant 0 : i32
        %dma_wait3A_336 = tpu.memref_slice %arg7[%dma_wait3A_334, %dma_wait3A_335] : memref<10000x128xf32, #tpu.memory_space<vmem_shared>> -> memref<10000x128xf32, #tpu.memory_space<vmem_shared>>
        tpu.wait_indirect_dma semaphore(%run_scoped3A_324 : memref<!tpu.dma_semaphore, #tpu.memory_space<semaphore_mem>>) src(%arg10 : memref<80x128xf32, #tpu.memory_space<vmem>>) dst(%dma_wait3A_336 : memref<10000x128xf32, #tpu.memory_space<vmem_shared>>)
        tpu.yield
      }) : () -> ()
      %scan3A_323 = arith.constant 0 : i32
      scf.yield %scan3A_323 : i32
    }
    %scan3A_53 = arith.constant 62 : i32
    %dma_wait3A_54 = arith.constant 9920 : i32
    %dma_wait3A_55 = tpu.memref_slice %arg13[%dma_wait3A_54] : memref<10000xi32, #tpu.memory_space<vmem>> -> memref<80xi32, #tpu.memory_space<vmem>>
    %dma_wait3A_56 = arith.constant 0 : i32
    %dma_wait3A_57 = arith.constant 0 : i32
    %dma_wait3A_58 = tpu.memref_slice %arg2[%dma_wait3A_56, %dma_wait3A_57] : memref<10000x128xf32, #tpu.memory_space<hbm>> -> memref<10000x128xf32, #tpu.memory_space<hbm>>
    tpu.wait_indirect_dma semaphore(%arg11 : memref<!tpu.dma_semaphore, #tpu.memory_space<semaphore_mem>>) src(%dma_wait3A_58 : memref<10000x128xf32, #tpu.memory_space<hbm>>) dst(%arg9 : memref<80x128xf32, #tpu.memory_space<vmem>>)
    %run_scoped3A = arith.constant 124 : i32
    "tpu.region"() ({
      %run_scoped3A_289 = tpu.sem_alloc : memref<!tpu.dma_semaphore, #tpu.memory_space<semaphore_mem>>
      %dma_start3A_290 = arith.constant 0 : i32
      %dma_start3A_291 = tpu.memref_slice %arg8[%run_scoped3A, %dma_start3A_290] : memref<125x80xi32, #tpu.memory_space<vmem>> -> memref<1x80xi32, #tpu.memory_space<vmem>>
      %dma_start3A_292 = tpu.memref_squeeze %dma_start3A_291 : memref<1x80xi32, #tpu.memory_space<vmem>> -> memref<80xi32, #tpu.memory_space<vmem>>
      %dma_start3A_293 = arith.constant 0 : i32
      %dma_start3A_294 = arith.constant 0 : i32
      %dma_start3A_295 = tpu.memref_slice %arg7[%dma_start3A_293, %dma_start3A_294] : memref<10000x128xf32, #tpu.memory_space<vmem_shared>> -> memref<10000x128xf32, #tpu.memory_space<vmem_shared>>
      tpu.enqueue_indirect_dma source(%arg9 : memref<80x128xf32, #tpu.memory_space<vmem>>) target(%dma_start3A_295 : memref<10000x128xf32, #tpu.memory_space<vmem_shared>>) offsets(%dma_start3A_292 : memref<80xi32, #tpu.memory_space<vmem>>) semaphore(%run_scoped3A_289 : memref<!tpu.dma_semaphore, #tpu.memory_space<semaphore_mem>>) {add = true}
      %dma_wait3A_296 = arith.constant 0 : i32
      %dma_wait3A_297 = tpu.memref_slice %arg8[%run_scoped3A, %dma_wait3A_296] : memref<125x80xi32, #tpu.memory_space<vmem>> -> memref<1x80xi32, #tpu.memory_space<vmem>>
      %dma_wait3A_298 = tpu.memref_squeeze %dma_wait3A_297 : memref<1x80xi32, #tpu.memory_space<vmem>> -> memref<80xi32, #tpu.memory_space<vmem>>
      %dma_wait3A_299 = arith.constant 0 : i32
      %dma_wait3A_300 = arith.constant 0 : i32
      %dma_wait3A_301 = tpu.memref_slice %arg7[%dma_wait3A_299, %dma_wait3A_300] : memref<10000x128xf32, #tpu.memory_space<vmem_shared>> -> memref<10000x128xf32, #tpu.memory_space<vmem_shared>>
      tpu.wait_indirect_dma semaphore(%run_scoped3A_289 : memref<!tpu.dma_semaphore, #tpu.memory_space<semaphore_mem>>) src(%arg9 : memref<80x128xf32, #tpu.memory_space<vmem>>) dst(%dma_wait3A_301 : memref<10000x128xf32, #tpu.memory_space<vmem_shared>>)
      tpu.yield
    }) : () -> ()
    %barrier3A_59 = arith.constant 0 : index
    tpu.barrier barrier_id(%barrier3A_59)
    %add3A_60 = arith.constant 0 : i32
    %add3A_61 = arith.addi %mul3A_13, %add3A_60 : i32
    "tpu.region"() ({
      %run_scoped3A_289 = tpu.sem_alloc : memref<!tpu.dma_semaphore, #tpu.memory_space<semaphore_mem>>
      %dma_start3A_290 = arith.constant 0 : i32
      %dma_start3A_291 = arith.constant 0 : i32
      %dma_start3A_292 = tpu.memref_slice %arg9[%dma_start3A_290, %dma_start3A_291] : memref<80x128xf32, #tpu.memory_space<vmem>> -> memref<80x128xf32, #tpu.memory_space<vmem>>
      %dma_start3A_293 = arith.constant 0 : i32
      %dma_start3A_294 = tpu.memref_slice %arg7[%add3A_61, %dma_start3A_293] : memref<10000x128xf32, #tpu.memory_space<vmem_shared>> -> memref<80x128xf32, #tpu.memory_space<vmem_shared>>
      %dma_start3A_295 = arith.constant 0 : i32
      %dma_start3A_296 = arith.constant 0 : i32
      %dma_start3A_297 = tpu.memref_slice %arg9[%dma_start3A_295, %dma_start3A_296] : memref<80x128xf32, #tpu.memory_space<vmem>> -> memref<80x128xf32, #tpu.memory_space<vmem>>
      %dma_start3A_298 = arith.constant 0 : i32
      %dma_start3A_299 = tpu.memref_slice %arg7[%add3A_61, %dma_start3A_298] : memref<10000x128xf32, #tpu.memory_space<vmem_shared>> -> memref<80x128xf32, #tpu.memory_space<vmem_shared>>
      tpu.enqueue_dma source(%dma_start3A_299 : memref<80x128xf32, #tpu.memory_space<vmem_shared>>) target(%dma_start3A_297 : memref<80x128xf32, #tpu.memory_space<vmem>>) target_semaphore(%run_scoped3A_289 : memref<!tpu.dma_semaphore, #tpu.memory_space<semaphore_mem>>)
      %dma_wait3A_300 = arith.constant 0 : i32
      %dma_wait3A_301 = arith.constant 0 : i32
      %dma_wait3A_302 = tpu.memref_slice %arg9[%dma_wait3A_300, %dma_wait3A_301] : memref<80x128xf32, #tpu.memory_space<vmem>> -> memref<80x128xf32, #tpu.memory_space<vmem>>
      %dma_wait3A_303 = arith.constant 0 : i32
      %dma_wait3A_304 = tpu.memref_slice %arg7[%add3A_61, %dma_wait3A_303] : memref<10000x128xf32, #tpu.memory_space<vmem_shared>> -> memref<80x128xf32, #tpu.memory_space<vmem_shared>>
      %dma_wait3A_305 = arith.constant 0 : i32
      %dma_wait3A_306 = arith.constant 0 : i32
      %dma_wait3A_307 = tpu.memref_slice %arg9[%dma_wait3A_305, %dma_wait3A_306] : memref<80x128xf32, #tpu.memory_space<vmem>> -> memref<80x128xf32, #tpu.memory_space<vmem>>
      %dma_wait3A_308 = arith.constant 0 : i32
      %dma_wait3A_309 = tpu.memref_slice %arg7[%add3A_61, %dma_wait3A_308] : memref<10000x128xf32, #tpu.memory_space<vmem_shared>> -> memref<80x128xf32, #tpu.memory_space<vmem_shared>>
      tpu.wait_dma2 semaphore(%run_scoped3A_289 : memref<!tpu.dma_semaphore, #tpu.memory_space<semaphore_mem>>) src(%dma_wait3A_309 : memref<80x128xf32, #tpu.memory_space<vmem_shared>>) dst(%dma_wait3A_307 : memref<80x128xf32, #tpu.memory_space<vmem>>)
      tpu.yield
    }) : () -> ()
    %mul3A_62 = arith.constant 10000 : i32
    %mul3A_63 = arith.muli %arg0, %mul3A_62 : i32
    %add3A_64 = arith.addi %mul3A_63, %add3A_61 : i32
    %dma_start3A_65 = arith.constant 0 : i32
    %dma_start3A_66 = arith.constant 0 : i32
    %dma_start3A_67 = tpu.memref_slice %arg9[%dma_start3A_65, %dma_start3A_66] : memref<80x128xf32, #tpu.memory_space<vmem>> -> memref<80x128xf32, #tpu.memory_space<vmem>>
    %dma_start3A_68 = arith.constant 0 : i32
    %dma_start3A_69 = tpu.memref_slice %arg6[%add3A_64, %dma_start3A_68] : memref<20000x128xf32, #tpu.memory_space<hbm>> -> memref<80x128xf32, #tpu.memory_space<hbm>>
    %dma_start3A_70 = arith.constant 0 : i32
    %dma_start3A_71 = tpu.memref_slice %arg6[%add3A_64, %dma_start3A_70] : memref<20000x128xf32, #tpu.memory_space<hbm>> -> memref<80x128xf32, #tpu.memory_space<hbm>>
    %dma_start3A_72 = arith.constant 0 : i32
    %dma_start3A_73 = arith.constant 0 : i32
    %dma_start3A_74 = tpu.memref_slice %arg9[%dma_start3A_72, %dma_start3A_73] : memref<80x128xf32, #tpu.memory_space<vmem>> -> memref<80x128xf32, #tpu.memory_space<vmem>>
    tpu.enqueue_dma source(%dma_start3A_74 : memref<80x128xf32, #tpu.memory_space<vmem>>) target(%dma_start3A_71 : memref<80x128xf32, #tpu.memory_space<hbm>>) target_semaphore(%arg11 : memref<!tpu.dma_semaphore, #tpu.memory_space<semaphore_mem>>)
    %mul3A_75 = arith.constant 10000 : i32
    %mul3A_76 = arith.muli %arg0, %mul3A_75 : i32
    %add3A_77 = arith.addi %mul3A_76, %add3A_61 : i32
    %add3A_78 = arith.constant 80 : i32
    %add3A_79 = arith.addi %mul3A_13, %add3A_78 : i32
    "tpu.region"() ({
      %run_scoped3A_289 = tpu.sem_alloc : memref<!tpu.dma_semaphore, #tpu.memory_space<semaphore_mem>>
      %dma_start3A_290 = arith.constant 0 : i32
      %dma_start3A_291 = arith.constant 0 : i32
      %dma_start3A_292 = tpu.memref_slice %arg10[%dma_start3A_290, %dma_start3A_291] : memref<80x128xf32, #tpu.memory_space<vmem>> -> memref<80x128xf32, #tpu.memory_space<vmem>>
      %dma_start3A_293 = arith.constant 0 : i32
      %dma_start3A_294 = tpu.memref_slice %arg7[%add3A_79, %dma_start3A_293] : memref<10000x128xf32, #tpu.memory_space<vmem_shared>> -> memref<80x128xf32, #tpu.memory_space<vmem_shared>>
      %dma_start3A_295 = arith.constant 0 : i32
      %dma_start3A_296 = arith.constant 0 : i32
      %dma_start3A_297 = tpu.memref_slice %arg10[%dma_start3A_295, %dma_start3A_296] : memref<80x128xf32, #tpu.memory_space<vmem>> -> memref<80x128xf32, #tpu.memory_space<vmem>>
      %dma_start3A_298 = arith.constant 0 : i32
      %dma_start3A_299 = tpu.memref_slice %arg7[%add3A_79, %dma_start3A_298] : memref<10000x128xf32, #tpu.memory_space<vmem_shared>> -> memref<80x128xf32, #tpu.memory_space<vmem_shared>>
      tpu.enqueue_dma source(%dma_start3A_299 : memref<80x128xf32, #tpu.memory_space<vmem_shared>>) target(%dma_start3A_297 : memref<80x128xf32, #tpu.memory_space<vmem>>) target_semaphore(%run_scoped3A_289 : memref<!tpu.dma_semaphore, #tpu.memory_space<semaphore_mem>>)
      %dma_wait3A_300 = arith.constant 0 : i32
      %dma_wait3A_301 = arith.constant 0 : i32
      %dma_wait3A_302 = tpu.memref_slice %arg10[%dma_wait3A_300, %dma_wait3A_301] : memref<80x128xf32, #tpu.memory_space<vmem>> -> memref<80x128xf32, #tpu.memory_space<vmem>>
      %dma_wait3A_303 = arith.constant 0 : i32
      %dma_wait3A_304 = tpu.memref_slice %arg7[%add3A_79, %dma_wait3A_303] : memref<10000x128xf32, #tpu.memory_space<vmem_shared>> -> memref<80x128xf32, #tpu.memory_space<vmem_shared>>
      %dma_wait3A_305 = arith.constant 0 : i32
      %dma_wait3A_306 = arith.constant 0 : i32
      %dma_wait3A_307 = tpu.memref_slice %arg10[%dma_wait3A_305, %dma_wait3A_306] : memref<80x128xf32, #tpu.memory_space<vmem>> -> memref<80x128xf32, #tpu.memory_space<vmem>>
      %dma_wait3A_308 = arith.constant 0 : i32
      %dma_wait3A_309 = tpu.memref_slice %arg7[%add3A_79, %dma_wait3A_308] : memref<10000x128xf32, #tpu.memory_space<vmem_shared>> -> memref<80x128xf32, #tpu.memory_space<vmem_shared>>
      tpu.wait_dma2 semaphore(%run_scoped3A_289 : memref<!tpu.dma_semaphore, #tpu.memory_space<semaphore_mem>>) src(%dma_wait3A_309 : memref<80x128xf32, #tpu.memory_space<vmem_shared>>) dst(%dma_wait3A_307 : memref<80x128xf32, #tpu.memory_space<vmem>>)
      tpu.yield
    }) : () -> ()
    %mul3A_80 = arith.constant 10000 : i32
    %mul3A_81 = arith.muli %arg0, %mul3A_80 : i32
    %add3A_82 = arith.addi %mul3A_81, %add3A_79 : i32
    %dma_start3A_83 = arith.constant 0 : i32
    %dma_start3A_84 = arith.constant 0 : i32
    %dma_start3A_85 = tpu.memref_slice %arg10[%dma_start3A_83, %dma_start3A_84] : memref<80x128xf32, #tpu.memory_space<vmem>> -> memref<80x128xf32, #tpu.memory_space<vmem>>
    %dma_start3A_86 = arith.constant 0 : i32
    %dma_start3A_87 = tpu.memref_slice %arg6[%add3A_82, %dma_start3A_86] : memref<20000x128xf32, #tpu.memory_space<hbm>> -> memref<80x128xf32, #tpu.memory_space<hbm>>
    %dma_start3A_88 = arith.constant 0 : i32
    %dma_start3A_89 = tpu.memref_slice %arg6[%add3A_82, %dma_start3A_88] : memref<20000x128xf32, #tpu.memory_space<hbm>> -> memref<80x128xf32, #tpu.memory_space<hbm>>
    %dma_start3A_90 = arith.constant 0 : i32
    %dma_start3A_91 = arith.constant 0 : i32
    %dma_start3A_92 = tpu.memref_slice %arg10[%dma_start3A_90, %dma_start3A_91] : memref<80x128xf32, #tpu.memory_space<vmem>> -> memref<80x128xf32, #tpu.memory_space<vmem>>
    tpu.enqueue_dma source(%dma_start3A_92 : memref<80x128xf32, #tpu.memory_space<vmem>>) target(%dma_start3A_89 : memref<80x128xf32, #tpu.memory_space<hbm>>) target_semaphore(%arg12 : memref<!tpu.dma_semaphore, #tpu.memory_space<semaphore_mem>>)
    %mul3A_93 = arith.constant 10000 : i32
    %mul3A_94 = arith.muli %arg0, %mul3A_93 : i32
    %add3A_95 = arith.addi %mul3A_94, %add3A_79 : i32
    %dma_wait3A_96 = arith.constant 0 : i32
    %dma_wait3A_97 = arith.constant 0 : i32
    %dma_wait3A_98 = tpu.memref_slice %arg9[%dma_wait3A_96, %dma_wait3A_97] : memref<80x128xf32, #tpu.memory_space<vmem>> -> memref<80x128xf32, #tpu.memory_space<vmem>>
    %dma_wait3A_99 = arith.constant 0 : i32
    %dma_wait3A_100 = tpu.memref_slice %arg6[%add3A_77, %dma_wait3A_99] : memref<20000x128xf32, #tpu.memory_space<hbm>> -> memref<80x128xf32, #tpu.memory_space<hbm>>
    %dma_wait3A_101 = arith.constant 0 : i32
    %dma_wait3A_102 = tpu.memref_slice %arg6[%add3A_77, %dma_wait3A_101] : memref<20000x128xf32, #tpu.memory_space<hbm>> -> memref<80x128xf32, #tpu.memory_space<hbm>>
    %dma_wait3A_103 = arith.constant 0 : i32
    %dma_wait3A_104 = arith.constant 0 : i32
    %dma_wait3A_105 = tpu.memref_slice %arg9[%dma_wait3A_103, %dma_wait3A_104] : memref<80x128xf32, #tpu.memory_space<vmem>> -> memref<80x128xf32, #tpu.memory_space<vmem>>
    tpu.wait_dma2 semaphore(%arg11 : memref<!tpu.dma_semaphore, #tpu.memory_space<semaphore_mem>>) src(%dma_wait3A_105 : memref<80x128xf32, #tpu.memory_space<vmem>>) dst(%dma_wait3A_102 : memref<80x128xf32, #tpu.memory_space<hbm>>)
    %add3A_106 = arith.constant 160 : i32
    %add3A_107 = arith.addi %mul3A_13, %add3A_106 : i32
    "tpu.region"() ({
      %run_scoped3A_289 = tpu.sem_alloc : memref<!tpu.dma_semaphore, #tpu.memory_space<semaphore_mem>>
      %dma_start3A_290 = arith.constant 0 : i32
      %dma_start3A_291 = arith.constant 0 : i32
      %dma_start3A_292 = tpu.memref_slice %arg9[%dma_start3A_290, %dma_start3A_291] : memref<80x128xf32, #tpu.memory_space<vmem>> -> memref<80x128xf32, #tpu.memory_space<vmem>>
      %dma_start3A_293 = arith.constant 0 : i32
      %dma_start3A_294 = tpu.memref_slice %arg7[%add3A_107, %dma_start3A_293] : memref<10000x128xf32, #tpu.memory_space<vmem_shared>> -> memref<80x128xf32, #tpu.memory_space<vmem_shared>>
      %dma_start3A_295 = arith.constant 0 : i32
      %dma_start3A_296 = arith.constant 0 : i32
      %dma_start3A_297 = tpu.memref_slice %arg9[%dma_start3A_295, %dma_start3A_296] : memref<80x128xf32, #tpu.memory_space<vmem>> -> memref<80x128xf32, #tpu.memory_space<vmem>>
      %dma_start3A_298 = arith.constant 0 : i32
      %dma_start3A_299 = tpu.memref_slice %arg7[%add3A_107, %dma_start3A_298] : memref<10000x128xf32, #tpu.memory_space<vmem_shared>> -> memref<80x128xf32, #tpu.memory_space<vmem_shared>>
      tpu.enqueue_dma source(%dma_start3A_299 : memref<80x128xf32, #tpu.memory_space<vmem_shared>>) target(%dma_start3A_297 : memref<80x128xf32, #tpu.memory_space<vmem>>) target_semaphore(%run_scoped3A_289 : memref<!tpu.dma_semaphore, #tpu.memory_space<semaphore_mem>>)
      %dma_wait3A_300 = arith.constant 0 : i32
      %dma_wait3A_301 = arith.constant 0 : i32
      %dma_wait3A_302 = tpu.memref_slice %arg9[%dma_wait3A_300, %dma_wait3A_301] : memref<80x128xf32, #tpu.memory_space<vmem>> -> memref<80x128xf32, #tpu.memory_space<vmem>>
      %dma_wait3A_303 = arith.constant 0 : i32
      %dma_wait3A_304 = tpu.memref_slice %arg7[%add3A_107, %dma_wait3A_303] : memref<10000x128xf32, #tpu.memory_space<vmem_shared>> -> memref<80x128xf32, #tpu.memory_space<vmem_shared>>
      %dma_wait3A_305 = arith.constant 0 : i32
      %dma_wait3A_306 = arith.constant 0 : i32
      %dma_wait3A_307 = tpu.memref_slice %arg9[%dma_wait3A_305, %dma_wait3A_306] : memref<80x128xf32, #tpu.memory_space<vmem>> -> memref<80x128xf32, #tpu.memory_space<vmem>>
      %dma_wait3A_308 = arith.constant 0 : i32
      %dma_wait3A_309 = tpu.memref_slice %arg7[%add3A_107, %dma_wait3A_308] : memref<10000x128xf32, #tpu.memory_space<vmem_shared>> -> memref<80x128xf32, #tpu.memory_space<vmem_shared>>
      tpu.wait_dma2 semaphore(%run_scoped3A_289 : memref<!tpu.dma_semaphore, #tpu.memory_space<semaphore_mem>>) src(%dma_wait3A_309 : memref<80x128xf32, #tpu.memory_space<vmem_shared>>) dst(%dma_wait3A_307 : memref<80x128xf32, #tpu.memory_space<vmem>>)
      tpu.yield
    }) : () -> ()
    %mul3A_108 = arith.constant 10000 : i32
    %mul3A_109 = arith.muli %arg0, %mul3A_108 : i32
    %add3A_110 = arith.addi %mul3A_109, %add3A_107 : i32
    %dma_start3A_111 = arith.constant 0 : i32
    %dma_start3A_112 = arith.constant 0 : i32
    %dma_start3A_113 = tpu.memref_slice %arg9[%dma_start3A_111, %dma_start3A_112] : memref<80x128xf32, #tpu.memory_space<vmem>> -> memref<80x128xf32, #tpu.memory_space<vmem>>
    %dma_start3A_114 = arith.constant 0 : i32
    %dma_start3A_115 = tpu.memref_slice %arg6[%add3A_110, %dma_start3A_114] : memref<20000x128xf32, #tpu.memory_space<hbm>> -> memref<80x128xf32, #tpu.memory_space<hbm>>
    %dma_start3A_116 = arith.constant 0 : i32
    %dma_start3A_117 = tpu.memref_slice %arg6[%add3A_110, %dma_start3A_116] : memref<20000x128xf32, #tpu.memory_space<hbm>> -> memref<80x128xf32, #tpu.memory_space<hbm>>
    %dma_start3A_118 = arith.constant 0 : i32
    %dma_start3A_119 = arith.constant 0 : i32
    %dma_start3A_120 = tpu.memref_slice %arg9[%dma_start3A_118, %dma_start3A_119] : memref<80x128xf32, #tpu.memory_space<vmem>> -> memref<80x128xf32, #tpu.memory_space<vmem>>
    tpu.enqueue_dma source(%dma_start3A_120 : memref<80x128xf32, #tpu.memory_space<vmem>>) target(%dma_start3A_117 : memref<80x128xf32, #tpu.memory_space<hbm>>) target_semaphore(%arg11 : memref<!tpu.dma_semaphore, #tpu.memory_space<semaphore_mem>>)
    %mul3A_121 = arith.constant 10000 : i32
    %mul3A_122 = arith.muli %arg0, %mul3A_121 : i32
    %add3A_123 = arith.addi %mul3A_122, %add3A_107 : i32
    %dma_wait3A_124 = arith.constant 0 : i32
    %dma_wait3A_125 = arith.constant 0 : i32
    %dma_wait3A_126 = tpu.memref_slice %arg10[%dma_wait3A_124, %dma_wait3A_125] : memref<80x128xf32, #tpu.memory_space<vmem>> -> memref<80x128xf32, #tpu.memory_space<vmem>>
    %dma_wait3A_127 = arith.constant 0 : i32
    %dma_wait3A_128 = tpu.memref_slice %arg6[%add3A_95, %dma_wait3A_127] : memref<20000x128xf32, #tpu.memory_space<hbm>> -> memref<80x128xf32, #tpu.memory_space<hbm>>
    %dma_wait3A_129 = arith.constant 0 : i32
    %dma_wait3A_130 = tpu.memref_slice %arg6[%add3A_95, %dma_wait3A_129] : memref<20000x128xf32, #tpu.memory_space<hbm>> -> memref<80x128xf32, #tpu.memory_space<hbm>>
    %dma_wait3A_131 = arith.constant 0 : i32
    %dma_wait3A_132 = arith.constant 0 : i32
    %dma_wait3A_133 = tpu.memref_slice %arg10[%dma_wait3A_131, %dma_wait3A_132] : memref<80x128xf32, #tpu.memory_space<vmem>> -> memref<80x128xf32, #tpu.memory_space<vmem>>
    tpu.wait_dma2 semaphore(%arg12 : memref<!tpu.dma_semaphore, #tpu.memory_space<semaphore_mem>>) src(%dma_wait3A_133 : memref<80x128xf32, #tpu.memory_space<vmem>>) dst(%dma_wait3A_130 : memref<80x128xf32, #tpu.memory_space<hbm>>)
    %add3A_134 = arith.constant 240 : i32
    %add3A_135 = arith.addi %mul3A_13, %add3A_134 : i32
    "tpu.region"() ({
      %run_scoped3A_289 = tpu.sem_alloc : memref<!tpu.dma_semaphore, #tpu.memory_space<semaphore_mem>>
      %dma_start3A_290 = arith.constant 0 : i32
      %dma_start3A_291 = arith.constant 0 : i32
      %dma_start3A_292 = tpu.memref_slice %arg10[%dma_start3A_290, %dma_start3A_291] : memref<80x128xf32, #tpu.memory_space<vmem>> -> memref<80x128xf32, #tpu.memory_space<vmem>>
      %dma_start3A_293 = arith.constant 0 : i32
      %dma_start3A_294 = tpu.memref_slice %arg7[%add3A_135, %dma_start3A_293] : memref<10000x128xf32, #tpu.memory_space<vmem_shared>> -> memref<80x128xf32, #tpu.memory_space<vmem_shared>>
      %dma_start3A_295 = arith.constant 0 : i32
      %dma_start3A_296 = arith.constant 0 : i32
      %dma_start3A_297 = tpu.memref_slice %arg10[%dma_start3A_295, %dma_start3A_296] : memref<80x128xf32, #tpu.memory_space<vmem>> -> memref<80x128xf32, #tpu.memory_space<vmem>>
      %dma_start3A_298 = arith.constant 0 : i32
      %dma_start3A_299 = tpu.memref_slice %arg7[%add3A_135, %dma_start3A_298] : memref<10000x128xf32, #tpu.memory_space<vmem_shared>> -> memref<80x128xf32, #tpu.memory_space<vmem_shared>>
      tpu.enqueue_dma source(%dma_start3A_299 : memref<80x128xf32, #tpu.memory_space<vmem_shared>>) target(%dma_start3A_297 : memref<80x128xf32, #tpu.memory_space<vmem>>) target_semaphore(%run_scoped3A_289 : memref<!tpu.dma_semaphore, #tpu.memory_space<semaphore_mem>>)
      %dma_wait3A_300 = arith.constant 0 : i32
      %dma_wait3A_301 = arith.constant 0 : i32
      %dma_wait3A_302 = tpu.memref_slice %arg10[%dma_wait3A_300, %dma_wait3A_301] : memref<80x128xf32, #tpu.memory_space<vmem>> -> memref<80x128xf32, #tpu.memory_space<vmem>>
      %dma_wait3A_303 = arith.constant 0 : i32
      %dma_wait3A_304 = tpu.memref_slice %arg7[%add3A_135, %dma_wait3A_303] : memref<10000x128xf32, #tpu.memory_space<vmem_shared>> -> memref<80x128xf32, #tpu.memory_space<vmem_shared>>
      %dma_wait3A_305 = arith.constant 0 : i32
      %dma_wait3A_306 = arith.constant 0 : i32
      %dma_wait3A_307 = tpu.memref_slice %arg10[%dma_wait3A_305, %dma_wait3A_306] : memref<80x128xf32, #tpu.memory_space<vmem>> -> memref<80x128xf32, #tpu.memory_space<vmem>>
      %dma_wait3A_308 = arith.constant 0 : i32
      %dma_wait3A_309 = tpu.memref_slice %arg7[%add3A_135, %dma_wait3A_308] : memref<10000x128xf32, #tpu.memory_space<vmem_shared>> -> memref<80x128xf32, #tpu.memory_space<vmem_shared>>
      tpu.wait_dma2 semaphore(%run_scoped3A_289 : memref<!tpu.dma_semaphore, #tpu.memory_space<semaphore_mem>>) src(%dma_wait3A_309 : memref<80x128xf32, #tpu.memory_space<vmem_shared>>) dst(%dma_wait3A_307 : memref<80x128xf32, #tpu.memory_space<vmem>>)
      tpu.yield
    }) : () -> ()
    %mul3A_136 = arith.constant 10000 : i32
    %mul3A_137 = arith.muli %arg0, %mul3A_136 : i32
    %add3A_138 = arith.addi %mul3A_137, %add3A_135 : i32
    %dma_start3A_139 = arith.constant 0 : i32
    %dma_start3A_140 = arith.constant 0 : i32
    %dma_start3A_141 = tpu.memref_slice %arg10[%dma_start3A_139, %dma_start3A_140] : memref<80x128xf32, #tpu.memory_space<vmem>> -> memref<80x128xf32, #tpu.memory_space<vmem>>
    %dma_start3A_142 = arith.constant 0 : i32
    %dma_start3A_143 = tpu.memref_slice %arg6[%add3A_138, %dma_start3A_142] : memref<20000x128xf32, #tpu.memory_space<hbm>> -> memref<80x128xf32, #tpu.memory_space<hbm>>
    %dma_start3A_144 = arith.constant 0 : i32
    %dma_start3A_145 = tpu.memref_slice %arg6[%add3A_138, %dma_start3A_144] : memref<20000x128xf32, #tpu.memory_space<hbm>> -> memref<80x128xf32, #tpu.memory_space<hbm>>
    %dma_start3A_146 = arith.constant 0 : i32
    %dma_start3A_147 = arith.constant 0 : i32
    %dma_start3A_148 = tpu.memref_slice %arg10[%dma_start3A_146, %dma_start3A_147] : memref<80x128xf32, #tpu.memory_space<vmem>> -> memref<80x128xf32, #tpu.memory_space<vmem>>
    tpu.enqueue_dma source(%dma_start3A_148 : memref<80x128xf32, #tpu.memory_space<vmem>>) target(%dma_start3A_145 : memref<80x128xf32, #tpu.memory_space<hbm>>) target_semaphore(%arg12 : memref<!tpu.dma_semaphore, #tpu.memory_space<semaphore_mem>>)
    %mul3A_149 = arith.constant 10000 : i32
    %mul3A_150 = arith.muli %arg0, %mul3A_149 : i32
    %add3A_151 = arith.addi %mul3A_150, %add3A_135 : i32
    %dma_wait3A_152 = arith.constant 0 : i32
    %dma_wait3A_153 = arith.constant 0 : i32
    %dma_wait3A_154 = tpu.memref_slice %arg9[%dma_wait3A_152, %dma_wait3A_153] : memref<80x128xf32, #tpu.memory_space<vmem>> -> memref<80x128xf32, #tpu.memory_space<vmem>>
    %dma_wait3A_155 = arith.constant 0 : i32
    %dma_wait3A_156 = tpu.memref_slice %arg6[%add3A_123, %dma_wait3A_155] : memref<20000x128xf32, #tpu.memory_space<hbm>> -> memref<80x128xf32, #tpu.memory_space<hbm>>
    %dma_wait3A_157 = arith.constant 0 : i32
    %dma_wait3A_158 = tpu.memref_slice %arg6[%add3A_123, %dma_wait3A_157] : memref<20000x128xf32, #tpu.memory_space<hbm>> -> memref<80x128xf32, #tpu.memory_space<hbm>>
    %dma_wait3A_159 = arith.constant 0 : i32
    %dma_wait3A_160 = arith.constant 0 : i32
    %dma_wait3A_161 = tpu.memref_slice %arg9[%dma_wait3A_159, %dma_wait3A_160] : memref<80x128xf32, #tpu.memory_space<vmem>> -> memref<80x128xf32, #tpu.memory_space<vmem>>
    tpu.wait_dma2 semaphore(%arg11 : memref<!tpu.dma_semaphore, #tpu.memory_space<semaphore_mem>>) src(%dma_wait3A_161 : memref<80x128xf32, #tpu.memory_space<vmem>>) dst(%dma_wait3A_158 : memref<80x128xf32, #tpu.memory_space<hbm>>)
    %add3A_162 = arith.constant 320 : i32
    %add3A_163 = arith.addi %mul3A_13, %add3A_162 : i32
    "tpu.region"() ({
      %run_scoped3A_289 = tpu.sem_alloc : memref<!tpu.dma_semaphore, #tpu.memory_space<semaphore_mem>>
      %dma_start3A_290 = arith.constant 0 : i32
      %dma_start3A_291 = arith.constant 0 : i32
      %dma_start3A_292 = tpu.memref_slice %arg9[%dma_start3A_290, %dma_start3A_291] : memref<80x128xf32, #tpu.memory_space<vmem>> -> memref<80x128xf32, #tpu.memory_space<vmem>>
      %dma_start3A_293 = arith.constant 0 : i32
      %dma_start3A_294 = tpu.memref_slice %arg7[%add3A_163, %dma_start3A_293] : memref<10000x128xf32, #tpu.memory_space<vmem_shared>> -> memref<80x128xf32, #tpu.memory_space<vmem_shared>>
      %dma_start3A_295 = arith.constant 0 : i32
      %dma_start3A_296 = arith.constant 0 : i32
      %dma_start3A_297 = tpu.memref_slice %arg9[%dma_start3A_295, %dma_start3A_296] : memref<80x128xf32, #tpu.memory_space<vmem>> -> memref<80x128xf32, #tpu.memory_space<vmem>>
      %dma_start3A_298 = arith.constant 0 : i32
      %dma_start3A_299 = tpu.memref_slice %arg7[%add3A_163, %dma_start3A_298] : memref<10000x128xf32, #tpu.memory_space<vmem_shared>> -> memref<80x128xf32, #tpu.memory_space<vmem_shared>>
      tpu.enqueue_dma source(%dma_start3A_299 : memref<80x128xf32, #tpu.memory_space<vmem_shared>>) target(%dma_start3A_297 : memref<80x128xf32, #tpu.memory_space<vmem>>) target_semaphore(%run_scoped3A_289 : memref<!tpu.dma_semaphore, #tpu.memory_space<semaphore_mem>>)
      %dma_wait3A_300 = arith.constant 0 : i32
      %dma_wait3A_301 = arith.constant 0 : i32
      %dma_wait3A_302 = tpu.memref_slice %arg9[%dma_wait3A_300, %dma_wait3A_301] : memref<80x128xf32, #tpu.memory_space<vmem>> -> memref<80x128xf32, #tpu.memory_space<vmem>>
      %dma_wait3A_303 = arith.constant 0 : i32
      %dma_wait3A_304 = tpu.memref_slice %arg7[%add3A_163, %dma_wait3A_303] : memref<10000x128xf32, #tpu.memory_space<vmem_shared>> -> memref<80x128xf32, #tpu.memory_space<vmem_shared>>
      %dma_wait3A_305 = arith.constant 0 : i32
      %dma_wait3A_306 = arith.constant 0 : i32
      %dma_wait3A_307 = tpu.memref_slice %arg9[%dma_wait3A_305, %dma_wait3A_306] : memref<80x128xf32, #tpu.memory_space<vmem>> -> memref<80x128xf32, #tpu.memory_space<vmem>>
      %dma_wait3A_308 = arith.constant 0 : i32
      %dma_wait3A_309 = tpu.memref_slice %arg7[%add3A_163, %dma_wait3A_308] : memref<10000x128xf32, #tpu.memory_space<vmem_shared>> -> memref<80x128xf32, #tpu.memory_space<vmem_shared>>
      tpu.wait_dma2 semaphore(%run_scoped3A_289 : memref<!tpu.dma_semaphore, #tpu.memory_space<semaphore_mem>>) src(%dma_wait3A_309 : memref<80x128xf32, #tpu.memory_space<vmem_shared>>) dst(%dma_wait3A_307 : memref<80x128xf32, #tpu.memory_space<vmem>>)
      tpu.yield
    }) : () -> ()
    %mul3A_164 = arith.constant 10000 : i32
    %mul3A_165 = arith.muli %arg0, %mul3A_164 : i32
    %add3A_166 = arith.addi %mul3A_165, %add3A_163 : i32
    %dma_start3A_167 = arith.constant 0 : i32
    %dma_start3A_168 = arith.constant 0 : i32
    %dma_start3A_169 = tpu.memref_slice %arg9[%dma_start3A_167, %dma_start3A_168] : memref<80x128xf32, #tpu.memory_space<vmem>> -> memref<80x128xf32, #tpu.memory_space<vmem>>
    %dma_start3A_170 = arith.constant 0 : i32
    %dma_start3A_171 = tpu.memref_slice %arg6[%add3A_166, %dma_start3A_170] : memref<20000x128xf32, #tpu.memory_space<hbm>> -> memref<80x128xf32, #tpu.memory_space<hbm>>
    %dma_start3A_172 = arith.constant 0 : i32
    %dma_start3A_173 = tpu.memref_slice %arg6[%add3A_166, %dma_start3A_172] : memref<20000x128xf32, #tpu.memory_space<hbm>> -> memref<80x128xf32, #tpu.memory_space<hbm>>
    %dma_start3A_174 = arith.constant 0 : i32
    %dma_start3A_175 = arith.constant 0 : i32
    %dma_start3A_176 = tpu.memref_slice %arg9[%dma_start3A_174, %dma_start3A_175] : memref<80x128xf32, #tpu.memory_space<vmem>> -> memref<80x128xf32, #tpu.memory_space<vmem>>
    tpu.enqueue_dma source(%dma_start3A_176 : memref<80x128xf32, #tpu.memory_space<vmem>>) target(%dma_start3A_173 : memref<80x128xf32, #tpu.memory_space<hbm>>) target_semaphore(%arg11 : memref<!tpu.dma_semaphore, #tpu.memory_space<semaphore_mem>>)
    %mul3A_177 = arith.constant 10000 : i32
    %mul3A_178 = arith.muli %arg0, %mul3A_177 : i32
    %add3A_179 = arith.addi %mul3A_178, %add3A_163 : i32
    %dma_wait3A_180 = arith.constant 0 : i32
    %dma_wait3A_181 = arith.constant 0 : i32
    %dma_wait3A_182 = tpu.memref_slice %arg10[%dma_wait3A_180, %dma_wait3A_181] : memref<80x128xf32, #tpu.memory_space<vmem>> -> memref<80x128xf32, #tpu.memory_space<vmem>>
    %dma_wait3A_183 = arith.constant 0 : i32
    %dma_wait3A_184 = tpu.memref_slice %arg6[%add3A_151, %dma_wait3A_183] : memref<20000x128xf32, #tpu.memory_space<hbm>> -> memref<80x128xf32, #tpu.memory_space<hbm>>
    %dma_wait3A_185 = arith.constant 0 : i32
    %dma_wait3A_186 = tpu.memref_slice %arg6[%add3A_151, %dma_wait3A_185] : memref<20000x128xf32, #tpu.memory_space<hbm>> -> memref<80x128xf32, #tpu.memory_space<hbm>>
    %dma_wait3A_187 = arith.constant 0 : i32
    %dma_wait3A_188 = arith.constant 0 : i32
    %dma_wait3A_189 = tpu.memref_slice %arg10[%dma_wait3A_187, %dma_wait3A_188] : memref<80x128xf32, #tpu.memory_space<vmem>> -> memref<80x128xf32, #tpu.memory_space<vmem>>
    tpu.wait_dma2 semaphore(%arg12 : memref<!tpu.dma_semaphore, #tpu.memory_space<semaphore_mem>>) src(%dma_wait3A_189 : memref<80x128xf32, #tpu.memory_space<vmem>>) dst(%dma_wait3A_186 : memref<80x128xf32, #tpu.memory_space<hbm>>)
    %add3A_190 = arith.constant 400 : i32
    %add3A_191 = arith.addi %mul3A_13, %add3A_190 : i32
    "tpu.region"() ({
      %run_scoped3A_289 = tpu.sem_alloc : memref<!tpu.dma_semaphore, #tpu.memory_space<semaphore_mem>>
      %dma_start3A_290 = arith.constant 0 : i32
      %dma_start3A_291 = arith.constant 0 : i32
      %dma_start3A_292 = tpu.memref_slice %arg10[%dma_start3A_290, %dma_start3A_291] : memref<80x128xf32, #tpu.memory_space<vmem>> -> memref<80x128xf32, #tpu.memory_space<vmem>>
      %dma_start3A_293 = arith.constant 0 : i32
      %dma_start3A_294 = tpu.memref_slice %arg7[%add3A_191, %dma_start3A_293] : memref<10000x128xf32, #tpu.memory_space<vmem_shared>> -> memref<80x128xf32, #tpu.memory_space<vmem_shared>>
      %dma_start3A_295 = arith.constant 0 : i32
      %dma_start3A_296 = arith.constant 0 : i32
      %dma_start3A_297 = tpu.memref_slice %arg10[%dma_start3A_295, %dma_start3A_296] : memref<80x128xf32, #tpu.memory_space<vmem>> -> memref<80x128xf32, #tpu.memory_space<vmem>>
      %dma_start3A_298 = arith.constant 0 : i32
      %dma_start3A_299 = tpu.memref_slice %arg7[%add3A_191, %dma_start3A_298] : memref<10000x128xf32, #tpu.memory_space<vmem_shared>> -> memref<80x128xf32, #tpu.memory_space<vmem_shared>>
      tpu.enqueue_dma source(%dma_start3A_299 : memref<80x128xf32, #tpu.memory_space<vmem_shared>>) target(%dma_start3A_297 : memref<80x128xf32, #tpu.memory_space<vmem>>) target_semaphore(%run_scoped3A_289 : memref<!tpu.dma_semaphore, #tpu.memory_space<semaphore_mem>>)
      %dma_wait3A_300 = arith.constant 0 : i32
      %dma_wait3A_301 = arith.constant 0 : i32
      %dma_wait3A_302 = tpu.memref_slice %arg10[%dma_wait3A_300, %dma_wait3A_301] : memref<80x128xf32, #tpu.memory_space<vmem>> -> memref<80x128xf32, #tpu.memory_space<vmem>>
      %dma_wait3A_303 = arith.constant 0 : i32
      %dma_wait3A_304 = tpu.memref_slice %arg7[%add3A_191, %dma_wait3A_303] : memref<10000x128xf32, #tpu.memory_space<vmem_shared>> -> memref<80x128xf32, #tpu.memory_space<vmem_shared>>
      %dma_wait3A_305 = arith.constant 0 : i32
      %dma_wait3A_306 = arith.constant 0 : i32
      %dma_wait3A_307 = tpu.memref_slice %arg10[%dma_wait3A_305, %dma_wait3A_306] : memref<80x128xf32, #tpu.memory_space<vmem>> -> memref<80x128xf32, #tpu.memory_space<vmem>>
      %dma_wait3A_308 = arith.constant 0 : i32
      %dma_wait3A_309 = tpu.memref_slice %arg7[%add3A_191, %dma_wait3A_308] : memref<10000x128xf32, #tpu.memory_space<vmem_shared>> -> memref<80x128xf32, #tpu.memory_space<vmem_shared>>
      tpu.wait_dma2 semaphore(%run_scoped3A_289 : memref<!tpu.dma_semaphore, #tpu.memory_space<semaphore_mem>>) src(%dma_wait3A_309 : memref<80x128xf32, #tpu.memory_space<vmem_shared>>) dst(%dma_wait3A_307 : memref<80x128xf32, #tpu.memory_space<vmem>>)
      tpu.yield
    }) : () -> ()
    %mul3A_192 = arith.constant 10000 : i32
    %mul3A_193 = arith.muli %arg0, %mul3A_192 : i32
    %add3A_194 = arith.addi %mul3A_193, %add3A_191 : i32
    %dma_start3A_195 = arith.constant 0 : i32
    %dma_start3A_196 = arith.constant 0 : i32
    %dma_start3A_197 = tpu.memref_slice %arg10[%dma_start3A_195, %dma_start3A_196] : memref<80x128xf32, #tpu.memory_space<vmem>> -> memref<80x128xf32, #tpu.memory_space<vmem>>
    %dma_start3A_198 = arith.constant 0 : i32
    %dma_start3A_199 = tpu.memref_slice %arg6[%add3A_194, %dma_start3A_198] : memref<20000x128xf32, #tpu.memory_space<hbm>> -> memref<80x128xf32, #tpu.memory_space<hbm>>
    %dma_start3A_200 = arith.constant 0 : i32
    %dma_start3A_201 = tpu.memref_slice %arg6[%add3A_194, %dma_start3A_200] : memref<20000x128xf32, #tpu.memory_space<hbm>> -> memref<80x128xf32, #tpu.memory_space<hbm>>
    %dma_start3A_202 = arith.constant 0 : i32
    %dma_start3A_203 = arith.constant 0 : i32
    %dma_start3A_204 = tpu.memref_slice %arg10[%dma_start3A_202, %dma_start3A_203] : memref<80x128xf32, #tpu.memory_space<vmem>> -> memref<80x128xf32, #tpu.memory_space<vmem>>
    tpu.enqueue_dma source(%dma_start3A_204 : memref<80x128xf32, #tpu.memory_space<vmem>>) target(%dma_start3A_201 : memref<80x128xf32, #tpu.memory_space<hbm>>) target_semaphore(%arg12 : memref<!tpu.dma_semaphore, #tpu.memory_space<semaphore_mem>>)
    %mul3A_205 = arith.constant 10000 : i32
    %mul3A_206 = arith.muli %arg0, %mul3A_205 : i32
    %add3A_207 = arith.addi %mul3A_206, %add3A_191 : i32
    %dma_wait3A_208 = arith.constant 0 : i32
    %dma_wait3A_209 = arith.constant 0 : i32
    %dma_wait3A_210 = tpu.memref_slice %arg9[%dma_wait3A_208, %dma_wait3A_209] : memref<80x128xf32, #tpu.memory_space<vmem>> -> memref<80x128xf32, #tpu.memory_space<vmem>>
    %dma_wait3A_211 = arith.constant 0 : i32
    %dma_wait3A_212 = tpu.memref_slice %arg6[%add3A_179, %dma_wait3A_211] : memref<20000x128xf32, #tpu.memory_space<hbm>> -> memref<80x128xf32, #tpu.memory_space<hbm>>
    %dma_wait3A_213 = arith.constant 0 : i32
    %dma_wait3A_214 = tpu.memref_slice %arg6[%add3A_179, %dma_wait3A_213] : memref<20000x128xf32, #tpu.memory_space<hbm>> -> memref<80x128xf32, #tpu.memory_space<hbm>>
    %dma_wait3A_215 = arith.constant 0 : i32
    %dma_wait3A_216 = arith.constant 0 : i32
    %dma_wait3A_217 = tpu.memref_slice %arg9[%dma_wait3A_215, %dma_wait3A_216] : memref<80x128xf32, #tpu.memory_space<vmem>> -> memref<80x128xf32, #tpu.memory_space<vmem>>
    tpu.wait_dma2 semaphore(%arg11 : memref<!tpu.dma_semaphore, #tpu.memory_space<semaphore_mem>>) src(%dma_wait3A_217 : memref<80x128xf32, #tpu.memory_space<vmem>>) dst(%dma_wait3A_214 : memref<80x128xf32, #tpu.memory_space<hbm>>)
    %add3A_218 = arith.constant 480 : i32
    %add3A_219 = arith.addi %mul3A_13, %add3A_218 : i32
    "tpu.region"() ({
      %run_scoped3A_289 = tpu.sem_alloc : memref<!tpu.dma_semaphore, #tpu.memory_space<semaphore_mem>>
      %dma_start3A_290 = arith.constant 0 : i32
      %dma_start3A_291 = arith.constant 0 : i32
      %dma_start3A_292 = tpu.memref_slice %arg9[%dma_start3A_290, %dma_start3A_291] : memref<80x128xf32, #tpu.memory_space<vmem>> -> memref<80x128xf32, #tpu.memory_space<vmem>>
      %dma_start3A_293 = arith.constant 0 : i32
      %dma_start3A_294 = tpu.memref_slice %arg7[%add3A_219, %dma_start3A_293] : memref<10000x128xf32, #tpu.memory_space<vmem_shared>> -> memref<80x128xf32, #tpu.memory_space<vmem_shared>>
      %dma_start3A_295 = arith.constant 0 : i32
      %dma_start3A_296 = arith.constant 0 : i32
      %dma_start3A_297 = tpu.memref_slice %arg9[%dma_start3A_295, %dma_start3A_296] : memref<80x128xf32, #tpu.memory_space<vmem>> -> memref<80x128xf32, #tpu.memory_space<vmem>>
      %dma_start3A_298 = arith.constant 0 : i32
      %dma_start3A_299 = tpu.memref_slice %arg7[%add3A_219, %dma_start3A_298] : memref<10000x128xf32, #tpu.memory_space<vmem_shared>> -> memref<80x128xf32, #tpu.memory_space<vmem_shared>>
      tpu.enqueue_dma source(%dma_start3A_299 : memref<80x128xf32, #tpu.memory_space<vmem_shared>>) target(%dma_start3A_297 : memref<80x128xf32, #tpu.memory_space<vmem>>) target_semaphore(%run_scoped3A_289 : memref<!tpu.dma_semaphore, #tpu.memory_space<semaphore_mem>>)
      %dma_wait3A_300 = arith.constant 0 : i32
      %dma_wait3A_301 = arith.constant 0 : i32
      %dma_wait3A_302 = tpu.memref_slice %arg9[%dma_wait3A_300, %dma_wait3A_301] : memref<80x128xf32, #tpu.memory_space<vmem>> -> memref<80x128xf32, #tpu.memory_space<vmem>>
      %dma_wait3A_303 = arith.constant 0 : i32
      %dma_wait3A_304 = tpu.memref_slice %arg7[%add3A_219, %dma_wait3A_303] : memref<10000x128xf32, #tpu.memory_space<vmem_shared>> -> memref<80x128xf32, #tpu.memory_space<vmem_shared>>
      %dma_wait3A_305 = arith.constant 0 : i32
      %dma_wait3A_306 = arith.constant 0 : i32
      %dma_wait3A_307 = tpu.memref_slice %arg9[%dma_wait3A_305, %dma_wait3A_306] : memref<80x128xf32, #tpu.memory_space<vmem>> -> memref<80x128xf32, #tpu.memory_space<vmem>>
      %dma_wait3A_308 = arith.constant 0 : i32
      %dma_wait3A_309 = tpu.memref_slice %arg7[%add3A_219, %dma_wait3A_308] : memref<10000x128xf32, #tpu.memory_space<vmem_shared>> -> memref<80x128xf32, #tpu.memory_space<vmem_shared>>
      tpu.wait_dma2 semaphore(%run_scoped3A_289 : memref<!tpu.dma_semaphore, #tpu.memory_space<semaphore_mem>>) src(%dma_wait3A_309 : memref<80x128xf32, #tpu.memory_space<vmem_shared>>) dst(%dma_wait3A_307 : memref<80x128xf32, #tpu.memory_space<vmem>>)
      tpu.yield
    }) : () -> ()
    %mul3A_220 = arith.constant 10000 : i32
    %mul3A_221 = arith.muli %arg0, %mul3A_220 : i32
    %add3A_222 = arith.addi %mul3A_221, %add3A_219 : i32
    %dma_start3A_223 = arith.constant 0 : i32
    %dma_start3A_224 = arith.constant 0 : i32
    %dma_start3A_225 = tpu.memref_slice %arg9[%dma_start3A_223, %dma_start3A_224] : memref<80x128xf32, #tpu.memory_space<vmem>> -> memref<80x128xf32, #tpu.memory_space<vmem>>
    %dma_start3A_226 = arith.constant 0 : i32
    %dma_start3A_227 = tpu.memref_slice %arg6[%add3A_222, %dma_start3A_226] : memref<20000x128xf32, #tpu.memory_space<hbm>> -> memref<80x128xf32, #tpu.memory_space<hbm>>
    %dma_start3A_228 = arith.constant 0 : i32
    %dma_start3A_229 = tpu.memref_slice %arg6[%add3A_222, %dma_start3A_228] : memref<20000x128xf32, #tpu.memory_space<hbm>> -> memref<80x128xf32, #tpu.memory_space<hbm>>
    %dma_start3A_230 = arith.constant 0 : i32
    %dma_start3A_231 = arith.constant 0 : i32
    %dma_start3A_232 = tpu.memref_slice %arg9[%dma_start3A_230, %dma_start3A_231] : memref<80x128xf32, #tpu.memory_space<vmem>> -> memref<80x128xf32, #tpu.memory_space<vmem>>
    tpu.enqueue_dma source(%dma_start3A_232 : memref<80x128xf32, #tpu.memory_space<vmem>>) target(%dma_start3A_229 : memref<80x128xf32, #tpu.memory_space<hbm>>) target_semaphore(%arg11 : memref<!tpu.dma_semaphore, #tpu.memory_space<semaphore_mem>>)
    %mul3A_233 = arith.constant 10000 : i32
    %mul3A_234 = arith.muli %arg0, %mul3A_233 : i32
    %add3A_235 = arith.addi %mul3A_234, %add3A_219 : i32
    %dma_wait3A_236 = arith.constant 0 : i32
    %dma_wait3A_237 = arith.constant 0 : i32
    %dma_wait3A_238 = tpu.memref_slice %arg10[%dma_wait3A_236, %dma_wait3A_237] : memref<80x128xf32, #tpu.memory_space<vmem>> -> memref<80x128xf32, #tpu.memory_space<vmem>>
    %dma_wait3A_239 = arith.constant 0 : i32
    %dma_wait3A_240 = tpu.memref_slice %arg6[%add3A_207, %dma_wait3A_239] : memref<20000x128xf32, #tpu.memory_space<hbm>> -> memref<80x128xf32, #tpu.memory_space<hbm>>
    %dma_wait3A_241 = arith.constant 0 : i32
    %dma_wait3A_242 = tpu.memref_slice %arg6[%add3A_207, %dma_wait3A_241] : memref<20000x128xf32, #tpu.memory_space<hbm>> -> memref<80x128xf32, #tpu.memory_space<hbm>>
    %dma_wait3A_243 = arith.constant 0 : i32
    %dma_wait3A_244 = arith.constant 0 : i32
    %dma_wait3A_245 = tpu.memref_slice %arg10[%dma_wait3A_243, %dma_wait3A_244] : memref<80x128xf32, #tpu.memory_space<vmem>> -> memref<80x128xf32, #tpu.memory_space<vmem>>
    tpu.wait_dma2 semaphore(%arg12 : memref<!tpu.dma_semaphore, #tpu.memory_space<semaphore_mem>>) src(%dma_wait3A_245 : memref<80x128xf32, #tpu.memory_space<vmem>>) dst(%dma_wait3A_242 : memref<80x128xf32, #tpu.memory_space<hbm>>)
    %add3A_246 = arith.constant 560 : i32
    %add3A_247 = arith.addi %mul3A_13, %add3A_246 : i32
    "tpu.region"() ({
      %run_scoped3A_289 = tpu.sem_alloc : memref<!tpu.dma_semaphore, #tpu.memory_space<semaphore_mem>>
      %dma_start3A_290 = arith.constant 0 : i32
      %dma_start3A_291 = arith.constant 0 : i32
      %dma_start3A_292 = tpu.memref_slice %arg10[%dma_start3A_290, %dma_start3A_291] : memref<80x128xf32, #tpu.memory_space<vmem>> -> memref<64x128xf32, #tpu.memory_space<vmem>>
      %dma_start3A_293 = arith.constant 0 : i32
      %dma_start3A_294 = tpu.memref_slice %arg7[%add3A_247, %dma_start3A_293] : memref<10000x128xf32, #tpu.memory_space<vmem_shared>> -> memref<64x128xf32, #tpu.memory_space<vmem_shared>>
      %dma_start3A_295 = arith.constant 0 : i32
      %dma_start3A_296 = arith.constant 0 : i32
      %dma_start3A_297 = tpu.memref_slice %arg10[%dma_start3A_295, %dma_start3A_296] : memref<80x128xf32, #tpu.memory_space<vmem>> -> memref<64x128xf32, #tpu.memory_space<vmem>>
      %dma_start3A_298 = arith.constant 0 : i32
      %dma_start3A_299 = tpu.memref_slice %arg7[%add3A_247, %dma_start3A_298] : memref<10000x128xf32, #tpu.memory_space<vmem_shared>> -> memref<64x128xf32, #tpu.memory_space<vmem_shared>>
      tpu.enqueue_dma source(%dma_start3A_299 : memref<64x128xf32, #tpu.memory_space<vmem_shared>>) target(%dma_start3A_297 : memref<64x128xf32, #tpu.memory_space<vmem>>) target_semaphore(%run_scoped3A_289 : memref<!tpu.dma_semaphore, #tpu.memory_space<semaphore_mem>>)
      %dma_wait3A_300 = arith.constant 0 : i32
      %dma_wait3A_301 = arith.constant 0 : i32
      %dma_wait3A_302 = tpu.memref_slice %arg10[%dma_wait3A_300, %dma_wait3A_301] : memref<80x128xf32, #tpu.memory_space<vmem>> -> memref<64x128xf32, #tpu.memory_space<vmem>>
      %dma_wait3A_303 = arith.constant 0 : i32
      %dma_wait3A_304 = tpu.memref_slice %arg7[%add3A_247, %dma_wait3A_303] : memref<10000x128xf32, #tpu.memory_space<vmem_shared>> -> memref<64x128xf32, #tpu.memory_space<vmem_shared>>
      %dma_wait3A_305 = arith.constant 0 : i32
      %dma_wait3A_306 = arith.constant 0 : i32
      %dma_wait3A_307 = tpu.memref_slice %arg10[%dma_wait3A_305, %dma_wait3A_306] : memref<80x128xf32, #tpu.memory_space<vmem>> -> memref<64x128xf32, #tpu.memory_space<vmem>>
      %dma_wait3A_308 = arith.constant 0 : i32
      %dma_wait3A_309 = tpu.memref_slice %arg7[%add3A_247, %dma_wait3A_308] : memref<10000x128xf32, #tpu.memory_space<vmem_shared>> -> memref<64x128xf32, #tpu.memory_space<vmem_shared>>
      tpu.wait_dma2 semaphore(%run_scoped3A_289 : memref<!tpu.dma_semaphore, #tpu.memory_space<semaphore_mem>>) src(%dma_wait3A_309 : memref<64x128xf32, #tpu.memory_space<vmem_shared>>) dst(%dma_wait3A_307 : memref<64x128xf32, #tpu.memory_space<vmem>>)
      tpu.yield
    }) : () -> ()
    %mul3A_248 = arith.constant 10000 : i32
    %mul3A_249 = arith.muli %arg0, %mul3A_248 : i32
    %add3A_250 = arith.addi %mul3A_249, %add3A_247 : i32
    %dma_start3A_251 = arith.constant 0 : i32
    %dma_start3A_252 = arith.constant 0 : i32
    %dma_start3A_253 = tpu.memref_slice %arg10[%dma_start3A_251, %dma_start3A_252] : memref<80x128xf32, #tpu.memory_space<vmem>> -> memref<64x128xf32, #tpu.memory_space<vmem>>
    %dma_start3A_254 = arith.constant 0 : i32
    %dma_start3A_255 = tpu.memref_slice %arg6[%add3A_250, %dma_start3A_254] : memref<20000x128xf32, #tpu.memory_space<hbm>> -> memref<64x128xf32, #tpu.memory_space<hbm>>
    %dma_start3A_256 = arith.constant 0 : i32
    %dma_start3A_257 = tpu.memref_slice %arg6[%add3A_250, %dma_start3A_256] : memref<20000x128xf32, #tpu.memory_space<hbm>> -> memref<64x128xf32, #tpu.memory_space<hbm>>
    %dma_start3A_258 = arith.constant 0 : i32
    %dma_start3A_259 = arith.constant 0 : i32
    %dma_start3A_260 = tpu.memref_slice %arg10[%dma_start3A_258, %dma_start3A_259] : memref<80x128xf32, #tpu.memory_space<vmem>> -> memref<64x128xf32, #tpu.memory_space<vmem>>
    tpu.enqueue_dma source(%dma_start3A_260 : memref<64x128xf32, #tpu.memory_space<vmem>>) target(%dma_start3A_257 : memref<64x128xf32, #tpu.memory_space<hbm>>) target_semaphore(%arg12 : memref<!tpu.dma_semaphore, #tpu.memory_space<semaphore_mem>>)
    %mul3A_261 = arith.constant 10000 : i32
    %mul3A_262 = arith.muli %arg0, %mul3A_261 : i32
    %add3A_263 = arith.addi %mul3A_262, %add3A_247 : i32
    %dma_wait3A_264 = arith.constant 0 : i32
    %dma_wait3A_265 = arith.constant 0 : i32
    %dma_wait3A_266 = tpu.memref_slice %arg9[%dma_wait3A_264, %dma_wait3A_265] : memref<80x128xf32, #tpu.memory_space<vmem>> -> memref<80x128xf32, #tpu.memory_space<vmem>>
    %dma_wait3A_267 = arith.constant 0 : i32
    %dma_wait3A_268 = tpu.memref_slice %arg6[%add3A_235, %dma_wait3A_267] : memref<20000x128xf32, #tpu.memory_space<hbm>> -> memref<80x128xf32, #tpu.memory_space<hbm>>
    %dma_wait3A_269 = arith.constant 0 : i32
    %dma_wait3A_270 = tpu.memref_slice %arg6[%add3A_235, %dma_wait3A_269] : memref<20000x128xf32, #tpu.memory_space<hbm>> -> memref<80x128xf32, #tpu.memory_space<hbm>>
    %dma_wait3A_271 = arith.constant 0 : i32
    %dma_wait3A_272 = arith.constant 0 : i32
    %dma_wait3A_273 = tpu.memref_slice %arg9[%dma_wait3A_271, %dma_wait3A_272] : memref<80x128xf32, #tpu.memory_space<vmem>> -> memref<80x128xf32, #tpu.memory_space<vmem>>
    tpu.wait_dma2 semaphore(%arg11 : memref<!tpu.dma_semaphore, #tpu.memory_space<semaphore_mem>>) src(%dma_wait3A_273 : memref<80x128xf32, #tpu.memory_space<vmem>>) dst(%dma_wait3A_270 : memref<80x128xf32, #tpu.memory_space<hbm>>)
    %dma_wait3A_274 = arith.constant 0 : i32
    %dma_wait3A_275 = arith.constant 0 : i32
    %dma_wait3A_276 = tpu.memref_slice %arg10[%dma_wait3A_274, %dma_wait3A_275] : memref<80x128xf32, #tpu.memory_space<vmem>> -> memref<64x128xf32, #tpu.memory_space<vmem>>
    %dma_wait3A_277 = arith.constant 0 : i32
    %dma_wait3A_278 = tpu.memref_slice %arg6[%add3A_263, %dma_wait3A_277] : memref<20000x128xf32, #tpu.memory_space<hbm>> -> memref<64x128xf32, #tpu.memory_space<hbm>>
    %dma_wait3A_279 = arith.constant 0 : i32
    %dma_wait3A_280 = tpu.memref_slice %arg6[%add3A_263, %dma_wait3A_279] : memref<20000x128xf32, #tpu.memory_space<hbm>> -> memref<64x128xf32, #tpu.memory_space<hbm>>
    %dma_wait3A_281 = arith.constant 0 : i32
    %dma_wait3A_282 = arith.constant 0 : i32
    %dma_wait3A_283 = tpu.memref_slice %arg10[%dma_wait3A_281, %dma_wait3A_282] : memref<80x128xf32, #tpu.memory_space<vmem>> -> memref<64x128xf32, #tpu.memory_space<vmem>>
    tpu.wait_dma2 semaphore(%arg12 : memref<!tpu.dma_semaphore, #tpu.memory_space<semaphore_mem>>) src(%dma_wait3A_283 : memref<64x128xf32, #tpu.memory_space<vmem>>) dst(%dma_wait3A_280 : memref<64x128xf32, #tpu.memory_space<hbm>>)
    %eq3A_284 = arith.constant 0 : i32
    %eq3A_285 = arith.cmpi eq, %arg1, %eq3A_284 : i32
    %convert_element_type3A_286 = arith.extui %eq3A_285 : i1 to i32
    %cond3A_287 = arith.constant 0 : i32
    %cond3A_288 = arith.cmpi ne, %convert_element_type3A_286, %cond3A_287 : i32
    scf.if %cond3A_288 {
      "tpu.region"() ({
        %run_scoped3A_293 = tpu.sem_alloc : memref<!tpu.dma_semaphore, #tpu.memory_space<semaphore_mem>>
        %dma_start3A_294 = arith.constant 0 : i32
        %dma_start3A_295 = arith.constant 0 : i32
        %dma_start3A_296 = tpu.memref_slice %arg9[%dma_start3A_294, %dma_start3A_295] : memref<80x128xf32, #tpu.memory_space<vmem>> -> memref<16x128xf32, #tpu.memory_space<vmem>>
        %dma_start3A_297 = arith.constant 9984 : i32
        %dma_start3A_298 = arith.constant 0 : i32
        %dma_start3A_299 = tpu.memref_slice %arg7[%dma_start3A_297, %dma_start3A_298] : memref<10000x128xf32, #tpu.memory_space<vmem_shared>> -> memref<16x128xf32, #tpu.memory_space<vmem_shared>>
        %dma_start3A_300 = arith.constant 0 : i32
        %dma_start3A_301 = arith.constant 0 : i32
        %dma_start3A_302 = tpu.memref_slice %arg9[%dma_start3A_300, %dma_start3A_301] : memref<80x128xf32, #tpu.memory_space<vmem>> -> memref<16x128xf32, #tpu.memory_space<vmem>>
        %dma_start3A_303 = arith.constant 9984 : i32
        %dma_start3A_304 = arith.constant 0 : i32
        %dma_start3A_305 = tpu.memref_slice %arg7[%dma_start3A_303, %dma_start3A_304] : memref<10000x128xf32, #tpu.memory_space<vmem_shared>> -> memref<16x128xf32, #tpu.memory_space<vmem_shared>>
        tpu.enqueue_dma source(%dma_start3A_305 : memref<16x128xf32, #tpu.memory_space<vmem_shared>>) target(%dma_start3A_302 : memref<16x128xf32, #tpu.memory_space<vmem>>) target_semaphore(%run_scoped3A_293 : memref<!tpu.dma_semaphore, #tpu.memory_space<semaphore_mem>>)
        %dma_wait3A_306 = arith.constant 0 : i32
        %dma_wait3A_307 = arith.constant 0 : i32
        %dma_wait3A_308 = tpu.memref_slice %arg9[%dma_wait3A_306, %dma_wait3A_307] : memref<80x128xf32, #tpu.memory_space<vmem>> -> memref<16x128xf32, #tpu.memory_space<vmem>>
        %dma_wait3A_309 = arith.constant 9984 : i32
        %dma_wait3A_310 = arith.constant 0 : i32
        %dma_wait3A_311 = tpu.memref_slice %arg7[%dma_wait3A_309, %dma_wait3A_310] : memref<10000x128xf32, #tpu.memory_space<vmem_shared>> -> memref<16x128xf32, #tpu.memory_space<vmem_shared>>
        %dma_wait3A_312 = arith.constant 0 : i32
        %dma_wait3A_313 = arith.constant 0 : i32
        %dma_wait3A_314 = tpu.memref_slice %arg9[%dma_wait3A_312, %dma_wait3A_313] : memref<80x128xf32, #tpu.memory_space<vmem>> -> memref<16x128xf32, #tpu.memory_space<vmem>>
        %dma_wait3A_315 = arith.constant 9984 : i32
        %dma_wait3A_316 = arith.constant 0 : i32
        %dma_wait3A_317 = tpu.memref_slice %arg7[%dma_wait3A_315, %dma_wait3A_316] : memref<10000x128xf32, #tpu.memory_space<vmem_shared>> -> memref<16x128xf32, #tpu.memory_space<vmem_shared>>
        tpu.wait_dma2 semaphore(%run_scoped3A_293 : memref<!tpu.dma_semaphore, #tpu.memory_space<semaphore_mem>>) src(%dma_wait3A_317 : memref<16x128xf32, #tpu.memory_space<vmem_shared>>) dst(%dma_wait3A_314 : memref<16x128xf32, #tpu.memory_space<vmem>>)
        tpu.yield
      }) : () -> ()
      %mul3A_289 = arith.constant 10000 : i32
      %mul3A_290 = arith.muli %arg0, %mul3A_289 : i32
      %add3A_291 = arith.constant 9984 : i32
      %add3A_292 = arith.addi %mul3A_290, %add3A_291 : i32
      "tpu.region"() ({
        %run_scoped3A_293 = tpu.sem_alloc : memref<!tpu.dma_semaphore, #tpu.memory_space<semaphore_mem>>
        %dma_start3A_294 = arith.constant 0 : i32
        %dma_start3A_295 = arith.constant 0 : i32
        %dma_start3A_296 = tpu.memref_slice %arg9[%dma_start3A_294, %dma_start3A_295] : memref<80x128xf32, #tpu.memory_space<vmem>> -> memref<16x128xf32, #tpu.memory_space<vmem>>
        %dma_start3A_297 = arith.constant 0 : i32
        %dma_start3A_298 = tpu.memref_slice %arg6[%add3A_292, %dma_start3A_297] : memref<20000x128xf32, #tpu.memory_space<hbm>> -> memref<16x128xf32, #tpu.memory_space<hbm>>
        %dma_start3A_299 = arith.constant 0 : i32
        %dma_start3A_300 = tpu.memref_slice %arg6[%add3A_292, %dma_start3A_299] : memref<20000x128xf32, #tpu.memory_space<hbm>> -> memref<16x128xf32, #tpu.memory_space<hbm>>
        %dma_start3A_301 = arith.constant 0 : i32
        %dma_start3A_302 = arith.constant 0 : i32
        %dma_start3A_303 = tpu.memref_slice %arg9[%dma_start3A_301, %dma_start3A_302] : memref<80x128xf32, #tpu.memory_space<vmem>> -> memref<16x128xf32, #tpu.memory_space<vmem>>
        tpu.enqueue_dma source(%dma_start3A_303 : memref<16x128xf32, #tpu.memory_space<vmem>>) target(%dma_start3A_300 : memref<16x128xf32, #tpu.memory_space<hbm>>) target_semaphore(%run_scoped3A_293 : memref<!tpu.dma_semaphore, #tpu.memory_space<semaphore_mem>>)
        %dma_wait3A_304 = arith.constant 0 : i32
        %dma_wait3A_305 = arith.constant 0 : i32
        %dma_wait3A_306 = tpu.memref_slice %arg9[%dma_wait3A_304, %dma_wait3A_305] : memref<80x128xf32, #tpu.memory_space<vmem>> -> memref<16x128xf32, #tpu.memory_space<vmem>>
        %dma_wait3A_307 = arith.constant 0 : i32
        %dma_wait3A_308 = tpu.memref_slice %arg6[%add3A_292, %dma_wait3A_307] : memref<20000x128xf32, #tpu.memory_space<hbm>> -> memref<16x128xf32, #tpu.memory_space<hbm>>
        %dma_wait3A_309 = arith.constant 0 : i32
        %dma_wait3A_310 = tpu.memref_slice %arg6[%add3A_292, %dma_wait3A_309] : memref<20000x128xf32, #tpu.memory_space<hbm>> -> memref<16x128xf32, #tpu.memory_space<hbm>>
        %dma_wait3A_311 = arith.constant 0 : i32
        %dma_wait3A_312 = arith.constant 0 : i32
        %dma_wait3A_313 = tpu.memref_slice %arg9[%dma_wait3A_311, %dma_wait3A_312] : memref<80x128xf32, #tpu.memory_space<vmem>> -> memref<16x128xf32, #tpu.memory_space<vmem>>
        tpu.wait_dma2 semaphore(%run_scoped3A_293 : memref<!tpu.dma_semaphore, #tpu.memory_space<semaphore_mem>>) src(%dma_wait3A_313 : memref<16x128xf32, #tpu.memory_space<vmem>>) dst(%dma_wait3A_310 : memref<16x128xf32, #tpu.memory_space<hbm>>)
        tpu.yield
      }) : () -> ()
    } else {
    }
    return
  }
}

module attributes {stable_mosaic.version = 14 : i64} {
  func.func @body(%arg0: i32, %arg1: memref<1000x128xf32, #tpu.memory_space<vmem>>, %arg2: memref<128x128xf32, #tpu.memory_space<vmem>>, %arg3: memref<1x128xf32, #tpu.memory_space<vmem>>, %arg4: memref<1000x128xf32, #tpu.memory_space<vmem>>) attributes {dimension_semantics = [#tpu.dimension_semantics<arbitrary>], iteration_bounds = array<i64: 10>, scalar_prefetch = 0 : i64, scratch_operands = 0 : i64, tpu.core_type = #tpu.core_type<tc>, window_params = [{transform_indices = @transform_0, window_bounds = array<i64: 1000, 128>}, {pipeline_mode = #tpu.pipeline_mode<synchronous>, transform_indices = @transform_1, window_bounds = array<i64: 128, 128>}, {pipeline_mode = #tpu.pipeline_mode<synchronous>, transform_indices = @transform_2, window_bounds = array<i64: 1, 128>}, {transform_indices = @transform_3, window_bounds = array<i64: 1000, 128>}]} {
    %get3A = arith.constant 0 : index
    %get3A_0 = arith.constant 0 : index
    %get3A_1 = vector.load %arg1[%get3A, %get3A_0] : memref<1000x128xf32, #tpu.memory_space<vmem>>, vector<1000x128xf32>
    %get3A_2 = arith.constant 0 : index
    %get3A_3 = arith.constant 0 : index
    %get3A_4 = vector.load %arg2[%get3A_2, %get3A_3] : memref<128x128xf32, #tpu.memory_space<vmem>>, vector<128x128xf32>
    %dot_general3A = arith.constant dense<0.000000e+00> : vector<1000x128xf32>
    %dot_general3A_5 = tpu.matmul %get3A_1, %get3A_4, %dot_general3A {dimension_numbers = #tpu.dot_dimension_numbers<[1], [0], [0], [1], [0, 0, 1, 1], [], []>, transpose_lhs_hint = false} : vector<1000x128xf32>, vector<128x128xf32>, vector<1000x128xf32> -> vector<1000x128xf32>
    %get3A_6 = arith.constant 0 : index
    %get3A_7 = arith.constant 0 : index
    %get3A_8 = vector.load %arg3[%get3A_6, %get3A_7] : memref<1x128xf32, #tpu.memory_space<vmem>>, vector<1x128xf32>
    %add3A = vector.broadcast %get3A_8 : vector<1x128xf32> to vector<1000x128xf32>
    %add3A_9 = arith.addf %dot_general3A_5, %add3A : vector<1000x128xf32>
    %swap3A = arith.constant 0 : index
    %swap3A_10 = arith.constant 0 : index
    %swap3A_11 = vector.load %arg4[%swap3A, %swap3A_10] : memref<1000x128xf32, #tpu.memory_space<vmem>>, vector<1000x128xf32>
    tpu.vector_store %arg4[%swap3A, %swap3A_10], %add3A_9 {strides = array<i32>} : memref<1000x128xf32, #tpu.memory_space<vmem>>, vector<1000x128xf32>,
    return
  }
  func.func @transform_0(%arg0: i32) -> (i32, i32) {
    %c0_i32 = arith.constant 0 : i32
    %c0_i32_0 = arith.constant 0 : i32
    return %arg0, %c0_i32 : i32, i32
  }
  func.func @transform_1(%arg0: i32) -> (i32, i32) {
    %c0_i32 = arith.constant 0 : i32
    %c0_i32_0 = arith.constant 0 : i32
    %c0_i32_1 = arith.constant 0 : i32
    return %c0_i32, %c0_i32_0 : i32, i32
  }
  func.func @transform_2(%arg0: i32) -> (i32, i32) {
    %c0_i32 = arith.constant 0 : i32
    %c0_i32_0 = arith.constant 0 : i32
    %c0_i32_1 = arith.constant 0 : i32
    return %c0_i32, %c0_i32_0 : i32, i32
  }
  func.func @transform_3(%arg0: i32) -> (i32, i32) {
    %c0_i32 = arith.constant 0 : i32
    %c0_i32_0 = arith.constant 0 : i32
    return %arg0, %c0_i32 : i32, i32
  }
}

module attributes {stable_mosaic.version = 14 : i64} {
  func.func @body(%arg0: i32, %arg1: memref<1000x32xf32, #tpu.memory_space<vmem>>, %arg2: memref<1000x128xf32, #tpu.memory_space<vmem>>) attributes {dimension_semantics = [#tpu.dimension_semantics<arbitrary>], iteration_bounds = array<i64: 10>, scalar_prefetch = 0 : i64, scratch_operands = 0 : i64, tpu.core_type = #tpu.core_type<tc>, window_params = [{transform_indices = @transform_0, window_bounds = array<i64: 1000, 32>}, {transform_indices = @transform_1, window_bounds = array<i64: 1000, 128>}]} {
    %get3A = arith.constant 0 : index
    %get3A_0 = arith.constant 0 : index
    %get3A_1 = vector.load %arg1[%get3A, %get3A_0] : memref<1000x32xf32, #tpu.memory_space<vmem>>, vector<1000x32xf32>
    %reduce_sum3A = arith.constant dense<0.000000e+00> : vector<1000xf32>
    %reduce_sum3A_2 = vector.multi_reduction <add>, %get3A_1, %reduce_sum3A [1] : vector<1000x32xf32> to vector<1000xf32>
    %max3A = arith.constant 1.000000e+00 : f32
    %max3A_3 = vector.broadcast %max3A : f32 to vector<1000xf32>
    %max3A_4 = arith.maximumf %reduce_sum3A_2, %max3A_3 : vector<1000xf32>
    %div3A = arith.constant 1.000000e+00 : f32
    %div3A_5 = vector.broadcast %div3A : f32 to vector<1000xf32>
    %div3A_6 = arith.divf %div3A_5, %max3A_4 : vector<1000xf32>
    %broadcast_in_dim3A = vector.shape_cast %div3A_6 : vector<1000xf32> to vector<1000x1xf32>
    %broadcast_in_dim3A_7 = vector.shape_cast %broadcast_in_dim3A : vector<1000x1xf32> to vector<1000x1xf32>
    %broadcast_in_dim3A_8 = vector.broadcast %broadcast_in_dim3A_7 : vector<1000x1xf32> to vector<1000x128xf32>
    %swap3A = arith.constant 0 : index
    %swap3A_9 = arith.constant 0 : index
    %swap3A_10 = vector.load %arg2[%swap3A, %swap3A_9] : memref<1000x128xf32, #tpu.memory_space<vmem>>, vector<1000x128xf32>
    tpu.vector_store %arg2[%swap3A, %swap3A_9], %broadcast_in_dim3A_8 {strides = array<i32>} : memref<1000x128xf32, #tpu.memory_space<vmem>>, vector<1000x128xf32>,
    return
  }
  func.func @transform_0(%arg0: i32) -> (i32, i32) {
    %c0_i32 = arith.constant 0 : i32
    %c0_i32_0 = arith.constant 0 : i32
    return %arg0, %c0_i32 : i32, i32
  }
  func.func @transform_1(%arg0: i32) -> (i32, i32) {
    %c0_i32 = arith.constant 0 : i32
    %c0_i32_0 = arith.constant 0 : i32
    return %arg0, %c0_i32 : i32, i32
  }
}

module attributes {stable_mosaic.version = 14 : i64} {
  func.func @body(%arg0: i32, %arg1: memref<1000x128xf32, #tpu.memory_space<vmem>>, %arg2: memref<2x1000x128xf32, #tpu.memory_space<vmem>>, %arg3: memref<1000x128xf32, #tpu.memory_space<vmem>>, %arg4: memref<128x128xf32, #tpu.memory_space<vmem>>, %arg5: memref<128x256xf32, #tpu.memory_space<vmem>>, %arg6: memref<1x256xf32, #tpu.memory_space<vmem>>, %arg7: memref<1000x128xf32, #tpu.memory_space<vmem>>, %arg8: memref<1000x128xf32, #tpu.memory_space<vmem>>) attributes {dimension_semantics = [#tpu.dimension_semantics<arbitrary>], iteration_bounds = array<i64: 10>, scalar_prefetch = 0 : i64, scratch_operands = 0 : i64, tpu.core_type = #tpu.core_type<tc>, window_params = [{transform_indices = @transform_0, window_bounds = array<i64: 1000, 128>}, {transform_indices = @transform_1, window_bounds = array<i64: 2, 1000, 128>}, {transform_indices = @transform_2, window_bounds = array<i64: 1000, 128>}, {pipeline_mode = #tpu.pipeline_mode<synchronous>, transform_indices = @transform_3, window_bounds = array<i64: 128, 128>}, {pipeline_mode = #tpu.pipeline_mode<synchronous>, transform_indices = @transform_4, window_bounds = array<i64: 128, 256>}, {pipeline_mode = #tpu.pipeline_mode<synchronous>, transform_indices = @transform_5, window_bounds = array<i64: 1, 256>}, {transform_indices = @transform_6, window_bounds = array<i64: 1000, 128>}, {transform_indices = @transform_7, window_bounds = array<i64: 1000, 128>}]} {
    %get3A = arith.constant 0 : index
    %get3A_0 = arith.constant 0 : index
    %get3A_1 = arith.constant 0 : index
    %get3A_2 = vector.load %arg2[%get3A, %get3A_0, %get3A_1] : memref<2x1000x128xf32, #tpu.memory_space<vmem>>, vector<1x1000x128xf32>
    %get3A_3 = vector.shape_cast %get3A_2 : vector<1x1000x128xf32> to vector<1000x128xf32>
    %get3A_4 = arith.constant 1 : index
    %get3A_5 = arith.constant 0 : index
    %get3A_6 = arith.constant 0 : index
    %get3A_7 = vector.load %arg2[%get3A_4, %get3A_5, %get3A_6] : memref<2x1000x128xf32, #tpu.memory_space<vmem>>, vector<1x1000x128xf32>
    %get3A_8 = vector.shape_cast %get3A_7 : vector<1x1000x128xf32> to vector<1000x128xf32>
    %add3A = arith.addf %get3A_3, %get3A_8 : vector<1000x128xf32>
    %get3A_9 = arith.constant 0 : index
    %get3A_10 = arith.constant 0 : index
    %get3A_11 = vector.load %arg3[%get3A_9, %get3A_10] : memref<1000x128xf32, #tpu.memory_space<vmem>>, vector<1000x128xf32>
    %mul3A = arith.mulf %add3A, %get3A_11 : vector<1000x128xf32>
    %get3A_12 = arith.constant 0 : index
    %get3A_13 = arith.constant 0 : index
    %get3A_14 = vector.load %arg1[%get3A_12, %get3A_13] : memref<1000x128xf32, #tpu.memory_space<vmem>>, vector<1000x128xf32>
    %get3A_15 = arith.constant 0 : index
    %get3A_16 = arith.constant 0 : index
    %get3A_17 = vector.load %arg4[%get3A_15, %get3A_16] : memref<128x128xf32, #tpu.memory_space<vmem>>, vector<128x128xf32>
    %dot_general3A = arith.constant dense<0.000000e+00> : vector<1000x128xf32>
    %dot_general3A_18 = tpu.matmul %mul3A, %get3A_17, %dot_general3A {dimension_numbers = #tpu.dot_dimension_numbers<[1], [0], [0], [1], [0, 0, 1, 1], [], []>, transpose_lhs_hint = false} : vector<1000x128xf32>, vector<128x128xf32>, vector<1000x128xf32> -> vector<1000x128xf32>
    %add3A_19 = arith.addf %get3A_14, %dot_general3A_18 : vector<1000x128xf32>
    %max3A = arith.constant 0.000000e+00 : f32
    %max3A_20 = vector.broadcast %max3A : f32 to vector<1000x128xf32>
    %max3A_21 = arith.maximumf %add3A_19, %max3A_20 : vector<1000x128xf32>
    %get3A_22 = arith.constant 0 : index
    %get3A_23 = arith.constant 0 : index
    %get3A_24 = vector.load %arg5[%get3A_22, %get3A_23] : memref<128x256xf32, #tpu.memory_space<vmem>>, vector<128x256xf32>
    %dot_general3A_25 = arith.constant dense<0.000000e+00> : vector<1000x256xf32>
    %dot_general3A_26 = tpu.matmul %max3A_21, %get3A_24, %dot_general3A_25 {dimension_numbers = #tpu.dot_dimension_numbers<[1], [0], [0], [1], [0, 0, 1, 1], [], []>, transpose_lhs_hint = false} : vector<1000x128xf32>, vector<128x256xf32>, vector<1000x256xf32> -> vector<1000x256xf32>
    %get3A_27 = arith.constant 0 : index
    %get3A_28 = arith.constant 0 : index
    %get3A_29 = vector.load %arg6[%get3A_27, %get3A_28] : memref<1x256xf32, #tpu.memory_space<vmem>>, vector<1x256xf32>
    %add3A_30 = vector.broadcast %get3A_29 : vector<1x256xf32> to vector<1000x256xf32>
    %add3A_31 = arith.addf %dot_general3A_26, %add3A_30 : vector<1000x256xf32>
    %slice3A = vector.extract_strided_slice %add3A_31 {offsets = [0, 0], sizes = [1000, 128], strides = [1, 1]} : vector<1000x256xf32> to vector<1000x128xf32>
    %swap3A = arith.constant 0 : index
    %swap3A_32 = arith.constant 0 : index
    %swap3A_33 = vector.load %arg7[%swap3A, %swap3A_32] : memref<1000x128xf32, #tpu.memory_space<vmem>>, vector<1000x128xf32>
    tpu.vector_store %arg7[%swap3A, %swap3A_32], %slice3A {strides = array<i32>} : memref<1000x128xf32, #tpu.memory_space<vmem>>, vector<1000x128xf32>,
    %slice3A_34 = vector.extract_strided_slice %add3A_31 {offsets = [0, 128], sizes = [1000, 128], strides = [1, 1]} : vector<1000x256xf32> to vector<1000x128xf32>
    %swap3A_35 = arith.constant 0 : index
    %swap3A_36 = arith.constant 0 : index
    %swap3A_37 = vector.load %arg8[%swap3A_35, %swap3A_36] : memref<1000x128xf32, #tpu.memory_space<vmem>>, vector<1000x128xf32>
    tpu.vector_store %arg8[%swap3A_35, %swap3A_36], %slice3A_34 {strides = array<i32>} : memref<1000x128xf32, #tpu.memory_space<vmem>>, vector<1000x128xf32>,
    return
  }
  func.func @transform_0(%arg0: i32) -> (i32, i32) {
    %c0_i32 = arith.constant 0 : i32
    %c0_i32_0 = arith.constant 0 : i32
    return %arg0, %c0_i32 : i32, i32
  }
  func.func @transform_1(%arg0: i32) -> (i32, i32, i32) {
    %c0_i32 = arith.constant 0 : i32
    %c0_i32_0 = arith.constant 0 : i32
    %c0_i32_1 = arith.constant 0 : i32
    return %c0_i32, %arg0, %c0_i32_0 : i32, i32, i32
  }
  func.func @transform_2(%arg0: i32) -> (i32, i32) {
    %c0_i32 = arith.constant 0 : i32
    %c0_i32_0 = arith.constant 0 : i32
    return %arg0, %c0_i32 : i32, i32
  }
  func.func @transform_3(%arg0: i32) -> (i32, i32) {
    %c0_i32 = arith.constant 0 : i32
    %c0_i32_0 = arith.constant 0 : i32
    %c0_i32_1 = arith.constant 0 : i32
    return %c0_i32, %c0_i32_0 : i32, i32
  }
  func.func @transform_4(%arg0: i32) -> (i32, i32) {
    %c0_i32 = arith.constant 0 : i32
    %c0_i32_0 = arith.constant 0 : i32
    %c0_i32_1 = arith.constant 0 : i32
    return %c0_i32, %c0_i32_0 : i32, i32
  }
  func.func @transform_5(%arg0: i32) -> (i32, i32) {
    %c0_i32 = arith.constant 0 : i32
    %c0_i32_0 = arith.constant 0 : i32
    %c0_i32_1 = arith.constant 0 : i32
    return %c0_i32, %c0_i32_0 : i32, i32
  }
  func.func @transform_6(%arg0: i32) -> (i32, i32) {
    %c0_i32 = arith.constant 0 : i32
    %c0_i32_0 = arith.constant 0 : i32
    return %arg0, %c0_i32 : i32, i32
  }
  func.func @transform_7(%arg0: i32) -> (i32, i32) {
    %c0_i32 = arith.constant 0 : i32
    %c0_i32_0 = arith.constant 0 : i32
    return %arg0, %c0_i32 : i32, i32
  }
}

module attributes {stable_mosaic.version = 14 : i64} {
  func.func @body(%arg0: i32, %arg1: memref<1000x128xf32, #tpu.memory_space<vmem>>, %arg2: memref<2x1000x128xf32, #tpu.memory_space<vmem>>, %arg3: memref<1000x128xf32, #tpu.memory_space<vmem>>, %arg4: memref<128x256xf32, #tpu.memory_space<vmem>>, %arg5: memref<1x256xf32, #tpu.memory_space<vmem>>, %arg6: memref<1000x128xf32, #tpu.memory_space<vmem>>, %arg7: memref<1000x128xf32, #tpu.memory_space<vmem>>) attributes {dimension_semantics = [#tpu.dimension_semantics<arbitrary>], iteration_bounds = array<i64: 10>, scalar_prefetch = 0 : i64, scratch_operands = 0 : i64, tpu.core_type = #tpu.core_type<tc>, window_params = [{transform_indices = @transform_0, window_bounds = array<i64: 1000, 128>}, {transform_indices = @transform_1, window_bounds = array<i64: 2, 1000, 128>}, {transform_indices = @transform_2, window_bounds = array<i64: 1000, 128>}, {pipeline_mode = #tpu.pipeline_mode<synchronous>, transform_indices = @transform_3, window_bounds = array<i64: 128, 256>}, {pipeline_mode = #tpu.pipeline_mode<synchronous>, transform_indices = @transform_4, window_bounds = array<i64: 1, 256>}, {transform_indices = @transform_5, window_bounds = array<i64: 1000, 128>}, {transform_indices = @transform_6, window_bounds = array<i64: 1000, 128>}]} {
    %get3A = arith.constant 0 : index
    %get3A_0 = arith.constant 0 : index
    %get3A_1 = vector.load %arg1[%get3A, %get3A_0] : memref<1000x128xf32, #tpu.memory_space<vmem>>, vector<1000x128xf32>
    %get3A_2 = arith.constant 0 : index
    %get3A_3 = arith.constant 0 : index
    %get3A_4 = arith.constant 0 : index
    %get3A_5 = vector.load %arg2[%get3A_2, %get3A_3, %get3A_4] : memref<2x1000x128xf32, #tpu.memory_space<vmem>>, vector<1x1000x128xf32>
    %get3A_6 = vector.shape_cast %get3A_5 : vector<1x1000x128xf32> to vector<1000x128xf32>
    %get3A_7 = arith.constant 1 : index
    %get3A_8 = arith.constant 0 : index
    %get3A_9 = arith.constant 0 : index
    %get3A_10 = vector.load %arg2[%get3A_7, %get3A_8, %get3A_9] : memref<2x1000x128xf32, #tpu.memory_space<vmem>>, vector<1x1000x128xf32>
    %get3A_11 = vector.shape_cast %get3A_10 : vector<1x1000x128xf32> to vector<1000x128xf32>
    %add3A = arith.addf %get3A_6, %get3A_11 : vector<1000x128xf32>
    %get3A_12 = arith.constant 0 : index
    %get3A_13 = arith.constant 0 : index
    %get3A_14 = vector.load %arg3[%get3A_12, %get3A_13] : memref<1000x128xf32, #tpu.memory_space<vmem>>, vector<1000x128xf32>
    %mul3A = arith.mulf %add3A, %get3A_14 : vector<1000x128xf32>
    %add3A_15 = arith.addf %get3A_1, %mul3A : vector<1000x128xf32>
    %max3A = arith.constant 0.000000e+00 : f32
    %max3A_16 = vector.broadcast %max3A : f32 to vector<1000x128xf32>
    %max3A_17 = arith.maximumf %add3A_15, %max3A_16 : vector<1000x128xf32>
    %get3A_18 = arith.constant 0 : index
    %get3A_19 = arith.constant 0 : index
    %get3A_20 = vector.load %arg4[%get3A_18, %get3A_19] : memref<128x256xf32, #tpu.memory_space<vmem>>, vector<128x256xf32>
    %dot_general3A = arith.constant dense<0.000000e+00> : vector<1000x256xf32>
    %dot_general3A_21 = tpu.matmul %max3A_17, %get3A_20, %dot_general3A {dimension_numbers = #tpu.dot_dimension_numbers<[1], [0], [0], [1], [0, 0, 1, 1], [], []>, transpose_lhs_hint = false} : vector<1000x128xf32>, vector<128x256xf32>, vector<1000x256xf32> -> vector<1000x256xf32>
    %get3A_22 = arith.constant 0 : index
    %get3A_23 = arith.constant 0 : index
    %get3A_24 = vector.load %arg5[%get3A_22, %get3A_23] : memref<1x256xf32, #tpu.memory_space<vmem>>, vector<1x256xf32>
    %add3A_25 = vector.broadcast %get3A_24 : vector<1x256xf32> to vector<1000x256xf32>
    %add3A_26 = arith.addf %dot_general3A_21, %add3A_25 : vector<1000x256xf32>
    %slice3A = vector.extract_strided_slice %add3A_26 {offsets = [0, 0], sizes = [1000, 128], strides = [1, 1]} : vector<1000x256xf32> to vector<1000x128xf32>
    %swap3A = arith.constant 0 : index
    %swap3A_27 = arith.constant 0 : index
    %swap3A_28 = vector.load %arg6[%swap3A, %swap3A_27] : memref<1000x128xf32, #tpu.memory_space<vmem>>, vector<1000x128xf32>
    tpu.vector_store %arg6[%swap3A, %swap3A_27], %slice3A {strides = array<i32>} : memref<1000x128xf32, #tpu.memory_space<vmem>>, vector<1000x128xf32>,
    %slice3A_29 = vector.extract_strided_slice %add3A_26 {offsets = [0, 128], sizes = [1000, 128], strides = [1, 1]} : vector<1000x256xf32> to vector<1000x128xf32>
    %swap3A_30 = arith.constant 0 : index
    %swap3A_31 = arith.constant 0 : index
    %swap3A_32 = vector.load %arg7[%swap3A_30, %swap3A_31] : memref<1000x128xf32, #tpu.memory_space<vmem>>, vector<1000x128xf32>
    tpu.vector_store %arg7[%swap3A_30, %swap3A_31], %slice3A_29 {strides = array<i32>} : memref<1000x128xf32, #tpu.memory_space<vmem>>, vector<1000x128xf32>,
    return
  }
  func.func @transform_0(%arg0: i32) -> (i32, i32) {
    %c0_i32 = arith.constant 0 : i32
    %c0_i32_0 = arith.constant 0 : i32
    return %arg0, %c0_i32 : i32, i32
  }
  func.func @transform_1(%arg0: i32) -> (i32, i32, i32) {
    %c0_i32 = arith.constant 0 : i32
    %c0_i32_0 = arith.constant 0 : i32
    %c0_i32_1 = arith.constant 0 : i32
    return %c0_i32, %arg0, %c0_i32_0 : i32, i32, i32
  }
  func.func @transform_2(%arg0: i32) -> (i32, i32) {
    %c0_i32 = arith.constant 0 : i32
    %c0_i32_0 = arith.constant 0 : i32
    return %arg0, %c0_i32 : i32, i32
  }
  func.func @transform_3(%arg0: i32) -> (i32, i32) {
    %c0_i32 = arith.constant 0 : i32
    %c0_i32_0 = arith.constant 0 : i32
    %c0_i32_1 = arith.constant 0 : i32
    return %c0_i32, %c0_i32_0 : i32, i32
  }
  func.func @transform_4(%arg0: i32) -> (i32, i32) {
    %c0_i32 = arith.constant 0 : i32
    %c0_i32_0 = arith.constant 0 : i32
    %c0_i32_1 = arith.constant 0 : i32
    return %c0_i32, %c0_i32_0 : i32, i32
  }
  func.func @transform_5(%arg0: i32) -> (i32, i32) {
    %c0_i32 = arith.constant 0 : i32
    %c0_i32_0 = arith.constant 0 : i32
    return %arg0, %c0_i32 : i32, i32
  }
  func.func @transform_6(%arg0: i32) -> (i32, i32) {
    %c0_i32 = arith.constant 0 : i32
    %c0_i32_0 = arith.constant 0 : i32
    return %arg0, %c0_i32 : i32, i32
  }
}

module attributes {stable_mosaic.version = 14 : i64} {
  func.func @body(%arg0: i32, %arg1: memref<1000x128xf32, #tpu.memory_space<vmem>>, %arg2: memref<2x1000x128xf32, #tpu.memory_space<vmem>>, %arg3: memref<1000x128xf32, #tpu.memory_space<vmem>>, %arg4: memref<1000x128xf32, #tpu.memory_space<vmem>>) attributes {dimension_semantics = [#tpu.dimension_semantics<arbitrary>], iteration_bounds = array<i64: 10>, scalar_prefetch = 0 : i64, scratch_operands = 0 : i64, tpu.core_type = #tpu.core_type<tc>, window_params = [{transform_indices = @transform_0, window_bounds = array<i64: 1000, 128>}, {transform_indices = @transform_1, window_bounds = array<i64: 2, 1000, 128>}, {transform_indices = @transform_2, window_bounds = array<i64: 1000, 128>}, {transform_indices = @transform_3, window_bounds = array<i64: 1000, 128>}]} {
    %get3A = arith.constant 0 : index
    %get3A_0 = arith.constant 0 : index
    %get3A_1 = vector.load %arg1[%get3A, %get3A_0] : memref<1000x128xf32, #tpu.memory_space<vmem>>, vector<1000x128xf32>
    %get3A_2 = arith.constant 0 : index
    %get3A_3 = arith.constant 0 : index
    %get3A_4 = arith.constant 0 : index
    %get3A_5 = vector.load %arg2[%get3A_2, %get3A_3, %get3A_4] : memref<2x1000x128xf32, #tpu.memory_space<vmem>>, vector<1x1000x128xf32>
    %get3A_6 = vector.shape_cast %get3A_5 : vector<1x1000x128xf32> to vector<1000x128xf32>
    %get3A_7 = arith.constant 1 : index
    %get3A_8 = arith.constant 0 : index
    %get3A_9 = arith.constant 0 : index
    %get3A_10 = vector.load %arg2[%get3A_7, %get3A_8, %get3A_9] : memref<2x1000x128xf32, #tpu.memory_space<vmem>>, vector<1x1000x128xf32>
    %get3A_11 = vector.shape_cast %get3A_10 : vector<1x1000x128xf32> to vector<1000x128xf32>
    %add3A = arith.addf %get3A_6, %get3A_11 : vector<1000x128xf32>
    %get3A_12 = arith.constant 0 : index
    %get3A_13 = arith.constant 0 : index
    %get3A_14 = vector.load %arg3[%get3A_12, %get3A_13] : memref<1000x128xf32, #tpu.memory_space<vmem>>, vector<1000x128xf32>
    %mul3A = arith.mulf %add3A, %get3A_14 : vector<1000x128xf32>
    %add3A_15 = arith.addf %get3A_1, %mul3A : vector<1000x128xf32>
    %swap3A = arith.constant 0 : index
    %swap3A_16 = arith.constant 0 : index
    %swap3A_17 = vector.load %arg4[%swap3A, %swap3A_16] : memref<1000x128xf32, #tpu.memory_space<vmem>>, vector<1000x128xf32>
    tpu.vector_store %arg4[%swap3A, %swap3A_16], %add3A_15 {strides = array<i32>} : memref<1000x128xf32, #tpu.memory_space<vmem>>, vector<1000x128xf32>,
    return
  }
  func.func @transform_0(%arg0: i32) -> (i32, i32) {
    %c0_i32 = arith.constant 0 : i32
    %c0_i32_0 = arith.constant 0 : i32
    return %arg0, %c0_i32 : i32, i32
  }
  func.func @transform_1(%arg0: i32) -> (i32, i32, i32) {
    %c0_i32 = arith.constant 0 : i32
    %c0_i32_0 = arith.constant 0 : i32
    %c0_i32_1 = arith.constant 0 : i32
    return %c0_i32, %arg0, %c0_i32_0 : i32, i32, i32
  }
  func.func @transform_2(%arg0: i32) -> (i32, i32) {
    %c0_i32 = arith.constant 0 : i32
    %c0_i32_0 = arith.constant 0 : i32
    return %arg0, %c0_i32 : i32, i32
  }
  func.func @transform_3(%arg0: i32) -> (i32, i32) {
    %c0_i32 = arith.constant 0 : i32
    %c0_i32_0 = arith.constant 0 : i32
    return %arg0, %c0_i32 : i32, i32
  }
}

</mosaic_0001>

<sc_bundles>
// kernel: kernel.11.cloned.1.call-start
scs
__scs_entry_jumppad:
0x0: {  	(pc) =	sbr.rel $0x88, $3  }
0x1: {  	(tag) =	ssettag $0x0;
	lr =	simm.s32 $0x1  }
0x2: {  	[smem:$0x3F96] =	sst lr;
	_ =	strace $0xD0000000  }
0x3: {  	_ = 	snop  }
0x4: {  	_ = 	snop  }
0x5: {  	_ = 	snop  }
0x6: {  	_ = 	snop  }
0x7: {  	_ = 	snop  }
__scs_overlays_trampoline_lowered:
0x8: {  	[smem:$0x3FA5] =	sst s0  }
0x9: {  	[smem:$0x3FA6] =	sst s1  }
0xa: {  	[smem:$0x3FA7] =	sst s2  }
0xb: {  	[smem:$0x3FA8] =	sst s3  }
0xc: {  	[smem:$0x3FA9] =	sst s4  }
0xd: {  	[smem:$0x3FAA] =	sst s5  }
0xe: {  	[smem:$0x3FAB] =	sst s6  }
0xf: {  	[smem:$0x3FAC] =	sst s7  }
0x10: {  	[smem:$0x3FAD] =	sst s8  }
0x11: {  	[smem:$0x3FAE] =	sst s9;
	s0 =	simm.s32 @!p0 $0x0  }
0x12: {  	s1 =	sld [smem:$0x3F94];
	s0 =	simm.s32 @p0 $0x1  }
0x13: {  	[smem:$0x3FAF] =	sst s0;
	s0 =	simm.s32 @!p1 $0x0  }
0x14: {  	s2 =	sld [smem:$0x3F93];
	s0 =	simm.s32 @p1 $0x1  }
0x15: {  	[smem:$0x3FB0] =	sst s0;
	s0 =	simm.s32 @!p2 $0x0  }
0x16: {  	s3 =	sld [smem:$0x3FDB];
	s0 =	simm.s32 @p2 $0x1  }
0x17: {  	s4 =	simm.s32 $0x1BF5;
	[smem:$0x3FB2] =	sst s0  }
0x18: {  	s0 =	sld [smem:$0x3F95];
	_ =	swait.ge [sflag:s4], $0x0  }
0x19: {  	s7 =	sld [smem:$0x3F96]  }
0x1a: {  	s8 =	sadd.s32 $0xFFFFE003, lr  }
0x1b: {  	s9 =	sadd.s32 $0xFFFFFEF7, lr;
	s5 =	simm.s32 $0xFFFFFFFF;
	p2 =	slt.u32 s8, $0xFFFFF086  }
0x1c: {  	p1 =	slt.u32 s9, $0xF7A;
	s5 =	simm.s32 @!p2 $0x0  }
0x1d: {  	s5 =	simm.s32 @p1 $0x1;
	p0 =	seq.s32 s7, s2  }
0x1e: {  	s7 =	smul.u32 @!p0 $0xF7A, s2;
	p2 =	seq.s32 @!p0 s5, $0x0  }
0x1f: {  	s9 =	smul.u32 $0xF7A, s1;
	s8 =	simm.s32 @!p0 $0x1BF5;
	p2 =	por !p2, p0  }
0x20: {  	[sflag:s8] =	ssyncset.s32 @!p0 $0xFFFFF086;
	s6 =	sadd.s32 @!p0 s3, s7;
	s7 =	simm.s32 @!p0 $0x108  }
0x21: {  	s3 =	sadd.s32 s3, s9;
	s6 =	sadd.s32 @!p0 $0x88, s6;
	s7 =	simm.s32 @p2 $0x1082  }
0x22: {  	[simem:s7], [sflag:s8] =	dma.local @!p0 [hbm:s6], $0xF7A  }
0x23: {  	s9 =	sor.u32 $0xD0000000, s2;
	s6 =	simm.s32 $0x108;
	_ =	swait.ge @!p0 [sflag:s8], $0x0  }
0x24: {  	s3 =	sadd.s32 $0x88, s3;
	s6 =	simm.s32 @!p1 $0x1082;
	[sflag:s4] =	ssyncset.s32 $0xFFFFF086  }
0x25: {  	[simem:s6], [sflag:s4] =	dma.local [hbm:s3], $0xF7A  }
0x26: {  	[smem:$0x3F96] =	sst s1;
	(tag) =	ssettag s2;
	_ =	strace s9  }
0x27: {  	s1 =	sld [smem:$0x3FA6]  }
0x28: {  	s2 =	sld [smem:$0x3FA7]  }
0x29: {  	s4 =	sld [smem:$0x3FA9]  }
0x2a: {  	p0 =	seq.s32 s5, $0x0;
	s5 =	sld [smem:$0x3FAA]  }
0x2b: {  	s6 =	sld [smem:$0x3FAB]  }
0x2c: {  	s7 =	sld [smem:$0x3FAC]  }
0x2d: {  	s3 =	simm.s32 $0x108;
	s8 =	sld [smem:$0x3FAD]  }
0x2e: {  	s3 =	simm.s32 @!p0 $0x1082;
	s9 =	sld [smem:$0x3FAE]  }
0x2f: {  	lr =	sadd.s32 s0, s3;
	s0 =	sld [smem:$0x3FA5]  }
0x30: {  	s3 =	sld [smem:$0x3FA8]  }
0x31: {  	[smem:$0x3FB1] =	sst s10  }
0x32: {  	s10 =	sld [smem:$0x3FAF];
	_ =	sdelay $0x3  }
0x33: {  	p0 =	seq.s32 s10, $0x1;
	s10 =	sld [smem:$0x3FB1];
	_ =	sdelay $0x3  }
0x34: {  	[smem:$0x3FB1] =	sst s10  }
0x35: {  	s10 =	sld [smem:$0x3FB0];
	_ =	sdelay $0x3  }
0x36: {  	p1 =	seq.s32 s10, $0x1;
	s10 =	sld [smem:$0x3FB1];
	_ =	sdelay $0x3  }
0x37: {  	[smem:$0x3FB1] =	sst s10  }
0x38: {  	s10 =	sld [smem:$0x3FB2]  }
0x39: {  	_ = 	snop;
	(pc) =	sbr.ind lr, $3  }
0x3a: {  	_ = 	snop  }
0x3b: {  	_ = 	snop  }
0x3c: {  	p2 =	seq.s32 s10, $0x1;
	s10 =	sld [smem:$0x3FB1]  }
0x3d: {  	_ =	shalt  }
0x3e: {  	_ =	shalt  }
0x3f: {  	_ =	shalt  }
0x40: {  	_ =	shalt  }
0x41: {  	_ =	shalt  }
0x42: {  	_ =	shalt  }
0x43: {  	_ =	shalt  }
0x44: {  	_ =	shalt  }
0x45: {  	_ =	shalt  }
0x46: {  	_ =	shalt  }
0x47: {  	_ =	shalt  }
0x48: {  	_ =	shalt  }
0x49: {  	_ =	shalt  }
0x4a: {  	_ =	shalt  }
0x4b: {  	_ =	shalt  }
0x4c: {  	_ =	shalt  }
0x4d: {  	_ =	shalt  }
0x4e: {  	_ =	shalt  }
0x4f: {  	_ =	shalt  }
0x50: {  	_ =	shalt  }
0x51: {  	_ =	shalt  }
0x52: {  	_ =	shalt  }
0x53: {  	_ =	shalt  }
0x54: {  	_ =	shalt  }
0x55: {  	_ =	shalt  }
0x56: {  	_ =	shalt  }
0x57: {  	_ =	shalt  }
0x58: {  	_ =	shalt  }
0x59: {  	_ =	shalt  }
0x5a: {  	_ =	shalt  }
0x5b: {  	_ =	shalt  }
0x5c: {  	_ =	shalt  }
0x5d: {  	_ =	shalt  }
0x5e: {  	_ =	shalt  }
0x5f: {  	_ =	shalt  }
0x60: {  	_ =	shalt  }
0x61: {  	_ =	shalt  }
0x62: {  	_ =	shalt  }
0x63: {  	_ =	shalt  }
0x64: {  	_ =	shalt  }
0x65: {  	_ =	shalt  }
0x66: {  	_ =	shalt  }
0x67: {  	_ =	shalt  }
0x68: {  	_ =	shalt  }
0x69: {  	_ =	shalt  }
0x6a: {  	_ =	shalt  }
0x6b: {  	_ =	shalt  }
0x6c: {  	_ =	shalt  }
0x6d: {  	_ =	shalt  }
0x6e: {  	_ =	shalt  }
0x6f: {  	_ =	shalt  }
0x70: {  	_ =	shalt  }
0x71: {  	_ =	shalt  }
0x72: {  	_ =	shalt  }
0x73: {  	_ =	shalt  }
0x74: {  	_ =	shalt  }
0x75: {  	_ =	shalt  }
0x76: {  	_ =	shalt  }
0x77: {  	_ =	shalt  }
0x78: {  	_ =	shalt  }
0x79: {  	_ =	shalt  }
0x7a: {  	_ =	shalt  }
0x7b: {  	_ =	shalt  }
0x7c: {  	_ =	shalt  }
0x7d: {  	_ =	shalt  }
0x7e: {  	_ =	shalt  }
0x7f: {  	_ =	shalt  }
0x80: {  	_ =	shalt  }
0x81: {  	_ =	shalt  }
0x82: {  	_ =	shalt  }
0x83: {  	_ =	shalt  }
0x84: {  	_ =	shalt  }
0x85: {  	_ =	shalt  }
0x86: {  	_ =	shalt  }
0x87: {  	_ =	shalt  }
.Lfunc_end0:
.L_simem_size_0:
called_computation_lowered:
.L_overlay_start_0:
0x88: {  	s2 =	sld [smem:$0x3FD9]  }
0x89: {  	s3 =	sld [smem:$0x3FFE];
	_ =	sdelay $0x1  }
0x8a: {  	s1 =	srdreg.scid  }
0x8b: {  	s0 =	sand.u32 $0x1, s1  }
0x8c: {  	s17 =	sshll.u32 s0, $0xA;
	s2 =	sadd.s32 s3, s2  }
0x8d: {  	s2 =	sadd.s32 s2, s17  }
0x8e: {  	[smem:$0x3FBD] =	sst s2  }
0x8f: {  	_ = 	snop  }
0x90: {  	s2 =	sld [smem:$0x3FD0];
	(tm) =	ssettm $0x1  }
0x91: {  	s18 =	sld [smem:$0x3FFB];
	_ =	sdelay $0x3  }
0x92: {  	_ =	strace s18  }
0x93: {  	s3 =	sld [smem:$0x3FFC];
	_ =	sdelay $0x3  }
0x94: {  	_ =	strace s3  }
0x95: {  	s3 =	sld [smem:$0x3FFD];
	_ =	sdelay $0x3  }
0x96: {  	_ =	strace s3  }
0x97: {  	_ =	strace $0x8FFFFFFF  }
0x98: {  	s19 =	sld [smem:$0x3FDB];
	_ =	sdelay $0x1  }
0x99: {  	s4 =	simm.s32 $_scs_section_size  }
0x9a: {  	s5 =	simm.s32 $_size__tile_overlayer_lowered;
	s6 =	simm.s32 $_tile_overlayer_lowered  }
0x9b: {  	s22 =	simm.s32 $0x1BFF;
	s21 =	sshll.u32 s6, $0x1;
	s3 =	sadd.s32 s4, s19  }
0x9c: {  	s7 =	simm.s32 $0x0;
	s20 =	sshll.u32 s5, $0x1;
	s5 =	sadd.s32 s21, s3  }
0x9d: {  	[timem:s7], [sflag:s22] =	dma.local [hbm:s5], s20  }
0x9e: {  	_ =	swait.ge [sflag:s22], s20  }
0x9f: {  	s4 =	ssub.s32 $0x0, s20;
	[sflag:s22] =	ssyncset.done $0x0  }
0xa0: {  	[sflag:s22] =	ssyncadd.s32 s4;
	_ =	sdelay $0x1  }
0xa1: {  	s23 =	simm.s32 $0x1B8B  }
0xa2: {  	_ =	swait.ge [sflag:s23], $0x1  }
0xa3: {  	[sflag:s23] =	ssyncset.done $0x0  }
0xa4: {  	s25 =	simm.s32 $0x1B8E;
	s24 =	sld [smem:$0x3FFE];
	[sflag:s23] =	ssyncadd.s32 $0xFFFFFFFF  }
0xa5: {  	s26 =	simm.s32 $execute0_lowered;
	[smem:$0x3FD2] =	sst s25  }
0xa6: {  	s5 =	sshll.u32 s26, $0x1;
	_ =	strace $0x80000046;
	[dreg:$0x1] =	wrdreg $0xFFFFFFFF  }
0xa7: {  	s28 =	simm.s32 $_size_execute0_lowered;
	s3 =	sadd.s32 s3, s5;
	[dreg:$0x0] =	wrdreg $0x0  }
0xa8: {  	s5 =	sshll.u32 s28, $0x1;
	[dreg:$0x2] =	wrdreg s3  }
0xa9: {  	[dreg:$0x3] =	wrdreg s5  }
0xaa: {  	[dreg:$0x4] =	wrdreg $0xC0  }
0xab: {  	_ =	task [dreg:s7], $0x5FFFF  }
0xac: {  	[dreg:$0x1] =	wrdreg $0xFFFFFFFF  }
0xad: {  	[dreg:$0x0] =	wrdreg $0x60  }
0xae: {  	[dreg:$0x2] =	wrdreg s2  }
0xaf: {  	[dreg:$0x3] =	wrdreg s24  }
0xb0: {  	[dreg:$0x4] =	wrdreg $0x9  }
0xb1: {  	_ =	task.clear_ibuf [dreg:s7], $0x5FFFF;
	_ =	strace $0x90000046  }
0xb2: {  	s29 =	simm.s32 $0x9;
	_ =	strace $0x80000048  }
0xb3: {  	_ =	swait.ge [sflag:s29], $0x1  }
0xb4: {  	[sflag:s29] =	ssyncadd.s32 $0xFFFFFFFF  }
0xb5: {  	_ =	strace $0x90000048  }
0xb6: {  	_ =	sfence  }
0xb7: {  	s30 =	sld [smem:$0x0];
	_ =	sdelay $0x2  }
0xb8: {  	s31 =	sshll.u32 s1, $0xD;
	s1 =	sshrl.u32 s1, $0x2  }
0xb9: {  	s3 =	sand.u32 $0x4000, s31;
	s1 =	sadd.s32 s1, s30  }
0xba: {  	s0 =	sor.u32 s3, s0;
	s1 =	sshll.u32 s1, $0x11  }
0xbb: {  	s0 =	sor.u32 s1, s0  }
0xbc: {  	s0 =	sadd.s32 $0x8F2B, s0  }
0xbd: {  	[sflag:s0] =	ssyncadd.remote.s32 $0x1  }
0xbe: {  	_ =	sfence.sel $0xFFFF  }
0xbf: {  	[dreg:$0x0] =	wrdreg $0xFFFFFFFF;
	(pc) =	sbr.abs _section_cstart, $3  }
0xc0: {  	[dreg:$0x1] =	wrdreg $0xFFFFFFFF  }
0xc1: {  	_ =	task.clear_ibuf [dreg:s7], $0x2FFFF;
	_ =	strace $0x9FFFFFFF  }
0xc2: {  	(tm) =	ssettm $0x7FFFFFFF  }
0xc3: {  	_ =	shalt  }
tec
execute0_lowered:
.L_overlay_start_1:
0x0: {  	(tag) =	ssettag $0x1  }
0x1: {  	s0 =	srdreg.scid;
	s4 =	rddreg [dreg:$0x0]  }
0x2: {  	s5 =	rddreg [dreg:$0x1];
	s1 =	stileid.u32;
	s3 =	sand.u32 $0x1, s0  }
0x3: {  	s2 =	simm.s32 $0x0;
	s9 =	simm.s32 $0x0;
	s6 =	sshll.u32 s3, $0x4  }
0x4: {  	s0 =	rddreg [dreg:$0x2];
	s7 =	ssub.s32 $0x2, s3;
	s6 =	sor.u32 s1, s6  }
0x5: {  	[smem:$0x7FF] =	sst s2;
	s8 =	sshrl.u32 s7, $0x1;
	s6 =	smul.u32 $0x4E2, s6  }
0x6: {  	_ =	strace $0x80000047;
	s3 =	sadd.s32 $0xCC00, s5;
	s7 =	ssub.s32 s7, s8  }
0x7: {  	s8 =	simm.s32 $0x1;
	s5 =	sadd.s32 s6, s5;
	s4 =	sadd.s32 s4, s6  }
0x8: {  	v0 =	vimm.f32 $1.000000000e+00;
	s6 =	smax.u32 s7, $0x1;
	s7 =	simm.s32 $0x2780;
	s5 =	sadd.s32 $0xD200, s5  }
.LBB2_1:
0x9: {  	[tilespmem:s7], [sflag:$0x1] =	stream.linear.gather [hbm4b:s4+s2], $0x2710, $0x38;
	[tilespmem:$0x4F00] =	vst v63  }
0xa: {  	_ =	swait.ge [sflag:s8], $0x2710  }
0xb: {  	[sflag:s8] =	ssyncset.done $0x0  }
0xc: {  	[sflag:s8] =	ssyncadd.s32 $0xFFFFD8F0  }
0xd: {  	[tilespmem:s2], [sflag:$0x1] =	stream.linear.gather [hbm4b:s3+s2], $0x2780, $0x38;
	[tilespmem:$0x4F00] =	vst v63  }
0xe: {  	_ =	swait.ge [sflag:s8], $0x2780  }
0xf: {  	[sflag:s8] =	ssyncset.done $0x0  }
0x10: {  	s11 =	simm.s32 $0x0;
	s10 =	simm.s32 $0x40;
	[sflag:s8] =	ssyncadd.s32 $0xFFFFD880  }
.LBB2_2:
0x11: {  	p0 =	sne.s32 s10, $0x9C00;
	v1 =	vld [tilespmem:s11+$0x2780];
	_ =	sdelay $0x3  }
.Ltmp0:
0x12: {  	(pc) =	sbr.rel @p0 .LBB2_2-.Ltmp0, $2  }
0x13: {  	_ =	sdelay $0x2  }
0x14: {  	s11 =	sshra.s32 s10, $0x2;
	s10 =	sadd.s32 $0x40, s10;
	[tilespmem:v1+s2+$0x0] =	vst.idx.add.f32.msk $0xffff, v0  }
0x15: {  	v1 =	vld [tilespmem:s11+$0x2780];
	_ =	sdelay $0x5  }
0x16: {  	s9 =	sadd.s32 $0x1, s9  }
0x17: {  	p0 =	sne.s32 s9, s6  }
.Ltmp1:
0x18: {  	[tilespmem:v1+s2+$0x0] =	vst.idx.add.f32.msk $0xffff, v0;
	(pc) =	sbr.rel @p0 .LBB2_1-.Ltmp1, $4  }
0x19: {  	[hbm4b:s5+s2] =	stream.linear.scatter [tilespmem:s2], [sflag:$0x1], $0x2710, $0x38;
	[tilespmem:$0x4F00] =	vst v63  }
0x1a: {  	_ =	swait.ge [sflag:s8], $0x2710  }
0x1b: {  	[sflag:s8] =	ssyncset.done $0x0  }
0x1c: {  	[sflag:s8] =	ssyncadd.s32 $0xFFFFD8F0  }
0x1d: {  	_ =	sfence.sel $0x180000  }
0x1e: {  	[bflag:$0x0] =	sbarrier.arrive $0xFFFF  }
0x1f: {  	p0 =	sne.s32 s1, $0x0;
	_ =	strace $0x90000047  }
0x20: {  	s0 =	sadd.s32 @!p0 $0x100000, s0;
	[bflag:$0x2] =	sbarrier.arrive $0xFFFF  }
0x21: {  	[sflag:s0] =	ssyncadd.tile.s32 @!p0 $0x1;
	_ =	shalt  }
.Lfunc_end2:
_tile_overlayer_lowered:
.L_overlay_start_2:
0x22: {  	(tag) =	ssettag $0x2  }
0x23: {  	s0 =	rddreg [dreg:$0x0];
	s2 =	stileid.u32  }
0x24: {  	s1 =	rddreg [dreg:$0x1];
	p0 =	sne.s32 s2, $0x0  }
0x25: {  	s3 =	rddreg [dreg:$0x2];
	[bflag:$0x3] =	sbarrier.arrive $0xFFFF;
	s2 =	simm.s32 @!p0 $0x1C01  }
0x26: {  	[timem:s3], [sflag:s2] =	dma.local @!p0 [hbm:s0], s1  }
0x27: {  	s0 =	simm.s32 @!p0 $0x1  }
0x28: {  	_ =	swait.ge @!p0 [sflag:s0], s1  }
0x29: {  	s1 =	ssub.s32 @!p0 $0x0, s1;
	[sflag:s0] =	ssyncset.done @!p0 $0x0  }
0x2a: {  	[sflag:s0] =	ssyncadd.s32 @!p0 s1  }
0x2b: {  	[bflag:$0x3] =	sbarrier.arrive $0xFFFF  }
0x2c: {  	_ =	shalt  }

// kernel: kernel.14.cloned.1.call-start
scs
__scs_entry_jumppad:
0x0: {  	(pc) =	sbr.rel $0x88, $3  }
0x1: {  	(tag) =	ssettag $0x0;
	lr =	simm.s32 $0x1  }
0x2: {  	[smem:$0x3F96] =	sst lr;
	_ =	strace $0xD0000000  }
0x3: {  	_ = 	snop  }
0x4: {  	_ = 	snop  }
0x5: {  	_ = 	snop  }
0x6: {  	_ = 	snop  }
0x7: {  	_ = 	snop  }
__scs_overlays_trampoline_lowered:
0x8: {  	[smem:$0x3FA5] =	sst s0  }
0x9: {  	[smem:$0x3FA6] =	sst s1  }
0xa: {  	[smem:$0x3FA7] =	sst s2  }
0xb: {  	[smem:$0x3FA8] =	sst s3  }
0xc: {  	[smem:$0x3FA9] =	sst s4  }
0xd: {  	[smem:$0x3FAA] =	sst s5  }
0xe: {  	[smem:$0x3FAB] =	sst s6  }
0xf: {  	[smem:$0x3FAC] =	sst s7  }
0x10: {  	[smem:$0x3FAD] =	sst s8  }
0x11: {  	[smem:$0x3FAE] =	sst s9;
	s0 =	simm.s32 @!p0 $0x0  }
0x12: {  	s1 =	sld [smem:$0x3F94];
	s0 =	simm.s32 @p0 $0x1  }
0x13: {  	[smem:$0x3FAF] =	sst s0;
	s0 =	simm.s32 @!p1 $0x0  }
0x14: {  	s2 =	sld [smem:$0x3F93];
	s0 =	simm.s32 @p1 $0x1  }
0x15: {  	[smem:$0x3FB0] =	sst s0;
	s0 =	simm.s32 @!p2 $0x0  }
0x16: {  	s3 =	sld [smem:$0x3FDB];
	s0 =	simm.s32 @p2 $0x1  }
0x17: {  	s4 =	simm.s32 $0x1BF5;
	[smem:$0x3FB2] =	sst s0  }
0x18: {  	s0 =	sld [smem:$0x3F95];
	_ =	swait.ge [sflag:s4], $0x0  }
0x19: {  	s7 =	sld [smem:$0x3F96]  }
0x1a: {  	s8 =	sadd.s32 $0xFFFFE003, lr  }
0x1b: {  	s9 =	sadd.s32 $0xFFFFFEF7, lr;
	s5 =	simm.s32 $0xFFFFFFFF;
	p2 =	slt.u32 s8, $0xFFFFF086  }
0x1c: {  	p1 =	slt.u32 s9, $0xF7A;
	s5 =	simm.s32 @!p2 $0x0  }
0x1d: {  	s5 =	simm.s32 @p1 $0x1;
	p0 =	seq.s32 s7, s2  }
0x1e: {  	s7 =	smul.u32 @!p0 $0xF7A, s2;
	p2 =	seq.s32 @!p0 s5, $0x0  }
0x1f: {  	s9 =	smul.u32 $0xF7A, s1;
	s8 =	simm.s32 @!p0 $0x1BF5;
	p2 =	por !p2, p0  }
0x20: {  	[sflag:s8] =	ssyncset.s32 @!p0 $0xFFFFF086;
	s6 =	sadd.s32 @!p0 s3, s7;
	s7 =	simm.s32 @!p0 $0x108  }
0x21: {  	s3 =	sadd.s32 s3, s9;
	s6 =	sadd.s32 @!p0 $0x88, s6;
	s7 =	simm.s32 @p2 $0x1082  }
0x22: {  	[simem:s7], [sflag:s8] =	dma.local @!p0 [hbm:s6], $0xF7A  }
0x23: {  	s9 =	sor.u32 $0xD0000000, s2;
	s6 =	simm.s32 $0x108;
	_ =	swait.ge @!p0 [sflag:s8], $0x0  }
0x24: {  	s3 =	sadd.s32 $0x88, s3;
	s6 =	simm.s32 @!p1 $0x1082;
	[sflag:s4] =	ssyncset.s32 $0xFFFFF086  }
0x25: {  	[simem:s6], [sflag:s4] =	dma.local [hbm:s3], $0xF7A  }
0x26: {  	[smem:$0x3F96] =	sst s1;
	(tag) =	ssettag s2;
	_ =	strace s9  }
0x27: {  	s1 =	sld [smem:$0x3FA6]  }
0x28: {  	s2 =	sld [smem:$0x3FA7]  }
0x29: {  	s4 =	sld [smem:$0x3FA9]  }
0x2a: {  	p0 =	seq.s32 s5, $0x0;
	s5 =	sld [smem:$0x3FAA]  }
0x2b: {  	s6 =	sld [smem:$0x3FAB]  }
0x2c: {  	s7 =	sld [smem:$0x3FAC]  }
0x2d: {  	s3 =	simm.s32 $0x108;
	s8 =	sld [smem:$0x3FAD]  }
0x2e: {  	s3 =	simm.s32 @!p0 $0x1082;
	s9 =	sld [smem:$0x3FAE]  }
0x2f: {  	lr =	sadd.s32 s0, s3;
	s0 =	sld [smem:$0x3FA5]  }
0x30: {  	s3 =	sld [smem:$0x3FA8]  }
0x31: {  	[smem:$0x3FB1] =	sst s10  }
0x32: {  	s10 =	sld [smem:$0x3FAF];
	_ =	sdelay $0x3  }
0x33: {  	p0 =	seq.s32 s10, $0x1;
	s10 =	sld [smem:$0x3FB1];
	_ =	sdelay $0x3  }
0x34: {  	[smem:$0x3FB1] =	sst s10  }
0x35: {  	s10 =	sld [smem:$0x3FB0];
	_ =	sdelay $0x3  }
0x36: {  	p1 =	seq.s32 s10, $0x1;
	s10 =	sld [smem:$0x3FB1];
	_ =	sdelay $0x3  }
0x37: {  	[smem:$0x3FB1] =	sst s10  }
0x38: {  	s10 =	sld [smem:$0x3FB2]  }
0x39: {  	_ = 	snop;
	(pc) =	sbr.ind lr, $3  }
0x3a: {  	_ = 	snop  }
0x3b: {  	_ = 	snop  }
0x3c: {  	p2 =	seq.s32 s10, $0x1;
	s10 =	sld [smem:$0x3FB1]  }
0x3d: {  	_ =	shalt  }
0x3e: {  	_ =	shalt  }
0x3f: {  	_ =	shalt  }
0x40: {  	_ =	shalt  }
0x41: {  	_ =	shalt  }
0x42: {  	_ =	shalt  }
0x43: {  	_ =	shalt  }
0x44: {  	_ =	shalt  }
0x45: {  	_ =	shalt  }
0x46: {  	_ =	shalt  }
0x47: {  	_ =	shalt  }
0x48: {  	_ =	shalt  }
0x49: {  	_ =	shalt  }
0x4a: {  	_ =	shalt  }
0x4b: {  	_ =	shalt  }
0x4c: {  	_ =	shalt  }
0x4d: {  	_ =	shalt  }
0x4e: {  	_ =	shalt  }
0x4f: {  	_ =	shalt  }
0x50: {  	_ =	shalt  }
0x51: {  	_ =	shalt  }
0x52: {  	_ =	shalt  }
0x53: {  	_ =	shalt  }
0x54: {  	_ =	shalt  }
0x55: {  	_ =	shalt  }
0x56: {  	_ =	shalt  }
0x57: {  	_ =	shalt  }
0x58: {  	_ =	shalt  }
0x59: {  	_ =	shalt  }
0x5a: {  	_ =	shalt  }
0x5b: {  	_ =	shalt  }
0x5c: {  	_ =	shalt  }
0x5d: {  	_ =	shalt  }
0x5e: {  	_ =	shalt  }
0x5f: {  	_ =	shalt  }
0x60: {  	_ =	shalt  }
0x61: {  	_ =	shalt  }
0x62: {  	_ =	shalt  }
0x63: {  	_ =	shalt  }
0x64: {  	_ =	shalt  }
0x65: {  	_ =	shalt  }
0x66: {  	_ =	shalt  }
0x67: {  	_ =	shalt  }
0x68: {  	_ =	shalt  }
0x69: {  	_ =	shalt  }
0x6a: {  	_ =	shalt  }
0x6b: {  	_ =	shalt  }
0x6c: {  	_ =	shalt  }
0x6d: {  	_ =	shalt  }
0x6e: {  	_ =	shalt  }
0x6f: {  	_ =	shalt  }
0x70: {  	_ =	shalt  }
0x71: {  	_ =	shalt  }
0x72: {  	_ =	shalt  }
0x73: {  	_ =	shalt  }
0x74: {  	_ =	shalt  }
0x75: {  	_ =	shalt  }
0x76: {  	_ =	shalt  }
0x77: {  	_ =	shalt  }
0x78: {  	_ =	shalt  }
0x79: {  	_ =	shalt  }
0x7a: {  	_ =	shalt  }
0x7b: {  	_ =	shalt  }
0x7c: {  	_ =	shalt  }
0x7d: {  	_ =	shalt  }
0x7e: {  	_ =	shalt  }
0x7f: {  	_ =	shalt  }
0x80: {  	_ =	shalt  }
0x81: {  	_ =	shalt  }
0x82: {  	_ =	shalt  }
0x83: {  	_ =	shalt  }
0x84: {  	_ =	shalt  }
0x85: {  	_ =	shalt  }
0x86: {  	_ =	shalt  }
0x87: {  	_ =	shalt  }
.Lfunc_end0:
.L_simem_size_0:
called_computation.1_lowered:
.L_overlay_start_0:
0x88: {  	s2 =	sld [smem:$0x3FD9]  }
0x89: {  	s3 =	sld [smem:$0x3FFE];
	_ =	sdelay $0x1  }
0x8a: {  	s1 =	srdreg.scid  }
0x8b: {  	s0 =	sand.u32 $0x1, s1  }
0x8c: {  	s17 =	sshll.u32 s0, $0xA;
	s2 =	sadd.s32 s3, s2  }
0x8d: {  	s2 =	sadd.s32 s2, s17  }
0x8e: {  	[smem:$0x3FBD] =	sst s2  }
0x8f: {  	_ = 	snop  }
0x90: {  	s18 =	sld [smem:$0x3FC9];
	(tm) =	ssettm $0x1  }
0x91: {  	s19 =	sld [smem:$0x3FFB];
	_ =	sdelay $0x3  }
0x92: {  	_ =	strace s19  }
0x93: {  	s2 =	sld [smem:$0x3FFC];
	_ =	sdelay $0x3  }
0x94: {  	_ =	strace s2  }
0x95: {  	s2 =	sld [smem:$0x3FFD];
	_ =	sdelay $0x3  }
0x96: {  	_ =	strace s2  }
0x97: {  	_ =	strace $0x8FFFFFFF  }
0x98: {  	s20 =	sld [smem:$0x3FDB];
	_ =	sdelay $0x1  }
0x99: {  	s4 =	simm.s32 $_scs_section_size  }
0x9a: {  	s5 =	simm.s32 $_size__tile_overlayer_lowered;
	s6 =	simm.s32 $_tile_overlayer_lowered  }
0x9b: {  	s7 =	simm.s32 $0x1BFF;
	s21 =	sshll.u32 s6, $0x1;
	s4 =	sadd.s32 s4, s20  }
0x9c: {  	s22 =	simm.s32 $0x0;
	s5 =	sshll.u32 s5, $0x1;
	s6 =	sadd.s32 s21, s4  }
0x9d: {  	[timem:s22], [sflag:s7] =	dma.local [hbm:s6], s5  }
0x9e: {  	_ =	swait.ge [sflag:s7], s5  }
0x9f: {  	s5 =	ssub.s32 $0x0, s5;
	[sflag:s7] =	ssyncset.done $0x0  }
0xa0: {  	[sflag:s7] =	ssyncadd.s32 s5;
	_ =	sdelay $0x1  }
0xa1: {  	s23 =	simm.s32 $0x1B8B  }
0xa2: {  	_ =	swait.ge [sflag:s23], $0x1  }
0xa3: {  	[sflag:s23] =	ssyncset.done $0x0  }
0xa4: {  	[sflag:s23] =	ssyncadd.s32 $0xFFFFFFFF  }
0xa5: {  	s5 =	sld [smem:$0x0]  }
0xa6: {  	s6 =	sand.u32 $0xFFFFFFFE, s1  }
0xa7: {  	p0 =	sne.s32 s1, s6  }
0xa8: {  	s6 =	sshll.u32 @p0 s6, $0xE  }
0xa9: {  	s6 =	sadd.s32 @p0 $0x11B8D, s6;
	s7 =	sshll.u32 @p0 s5, $0x11  }
0xaa: {  	s6 =	sor.u32 @p0 s7, s6  }
0xab: {  	[sflag:s6] =	ssyncadd.remote.s32 @p0 $0x1;
	_ =	sdelay $0x1  }
0xac: {  	s6 =	simm.s32 @p0 $0x1B8D  }
0xad: {  	_ =	swait.eq @p0 [sflag:s6], $0x1  }
0xae: {  	[sflag:s6] =	ssyncadd.s32 @p0 $0xFFFFFFFF  }
0xaf: {  	s7 =	sshll.u32 @!p0 s1, $0xE  }
0xb0: {  	s7 =	sor.u32 @!p0 $0x4000, s7;
	s6 =	simm.s32 @!p0 $0x1B8D  }
0xb1: {  	s5 =	sshll.u32 @!p0 s5, $0x11;
	s7 =	sadd.s32 @!p0 $0x11B8D, s7;
	_ =	swait.eq @!p0 [sflag:s6], $0x1  }
0xb2: {  	s5 =	sor.u32 @!p0 s5, s7;
	[sflag:s6] =	ssyncadd.s32 @!p0 $0xFFFFFFFF  }
0xb3: {  	s25 =	simm.s32 $0x1B8E;
	s24 =	sld [smem:$0x3FFE];
	[sflag:s5] =	ssyncadd.remote.s32 @!p0 $0x1  }
0xb4: {  	s26 =	simm.s32 $execute0_lowered;
	[smem:$0x3FD2] =	sst s25  }
0xb5: {  	s6 =	sshll.u32 s26, $0x1;
	_ =	strace $0x80000049;
	[dreg:$0x1] =	wrdreg $0xFFFFFFFF  }
0xb6: {  	s28 =	simm.s32 $_size_execute0_lowered;
	s4 =	sadd.s32 s4, s6;
	[dreg:$0x0] =	wrdreg $0x0  }
0xb7: {  	s6 =	sshll.u32 s28, $0x1;
	[dreg:$0x2] =	wrdreg s4  }
0xb8: {  	[dreg:$0x3] =	wrdreg s6  }
0xb9: {  	[dreg:$0x4] =	wrdreg $0xC0  }
0xba: {  	_ =	task [dreg:s22], $0x5FFFF  }
0xbb: {  	[dreg:$0x1] =	wrdreg $0xFFFFFFFF  }
0xbc: {  	[dreg:$0x0] =	wrdreg $0x60  }
0xbd: {  	[dreg:$0x2] =	wrdreg s18  }
0xbe: {  	[dreg:$0x3] =	wrdreg s24  }
0xbf: {  	[dreg:$0x4] =	wrdreg $0x0  }
0xc0: {  	[dreg:$0x5] =	wrdreg $0xA  }
0xc1: {  	_ =	task.clear_ibuf [dreg:s22], $0x6FFFF;
	_ =	strace $0x90000049  }
0xc2: {  	s29 =	simm.s32 $0xA;
	_ =	strace $0x8000004B  }
0xc3: {  	_ =	swait.ge [sflag:s29], $0x1  }
0xc4: {  	[sflag:s29] =	ssyncadd.s32 $0xFFFFFFFF  }
0xc5: {  	_ =	strace $0x9000004B  }
0xc6: {  	_ =	sfence  }
0xc7: {  	s30 =	sld [smem:$0x0];
	_ =	sdelay $0x2  }
0xc8: {  	s31 =	sshll.u32 s1, $0xD;
	s1 =	sshrl.u32 s1, $0x2  }
0xc9: {  	s4 =	sand.u32 $0x4000, s31;
	s1 =	sadd.s32 s1, s30  }
0xca: {  	s0 =	sor.u32 s4, s0;
	s1 =	sshll.u32 s1, $0x11  }
0xcb: {  	s0 =	sor.u32 s1, s0  }
0xcc: {  	s0 =	sadd.s32 $0x8F2B, s0  }
0xcd: {  	[sflag:s0] =	ssyncadd.remote.s32 $0x1  }
0xce: {  	_ =	sfence.sel $0xFFFF  }
0xcf: {  	[dreg:$0x0] =	wrdreg $0xFFFFFFFF;
	(pc) =	sbr.abs _section_cstart, $3  }
0xd0: {  	[dreg:$0x1] =	wrdreg $0xFFFFFFFF  }
0xd1: {  	_ =	task.clear_ibuf [dreg:s22], $0x2FFFF;
	_ =	strace $0x9FFFFFFF  }
0xd2: {  	(tm) =	ssettm $0x7FFFFFFF  }
0xd3: {  	_ =	shalt  }
tec
execute0_lowered:
.L_overlay_start_1:
0x0: {  	(tag) =	ssettag $0x1  }
0x1: {  	s0 =	rddreg [dreg:$0x0]  }
0x2: {  	s1 =	srdreg.scid;
	s4 =	rddreg [dreg:$0x1]  }
0x3: {  	s2 =	rddreg [dreg:$0x2];
	s29 =	simm.s32 $0x1A080;
	s30 =	simm.s32 $0x3  }
0x4: {  	s31 =	simm.s32 $0x1;
	s5 =	sand.u32 $0x1, s1;
	s1 =	stileid.u32  }
0x5: {  	s28 =	simm.s32 $0x50;
	s12 =	sadd.s32 $0x27600, s4;
	s10 =	smul.u32 $0x270, s1  }
0x6: {  	s3 =	sshll.u32 s5, $0x4;
	s8 =	ssub.s32 $0x2, s5;
	s11 =	smul.u32 $0x2710, s5  }
0x7: {  	s5 =	smul.u32 $0x138800, s5;
	p0 =	sne.s32 s1, $0x0;
	s6 =	sor.u32 s1, s3  }
0x8: {  	s3 =	simm.s32 $0x0;
	s9 =	sshrl.u32 s8, $0x1;
	s7 =	smul.u32 $0x4E2, s6  }
0x9: {  	[smem:$0x7FF] =	sst s3;
	s6 =	sshll.u32 s6, $0xB;
	s25 =	ssub.s32 s8, s9  }
0xa: {  	s16 =	sadd.s32 $0x50, s10;
	s17 =	sadd.s32 $0xA0, s10;
	s18 =	sadd.s32 $0xF0, s10  }
0xb: {  	s19 =	sadd.s32 $0x140, s10;
	s20 =	sadd.s32 $0x190, s10;
	s21 =	sadd.s32 $0x1E0, s10  }
0xc: {  	s24 =	sadd.s32 s10, s11;
	s22 =	sadd.s32 $0x230, s10;
	s5 =	sshrl.u32 s5, $0x3  }
0xd: {  	s26 =	sadd.s32 s11, s16;
	s8 =	sshll.u32 s24, $0x4;
	s14 =	sadd.s32 s11, s17  }
0xe: {  	s15 =	sadd.s32 s11, s18;
	s23 =	sadd.s32 s11, s19;
	s10 =	sadd.s32 s11, s20  }
0xf: {  	s5 =	sadd.s32 s12, s5;
	s6 =	sadd.s32 s6, s4;
	s16 =	sshll.u32 s16, $0x7  }
0x10: {  	s17 =	sshll.u32 s17, $0x7;
	s18 =	sshll.u32 s18, $0x7;
	s19 =	sshll.u32 s19, $0x7  }
0x11: {  	s25 =	smax.u32 s25, $0x1;
	s9 =	sshll.u32 s26, $0x4;
	s8 =	sadd.s32 s12, s8  }
0x12: {  	s24 =	sshll.u32 s15, $0x4;
	s26 =	sshll.u32 s23, $0x4;
	s7 =	sadd.s32 s7, s4  }
0x13: {  	s16 =	sadd.s32 s16, s2;
	s17 =	sadd.s32 s17, s2;
	s18 =	sadd.s32 s18, s2  }
0x14: {  	s19 =	sadd.s32 s19, s2;
	s23 =	sshll.u32 s20, $0x7;
	[dreg:$0x4] =	wrdreg s8  }
0x15: {  	s13 =	sadd.s32 s12, s9;
	s8 =	sshll.u32 s14, $0x4;
	s9 =	sadd.s32 s12, s26  }
0x16: {  	s20 =	sadd.s32 s23, s2;
	s26 =	sshll.u32 s22, $0x7;
	[dreg:$0x5] =	wrdreg s13  }
0x17: {  	s23 =	sadd.s32 $0x138000, s2;
	s8 =	sadd.s32 s12, s8;
	[dreg:$0x8] =	wrdreg s9  }
0x18: {  	s9 =	sshll.u32 s10, $0x4;
	s13 =	sadd.s32 s11, s21;
	s11 =	sadd.s32 s11, s22  }
0x19: {  	s22 =	sadd.s32 s26, s2;
	s26 =	simm.s32 $0x1C880;
	[dreg:$0x6] =	wrdreg s8  }
0x1a: {  	s8 =	sadd.s32 s12, s24;
	s14 =	sadd.s32 s12, s9;
	s10 =	sshll.u32 s13, $0x4  }
0x1b: {  	s11 =	sshll.u32 s11, $0x4;
	s13 =	sadd.s32 $0x2E00, s7;
	[dreg:$0x7] =	wrdreg s8  }
0x1c: {  	s24 =	sshll.u32 s21, $0x7;
	[dreg:$0x9] =	wrdreg s14;
	s10 =	sadd.s32 s12, s10  }
0x1d: {  	s11 =	sadd.s32 s12, s11;
	s14 =	smul.u32 $0x4E000, s1;
	s12 =	sadd.s32 $0x27000, s4  }
0x1e: {  	s21 =	sadd.s32 s24, s2;
	s24 =	sadd.s32 $0x27000, s5;
	s1 =	simm.s32 $0x2  }
0x1f: {  	s4 =	simm.s32 $0x17880;
	s5 =	simm.s32 $0x0;
	s15 =	sshrl.u32 s14, $0x2  }
0x20: {  	_ =	strace $0x8000004A;
	s14 =	sadd.s32 $0x17000, s6;
	s15 =	sadd.s32 s15, s2  }
.LBB2_1:
0x21: {  	[tilespmem:s26], [sflag:$0x1] =	stream.linear.gather [hbm4b:s13+s3], $0x2710, $0x38;
	[tilespmem:$0x1F000] =	vst v63  }
0x22: {  	s6 =	simm.s32 $0x13880  }
0x23: {  	[tilespmem:s6], [sflag:$0x2] =	stream.linear.gather [hbm4b:s14+s3], $0x3E80, $0x38;
	[tilespmem:$0x1F000] =	vst v63  }
0x24: {  	_ = 	snop  }
0x25: {  	[tilespmem:s29], [sflag:$0x3] =	stream.linear.gather [hbm4b:s12+s3], $0x2800, $0x38;
	[tilespmem:$0x1F000] =	vst v63  }
0x26: {  	_ =	swait.ge [sflag:s30], $0x2800  }
0x27: {  	[sflag:s30] =	ssyncset.done $0x0  }
0x28: {  	[sflag:s30] =	ssyncadd.s32 $0xFFFFD800  }
0x29: {  	[spmem:s15] =	stream.linear.scatter [tilespmem:s29], [sflag:$0x3], $0x2800, $0x38;
	[tilespmem:$0x1F000] =	vst v63  }
0x2a: {  	_ =	swait.ge [sflag:s30], $0x2800  }
0x2b: {  	[sflag:s30] =	ssyncset.done $0x0  }
0x2c: {  	[sflag:s30] =	ssyncadd.s32 $0xFFFFD800  }
0x2d: {  	[spmem:s16] =	stream.linear.scatter [tilespmem:s29], [sflag:$0x3], $0x2800, $0x38;
	[tilespmem:$0x1F000] =	vst v63  }
0x2e: {  	_ =	swait.ge [sflag:s30], $0x2800  }
0x2f: {  	[sflag:s30] =	ssyncset.done $0x0  }
0x30: {  	[sflag:s30] =	ssyncadd.s32 $0xFFFFD800  }
0x31: {  	[spmem:s17] =	stream.linear.scatter [tilespmem:s29], [sflag:$0x3], $0x2800, $0x38;
	[tilespmem:$0x1F000] =	vst v63  }
0x32: {  	_ =	swait.ge [sflag:s30], $0x2800  }
0x33: {  	[sflag:s30] =	ssyncset.done $0x0  }
0x34: {  	[sflag:s30] =	ssyncadd.s32 $0xFFFFD800  }
0x35: {  	[spmem:s18] =	stream.linear.scatter [tilespmem:s29], [sflag:$0x3], $0x2800, $0x38;
	[tilespmem:$0x1F000] =	vst v63  }
0x36: {  	_ =	swait.ge [sflag:s30], $0x2800  }
0x37: {  	[sflag:s30] =	ssyncset.done $0x0  }
0x38: {  	[sflag:s30] =	ssyncadd.s32 $0xFFFFD800  }
0x39: {  	[spmem:s19] =	stream.linear.scatter [tilespmem:s29], [sflag:$0x3], $0x2800, $0x38;
	[tilespmem:$0x1F000] =	vst v63  }
0x3a: {  	_ =	swait.ge [sflag:s30], $0x2800  }
0x3b: {  	[sflag:s30] =	ssyncset.done $0x0  }
0x3c: {  	[sflag:s30] =	ssyncadd.s32 $0xFFFFD800  }
0x3d: {  	[spmem:s20] =	stream.linear.scatter [tilespmem:s29], [sflag:$0x3], $0x2800, $0x38;
	[tilespmem:$0x1F000] =	vst v63  }
0x3e: {  	_ =	swait.ge [sflag:s30], $0x2800  }
0x3f: {  	[sflag:s30] =	ssyncset.done $0x0  }
0x40: {  	[sflag:s30] =	ssyncadd.s32 $0xFFFFD800  }
0x41: {  	[spmem:s21] =	stream.linear.scatter [tilespmem:s29], [sflag:$0x3], $0x2800, $0x38;
	[tilespmem:$0x1F000] =	vst v63  }
0x42: {  	_ =	swait.ge [sflag:s30], $0x2800  }
0x43: {  	[sflag:s30] =	ssyncset.done $0x0  }
0x44: {  	[sflag:s30] =	ssyncadd.s32 $0xFFFFD800  }
0x45: {  	[spmem:s22] =	stream.linear.scatter [tilespmem:s29], [sflag:$0x3], $0x2000, $0x38;
	[tilespmem:$0x1F000] =	vst v63  }
0x46: {  	_ =	swait.ge [sflag:s30], $0x2000  }
0x47: {  	[sflag:s30] =	ssyncset.done $0x0  }
0x48: {  	s6 =	simm.s32 @!p0 $0x1A080;
	[sflag:s30] =	ssyncadd.s32 $0xFFFFE000  }
0x49: {  	[spmem:s23] =	stream.linear.scatter @!p0 [tilespmem:s6], [sflag:$0x3], $0x800, $0x38;
	[tilespmem:$0x1F000] =	vst v63  }
0x4a: {  	s6 =	simm.s32 @!p0 $0x3  }
0x4b: {  	_ =	swait.ge @!p0 [sflag:s6], $0x800  }
0x4c: {  	[sflag:s6] =	ssyncset.done @!p0 $0x0  }
0x4d: {  	[sflag:s6] =	ssyncadd.s32 @!p0 $0xFFFFF800  }
0x4e: {  	_ =	swait.ge [sflag:s31], $0x2710  }
0x4f: {  	[sflag:s31] =	ssyncset.done $0x0  }
0x50: {  	[sflag:s31] =	ssyncadd.s32 $0xFFFFD8F0  }
0x51: {  	_ =	swait.ge [sflag:s1], $0x3E80  }
0x52: {  	[sflag:s1] =	ssyncset.done $0x0  }
0x53: {  	[sflag:s1] =	ssyncadd.s32 $0xFFFFC180  }
0x54: {  	[tilespmem:s4], [sflag:$0x1] =	stream.indirect.gather [hbm4b:s0+s28], $0x80, s26, s28, $0xb8;
	[tilespmem:$0x1F000] =	vst v63  }
0x55: {  	s6 =	simm.s32 $0x1C8D0;
	[bflag:$0x0] =	sbarrier.arrive $0xFFFF  }
0x56: {  	[tilespmem:s29], [sflag:$0x2] =	stream.indirect.gather [hbm4b:s0+s28], $0x80, s6, s28, $0xb8;
	[tilespmem:$0x1F000] =	vst v63  }
0x57: {  	_ =	swait.ge [sflag:s31], $0x2800  }
0x58: {  	[sflag:s31] =	ssyncset.done $0x0  }
0x59: {  	s7 =	simm.s32 $0x13880;
	[sflag:s31] =	ssyncadd.s32 $0xFFFFD800  }
0x5a: {  	[spmem:s2] =	stream.indirect.scatter.add.f32 [tilespmem:s4], [sflag:$0x3], $0x80, s7, s28, $0xb8;
	[tilespmem:$0x1F000] =	vst v63  }
0x5b: {  	_ =	swait.ge [sflag:s30], $0x2800  }
0x5c: {  	[sflag:s30] =	ssyncset.done $0x0  }
0x5d: {  	s8 =	simm.s32 $0x1C920;
	[sflag:s30] =	ssyncadd.s32 $0xFFFFD800  }
0x5e: {  	[tilespmem:s4], [sflag:$0x1] =	stream.indirect.gather [hbm4b:s0+s28], $0x80, s8, s28, $0xb8;
	[tilespmem:$0x1F000] =	vst v63  }
0x5f: {  	_ =	swait.ge [sflag:s1], $0x2800  }
0x60: {  	[sflag:s1] =	ssyncset.done $0x0  }
0x61: {  	s9 =	simm.s32 $0x13900;
	[sflag:s1] =	ssyncadd.s32 $0xFFFFD800  }
0x62: {  	[spmem:s2] =	stream.indirect.scatter.add.f32 [tilespmem:s29], [sflag:$0x3], $0x80, s9, s28, $0xb8;
	[tilespmem:$0x1F000] =	vst v63  }
0x63: {  	_ =	swait.ge [sflag:s30], $0x2800  }
0x64: {  	s7 =	simm.s32 $0x400;
	[sflag:s30] =	ssyncset.done $0x0  }
.LBB2_2:
0x65: {  	p1 =	sne.s32 s7, $0xF400;
	[sflag:s30] =	ssyncadd.s32 $0xFFFFD800;
	s6 =	sadd.s32 $0xA0, s6  }
0x66: {  	[tilespmem:s29], [sflag:$0x2] =	stream.indirect.gather [hbm4b:s0+s28], $0x80, s6, s28, $0xb8;
	[tilespmem:$0x1F000] =	vst v63  }
0x67: {  	s8 =	smov.u32 s7;
	s7 =	sadd.s32 $0x400, s7;
	_ =	swait.ge [sflag:s31], $0x2800  }
0x68: {  	s8 =	sshra.s32 s8, $0x2;
	[sflag:s31] =	ssyncset.done $0x0  }
0x69: {  	s9 =	sadd.s32 $0x13880, s8;
	[sflag:s31] =	ssyncadd.s32 $0xFFFFD800  }
0x6a: {  	[spmem:s2] =	stream.indirect.scatter.add.f32 [tilespmem:s4], [sflag:$0x3], $0x80, s9, s28, $0xb8;
	[tilespmem:$0x1F000] =	vst v63  }
0x6b: {  	_ =	swait.ge [sflag:s30], $0x2800  }
0x6c: {  	[sflag:s30] =	ssyncset.done $0x0  }
0x6d: {  	s9 =	sadd.s32 $0x50, s6;
	[sflag:s30] =	ssyncadd.s32 $0xFFFFD800  }
0x6e: {  	[tilespmem:s4], [sflag:$0x1] =	stream.indirect.gather [hbm4b:s0+s28], $0x80, s9, s28, $0xb8;
	[tilespmem:$0x1F000] =	vst v63  }
0x6f: {  	_ =	swait.ge [sflag:s1], $0x2800  }
.Ltmp0:
0x70: {  	[sflag:s1] =	ssyncset.done $0x0;
	(pc) =	sbr.rel @p1 .LBB2_2-.Ltmp0, $4  }
0x71: {  	s8 =	sadd.s32 $0x13900, s8;
	[sflag:s1] =	ssyncadd.s32 $0xFFFFD800  }
0x72: {  	[spmem:s2] =	stream.indirect.scatter.add.f32 [tilespmem:s29], [sflag:$0x3], $0x80, s8, s28, $0xb8;
	[tilespmem:$0x1F000] =	vst v63  }
0x73: {  	_ =	swait.ge [sflag:s30], $0x2800  }
0x74: {  	[sflag:s30] =	ssyncset.done $0x0  }
0x75: {  	[sflag:s30] =	ssyncadd.s32 $0xFFFFD800  }
0x76: {  	_ =	swait.ge [sflag:s31], $0x2800  }
0x77: {  	[sflag:s31] =	ssyncset.done $0x0  }
0x78: {  	s6 =	simm.s32 $0x17680;
	[sflag:s31] =	ssyncadd.s32 $0xFFFFD800  }
0x79: {  	[spmem:s2] =	stream.indirect.scatter.add.f32 [tilespmem:s4], [sflag:$0x3], $0x80, s6, s28, $0xb8;
	[tilespmem:$0x1F000] =	vst v63  }
0x7a: {  	_ =	swait.ge [sflag:s30], $0x2800  }
0x7b: {  	[sflag:s30] =	ssyncset.done $0x0  }
0x7c: {  	[sflag:s30] =	ssyncadd.s32 $0xFFFFD800  }
0x7d: {  	[bflag:$0x0] =	sbarrier.arrive $0xFFFF  }
0x7e: {  	[tilespmem:s4], [sflag:$0x3] =	stream.linear.gather [spmem:s15], $0x2800, $0x38;
	[tilespmem:$0x1F000] =	vst v63  }
0x7f: {  	_ =	swait.ge [sflag:s30], $0x2800  }
0x80: {  	[sflag:s30] =	ssyncset.done $0x0  }
0x81: {  	s7 =	rddreg [dreg:$0x4];
	[sflag:s30] =	ssyncadd.s32 $0xFFFFD800  }
0x82: {  	[hbm4b:s7+s3] =	stream.linear.scatter [tilespmem:s4], [sflag:$0x1], $0x2800, $0x38;
	[tilespmem:$0x1F000] =	vst v63  }
0x83: {  	_ = 	snop  }
0x84: {  	[tilespmem:s29], [sflag:$0x3] =	stream.linear.gather [spmem:s16], $0x2800, $0x38;
	[tilespmem:$0x1F000] =	vst v63  }
0x85: {  	_ =	swait.ge [sflag:s30], $0x2800  }
0x86: {  	[sflag:s30] =	ssyncset.done $0x0  }
0x87: {  	s8 =	rddreg [dreg:$0x5];
	[sflag:s30] =	ssyncadd.s32 $0xFFFFD800  }
0x88: {  	[hbm4b:s8+s3] =	stream.linear.scatter [tilespmem:s29], [sflag:$0x2], $0x2800, $0x38;
	[tilespmem:$0x1F000] =	vst v63  }
0x89: {  	_ =	swait.ge [sflag:s31], $0x2800  }
0x8a: {  	[sflag:s31] =	ssyncset.done $0x0  }
0x8b: {  	[sflag:s31] =	ssyncadd.s32 $0xFFFFD800  }
0x8c: {  	[tilespmem:s4], [sflag:$0x3] =	stream.linear.gather [spmem:s17], $0x2800, $0x38;
	[tilespmem:$0x1F000] =	vst v63  }
0x8d: {  	_ =	swait.ge [sflag:s30], $0x2800  }
0x8e: {  	[sflag:s30] =	ssyncset.done $0x0  }
0x8f: {  	s9 =	rddreg [dreg:$0x6];
	[sflag:s30] =	ssyncadd.s32 $0xFFFFD800  }
0x90: {  	[hbm4b:s9+s3] =	stream.linear.scatter [tilespmem:s4], [sflag:$0x1], $0x2800, $0x38;
	[tilespmem:$0x1F000] =	vst v63  }
0x91: {  	_ =	swait.ge [sflag:s1], $0x2800  }
0x92: {  	[sflag:s1] =	ssyncset.done $0x0  }
0x93: {  	[sflag:s1] =	ssyncadd.s32 $0xFFFFD800  }
0x94: {  	[tilespmem:s29], [sflag:$0x3] =	stream.linear.gather [spmem:s18], $0x2800, $0x38;
	[tilespmem:$0x1F000] =	vst v63  }
0x95: {  	_ =	swait.ge [sflag:s30], $0x2800  }
0x96: {  	[sflag:s30] =	ssyncset.done $0x0  }
0x97: {  	s7 =	rddreg [dreg:$0x7];
	[sflag:s30] =	ssyncadd.s32 $0xFFFFD800  }
0x98: {  	[hbm4b:s7+s3] =	stream.linear.scatter [tilespmem:s29], [sflag:$0x2], $0x2800, $0x38;
	[tilespmem:$0x1F000] =	vst v63  }
0x99: {  	_ =	swait.ge [sflag:s31], $0x2800  }
0x9a: {  	[sflag:s31] =	ssyncset.done $0x0  }
0x9b: {  	[sflag:s31] =	ssyncadd.s32 $0xFFFFD800  }
0x9c: {  	[tilespmem:s4], [sflag:$0x3] =	stream.linear.gather [spmem:s19], $0x2800, $0x38;
	[tilespmem:$0x1F000] =	vst v63  }
0x9d: {  	_ =	swait.ge [sflag:s30], $0x2800  }
0x9e: {  	[sflag:s30] =	ssyncset.done $0x0  }
0x9f: {  	s8 =	rddreg [dreg:$0x8];
	[sflag:s30] =	ssyncadd.s32 $0xFFFFD800  }
0xa0: {  	[hbm4b:s8+s3] =	stream.linear.scatter [tilespmem:s4], [sflag:$0x1], $0x2800, $0x38;
	[tilespmem:$0x1F000] =	vst v63  }
0xa1: {  	_ =	swait.ge [sflag:s1], $0x2800  }
0xa2: {  	[sflag:s1] =	ssyncset.done $0x0  }
0xa3: {  	[sflag:s1] =	ssyncadd.s32 $0xFFFFD800  }
0xa4: {  	[tilespmem:s29], [sflag:$0x3] =	stream.linear.gather [spmem:s20], $0x2800, $0x38;
	[tilespmem:$0x1F000] =	vst v63  }
0xa5: {  	_ =	swait.ge [sflag:s30], $0x2800  }
0xa6: {  	[sflag:s30] =	ssyncset.done $0x0  }
0xa7: {  	s9 =	rddreg [dreg:$0x9];
	[sflag:s30] =	ssyncadd.s32 $0xFFFFD800  }
0xa8: {  	[hbm4b:s9+s3] =	stream.linear.scatter [tilespmem:s29], [sflag:$0x2], $0x2800, $0x38;
	[tilespmem:$0x1F000] =	vst v63  }
0xa9: {  	_ =	swait.ge [sflag:s31], $0x2800  }
0xaa: {  	[sflag:s31] =	ssyncset.done $0x0  }
0xab: {  	[sflag:s31] =	ssyncadd.s32 $0xFFFFD800  }
0xac: {  	[tilespmem:s4], [sflag:$0x3] =	stream.linear.gather [spmem:s21], $0x2800, $0x38;
	[tilespmem:$0x1F000] =	vst v63  }
0xad: {  	_ =	swait.ge [sflag:s30], $0x2800  }
0xae: {  	[sflag:s30] =	ssyncset.done $0x0  }
0xaf: {  	[sflag:s30] =	ssyncadd.s32 $0xFFFFD800  }
0xb0: {  	[hbm4b:s10+s3] =	stream.linear.scatter [tilespmem:s4], [sflag:$0x1], $0x2800, $0x38;
	[tilespmem:$0x1F000] =	vst v63  }
0xb1: {  	_ =	swait.ge [sflag:s1], $0x2800  }
0xb2: {  	[sflag:s1] =	ssyncset.done $0x0  }
0xb3: {  	[sflag:s1] =	ssyncadd.s32 $0xFFFFD800  }
0xb4: {  	[tilespmem:s29], [sflag:$0x3] =	stream.linear.gather [spmem:s22], $0x2000, $0x38;
	[tilespmem:$0x1F000] =	vst v63  }
0xb5: {  	_ =	swait.ge [sflag:s30], $0x2000  }
0xb6: {  	[sflag:s30] =	ssyncset.done $0x0  }
0xb7: {  	[sflag:s30] =	ssyncadd.s32 $0xFFFFE000  }
0xb8: {  	[hbm4b:s11+s3] =	stream.linear.scatter [tilespmem:s29], [sflag:$0x2], $0x2000, $0x38;
	[tilespmem:$0x1F000] =	vst v63  }
0xb9: {  	_ =	swait.ge [sflag:s31], $0x2800  }
0xba: {  	[sflag:s31] =	ssyncset.done $0x0  }
0xbb: {  	[sflag:s31] =	ssyncadd.s32 $0xFFFFD800  }
0xbc: {  	_ =	swait.ge [sflag:s1], $0x2000  }
0xbd: {  	[sflag:s1] =	ssyncset.done $0x0  }
0xbe: {  	s6 =	simm.s32 @!p0 $0x17880;
	s7 =	simm.s32 @!p0 $0x3;
	[sflag:s1] =	ssyncadd.s32 $0xFFFFE000  }
0xbf: {  	[tilespmem:s6], [sflag:$0x3] =	stream.linear.gather @!p0 [spmem:s23], $0x800, $0x38;
	[tilespmem:$0x1F000] =	vst v63  }
0xc0: {  	s5 =	sadd.s32 $0x1, s5;
	_ =	swait.ge @!p0 [sflag:s7], $0x800  }
0xc1: {  	p1 =	sne.s32 s5, s25;
	[sflag:s7] =	ssyncset.done @!p0 $0x0  }
.Ltmp1:
0xc2: {  	s8 =	simm.s32 @!p0 $0x0;
	[sflag:s7] =	ssyncadd.s32 @!p0 $0xFFFFF800;
	(pc) =	sbr.rel @p1 .LBB2_1-.Ltmp1, $4  }
0xc3: {  	[hbm4b:s24+s8] =	stream.linear.scatter @!p0 [tilespmem:s6], [sflag:$0x3], $0x800, $0x38;
	[tilespmem:$0x1F000] =	vst v63  }
0xc4: {  	_ =	swait.ge @!p0 [sflag:s7], $0x800  }
0xc5: {  	[sflag:s7] =	ssyncset.done @!p0 $0x0  }
0xc6: {  	[sflag:s7] =	ssyncadd.s32 @!p0 $0xFFFFF800  }
0xc7: {  	_ =	sfence.sel $0x180000  }
0xc8: {  	[bflag:$0x0] =	sbarrier.arrive $0xFFFF  }
0xc9: {  	_ =	strace $0x9000004A  }
0xca: {  	[bflag:$0x2] =	sbarrier.arrive $0xFFFF  }
0xcb: {  	s0 =	rddreg [dreg:$0x3]  }
0xcc: {  	s0 =	sadd.s32 @!p0 $0x100000, s0  }
0xcd: {  	[sflag:s0] =	ssyncadd.tile.s32 @!p0 $0x1;
	_ =	shalt  }
.Lfunc_end2:
_tile_overlayer_lowered:
.L_overlay_start_2:
0xce: {  	(tag) =	ssettag $0x2  }
0xcf: {  	s0 =	rddreg [dreg:$0x0];
	s2 =	stileid.u32  }
0xd0: {  	s1 =	rddreg [dreg:$0x1];
	p0 =	sne.s32 s2, $0x0  }
0xd1: {  	s3 =	rddreg [dreg:$0x2];
	[bflag:$0x3] =	sbarrier.arrive $0xFFFF;
	s2 =	simm.s32 @!p0 $0x1C03  }
0xd2: {  	[timem:s3], [sflag:s2] =	dma.local @!p0 [hbm:s0], s1  }
0xd3: {  	s0 =	simm.s32 @!p0 $0x3  }
0xd4: {  	_ =	swait.ge @!p0 [sflag:s0], s1  }
0xd5: {  	s1 =	ssub.s32 @!p0 $0x0, s1;
	[sflag:s0] =	ssyncset.done @!p0 $0x0  }
0xd6: {  	[sflag:s0] =	ssyncadd.s32 @!p0 s1  }
0xd7: {  	[bflag:$0x3] =	sbarrier.arrive $0xFFFF  }
0xd8: {  	_ =	shalt  }

// kernel: kernel.17.cloned.1.call-start
scs
__scs_entry_jumppad:
0x0: {  	(pc) =	sbr.rel $0x88, $3  }
0x1: {  	(tag) =	ssettag $0x0;
	lr =	simm.s32 $0x1  }
0x2: {  	[smem:$0x3F96] =	sst lr;
	_ =	strace $0xD0000000  }
0x3: {  	_ = 	snop  }
0x4: {  	_ = 	snop  }
0x5: {  	_ = 	snop  }
0x6: {  	_ = 	snop  }
0x7: {  	_ = 	snop  }
__scs_overlays_trampoline_lowered:
0x8: {  	[smem:$0x3FA5] =	sst s0  }
0x9: {  	[smem:$0x3FA6] =	sst s1  }
0xa: {  	[smem:$0x3FA7] =	sst s2  }
0xb: {  	[smem:$0x3FA8] =	sst s3  }
0xc: {  	[smem:$0x3FA9] =	sst s4  }
0xd: {  	[smem:$0x3FAA] =	sst s5  }
0xe: {  	[smem:$0x3FAB] =	sst s6  }
0xf: {  	[smem:$0x3FAC] =	sst s7  }
0x10: {  	[smem:$0x3FAD] =	sst s8  }
0x11: {  	[smem:$0x3FAE] =	sst s9;
	s0 =	simm.s32 @!p0 $0x0  }
0x12: {  	s1 =	sld [smem:$0x3F94];
	s0 =	simm.s32 @p0 $0x1  }
0x13: {  	[smem:$0x3FAF] =	sst s0;
	s0 =	simm.s32 @!p1 $0x0  }
0x14: {  	s2 =	sld [smem:$0x3F93];
	s0 =	simm.s32 @p1 $0x1  }
0x15: {  	[smem:$0x3FB0] =	sst s0;
	s0 =	simm.s32 @!p2 $0x0  }
0x16: {  	s3 =	sld [smem:$0x3FDB];
	s0 =	simm.s32 @p2 $0x1  }
0x17: {  	s4 =	simm.s32 $0x1BF5;
	[smem:$0x3FB2] =	sst s0  }
0x18: {  	s0 =	sld [smem:$0x3F95];
	_ =	swait.ge [sflag:s4], $0x0  }
0x19: {  	s7 =	sld [smem:$0x3F96]  }
0x1a: {  	s8 =	sadd.s32 $0xFFFFE003, lr  }
0x1b: {  	s9 =	sadd.s32 $0xFFFFFEF7, lr;
	s5 =	simm.s32 $0xFFFFFFFF;
	p2 =	slt.u32 s8, $0xFFFFF086  }
0x1c: {  	p1 =	slt.u32 s9, $0xF7A;
	s5 =	simm.s32 @!p2 $0x0  }
0x1d: {  	s5 =	simm.s32 @p1 $0x1;
	p0 =	seq.s32 s7, s2  }
0x1e: {  	s7 =	smul.u32 @!p0 $0xF7A, s2;
	p2 =	seq.s32 @!p0 s5, $0x0  }
0x1f: {  	s9 =	smul.u32 $0xF7A, s1;
	s8 =	simm.s32 @!p0 $0x1BF5;
	p2 =	por !p2, p0  }
0x20: {  	[sflag:s8] =	ssyncset.s32 @!p0 $0xFFFFF086;
	s6 =	sadd.s32 @!p0 s3, s7;
	s7 =	simm.s32 @!p0 $0x108  }
0x21: {  	s3 =	sadd.s32 s3, s9;
	s6 =	sadd.s32 @!p0 $0x88, s6;
	s7 =	simm.s32 @p2 $0x1082  }
0x22: {  	[simem:s7], [sflag:s8] =	dma.local @!p0 [hbm:s6], $0xF7A  }
0x23: {  	s9 =	sor.u32 $0xD0000000, s2;
	s6 =	simm.s32 $0x108;
	_ =	swait.ge @!p0 [sflag:s8], $0x0  }
0x24: {  	s3 =	sadd.s32 $0x88, s3;
	s6 =	simm.s32 @!p1 $0x1082;
	[sflag:s4] =	ssyncset.s32 $0xFFFFF086  }
0x25: {  	[simem:s6], [sflag:s4] =	dma.local [hbm:s3], $0xF7A  }
0x26: {  	[smem:$0x3F96] =	sst s1;
	(tag) =	ssettag s2;
	_ =	strace s9  }
0x27: {  	s1 =	sld [smem:$0x3FA6]  }
0x28: {  	s2 =	sld [smem:$0x3FA7]  }
0x29: {  	s4 =	sld [smem:$0x3FA9]  }
0x2a: {  	p0 =	seq.s32 s5, $0x0;
	s5 =	sld [smem:$0x3FAA]  }
0x2b: {  	s6 =	sld [smem:$0x3FAB]  }
0x2c: {  	s7 =	sld [smem:$0x3FAC]  }
0x2d: {  	s3 =	simm.s32 $0x108;
	s8 =	sld [smem:$0x3FAD]  }
0x2e: {  	s3 =	simm.s32 @!p0 $0x1082;
	s9 =	sld [smem:$0x3FAE]  }
0x2f: {  	lr =	sadd.s32 s0, s3;
	s0 =	sld [smem:$0x3FA5]  }
0x30: {  	s3 =	sld [smem:$0x3FA8]  }
0x31: {  	[smem:$0x3FB1] =	sst s10  }
0x32: {  	s10 =	sld [smem:$0x3FAF];
	_ =	sdelay $0x3  }
0x33: {  	p0 =	seq.s32 s10, $0x1;
	s10 =	sld [smem:$0x3FB1];
	_ =	sdelay $0x3  }
0x34: {  	[smem:$0x3FB1] =	sst s10  }
0x35: {  	s10 =	sld [smem:$0x3FB0];
	_ =	sdelay $0x3  }
0x36: {  	p1 =	seq.s32 s10, $0x1;
	s10 =	sld [smem:$0x3FB1];
	_ =	sdelay $0x3  }
0x37: {  	[smem:$0x3FB1] =	sst s10  }
0x38: {  	s10 =	sld [smem:$0x3FB2]  }
0x39: {  	_ = 	snop;
	(pc) =	sbr.ind lr, $3  }
0x3a: {  	_ = 	snop  }
0x3b: {  	_ = 	snop  }
0x3c: {  	p2 =	seq.s32 s10, $0x1;
	s10 =	sld [smem:$0x3FB1]  }
0x3d: {  	_ =	shalt  }
0x3e: {  	_ =	shalt  }
0x3f: {  	_ =	shalt  }
0x40: {  	_ =	shalt  }
0x41: {  	_ =	shalt  }
0x42: {  	_ =	shalt  }
0x43: {  	_ =	shalt  }
0x44: {  	_ =	shalt  }
0x45: {  	_ =	shalt  }
0x46: {  	_ =	shalt  }
0x47: {  	_ =	shalt  }
0x48: {  	_ =	shalt  }
0x49: {  	_ =	shalt  }
0x4a: {  	_ =	shalt  }
0x4b: {  	_ =	shalt  }
0x4c: {  	_ =	shalt  }
0x4d: {  	_ =	shalt  }
0x4e: {  	_ =	shalt  }
0x4f: {  	_ =	shalt  }
0x50: {  	_ =	shalt  }
0x51: {  	_ =	shalt  }
0x52: {  	_ =	shalt  }
0x53: {  	_ =	shalt  }
0x54: {  	_ =	shalt  }
0x55: {  	_ =	shalt  }
0x56: {  	_ =	shalt  }
0x57: {  	_ =	shalt  }
0x58: {  	_ =	shalt  }
0x59: {  	_ =	shalt  }
0x5a: {  	_ =	shalt  }
0x5b: {  	_ =	shalt  }
0x5c: {  	_ =	shalt  }
0x5d: {  	_ =	shalt  }
0x5e: {  	_ =	shalt  }
0x5f: {  	_ =	shalt  }
0x60: {  	_ =	shalt  }
0x61: {  	_ =	shalt  }
0x62: {  	_ =	shalt  }
0x63: {  	_ =	shalt  }
0x64: {  	_ =	shalt  }
0x65: {  	_ =	shalt  }
0x66: {  	_ =	shalt  }
0x67: {  	_ =	shalt  }
0x68: {  	_ =	shalt  }
0x69: {  	_ =	shalt  }
0x6a: {  	_ =	shalt  }
0x6b: {  	_ =	shalt  }
0x6c: {  	_ =	shalt  }
0x6d: {  	_ =	shalt  }
0x6e: {  	_ =	shalt  }
0x6f: {  	_ =	shalt  }
0x70: {  	_ =	shalt  }
0x71: {  	_ =	shalt  }
0x72: {  	_ =	shalt  }
0x73: {  	_ =	shalt  }
0x74: {  	_ =	shalt  }
0x75: {  	_ =	shalt  }
0x76: {  	_ =	shalt  }
0x77: {  	_ =	shalt  }
0x78: {  	_ =	shalt  }
0x79: {  	_ =	shalt  }
0x7a: {  	_ =	shalt  }
0x7b: {  	_ =	shalt  }
0x7c: {  	_ =	shalt  }
0x7d: {  	_ =	shalt  }
0x7e: {  	_ =	shalt  }
0x7f: {  	_ =	shalt  }
0x80: {  	_ =	shalt  }
0x81: {  	_ =	shalt  }
0x82: {  	_ =	shalt  }
0x83: {  	_ =	shalt  }
0x84: {  	_ =	shalt  }
0x85: {  	_ =	shalt  }
0x86: {  	_ =	shalt  }
0x87: {  	_ =	shalt  }
.Lfunc_end0:
.L_simem_size_0:
called_computation.2_lowered:
.L_overlay_start_0:
0x88: {  	s2 =	sld [smem:$0x3FD9]  }
0x89: {  	s3 =	sld [smem:$0x3FFE];
	_ =	sdelay $0x1  }
0x8a: {  	s1 =	srdreg.scid  }
0x8b: {  	s0 =	sand.u32 $0x1, s1  }
0x8c: {  	s17 =	sshll.u32 s0, $0xA;
	s2 =	sadd.s32 s3, s2  }
0x8d: {  	s2 =	sadd.s32 s2, s17  }
0x8e: {  	[smem:$0x3FBD] =	sst s2  }
0x8f: {  	_ = 	snop  }
0x90: {  	s2 =	sld [smem:$0x3FD0];
	(tm) =	ssettm $0x1  }
0x91: {  	s18 =	sld [smem:$0x3FFB];
	_ =	sdelay $0x3  }
0x92: {  	_ =	strace s18  }
0x93: {  	s3 =	sld [smem:$0x3FFC];
	_ =	sdelay $0x3  }
0x94: {  	_ =	strace s3  }
0x95: {  	s3 =	sld [smem:$0x3FFD];
	_ =	sdelay $0x3  }
0x96: {  	_ =	strace s3  }
0x97: {  	_ =	strace $0x8FFFFFFF  }
0x98: {  	s19 =	sld [smem:$0x3FDB];
	_ =	sdelay $0x1  }
0x99: {  	s4 =	simm.s32 $_scs_section_size  }
0x9a: {  	s5 =	simm.s32 $_size__tile_overlayer_lowered;
	s6 =	simm.s32 $_tile_overlayer_lowered  }
0x9b: {  	s22 =	simm.s32 $0x1BFF;
	s21 =	sshll.u32 s6, $0x1;
	s3 =	sadd.s32 s4, s19  }
0x9c: {  	s7 =	simm.s32 $0x0;
	s20 =	sshll.u32 s5, $0x1;
	s5 =	sadd.s32 s21, s3  }
0x9d: {  	[timem:s7], [sflag:s22] =	dma.local [hbm:s5], s20  }
0x9e: {  	_ =	swait.ge [sflag:s22], s20  }
0x9f: {  	s4 =	ssub.s32 $0x0, s20;
	[sflag:s22] =	ssyncset.done $0x0  }
0xa0: {  	[sflag:s22] =	ssyncadd.s32 s4;
	_ =	sdelay $0x1  }
0xa1: {  	s23 =	simm.s32 $0x1B8B  }
0xa2: {  	_ =	swait.ge [sflag:s23], $0x1  }
0xa3: {  	[sflag:s23] =	ssyncset.done $0x0  }
0xa4: {  	s25 =	simm.s32 $0x1B8E;
	s24 =	sld [smem:$0x3FFE];
	[sflag:s23] =	ssyncadd.s32 $0xFFFFFFFF  }
0xa5: {  	s26 =	simm.s32 $execute0_lowered;
	[smem:$0x3FD2] =	sst s25  }
0xa6: {  	s5 =	sshll.u32 s26, $0x1;
	_ =	strace $0x8000004C;
	[dreg:$0x1] =	wrdreg $0xFFFFFFFF  }
0xa7: {  	s28 =	simm.s32 $_size_execute0_lowered;
	s3 =	sadd.s32 s3, s5;
	[dreg:$0x0] =	wrdreg $0x0  }
0xa8: {  	s5 =	sshll.u32 s28, $0x1;
	[dreg:$0x2] =	wrdreg s3  }
0xa9: {  	[dreg:$0x3] =	wrdreg s5  }
0xaa: {  	[dreg:$0x4] =	wrdreg $0xC0  }
0xab: {  	_ =	task [dreg:s7], $0x5FFFF  }
0xac: {  	[dreg:$0x1] =	wrdreg $0xFFFFFFFF  }
0xad: {  	[dreg:$0x0] =	wrdreg $0x60  }
0xae: {  	[dreg:$0x2] =	wrdreg s2  }
0xaf: {  	[dreg:$0x3] =	wrdreg s24  }
0xb0: {  	[dreg:$0x4] =	wrdreg $0x0  }
0xb1: {  	[dreg:$0x5] =	wrdreg $0x9  }
0xb2: {  	_ =	task.clear_ibuf [dreg:s7], $0x6FFFF;
	_ =	strace $0x9000004C  }
0xb3: {  	s29 =	simm.s32 $0x9;
	_ =	strace $0x8000004E  }
0xb4: {  	_ =	swait.ge [sflag:s29], $0x1  }
0xb5: {  	[sflag:s29] =	ssyncadd.s32 $0xFFFFFFFF  }
0xb6: {  	_ =	strace $0x9000004E  }
0xb7: {  	_ =	sfence  }
0xb8: {  	s30 =	sld [smem:$0x0];
	_ =	sdelay $0x2  }
0xb9: {  	s31 =	sshll.u32 s1, $0xD;
	s1 =	sshrl.u32 s1, $0x2  }
0xba: {  	s3 =	sand.u32 $0x4000, s31;
	s1 =	sadd.s32 s1, s30  }
0xbb: {  	s0 =	sor.u32 s3, s0;
	s1 =	sshll.u32 s1, $0x11  }
0xbc: {  	s0 =	sor.u32 s1, s0  }
0xbd: {  	s0 =	sadd.s32 $0x8F2B, s0  }
0xbe: {  	[sflag:s0] =	ssyncadd.remote.s32 $0x1  }
0xbf: {  	_ =	sfence.sel $0xFFFF  }
0xc0: {  	[dreg:$0x0] =	wrdreg $0xFFFFFFFF;
	(pc) =	sbr.abs _section_cstart, $3  }
0xc1: {  	[dreg:$0x1] =	wrdreg $0xFFFFFFFF  }
0xc2: {  	_ =	task.clear_ibuf [dreg:s7], $0x2FFFF;
	_ =	strace $0x9FFFFFFF  }
0xc3: {  	(tm) =	ssettm $0x7FFFFFFF  }
tec
execute0_lowered:
.L_overlay_start_1:
0x0: {  	(tag) =	ssettag $0x1  }
0x1: {  	s0 =	rddreg [dreg:$0x0]  }
0x2: {  	s1 =	srdreg.scid;
	s4 =	rddreg [dreg:$0x1]  }
0x3: {  	s2 =	rddreg [dreg:$0x2];
	s29 =	simm.s32 $0x1A080;
	s30 =	simm.s32 $0x3  }
0x4: {  	s31 =	simm.s32 $0x1;
	s5 =	sand.u32 $0x1, s1;
	s1 =	stileid.u32  }
0x5: {  	s28 =	simm.s32 $0x50;
	s12 =	sadd.s32 $0x27600, s4;
	s10 =	smul.u32 $0x270, s1  }
0x6: {  	s3 =	sshll.u32 s5, $0x4;
	s8 =	ssub.s32 $0x2, s5;
	s11 =	smul.u32 $0x2710, s5  }
0x7: {  	s5 =	smul.u32 $0x138800, s5;
	p0 =	sne.s32 s1, $0x0;
	s6 =	sor.u32 s1, s3  }
0x8: {  	s3 =	simm.s32 $0x0;
	s9 =	sshrl.u32 s8, $0x1;
	s7 =	smul.u32 $0x4E2, s6  }
0x9: {  	[smem:$0x7FF] =	sst s3;
	s6 =	sshll.u32 s6, $0xB;
	s25 =	ssub.s32 s8, s9  }
0xa: {  	s16 =	sadd.s32 $0x50, s10;
	s17 =	sadd.s32 $0xA0, s10;
	s18 =	sadd.s32 $0xF0, s10  }
0xb: {  	s19 =	sadd.s32 $0x140, s10;
	s20 =	sadd.s32 $0x190, s10;
	s21 =	sadd.s32 $0x1E0, s10  }
0xc: {  	s24 =	sadd.s32 s10, s11;
	s22 =	sadd.s32 $0x230, s10;
	s5 =	sshrl.u32 s5, $0x3  }
0xd: {  	s26 =	sadd.s32 s11, s16;
	s8 =	sshll.u32 s24, $0x4;
	s14 =	sadd.s32 s11, s17  }
0xe: {  	s15 =	sadd.s32 s11, s18;
	s23 =	sadd.s32 s11, s19;
	s10 =	sadd.s32 s11, s20  }
0xf: {  	s5 =	sadd.s32 s12, s5;
	s6 =	sadd.s32 s6, s4;
	s16 =	sshll.u32 s16, $0x7  }
0x10: {  	s17 =	sshll.u32 s17, $0x7;
	s18 =	sshll.u32 s18, $0x7;
	s19 =	sshll.u32 s19, $0x7  }
0x11: {  	s25 =	smax.u32 s25, $0x1;
	s9 =	sshll.u32 s26, $0x4;
	s8 =	sadd.s32 s12, s8  }
0x12: {  	s24 =	sshll.u32 s15, $0x4;
	s26 =	sshll.u32 s23, $0x4;
	s7 =	sadd.s32 s7, s4  }
0x13: {  	s16 =	sadd.s32 s16, s2;
	s17 =	sadd.s32 s17, s2;
	s18 =	sadd.s32 s18, s2  }
0x14: {  	s19 =	sadd.s32 s19, s2;
	s23 =	sshll.u32 s20, $0x7;
	[dreg:$0x4] =	wrdreg s8  }
0x15: {  	s13 =	sadd.s32 s12, s9;
	s8 =	sshll.u32 s14, $0x4;
	s9 =	sadd.s32 s12, s26  }
0x16: {  	s20 =	sadd.s32 s23, s2;
	s26 =	sshll.u32 s22, $0x7;
	[dreg:$0x5] =	wrdreg s13  }
0x17: {  	s23 =	sadd.s32 $0x138000, s2;
	s8 =	sadd.s32 s12, s8;
	[dreg:$0x8] =	wrdreg s9  }
0x18: {  	s9 =	sshll.u32 s10, $0x4;
	s13 =	sadd.s32 s11, s21;
	s11 =	sadd.s32 s11, s22  }
0x19: {  	s22 =	sadd.s32 s26, s2;
	s26 =	simm.s32 $0x1C880;
	[dreg:$0x6] =	wrdreg s8  }
0x1a: {  	s8 =	sadd.s32 s12, s24;
	s14 =	sadd.s32 s12, s9;
	s10 =	sshll.u32 s13, $0x4  }
0x1b: {  	s11 =	sshll.u32 s11, $0x4;
	s13 =	sadd.s32 $0x2E00, s7;
	[dreg:$0x7] =	wrdreg s8  }
0x1c: {  	s24 =	sshll.u32 s21, $0x7;
	[dreg:$0x9] =	wrdreg s14;
	s10 =	sadd.s32 s12, s10  }
0x1d: {  	s11 =	sadd.s32 s12, s11;
	s14 =	smul.u32 $0x4E000, s1;
	s12 =	sadd.s32 $0x27000, s4  }
0x1e: {  	s21 =	sadd.s32 s24, s2;
	s24 =	sadd.s32 $0x27000, s5;
	s1 =	simm.s32 $0x2  }
0x1f: {  	s4 =	simm.s32 $0x17880;
	s5 =	simm.s32 $0x0;
	s15 =	sshrl.u32 s14, $0x2  }
0x20: {  	_ =	strace $0x8000004D;
	s14 =	sadd.s32 $0x17000, s6;
	s15 =	sadd.s32 s15, s2  }
.LBB2_1:
0x21: {  	[tilespmem:s26], [sflag:$0x1] =	stream.linear.gather [hbm4b:s13+s3], $0x2710, $0x38;
	[tilespmem:$0x1F000] =	vst v63  }
0x22: {  	s6 =	simm.s32 $0x13880  }
0x23: {  	[tilespmem:s6], [sflag:$0x2] =	stream.linear.gather [hbm4b:s14+s3], $0x3E80, $0x38;
	[tilespmem:$0x1F000] =	vst v63  }
0x24: {  	_ = 	snop  }
0x25: {  	[tilespmem:s29], [sflag:$0x3] =	stream.linear.gather [hbm4b:s12+s3], $0x2800, $0x38;
	[tilespmem:$0x1F000] =	vst v63  }
0x26: {  	_ =	swait.ge [sflag:s30], $0x2800  }
0x27: {  	[sflag:s30] =	ssyncset.done $0x0  }
0x28: {  	[sflag:s30] =	ssyncadd.s32 $0xFFFFD800  }
0x29: {  	[spmem:s15] =	stream.linear.scatter [tilespmem:s29], [sflag:$0x3], $0x2800, $0x38;
	[tilespmem:$0x1F000] =	vst v63  }
0x2a: {  	_ =	swait.ge [sflag:s30], $0x2800  }
0x2b: {  	[sflag:s30] =	ssyncset.done $0x0  }
0x2c: {  	[sflag:s30] =	ssyncadd.s32 $0xFFFFD800  }
0x2d: {  	[spmem:s16] =	stream.linear.scatter [tilespmem:s29], [sflag:$0x3], $0x2800, $0x38;
	[tilespmem:$0x1F000] =	vst v63  }
0x2e: {  	_ =	swait.ge [sflag:s30], $0x2800  }
0x2f: {  	[sflag:s30] =	ssyncset.done $0x0  }
0x30: {  	[sflag:s30] =	ssyncadd.s32 $0xFFFFD800  }
0x31: {  	[spmem:s17] =	stream.linear.scatter [tilespmem:s29], [sflag:$0x3], $0x2800, $0x38;
	[tilespmem:$0x1F000] =	vst v63  }
0x32: {  	_ =	swait.ge [sflag:s30], $0x2800  }
0x33: {  	[sflag:s30] =	ssyncset.done $0x0  }
0x34: {  	[sflag:s30] =	ssyncadd.s32 $0xFFFFD800  }
0x35: {  	[spmem:s18] =	stream.linear.scatter [tilespmem:s29], [sflag:$0x3], $0x2800, $0x38;
	[tilespmem:$0x1F000] =	vst v63  }
0x36: {  	_ =	swait.ge [sflag:s30], $0x2800  }
0x37: {  	[sflag:s30] =	ssyncset.done $0x0  }
0x38: {  	[sflag:s30] =	ssyncadd.s32 $0xFFFFD800  }
0x39: {  	[spmem:s19] =	stream.linear.scatter [tilespmem:s29], [sflag:$0x3], $0x2800, $0x38;
	[tilespmem:$0x1F000] =	vst v63  }
0x3a: {  	_ =	swait.ge [sflag:s30], $0x2800  }
0x3b: {  	[sflag:s30] =	ssyncset.done $0x0  }
0x3c: {  	[sflag:s30] =	ssyncadd.s32 $0xFFFFD800  }
0x3d: {  	[spmem:s20] =	stream.linear.scatter [tilespmem:s29], [sflag:$0x3], $0x2800, $0x38;
	[tilespmem:$0x1F000] =	vst v63  }
0x3e: {  	_ =	swait.ge [sflag:s30], $0x2800  }
0x3f: {  	[sflag:s30] =	ssyncset.done $0x0  }
0x40: {  	[sflag:s30] =	ssyncadd.s32 $0xFFFFD800  }
0x41: {  	[spmem:s21] =	stream.linear.scatter [tilespmem:s29], [sflag:$0x3], $0x2800, $0x38;
	[tilespmem:$0x1F000] =	vst v63  }
0x42: {  	_ =	swait.ge [sflag:s30], $0x2800  }
0x43: {  	[sflag:s30] =	ssyncset.done $0x0  }
0x44: {  	[sflag:s30] =	ssyncadd.s32 $0xFFFFD800  }
0x45: {  	[spmem:s22] =	stream.linear.scatter [tilespmem:s29], [sflag:$0x3], $0x2000, $0x38;
	[tilespmem:$0x1F000] =	vst v63  }
0x46: {  	_ =	swait.ge [sflag:s30], $0x2000  }
0x47: {  	[sflag:s30] =	ssyncset.done $0x0  }
0x48: {  	s6 =	simm.s32 @!p0 $0x1A080;
	[sflag:s30] =	ssyncadd.s32 $0xFFFFE000  }
0x49: {  	[spmem:s23] =	stream.linear.scatter @!p0 [tilespmem:s6], [sflag:$0x3], $0x800, $0x38;
	[tilespmem:$0x1F000] =	vst v63  }
0x4a: {  	s6 =	simm.s32 @!p0 $0x3  }
0x4b: {  	_ =	swait.ge @!p0 [sflag:s6], $0x800  }
0x4c: {  	[sflag:s6] =	ssyncset.done @!p0 $0x0  }
0x4d: {  	[sflag:s6] =	ssyncadd.s32 @!p0 $0xFFFFF800  }
0x4e: {  	_ =	swait.ge [sflag:s31], $0x2710  }
0x4f: {  	[sflag:s31] =	ssyncset.done $0x0  }
0x50: {  	[sflag:s31] =	ssyncadd.s32 $0xFFFFD8F0  }
0x51: {  	_ =	swait.ge [sflag:s1], $0x3E80  }
0x52: {  	[sflag:s1] =	ssyncset.done $0x0  }
0x53: {  	[sflag:s1] =	ssyncadd.s32 $0xFFFFC180  }
0x54: {  	[tilespmem:s4], [sflag:$0x1] =	stream.indirect.gather [hbm4b:s0+s28], $0x80, s26, s28, $0xb8;
	[tilespmem:$0x1F000] =	vst v63  }
0x55: {  	s6 =	simm.s32 $0x1C8D0;
	[bflag:$0x0] =	sbarrier.arrive $0xFFFF  }
0x56: {  	[tilespmem:s29], [sflag:$0x2] =	stream.indirect.gather [hbm4b:s0+s28], $0x80, s6, s28, $0xb8;
	[tilespmem:$0x1F000] =	vst v63  }
0x57: {  	_ =	swait.ge [sflag:s31], $0x2800  }
0x58: {  	[sflag:s31] =	ssyncset.done $0x0  }
0x59: {  	s7 =	simm.s32 $0x13880;
	[sflag:s31] =	ssyncadd.s32 $0xFFFFD800  }
0x5a: {  	[spmem:s2] =	stream.indirect.scatter.add.f32 [tilespmem:s4], [sflag:$0x3], $0x80, s7, s28, $0xb8;
	[tilespmem:$0x1F000] =	vst v63  }
0x5b: {  	_ =	swait.ge [sflag:s30], $0x2800  }
0x5c: {  	[sflag:s30] =	ssyncset.done $0x0  }
0x5d: {  	s8 =	simm.s32 $0x1C920;
	[sflag:s30] =	ssyncadd.s32 $0xFFFFD800  }
0x5e: {  	[tilespmem:s4], [sflag:$0x1] =	stream.indirect.gather [hbm4b:s0+s28], $0x80, s8, s28, $0xb8;
	[tilespmem:$0x1F000] =	vst v63  }
0x5f: {  	_ =	swait.ge [sflag:s1], $0x2800  }
0x60: {  	[sflag:s1] =	ssyncset.done $0x0  }
0x61: {  	s9 =	simm.s32 $0x13900;
	[sflag:s1] =	ssyncadd.s32 $0xFFFFD800  }
0x62: {  	[spmem:s2] =	stream.indirect.scatter.add.f32 [tilespmem:s29], [sflag:$0x3], $0x80, s9, s28, $0xb8;
	[tilespmem:$0x1F000] =	vst v63  }
0x63: {  	_ =	swait.ge [sflag:s30], $0x2800  }
0x64: {  	s7 =	simm.s32 $0x400;
	[sflag:s30] =	ssyncset.done $0x0  }
.LBB2_2:
0x65: {  	p1 =	sne.s32 s7, $0xF400;
	[sflag:s30] =	ssyncadd.s32 $0xFFFFD800;
	s6 =	sadd.s32 $0xA0, s6  }
0x66: {  	[tilespmem:s29], [sflag:$0x2] =	stream.indirect.gather [hbm4b:s0+s28], $0x80, s6, s28, $0xb8;
	[tilespmem:$0x1F000] =	vst v63  }
0x67: {  	s8 =	smov.u32 s7;
	s7 =	sadd.s32 $0x400, s7;
	_ =	swait.ge [sflag:s31], $0x2800  }
0x68: {  	s8 =	sshra.s32 s8, $0x2;
	[sflag:s31] =	ssyncset.done $0x0  }
0x69: {  	s9 =	sadd.s32 $0x13880, s8;
	[sflag:s31] =	ssyncadd.s32 $0xFFFFD800  }
0x6a: {  	[spmem:s2] =	stream.indirect.scatter.add.f32 [tilespmem:s4], [sflag:$0x3], $0x80, s9, s28, $0xb8;
	[tilespmem:$0x1F000] =	vst v63  }
0x6b: {  	_ =	swait.ge [sflag:s30], $0x2800  }
0x6c: {  	[sflag:s30] =	ssyncset.done $0x0  }
0x6d: {  	s9 =	sadd.s32 $0x50, s6;
	[sflag:s30] =	ssyncadd.s32 $0xFFFFD800  }
0x6e: {  	[tilespmem:s4], [sflag:$0x1] =	stream.indirect.gather [hbm4b:s0+s28], $0x80, s9, s28, $0xb8;
	[tilespmem:$0x1F000] =	vst v63  }
0x6f: {  	_ =	swait.ge [sflag:s1], $0x2800  }
.Ltmp0:
0x70: {  	[sflag:s1] =	ssyncset.done $0x0;
	(pc) =	sbr.rel @p1 .LBB2_2-.Ltmp0, $4  }
0x71: {  	s8 =	sadd.s32 $0x13900, s8;
	[sflag:s1] =	ssyncadd.s32 $0xFFFFD800  }
0x72: {  	[spmem:s2] =	stream.indirect.scatter.add.f32 [tilespmem:s29], [sflag:$0x3], $0x80, s8, s28, $0xb8;
	[tilespmem:$0x1F000] =	vst v63  }
0x73: {  	_ =	swait.ge [sflag:s30], $0x2800  }
0x74: {  	[sflag:s30] =	ssyncset.done $0x0  }
0x75: {  	[sflag:s30] =	ssyncadd.s32 $0xFFFFD800  }
0x76: {  	_ =	swait.ge [sflag:s31], $0x2800  }
0x77: {  	[sflag:s31] =	ssyncset.done $0x0  }
0x78: {  	s6 =	simm.s32 $0x17680;
	[sflag:s31] =	ssyncadd.s32 $0xFFFFD800  }
0x79: {  	[spmem:s2] =	stream.indirect.scatter.add.f32 [tilespmem:s4], [sflag:$0x3], $0x80, s6, s28, $0xb8;
	[tilespmem:$0x1F000] =	vst v63  }
0x7a: {  	_ =	swait.ge [sflag:s30], $0x2800  }
0x7b: {  	[sflag:s30] =	ssyncset.done $0x0  }
0x7c: {  	[sflag:s30] =	ssyncadd.s32 $0xFFFFD800  }
0x7d: {  	[bflag:$0x0] =	sbarrier.arrive $0xFFFF  }
0x7e: {  	[tilespmem:s4], [sflag:$0x3] =	stream.linear.gather [spmem:s15], $0x2800, $0x38;
	[tilespmem:$0x1F000] =	vst v63  }
0x7f: {  	_ =	swait.ge [sflag:s30], $0x2800  }
0x80: {  	[sflag:s30] =	ssyncset.done $0x0  }
0x81: {  	s7 =	rddreg [dreg:$0x4];
	[sflag:s30] =	ssyncadd.s32 $0xFFFFD800  }
0x82: {  	[hbm4b:s7+s3] =	stream.linear.scatter [tilespmem:s4], [sflag:$0x1], $0x2800, $0x38;
	[tilespmem:$0x1F000] =	vst v63  }
0x83: {  	_ = 	snop  }
0x84: {  	[tilespmem:s29], [sflag:$0x3] =	stream.linear.gather [spmem:s16], $0x2800, $0x38;
	[tilespmem:$0x1F000] =	vst v63  }
0x85: {  	_ =	swait.ge [sflag:s30], $0x2800  }
0x86: {  	[sflag:s30] =	ssyncset.done $0x0  }
0x87: {  	s8 =	rddreg [dreg:$0x5];
	[sflag:s30] =	ssyncadd.s32 $0xFFFFD800  }
0x88: {  	[hbm4b:s8+s3] =	stream.linear.scatter [tilespmem:s29], [sflag:$0x2], $0x2800, $0x38;
	[tilespmem:$0x1F000] =	vst v63  }
0x89: {  	_ =	swait.ge [sflag:s31], $0x2800  }
0x8a: {  	[sflag:s31] =	ssyncset.done $0x0  }
0x8b: {  	[sflag:s31] =	ssyncadd.s32 $0xFFFFD800  }
0x8c: {  	[tilespmem:s4], [sflag:$0x3] =	stream.linear.gather [spmem:s17], $0x2800, $0x38;
	[tilespmem:$0x1F000] =	vst v63  }
0x8d: {  	_ =	swait.ge [sflag:s30], $0x2800  }
0x8e: {  	[sflag:s30] =	ssyncset.done $0x0  }
0x8f: {  	s9 =	rddreg [dreg:$0x6];
	[sflag:s30] =	ssyncadd.s32 $0xFFFFD800  }
0x90: {  	[hbm4b:s9+s3] =	stream.linear.scatter [tilespmem:s4], [sflag:$0x1], $0x2800, $0x38;
	[tilespmem:$0x1F000] =	vst v63  }
0x91: {  	_ =	swait.ge [sflag:s1], $0x2800  }
0x92: {  	[sflag:s1] =	ssyncset.done $0x0  }
0x93: {  	[sflag:s1] =	ssyncadd.s32 $0xFFFFD800  }
0x94: {  	[tilespmem:s29], [sflag:$0x3] =	stream.linear.gather [spmem:s18], $0x2800, $0x38;
	[tilespmem:$0x1F000] =	vst v63  }
0x95: {  	_ =	swait.ge [sflag:s30], $0x2800  }
0x96: {  	[sflag:s30] =	ssyncset.done $0x0  }
0x97: {  	s7 =	rddreg [dreg:$0x7];
	[sflag:s30] =	ssyncadd.s32 $0xFFFFD800  }
0x98: {  	[hbm4b:s7+s3] =	stream.linear.scatter [tilespmem:s29], [sflag:$0x2], $0x2800, $0x38;
	[tilespmem:$0x1F000] =	vst v63  }
0x99: {  	_ =	swait.ge [sflag:s31], $0x2800  }
0x9a: {  	[sflag:s31] =	ssyncset.done $0x0  }
0x9b: {  	[sflag:s31] =	ssyncadd.s32 $0xFFFFD800  }
0x9c: {  	[tilespmem:s4], [sflag:$0x3] =	stream.linear.gather [spmem:s19], $0x2800, $0x38;
	[tilespmem:$0x1F000] =	vst v63  }
0x9d: {  	_ =	swait.ge [sflag:s30], $0x2800  }
0x9e: {  	[sflag:s30] =	ssyncset.done $0x0  }
0x9f: {  	s8 =	rddreg [dreg:$0x8];
	[sflag:s30] =	ssyncadd.s32 $0xFFFFD800  }
0xa0: {  	[hbm4b:s8+s3] =	stream.linear.scatter [tilespmem:s4], [sflag:$0x1], $0x2800, $0x38;
	[tilespmem:$0x1F000] =	vst v63  }
0xa1: {  	_ =	swait.ge [sflag:s1], $0x2800  }
0xa2: {  	[sflag:s1] =	ssyncset.done $0x0  }
0xa3: {  	[sflag:s1] =	ssyncadd.s32 $0xFFFFD800  }
0xa4: {  	[tilespmem:s29], [sflag:$0x3] =	stream.linear.gather [spmem:s20], $0x2800, $0x38;
	[tilespmem:$0x1F000] =	vst v63  }
0xa5: {  	_ =	swait.ge [sflag:s30], $0x2800  }
0xa6: {  	[sflag:s30] =	ssyncset.done $0x0  }
0xa7: {  	s9 =	rddreg [dreg:$0x9];
	[sflag:s30] =	ssyncadd.s32 $0xFFFFD800  }
0xa8: {  	[hbm4b:s9+s3] =	stream.linear.scatter [tilespmem:s29], [sflag:$0x2], $0x2800, $0x38;
	[tilespmem:$0x1F000] =	vst v63  }
0xa9: {  	_ =	swait.ge [sflag:s31], $0x2800  }
0xaa: {  	[sflag:s31] =	ssyncset.done $0x0  }
0xab: {  	[sflag:s31] =	ssyncadd.s32 $0xFFFFD800  }
0xac: {  	[tilespmem:s4], [sflag:$0x3] =	stream.linear.gather [spmem:s21], $0x2800, $0x38;
	[tilespmem:$0x1F000] =	vst v63  }
0xad: {  	_ =	swait.ge [sflag:s30], $0x2800  }
0xae: {  	[sflag:s30] =	ssyncset.done $0x0  }
0xaf: {  	[sflag:s30] =	ssyncadd.s32 $0xFFFFD800  }
0xb0: {  	[hbm4b:s10+s3] =	stream.linear.scatter [tilespmem:s4], [sflag:$0x1], $0x2800, $0x38;
	[tilespmem:$0x1F000] =	vst v63  }
0xb1: {  	_ =	swait.ge [sflag:s1], $0x2800  }
0xb2: {  	[sflag:s1] =	ssyncset.done $0x0  }
0xb3: {  	[sflag:s1] =	ssyncadd.s32 $0xFFFFD800  }
0xb4: {  	[tilespmem:s29], [sflag:$0x3] =	stream.linear.gather [spmem:s22], $0x2000, $0x38;
	[tilespmem:$0x1F000] =	vst v63  }
0xb5: {  	_ =	swait.ge [sflag:s30], $0x2000  }
0xb6: {  	[sflag:s30] =	ssyncset.done $0x0  }
0xb7: {  	[sflag:s30] =	ssyncadd.s32 $0xFFFFE000  }
0xb8: {  	[hbm4b:s11+s3] =	stream.linear.scatter [tilespmem:s29], [sflag:$0x2], $0x2000, $0x38;
	[tilespmem:$0x1F000] =	vst v63  }
0xb9: {  	_ =	swait.ge [sflag:s31], $0x2800  }
0xba: {  	[sflag:s31] =	ssyncset.done $0x0  }
0xbb: {  	[sflag:s31] =	ssyncadd.s32 $0xFFFFD800  }
0xbc: {  	_ =	swait.ge [sflag:s1], $0x2000  }
0xbd: {  	[sflag:s1] =	ssyncset.done $0x0  }
0xbe: {  	s6 =	simm.s32 @!p0 $0x17880;
	s7 =	simm.s32 @!p0 $0x3;
	[sflag:s1] =	ssyncadd.s32 $0xFFFFE000  }
0xbf: {  	[tilespmem:s6], [sflag:$0x3] =	stream.linear.gather @!p0 [spmem:s23], $0x800, $0x38;
	[tilespmem:$0x1F000] =	vst v63  }
0xc0: {  	s5 =	sadd.s32 $0x1, s5;
	_ =	swait.ge @!p0 [sflag:s7], $0x800  }
0xc1: {  	p1 =	sne.s32 s5, s25;
	[sflag:s7] =	ssyncset.done @!p0 $0x0  }
.Ltmp1:
0xc2: {  	s8 =	simm.s32 @!p0 $0x0;
	[sflag:s7] =	ssyncadd.s32 @!p0 $0xFFFFF800;
	(pc) =	sbr.rel @p1 .LBB2_1-.Ltmp1, $4  }
0xc3: {  	[hbm4b:s24+s8] =	stream.linear.scatter @!p0 [tilespmem:s6], [sflag:$0x3], $0x800, $0x38;
	[tilespmem:$0x1F000] =	vst v63  }
0xc4: {  	_ =	swait.ge @!p0 [sflag:s7], $0x800  }
0xc5: {  	[sflag:s7] =	ssyncset.done @!p0 $0x0  }
0xc6: {  	[sflag:s7] =	ssyncadd.s32 @!p0 $0xFFFFF800  }
0xc7: {  	_ =	sfence.sel $0x180000  }
0xc8: {  	[bflag:$0x0] =	sbarrier.arrive $0xFFFF  }
0xc9: {  	_ =	strace $0x9000004D  }
0xca: {  	[bflag:$0x2] =	sbarrier.arrive $0xFFFF  }
0xcb: {  	s0 =	rddreg [dreg:$0x3]  }
0xcc: {  	s0 =	sadd.s32 @!p0 $0x100000, s0  }
0xcd: {  	[sflag:s0] =	ssyncadd.tile.s32 @!p0 $0x1;
	_ =	shalt  }
.Lfunc_end2:
_tile_overlayer_lowered:
.L_overlay_start_2:
0xce: {  	(tag) =	ssettag $0x2  }
0xcf: {  	s0 =	rddreg [dreg:$0x0];
	s2 =	stileid.u32  }
0xd0: {  	s1 =	rddreg [dreg:$0x1];
	p0 =	sne.s32 s2, $0x0  }
0xd1: {  	s3 =	rddreg [dreg:$0x2];
	[bflag:$0x3] =	sbarrier.arrive $0xFFFF;
	s2 =	simm.s32 @!p0 $0x1C03  }
0xd2: {  	[timem:s3], [sflag:s2] =	dma.local @!p0 [hbm:s0], s1  }
0xd3: {  	s0 =	simm.s32 @!p0 $0x3  }
0xd4: {  	_ =	swait.ge @!p0 [sflag:s0], s1  }
0xd5: {  	s1 =	ssub.s32 @!p0 $0x0, s1;
	[sflag:s0] =	ssyncset.done @!p0 $0x0  }
0xd6: {  	[sflag:s0] =	ssyncadd.s32 @!p0 s1  }
0xd7: {  	[bflag:$0x3] =	sbarrier.arrive $0xFFFF  }
0xd8: {  	_ =	shalt  }

// kernel: kernel.20.cloned.1.call-start
scs
__scs_entry_jumppad:
0x0: {  	(pc) =	sbr.rel $0x88, $3  }
0x1: {  	(tag) =	ssettag $0x0;
	lr =	simm.s32 $0x1  }
0x2: {  	[smem:$0x3F96] =	sst lr;
	_ =	strace $0xD0000000  }
0x3: {  	_ = 	snop  }
0x4: {  	_ = 	snop  }
0x5: {  	_ = 	snop  }
0x6: {  	_ = 	snop  }
0x7: {  	_ = 	snop  }
__scs_overlays_trampoline_lowered:
0x8: {  	[smem:$0x3FA5] =	sst s0  }
0x9: {  	[smem:$0x3FA6] =	sst s1  }
0xa: {  	[smem:$0x3FA7] =	sst s2  }
0xb: {  	[smem:$0x3FA8] =	sst s3  }
0xc: {  	[smem:$0x3FA9] =	sst s4  }
0xd: {  	[smem:$0x3FAA] =	sst s5  }
0xe: {  	[smem:$0x3FAB] =	sst s6  }
0xf: {  	[smem:$0x3FAC] =	sst s7  }
0x10: {  	[smem:$0x3FAD] =	sst s8  }
0x11: {  	[smem:$0x3FAE] =	sst s9;
	s0 =	simm.s32 @!p0 $0x0  }
0x12: {  	s1 =	sld [smem:$0x3F94];
	s0 =	simm.s32 @p0 $0x1  }
0x13: {  	[smem:$0x3FAF] =	sst s0;
	s0 =	simm.s32 @!p1 $0x0  }
0x14: {  	s2 =	sld [smem:$0x3F93];
	s0 =	simm.s32 @p1 $0x1  }
0x15: {  	[smem:$0x3FB0] =	sst s0;
	s0 =	simm.s32 @!p2 $0x0  }
0x16: {  	s3 =	sld [smem:$0x3FDB];
	s0 =	simm.s32 @p2 $0x1  }
0x17: {  	s4 =	simm.s32 $0x1BF5;
	[smem:$0x3FB2] =	sst s0  }
0x18: {  	s0 =	sld [smem:$0x3F95];
	_ =	swait.ge [sflag:s4], $0x0  }
0x19: {  	s7 =	sld [smem:$0x3F96]  }
0x1a: {  	s8 =	sadd.s32 $0xFFFFE003, lr  }
0x1b: {  	s9 =	sadd.s32 $0xFFFFFEF7, lr;
	s5 =	simm.s32 $0xFFFFFFFF;
	p2 =	slt.u32 s8, $0xFFFFF086  }
0x1c: {  	p1 =	slt.u32 s9, $0xF7A;
	s5 =	simm.s32 @!p2 $0x0  }
0x1d: {  	s5 =	simm.s32 @p1 $0x1;
	p0 =	seq.s32 s7, s2  }
0x1e: {  	s7 =	smul.u32 @!p0 $0xF7A, s2;
	p2 =	seq.s32 @!p0 s5, $0x0  }
0x1f: {  	s9 =	smul.u32 $0xF7A, s1;
	s8 =	simm.s32 @!p0 $0x1BF5;
	p2 =	por !p2, p0  }
0x20: {  	[sflag:s8] =	ssyncset.s32 @!p0 $0xFFFFF086;
	s6 =	sadd.s32 @!p0 s3, s7;
	s7 =	simm.s32 @!p0 $0x108  }
0x21: {  	s3 =	sadd.s32 s3, s9;
	s6 =	sadd.s32 @!p0 $0x88, s6;
	s7 =	simm.s32 @p2 $0x1082  }
0x22: {  	[simem:s7], [sflag:s8] =	dma.local @!p0 [hbm:s6], $0xF7A  }
0x23: {  	s9 =	sor.u32 $0xD0000000, s2;
	s6 =	simm.s32 $0x108;
	_ =	swait.ge @!p0 [sflag:s8], $0x0  }
0x24: {  	s3 =	sadd.s32 $0x88, s3;
	s6 =	simm.s32 @!p1 $0x1082;
	[sflag:s4] =	ssyncset.s32 $0xFFFFF086  }
0x25: {  	[simem:s6], [sflag:s4] =	dma.local [hbm:s3], $0xF7A  }
0x26: {  	[smem:$0x3F96] =	sst s1;
	(tag) =	ssettag s2;
	_ =	strace s9  }
0x27: {  	s1 =	sld [smem:$0x3FA6]  }
0x28: {  	s2 =	sld [smem:$0x3FA7]  }
0x29: {  	s4 =	sld [smem:$0x3FA9]  }
0x2a: {  	p0 =	seq.s32 s5, $0x0;
	s5 =	sld [smem:$0x3FAA]  }
0x2b: {  	s6 =	sld [smem:$0x3FAB]  }
0x2c: {  	s7 =	sld [smem:$0x3FAC]  }
0x2d: {  	s3 =	simm.s32 $0x108;
	s8 =	sld [smem:$0x3FAD]  }
0x2e: {  	s3 =	simm.s32 @!p0 $0x1082;
	s9 =	sld [smem:$0x3FAE]  }
0x2f: {  	lr =	sadd.s32 s0, s3;
	s0 =	sld [smem:$0x3FA5]  }
0x30: {  	s3 =	sld [smem:$0x3FA8]  }
0x31: {  	[smem:$0x3FB1] =	sst s10  }
0x32: {  	s10 =	sld [smem:$0x3FAF];
	_ =	sdelay $0x3  }
0x33: {  	p0 =	seq.s32 s10, $0x1;
	s10 =	sld [smem:$0x3FB1];
	_ =	sdelay $0x3  }
0x34: {  	[smem:$0x3FB1] =	sst s10  }
0x35: {  	s10 =	sld [smem:$0x3FB0];
	_ =	sdelay $0x3  }
0x36: {  	p1 =	seq.s32 s10, $0x1;
	s10 =	sld [smem:$0x3FB1];
	_ =	sdelay $0x3  }
0x37: {  	[smem:$0x3FB1] =	sst s10  }
0x38: {  	s10 =	sld [smem:$0x3FB2]  }
0x39: {  	_ = 	snop;
	(pc) =	sbr.ind lr, $3  }
0x3a: {  	_ = 	snop  }
0x3b: {  	_ = 	snop  }
0x3c: {  	p2 =	seq.s32 s10, $0x1;
	s10 =	sld [smem:$0x3FB1]  }
0x3d: {  	_ =	shalt  }
0x3e: {  	_ =	shalt  }
0x3f: {  	_ =	shalt  }
0x40: {  	_ =	shalt  }
0x41: {  	_ =	shalt  }
0x42: {  	_ =	shalt  }
0x43: {  	_ =	shalt  }
0x44: {  	_ =	shalt  }
0x45: {  	_ =	shalt  }
0x46: {  	_ =	shalt  }
0x47: {  	_ =	shalt  }
0x48: {  	_ =	shalt  }
0x49: {  	_ =	shalt  }
0x4a: {  	_ =	shalt  }
0x4b: {  	_ =	shalt  }
0x4c: {  	_ =	shalt  }
0x4d: {  	_ =	shalt  }
0x4e: {  	_ =	shalt  }
0x4f: {  	_ =	shalt  }
0x50: {  	_ =	shalt  }
0x51: {  	_ =	shalt  }
0x52: {  	_ =	shalt  }
0x53: {  	_ =	shalt  }
0x54: {  	_ =	shalt  }
0x55: {  	_ =	shalt  }
0x56: {  	_ =	shalt  }
0x57: {  	_ =	shalt  }
0x58: {  	_ =	shalt  }
0x59: {  	_ =	shalt  }
0x5a: {  	_ =	shalt  }
0x5b: {  	_ =	shalt  }
0x5c: {  	_ =	shalt  }
0x5d: {  	_ =	shalt  }
0x5e: {  	_ =	shalt  }
0x5f: {  	_ =	shalt  }
0x60: {  	_ =	shalt  }
0x61: {  	_ =	shalt  }
0x62: {  	_ =	shalt  }
0x63: {  	_ =	shalt  }
0x64: {  	_ =	shalt  }
0x65: {  	_ =	shalt  }
0x66: {  	_ =	shalt  }
0x67: {  	_ =	shalt  }
0x68: {  	_ =	shalt  }
0x69: {  	_ =	shalt  }
0x6a: {  	_ =	shalt  }
0x6b: {  	_ =	shalt  }
0x6c: {  	_ =	shalt  }
0x6d: {  	_ =	shalt  }
0x6e: {  	_ =	shalt  }
0x6f: {  	_ =	shalt  }
0x70: {  	_ =	shalt  }
0x71: {  	_ =	shalt  }
0x72: {  	_ =	shalt  }
0x73: {  	_ =	shalt  }
0x74: {  	_ =	shalt  }
0x75: {  	_ =	shalt  }
0x76: {  	_ =	shalt  }
0x77: {  	_ =	shalt  }
0x78: {  	_ =	shalt  }
0x79: {  	_ =	shalt  }
0x7a: {  	_ =	shalt  }
0x7b: {  	_ =	shalt  }
0x7c: {  	_ =	shalt  }
0x7d: {  	_ =	shalt  }
0x7e: {  	_ =	shalt  }
0x7f: {  	_ =	shalt  }
0x80: {  	_ =	shalt  }
0x81: {  	_ =	shalt  }
0x82: {  	_ =	shalt  }
0x83: {  	_ =	shalt  }
0x84: {  	_ =	shalt  }
0x85: {  	_ =	shalt  }
0x86: {  	_ =	shalt  }
0x87: {  	_ =	shalt  }
.Lfunc_end0:
.L_simem_size_0:
called_computation.3_lowered:
.L_overlay_start_0:
0x88: {  	s2 =	sld [smem:$0x3FD9]  }
0x89: {  	s3 =	sld [smem:$0x3FFE];
	_ =	sdelay $0x1  }
0x8a: {  	s1 =	srdreg.scid  }
0x8b: {  	s0 =	sand.u32 $0x1, s1  }
0x8c: {  	s17 =	sshll.u32 s0, $0xA;
	s2 =	sadd.s32 s3, s2  }
0x8d: {  	s2 =	sadd.s32 s2, s17  }
0x8e: {  	[smem:$0x3FBD] =	sst s2  }
0x8f: {  	_ = 	snop  }
0x90: {  	s2 =	sld [smem:$0x3FD0];
	(tm) =	ssettm $0x1  }
0x91: {  	s18 =	sld [smem:$0x3FFB];
	_ =	sdelay $0x3  }
0x92: {  	_ =	strace s18  }
0x93: {  	s3 =	sld [smem:$0x3FFC];
	_ =	sdelay $0x3  }
0x94: {  	_ =	strace s3  }
0x95: {  	s3 =	sld [smem:$0x3FFD];
	_ =	sdelay $0x3  }
0x96: {  	_ =	strace s3  }
0x97: {  	_ =	strace $0x8FFFFFFF  }
0x98: {  	s19 =	sld [smem:$0x3FDB];
	_ =	sdelay $0x1  }
0x99: {  	s4 =	simm.s32 $_scs_section_size  }
0x9a: {  	s5 =	simm.s32 $_size__tile_overlayer_lowered;
	s6 =	simm.s32 $_tile_overlayer_lowered  }
0x9b: {  	s22 =	simm.s32 $0x1BFF;
	s21 =	sshll.u32 s6, $0x1;
	s3 =	sadd.s32 s4, s19  }
0x9c: {  	s7 =	simm.s32 $0x0;
	s20 =	sshll.u32 s5, $0x1;
	s5 =	sadd.s32 s21, s3  }
0x9d: {  	[timem:s7], [sflag:s22] =	dma.local [hbm:s5], s20  }
0x9e: {  	_ =	swait.ge [sflag:s22], s20  }
0x9f: {  	s4 =	ssub.s32 $0x0, s20;
	[sflag:s22] =	ssyncset.done $0x0  }
0xa0: {  	[sflag:s22] =	ssyncadd.s32 s4;
	_ =	sdelay $0x1  }
0xa1: {  	s23 =	simm.s32 $0x1B8B  }
0xa2: {  	_ =	swait.ge [sflag:s23], $0x1  }
0xa3: {  	[sflag:s23] =	ssyncset.done $0x0  }
0xa4: {  	s25 =	simm.s32 $0x1B8E;
	s24 =	sld [smem:$0x3FFE];
	[sflag:s23] =	ssyncadd.s32 $0xFFFFFFFF  }
0xa5: {  	s26 =	simm.s32 $execute0_lowered;
	[smem:$0x3FD2] =	sst s25  }
0xa6: {  	s5 =	sshll.u32 s26, $0x1;
	_ =	strace $0x8000004F;
	[dreg:$0x1] =	wrdreg $0xFFFFFFFF  }
0xa7: {  	s28 =	simm.s32 $_size_execute0_lowered;
	s3 =	sadd.s32 s3, s5;
	[dreg:$0x0] =	wrdreg $0x0  }
0xa8: {  	s5 =	sshll.u32 s28, $0x1;
	[dreg:$0x2] =	wrdreg s3  }
0xa9: {  	[dreg:$0x3] =	wrdreg s5  }
0xaa: {  	[dreg:$0x4] =	wrdreg $0xC0  }
0xab: {  	_ =	task [dreg:s7], $0x5FFFF  }
0xac: {  	[dreg:$0x1] =	wrdreg $0xFFFFFFFF  }
0xad: {  	[dreg:$0x0] =	wrdreg $0x60  }
0xae: {  	[dreg:$0x2] =	wrdreg s2  }
0xaf: {  	[dreg:$0x3] =	wrdreg s24  }
0xb0: {  	[dreg:$0x4] =	wrdreg $0x0  }
0xb1: {  	[dreg:$0x5] =	wrdreg $0x9  }
0xb2: {  	_ =	task.clear_ibuf [dreg:s7], $0x6FFFF;
	_ =	strace $0x9000004F  }
0xb3: {  	s29 =	simm.s32 $0x9;
	_ =	strace $0x80000051  }
0xb4: {  	_ =	swait.ge [sflag:s29], $0x1  }
0xb5: {  	[sflag:s29] =	ssyncadd.s32 $0xFFFFFFFF  }
0xb6: {  	_ =	strace $0x90000051  }
0xb7: {  	_ =	sfence  }
0xb8: {  	s30 =	sld [smem:$0x0];
	_ =	sdelay $0x2  }
0xb9: {  	s31 =	sshll.u32 s1, $0xD;
	s1 =	sshrl.u32 s1, $0x2  }
0xba: {  	s3 =	sand.u32 $0x4000, s31;
	s1 =	sadd.s32 s1, s30  }
0xbb: {  	s0 =	sor.u32 s3, s0;
	s1 =	sshll.u32 s1, $0x11  }
0xbc: {  	s0 =	sor.u32 s1, s0  }
0xbd: {  	s0 =	sadd.s32 $0x8F2B, s0  }
0xbe: {  	[sflag:s0] =	ssyncadd.remote.s32 $0x1  }
0xbf: {  	_ =	sfence.sel $0xFFFF  }
0xc0: {  	[dreg:$0x0] =	wrdreg $0xFFFFFFFF;
	(pc) =	sbr.abs _section_cstart, $3  }
0xc1: {  	[dreg:$0x1] =	wrdreg $0xFFFFFFFF  }
0xc2: {  	_ =	task.clear_ibuf [dreg:s7], $0x2FFFF;
	_ =	strace $0x9FFFFFFF  }
0xc3: {  	(tm) =	ssettm $0x7FFFFFFF  }
tec
execute0_lowered:
.L_overlay_start_1:
0x0: {  	(tag) =	ssettag $0x1  }
0x1: {  	s0 =	rddreg [dreg:$0x0]  }
0x2: {  	s1 =	srdreg.scid;
	s4 =	rddreg [dreg:$0x1]  }
0x3: {  	s2 =	rddreg [dreg:$0x2];
	s29 =	simm.s32 $0x1A080;
	s30 =	simm.s32 $0x3  }
0x4: {  	s31 =	simm.s32 $0x1;
	s5 =	sand.u32 $0x1, s1;
	s1 =	stileid.u32  }
0x5: {  	s28 =	simm.s32 $0x50;
	s12 =	sadd.s32 $0x27600, s4;
	s10 =	smul.u32 $0x270, s1  }
0x6: {  	s3 =	sshll.u32 s5, $0x4;
	s8 =	ssub.s32 $0x2, s5;
	s11 =	smul.u32 $0x2710, s5  }
0x7: {  	s5 =	smul.u32 $0x138800, s5;
	p0 =	sne.s32 s1, $0x0;
	s6 =	sor.u32 s1, s3  }
0x8: {  	s3 =	simm.s32 $0x0;
	s9 =	sshrl.u32 s8, $0x1;
	s7 =	smul.u32 $0x4E2, s6  }
0x9: {  	[smem:$0x7FF] =	sst s3;
	s6 =	sshll.u32 s6, $0xB;
	s25 =	ssub.s32 s8, s9  }
0xa: {  	s16 =	sadd.s32 $0x50, s10;
	s17 =	sadd.s32 $0xA0, s10;
	s18 =	sadd.s32 $0xF0, s10  }
0xb: {  	s19 =	sadd.s32 $0x140, s10;
	s20 =	sadd.s32 $0x190, s10;
	s21 =	sadd.s32 $0x1E0, s10  }
0xc: {  	s24 =	sadd.s32 s10, s11;
	s22 =	sadd.s32 $0x230, s10;
	s5 =	sshrl.u32 s5, $0x3  }
0xd: {  	s26 =	sadd.s32 s11, s16;
	s8 =	sshll.u32 s24, $0x4;
	s14 =	sadd.s32 s11, s17  }
0xe: {  	s15 =	sadd.s32 s11, s18;
	s23 =	sadd.s32 s11, s19;
	s10 =	sadd.s32 s11, s20  }
0xf: {  	s5 =	sadd.s32 s12, s5;
	s6 =	sadd.s32 s6, s4;
	s16 =	sshll.u32 s16, $0x7  }
0x10: {  	s17 =	sshll.u32 s17, $0x7;
	s18 =	sshll.u32 s18, $0x7;
	s19 =	sshll.u32 s19, $0x7  }
0x11: {  	s25 =	smax.u32 s25, $0x1;
	s9 =	sshll.u32 s26, $0x4;
	s8 =	sadd.s32 s12, s8  }
0x12: {  	s24 =	sshll.u32 s15, $0x4;
	s26 =	sshll.u32 s23, $0x4;
	s7 =	sadd.s32 s7, s4  }
0x13: {  	s16 =	sadd.s32 s16, s2;
	s17 =	sadd.s32 s17, s2;
	s18 =	sadd.s32 s18, s2  }
0x14: {  	s19 =	sadd.s32 s19, s2;
	s23 =	sshll.u32 s20, $0x7;
	[dreg:$0x4] =	wrdreg s8  }
0x15: {  	s13 =	sadd.s32 s12, s9;
	s8 =	sshll.u32 s14, $0x4;
	s9 =	sadd.s32 s12, s26  }
0x16: {  	s20 =	sadd.s32 s23, s2;
	s26 =	sshll.u32 s22, $0x7;
	[dreg:$0x5] =	wrdreg s13  }
0x17: {  	s23 =	sadd.s32 $0x138000, s2;
	s8 =	sadd.s32 s12, s8;
	[dreg:$0x8] =	wrdreg s9  }
0x18: {  	s9 =	sshll.u32 s10, $0x4;
	s13 =	sadd.s32 s11, s21;
	s11 =	sadd.s32 s11, s22  }
0x19: {  	s22 =	sadd.s32 s26, s2;
	s26 =	simm.s32 $0x1C880;
	[dreg:$0x6] =	wrdreg s8  }
0x1a: {  	s8 =	sadd.s32 s12, s24;
	s14 =	sadd.s32 s12, s9;
	s10 =	sshll.u32 s13, $0x4  }
0x1b: {  	s11 =	sshll.u32 s11, $0x4;
	s13 =	sadd.s32 $0x2E00, s7;
	[dreg:$0x7] =	wrdreg s8  }
0x1c: {  	s24 =	sshll.u32 s21, $0x7;
	[dreg:$0x9] =	wrdreg s14;
	s10 =	sadd.s32 s12, s10  }
0x1d: {  	s11 =	sadd.s32 s12, s11;
	s14 =	smul.u32 $0x4E000, s1;
	s12 =	sadd.s32 $0x27000, s4  }
0x1e: {  	s21 =	sadd.s32 s24, s2;
	s24 =	sadd.s32 $0x27000, s5;
	s1 =	simm.s32 $0x2  }
0x1f: {  	s4 =	simm.s32 $0x17880;
	s5 =	simm.s32 $0x0;
	s15 =	sshrl.u32 s14, $0x2  }
0x20: {  	_ =	strace $0x80000050;
	s14 =	sadd.s32 $0x17000, s6;
	s15 =	sadd.s32 s15, s2  }
.LBB2_1:
0x21: {  	[tilespmem:s26], [sflag:$0x1] =	stream.linear.gather [hbm4b:s13+s3], $0x2710, $0x38;
	[tilespmem:$0x1F000] =	vst v63  }
0x22: {  	s6 =	simm.s32 $0x13880  }
0x23: {  	[tilespmem:s6], [sflag:$0x2] =	stream.linear.gather [hbm4b:s14+s3], $0x3E80, $0x38;
	[tilespmem:$0x1F000] =	vst v63  }
0x24: {  	_ = 	snop  }
0x25: {  	[tilespmem:s29], [sflag:$0x3] =	stream.linear.gather [hbm4b:s12+s3], $0x2800, $0x38;
	[tilespmem:$0x1F000] =	vst v63  }
0x26: {  	_ =	swait.ge [sflag:s30], $0x2800  }
0x27: {  	[sflag:s30] =	ssyncset.done $0x0  }
0x28: {  	[sflag:s30] =	ssyncadd.s32 $0xFFFFD800  }
0x29: {  	[spmem:s15] =	stream.linear.scatter [tilespmem:s29], [sflag:$0x3], $0x2800, $0x38;
	[tilespmem:$0x1F000] =	vst v63  }
0x2a: {  	_ =	swait.ge [sflag:s30], $0x2800  }
0x2b: {  	[sflag:s30] =	ssyncset.done $0x0  }
0x2c: {  	[sflag:s30] =	ssyncadd.s32 $0xFFFFD800  }
0x2d: {  	[spmem:s16] =	stream.linear.scatter [tilespmem:s29], [sflag:$0x3], $0x2800, $0x38;
	[tilespmem:$0x1F000] =	vst v63  }
0x2e: {  	_ =	swait.ge [sflag:s30], $0x2800  }
0x2f: {  	[sflag:s30] =	ssyncset.done $0x0  }
0x30: {  	[sflag:s30] =	ssyncadd.s32 $0xFFFFD800  }
0x31: {  	[spmem:s17] =	stream.linear.scatter [tilespmem:s29], [sflag:$0x3], $0x2800, $0x38;
	[tilespmem:$0x1F000] =	vst v63  }
0x32: {  	_ =	swait.ge [sflag:s30], $0x2800  }
0x33: {  	[sflag:s30] =	ssyncset.done $0x0  }
0x34: {  	[sflag:s30] =	ssyncadd.s32 $0xFFFFD800  }
0x35: {  	[spmem:s18] =	stream.linear.scatter [tilespmem:s29], [sflag:$0x3], $0x2800, $0x38;
	[tilespmem:$0x1F000] =	vst v63  }
0x36: {  	_ =	swait.ge [sflag:s30], $0x2800  }
0x37: {  	[sflag:s30] =	ssyncset.done $0x0  }
0x38: {  	[sflag:s30] =	ssyncadd.s32 $0xFFFFD800  }
0x39: {  	[spmem:s19] =	stream.linear.scatter [tilespmem:s29], [sflag:$0x3], $0x2800, $0x38;
	[tilespmem:$0x1F000] =	vst v63  }
0x3a: {  	_ =	swait.ge [sflag:s30], $0x2800  }
0x3b: {  	[sflag:s30] =	ssyncset.done $0x0  }
0x3c: {  	[sflag:s30] =	ssyncadd.s32 $0xFFFFD800  }
0x3d: {  	[spmem:s20] =	stream.linear.scatter [tilespmem:s29], [sflag:$0x3], $0x2800, $0x38;
	[tilespmem:$0x1F000] =	vst v63  }
0x3e: {  	_ =	swait.ge [sflag:s30], $0x2800  }
0x3f: {  	[sflag:s30] =	ssyncset.done $0x0  }
0x40: {  	[sflag:s30] =	ssyncadd.s32 $0xFFFFD800  }
0x41: {  	[spmem:s21] =	stream.linear.scatter [tilespmem:s29], [sflag:$0x3], $0x2800, $0x38;
	[tilespmem:$0x1F000] =	vst v63  }
0x42: {  	_ =	swait.ge [sflag:s30], $0x2800  }
0x43: {  	[sflag:s30] =	ssyncset.done $0x0  }
0x44: {  	[sflag:s30] =	ssyncadd.s32 $0xFFFFD800  }
0x45: {  	[spmem:s22] =	stream.linear.scatter [tilespmem:s29], [sflag:$0x3], $0x2000, $0x38;
	[tilespmem:$0x1F000] =	vst v63  }
0x46: {  	_ =	swait.ge [sflag:s30], $0x2000  }
0x47: {  	[sflag:s30] =	ssyncset.done $0x0  }
0x48: {  	s6 =	simm.s32 @!p0 $0x1A080;
	[sflag:s30] =	ssyncadd.s32 $0xFFFFE000  }
0x49: {  	[spmem:s23] =	stream.linear.scatter @!p0 [tilespmem:s6], [sflag:$0x3], $0x800, $0x38;
	[tilespmem:$0x1F000] =	vst v63  }
0x4a: {  	s6 =	simm.s32 @!p0 $0x3  }
0x4b: {  	_ =	swait.ge @!p0 [sflag:s6], $0x800  }
0x4c: {  	[sflag:s6] =	ssyncset.done @!p0 $0x0  }
0x4d: {  	[sflag:s6] =	ssyncadd.s32 @!p0 $0xFFFFF800  }
0x4e: {  	_ =	swait.ge [sflag:s31], $0x2710  }
0x4f: {  	[sflag:s31] =	ssyncset.done $0x0  }
0x50: {  	[sflag:s31] =	ssyncadd.s32 $0xFFFFD8F0  }
0x51: {  	_ =	swait.ge [sflag:s1], $0x3E80  }
0x52: {  	[sflag:s1] =	ssyncset.done $0x0  }
0x53: {  	[sflag:s1] =	ssyncadd.s32 $0xFFFFC180  }
0x54: {  	[tilespmem:s4], [sflag:$0x1] =	stream.indirect.gather [hbm4b:s0+s28], $0x80, s26, s28, $0xb8;
	[tilespmem:$0x1F000] =	vst v63  }
0x55: {  	s6 =	simm.s32 $0x1C8D0;
	[bflag:$0x0] =	sbarrier.arrive $0xFFFF  }
0x56: {  	[tilespmem:s29], [sflag:$0x2] =	stream.indirect.gather [hbm4b:s0+s28], $0x80, s6, s28, $0xb8;
	[tilespmem:$0x1F000] =	vst v63  }
0x57: {  	_ =	swait.ge [sflag:s31], $0x2800  }
0x58: {  	[sflag:s31] =	ssyncset.done $0x0  }
0x59: {  	s7 =	simm.s32 $0x13880;
	[sflag:s31] =	ssyncadd.s32 $0xFFFFD800  }
0x5a: {  	[spmem:s2] =	stream.indirect.scatter.add.f32 [tilespmem:s4], [sflag:$0x3], $0x80, s7, s28, $0xb8;
	[tilespmem:$0x1F000] =	vst v63  }
0x5b: {  	_ =	swait.ge [sflag:s30], $0x2800  }
0x5c: {  	[sflag:s30] =	ssyncset.done $0x0  }
0x5d: {  	s8 =	simm.s32 $0x1C920;
	[sflag:s30] =	ssyncadd.s32 $0xFFFFD800  }
0x5e: {  	[tilespmem:s4], [sflag:$0x1] =	stream.indirect.gather [hbm4b:s0+s28], $0x80, s8, s28, $0xb8;
	[tilespmem:$0x1F000] =	vst v63  }
0x5f: {  	_ =	swait.ge [sflag:s1], $0x2800  }
0x60: {  	[sflag:s1] =	ssyncset.done $0x0  }
0x61: {  	s9 =	simm.s32 $0x13900;
	[sflag:s1] =	ssyncadd.s32 $0xFFFFD800  }
0x62: {  	[spmem:s2] =	stream.indirect.scatter.add.f32 [tilespmem:s29], [sflag:$0x3], $0x80, s9, s28, $0xb8;
	[tilespmem:$0x1F000] =	vst v63  }
0x63: {  	_ =	swait.ge [sflag:s30], $0x2800  }
0x64: {  	s7 =	simm.s32 $0x400;
	[sflag:s30] =	ssyncset.done $0x0  }
.LBB2_2:
0x65: {  	p1 =	sne.s32 s7, $0xF400;
	[sflag:s30] =	ssyncadd.s32 $0xFFFFD800;
	s6 =	sadd.s32 $0xA0, s6  }
0x66: {  	[tilespmem:s29], [sflag:$0x2] =	stream.indirect.gather [hbm4b:s0+s28], $0x80, s6, s28, $0xb8;
	[tilespmem:$0x1F000] =	vst v63  }
0x67: {  	s8 =	smov.u32 s7;
	s7 =	sadd.s32 $0x400, s7;
	_ =	swait.ge [sflag:s31], $0x2800  }
0x68: {  	s8 =	sshra.s32 s8, $0x2;
	[sflag:s31] =	ssyncset.done $0x0  }
0x69: {  	s9 =	sadd.s32 $0x13880, s8;
	[sflag:s31] =	ssyncadd.s32 $0xFFFFD800  }
0x6a: {  	[spmem:s2] =	stream.indirect.scatter.add.f32 [tilespmem:s4], [sflag:$0x3], $0x80, s9, s28, $0xb8;
	[tilespmem:$0x1F000] =	vst v63  }
0x6b: {  	_ =	swait.ge [sflag:s30], $0x2800  }
0x6c: {  	[sflag:s30] =	ssyncset.done $0x0  }
0x6d: {  	s9 =	sadd.s32 $0x50, s6;
	[sflag:s30] =	ssyncadd.s32 $0xFFFFD800  }
0x6e: {  	[tilespmem:s4], [sflag:$0x1] =	stream.indirect.gather [hbm4b:s0+s28], $0x80, s9, s28, $0xb8;
	[tilespmem:$0x1F000] =	vst v63  }
0x6f: {  	_ =	swait.ge [sflag:s1], $0x2800  }
.Ltmp0:
0x70: {  	[sflag:s1] =	ssyncset.done $0x0;
	(pc) =	sbr.rel @p1 .LBB2_2-.Ltmp0, $4  }
0x71: {  	s8 =	sadd.s32 $0x13900, s8;
	[sflag:s1] =	ssyncadd.s32 $0xFFFFD800  }
0x72: {  	[spmem:s2] =	stream.indirect.scatter.add.f32 [tilespmem:s29], [sflag:$0x3], $0x80, s8, s28, $0xb8;
	[tilespmem:$0x1F000] =	vst v63  }
0x73: {  	_ =	swait.ge [sflag:s30], $0x2800  }
0x74: {  	[sflag:s30] =	ssyncset.done $0x0  }
0x75: {  	[sflag:s30] =	ssyncadd.s32 $0xFFFFD800  }
0x76: {  	_ =	swait.ge [sflag:s31], $0x2800  }
0x77: {  	[sflag:s31] =	ssyncset.done $0x0  }
0x78: {  	s6 =	simm.s32 $0x17680;
	[sflag:s31] =	ssyncadd.s32 $0xFFFFD800  }
0x79: {  	[spmem:s2] =	stream.indirect.scatter.add.f32 [tilespmem:s4], [sflag:$0x3], $0x80, s6, s28, $0xb8;
	[tilespmem:$0x1F000] =	vst v63  }
0x7a: {  	_ =	swait.ge [sflag:s30], $0x2800  }
0x7b: {  	[sflag:s30] =	ssyncset.done $0x0  }
0x7c: {  	[sflag:s30] =	ssyncadd.s32 $0xFFFFD800  }
0x7d: {  	[bflag:$0x0] =	sbarrier.arrive $0xFFFF  }
0x7e: {  	[tilespmem:s4], [sflag:$0x3] =	stream.linear.gather [spmem:s15], $0x2800, $0x38;
	[tilespmem:$0x1F000] =	vst v63  }
0x7f: {  	_ =	swait.ge [sflag:s30], $0x2800  }
0x80: {  	[sflag:s30] =	ssyncset.done $0x0  }
0x81: {  	s7 =	rddreg [dreg:$0x4];
	[sflag:s30] =	ssyncadd.s32 $0xFFFFD800  }
0x82: {  	[hbm4b:s7+s3] =	stream.linear.scatter [tilespmem:s4], [sflag:$0x1], $0x2800, $0x38;
	[tilespmem:$0x1F000] =	vst v63  }
0x83: {  	_ = 	snop  }
0x84: {  	[tilespmem:s29], [sflag:$0x3] =	stream.linear.gather [spmem:s16], $0x2800, $0x38;
	[tilespmem:$0x1F000] =	vst v63  }
0x85: {  	_ =	swait.ge [sflag:s30], $0x2800  }
0x86: {  	[sflag:s30] =	ssyncset.done $0x0  }
0x87: {  	s8 =	rddreg [dreg:$0x5];
	[sflag:s30] =	ssyncadd.s32 $0xFFFFD800  }
0x88: {  	[hbm4b:s8+s3] =	stream.linear.scatter [tilespmem:s29], [sflag:$0x2], $0x2800, $0x38;
	[tilespmem:$0x1F000] =	vst v63  }
0x89: {  	_ =	swait.ge [sflag:s31], $0x2800  }
0x8a: {  	[sflag:s31] =	ssyncset.done $0x0  }
0x8b: {  	[sflag:s31] =	ssyncadd.s32 $0xFFFFD800  }
0x8c: {  	[tilespmem:s4], [sflag:$0x3] =	stream.linear.gather [spmem:s17], $0x2800, $0x38;
	[tilespmem:$0x1F000] =	vst v63  }
0x8d: {  	_ =	swait.ge [sflag:s30], $0x2800  }
0x8e: {  	[sflag:s30] =	ssyncset.done $0x0  }
0x8f: {  	s9 =	rddreg [dreg:$0x6];
	[sflag:s30] =	ssyncadd.s32 $0xFFFFD800  }
0x90: {  	[hbm4b:s9+s3] =	stream.linear.scatter [tilespmem:s4], [sflag:$0x1], $0x2800, $0x38;
	[tilespmem:$0x1F000] =	vst v63  }
0x91: {  	_ =	swait.ge [sflag:s1], $0x2800  }
0x92: {  	[sflag:s1] =	ssyncset.done $0x0  }
0x93: {  	[sflag:s1] =	ssyncadd.s32 $0xFFFFD800  }
0x94: {  	[tilespmem:s29], [sflag:$0x3] =	stream.linear.gather [spmem:s18], $0x2800, $0x38;
	[tilespmem:$0x1F000] =	vst v63  }
0x95: {  	_ =	swait.ge [sflag:s30], $0x2800  }
0x96: {  	[sflag:s30] =	ssyncset.done $0x0  }
0x97: {  	s7 =	rddreg [dreg:$0x7];
	[sflag:s30] =	ssyncadd.s32 $0xFFFFD800  }
0x98: {  	[hbm4b:s7+s3] =	stream.linear.scatter [tilespmem:s29], [sflag:$0x2], $0x2800, $0x38;
	[tilespmem:$0x1F000] =	vst v63  }
0x99: {  	_ =	swait.ge [sflag:s31], $0x2800  }
0x9a: {  	[sflag:s31] =	ssyncset.done $0x0  }
0x9b: {  	[sflag:s31] =	ssyncadd.s32 $0xFFFFD800  }
0x9c: {  	[tilespmem:s4], [sflag:$0x3] =	stream.linear.gather [spmem:s19], $0x2800, $0x38;
	[tilespmem:$0x1F000] =	vst v63  }
0x9d: {  	_ =	swait.ge [sflag:s30], $0x2800  }
0x9e: {  	[sflag:s30] =	ssyncset.done $0x0  }
0x9f: {  	s8 =	rddreg [dreg:$0x8];
	[sflag:s30] =	ssyncadd.s32 $0xFFFFD800  }
0xa0: {  	[hbm4b:s8+s3] =	stream.linear.scatter [tilespmem:s4], [sflag:$0x1], $0x2800, $0x38;
	[tilespmem:$0x1F000] =	vst v63  }
0xa1: {  	_ =	swait.ge [sflag:s1], $0x2800  }
0xa2: {  	[sflag:s1] =	ssyncset.done $0x0  }
0xa3: {  	[sflag:s1] =	ssyncadd.s32 $0xFFFFD800  }
0xa4: {  	[tilespmem:s29], [sflag:$0x3] =	stream.linear.gather [spmem:s20], $0x2800, $0x38;
	[tilespmem:$0x1F000] =	vst v63  }
0xa5: {  	_ =	swait.ge [sflag:s30], $0x2800  }
0xa6: {  	[sflag:s30] =	ssyncset.done $0x0  }
0xa7: {  	s9 =	rddreg [dreg:$0x9];
	[sflag:s30] =	ssyncadd.s32 $0xFFFFD800  }
0xa8: {  	[hbm4b:s9+s3] =	stream.linear.scatter [tilespmem:s29], [sflag:$0x2], $0x2800, $0x38;
	[tilespmem:$0x1F000] =	vst v63  }
0xa9: {  	_ =	swait.ge [sflag:s31], $0x2800  }
0xaa: {  	[sflag:s31] =	ssyncset.done $0x0  }
0xab: {  	[sflag:s31] =	ssyncadd.s32 $0xFFFFD800  }
0xac: {  	[tilespmem:s4], [sflag:$0x3] =	stream.linear.gather [spmem:s21], $0x2800, $0x38;
	[tilespmem:$0x1F000] =	vst v63  }
0xad: {  	_ =	swait.ge [sflag:s30], $0x2800  }
0xae: {  	[sflag:s30] =	ssyncset.done $0x0  }
0xaf: {  	[sflag:s30] =	ssyncadd.s32 $0xFFFFD800  }
0xb0: {  	[hbm4b:s10+s3] =	stream.linear.scatter [tilespmem:s4], [sflag:$0x1], $0x2800, $0x38;
	[tilespmem:$0x1F000] =	vst v63  }
0xb1: {  	_ =	swait.ge [sflag:s1], $0x2800  }
0xb2: {  	[sflag:s1] =	ssyncset.done $0x0  }
0xb3: {  	[sflag:s1] =	ssyncadd.s32 $0xFFFFD800  }
0xb4: {  	[tilespmem:s29], [sflag:$0x3] =	stream.linear.gather [spmem:s22], $0x2000, $0x38;
	[tilespmem:$0x1F000] =	vst v63  }
0xb5: {  	_ =	swait.ge [sflag:s30], $0x2000  }
0xb6: {  	[sflag:s30] =	ssyncset.done $0x0  }
0xb7: {  	[sflag:s30] =	ssyncadd.s32 $0xFFFFE000  }
0xb8: {  	[hbm4b:s11+s3] =	stream.linear.scatter [tilespmem:s29], [sflag:$0x2], $0x2000, $0x38;
	[tilespmem:$0x1F000] =	vst v63  }
0xb9: {  	_ =	swait.ge [sflag:s31], $0x2800  }
0xba: {  	[sflag:s31] =	ssyncset.done $0x0  }
0xbb: {  	[sflag:s31] =	ssyncadd.s32 $0xFFFFD800  }
0xbc: {  	_ =	swait.ge [sflag:s1], $0x2000  }
0xbd: {  	[sflag:s1] =	ssyncset.done $0x0  }
0xbe: {  	s6 =	simm.s32 @!p0 $0x17880;
	s7 =	simm.s32 @!p0 $0x3;
	[sflag:s1] =	ssyncadd.s32 $0xFFFFE000  }
0xbf: {  	[tilespmem:s6], [sflag:$0x3] =	stream.linear.gather @!p0 [spmem:s23], $0x800, $0x38;
	[tilespmem:$0x1F000] =	vst v63  }
0xc0: {  	s5 =	sadd.s32 $0x1, s5;
	_ =	swait.ge @!p0 [sflag:s7], $0x800  }
0xc1: {  	p1 =	sne.s32 s5, s25;
	[sflag:s7] =	ssyncset.done @!p0 $0x0  }
.Ltmp1:
0xc2: {  	s8 =	simm.s32 @!p0 $0x0;
	[sflag:s7] =	ssyncadd.s32 @!p0 $0xFFFFF800;
	(pc) =	sbr.rel @p1 .LBB2_1-.Ltmp1, $4  }
0xc3: {  	[hbm4b:s24+s8] =	stream.linear.scatter @!p0 [tilespmem:s6], [sflag:$0x3], $0x800, $0x38;
	[tilespmem:$0x1F000] =	vst v63  }
0xc4: {  	_ =	swait.ge @!p0 [sflag:s7], $0x800  }
0xc5: {  	[sflag:s7] =	ssyncset.done @!p0 $0x0  }
0xc6: {  	[sflag:s7] =	ssyncadd.s32 @!p0 $0xFFFFF800  }
0xc7: {  	_ =	sfence.sel $0x180000  }
0xc8: {  	[bflag:$0x0] =	sbarrier.arrive $0xFFFF  }
0xc9: {  	_ =	strace $0x90000050  }
0xca: {  	[bflag:$0x2] =	sbarrier.arrive $0xFFFF  }
0xcb: {  	s0 =	rddreg [dreg:$0x3]  }
0xcc: {  	s0 =	sadd.s32 @!p0 $0x100000, s0  }
0xcd: {  	[sflag:s0] =	ssyncadd.tile.s32 @!p0 $0x1;
	_ =	shalt  }
.Lfunc_end2:
_tile_overlayer_lowered:
.L_overlay_start_2:
0xce: {  	(tag) =	ssettag $0x2  }
0xcf: {  	s0 =	rddreg [dreg:$0x0];
	s2 =	stileid.u32  }
0xd0: {  	s1 =	rddreg [dreg:$0x1];
	p0 =	sne.s32 s2, $0x0  }
0xd1: {  	s3 =	rddreg [dreg:$0x2];
	[bflag:$0x3] =	sbarrier.arrive $0xFFFF;
	s2 =	simm.s32 @!p0 $0x1C03  }
0xd2: {  	[timem:s3], [sflag:s2] =	dma.local @!p0 [hbm:s0], s1  }
0xd3: {  	s0 =	simm.s32 @!p0 $0x3  }
0xd4: {  	_ =	swait.ge @!p0 [sflag:s0], s1  }
0xd5: {  	s1 =	ssub.s32 @!p0 $0x0, s1;
	[sflag:s0] =	ssyncset.done @!p0 $0x0  }
0xd6: {  	[sflag:s0] =	ssyncadd.s32 @!p0 s1  }
0xd7: {  	[bflag:$0x3] =	sbarrier.arrive $0xFFFF  }
0xd8: {  	_ =	shalt  }

</sc_bundles>
